<compile_context>
chip_gen: v7x
topology: tpu7x:2x2x1
jax: 0.10.2.dev20260603
libtpu: 0.0.44.dev20260713+nightly
codegen_flags: <defaults>
</compile_context>

<pallas_src>
import functools

import jax
import jax.numpy as jnp
from jax import lax
from jax.experimental import pallas as pl
from jax.experimental.pallas import tpu as pltpu
from jax.experimental.pallas import tpu_sc as plsc

_NC = 2
_NS = 16
_NW = _NC * _NS
_GRP = 128
_KB = 6
_D = 16
_RB = 10000


def _proj_body(h_ref, w_ref, z_ref):
    z_ref[...] = lax.dot_general(
        h_ref[...], w_ref[...], (((1,), (1,)), ((), ())),
        preferred_element_type=jnp.float32)


def _make_sc_segment_sum(N, G):
    min_cnt = G // _NW
    batches_static = min_cnt // _KB
    acc_rows = ((N + _NS * 8 - 1) // (_NS * 8)) * (_NS * 8)
    zrows = acc_rows // _NS
    wstride = (((N + _NS - 1) // _NS) + 7) // 8 * 8
    wlast = N - (_NS - 1) * wstride
    assert wlast > 0 and wlast % 8 == 0 and zrows % 8 == 0

    mesh = plsc.VectorSubcoreMesh(
        core_axis_name="c", subcore_axis_name="s",
        num_cores=_NC, num_subcores=_NS)

    @functools.partial(
        pl.kernel,
        out_type=jax.ShapeDtypeStruct((_NC * N, _D), jnp.float32),
        mesh=mesh,
        scratch_types=[
            pltpu.VMEM((2, _KB, _GRP), jnp.int32),
            pltpu.VMEM((2, _KB, _GRP), jnp.int32),
            pltpu.VMEM((2, _KB * _GRP, _D), jnp.float32),
            pltpu.VMEM_SHARED((acc_rows, _D), jnp.float32),
            pltpu.SemaphoreType.DMA,
            pltpu.SemaphoreType.DMA,
            pltpu.SemaphoreType.DMA,
            pltpu.SemaphoreType.DMA,
            pltpu.SemaphoreType.DMA,
        ],
        compiler_params=pltpu.CompilerParams(use_tc_tiling_on_sc=False, needs_layout_passes=False),
    )
    def sc_segment_sum(z_hbm, eidx_hbm, out_hbm,
                       sidx, didx, rows, acc, isem, g0sem, g1sem,
                       s0sem, s1sem):
        c = lax.axis_index("c")
        s = lax.axis_index("s")
        wid = c * _NS + s
        gsem = (g0sem, g1sem)
        ssem = (s0sem, s1sem)

        g_start = wid * G // _NW
        g_end = (wid + 1) * G // _NW

        def _stage_idx(buf, gb):
            gb = jnp.minimum(gb, G - _KB)
            pltpu.sync_copy(eidx_hbm.at[0, pl.ds(gb, _KB)], sidx.at[buf])
            pltpu.sync_copy(eidx_hbm.at[1, pl.ds(gb, _KB)], didx.at[buf])

        def _fire_gathers(buf):
            for j in range(_KB):
                pltpu.async_copy(z_hbm.at[sidx.at[buf, j]],
                                 rows.at[buf, pl.ds(j * _GRP, _GRP)],
                                 gsem[buf])

        def _wait_gathers(buf):
            for j in range(_KB):
                pltpu.make_async_copy(
                    z_hbm.at[sidx.at[buf, j]],
                    rows.at[buf, pl.ds(j * _GRP, _GRP)],
                    gsem[buf]).wait()

        def _fire_scatters(buf):
            for j in range(_KB):
                pltpu.async_copy(rows.at[buf, pl.ds(j * _GRP, _GRP)],
                                 acc.at[didx.at[buf, j]],
                                 ssem[buf], add=True)

        def _wait_scatters(buf):
            for j in range(_KB):
                pltpu.make_async_copy(
                    rows.at[buf, pl.ds(j * _GRP, _GRP)],
                    acc.at[didx.at[buf, j]],
                    ssem[buf]).wait()

        _stage_idx(0, g_start)
        _fire_gathers(0)

        def _zrow(i, carry):
            rows[1, i, :] = jnp.zeros((_D,), jnp.float32)
            return carry
        lax.fori_loop(0, _KB * _GRP, _zrow, 0)
        zbase = s * zrows
        off = 0
        rem = zrows
        while rem > 0:
            sz = min(rem, _KB * _GRP)
            pltpu.sync_copy(rows.at[1, pl.ds(0, sz)],
                            acc.at[pl.ds(zbase + off, sz)])
            off += sz
            rem -= sz
        plsc.subcore_barrier()

        def _pair(p, carry):
            ga = g_start + (2 * p) * _KB
            _wait_gathers(0)

            @pl.when(p > 0)
            def _():
                _wait_scatters(1)
            _stage_idx(1, ga + _KB)
            _fire_gathers(1)
            _fire_scatters(0)
            _wait_gathers(1)
            _wait_scatters(0)
            _stage_idx(0, ga + 2 * _KB)
            _fire_gathers(0)
            _fire_scatters(1)
            return carry
        lax.fori_loop(0, batches_static // 2, _pair, 0)
        _wait_gathers(0)
        _wait_scatters(1)

        t_start = g_start + batches_static * _KB

        def _tail(g, carry):
            pltpu.sync_copy(eidx_hbm.at[0, g], sidx.at[0, 0])
            pltpu.sync_copy(eidx_hbm.at[1, g], didx.at[0, 0])
            pltpu.async_copy(z_hbm.at[sidx.at[0, 0]],
                             rows.at[0, pl.ds(0, _GRP)], g0sem).wait()
            pltpu.sync_copy(rows.at[0, pl.ds(0, _GRP)],
                            acc.at[didx.at[0, 0]], add=True)
            return carry
        lax.fori_loop(t_start, g_end, _tail, 0)
        plsc.subcore_barrier()

        ob = s * wstride

        @pl.when(s < _NS - 1)
        def _():
            pltpu.sync_copy(acc.at[pl.ds(ob, wstride)],
                            out_hbm.at[pl.ds(c * N + ob, wstride)])

        @pl.when(s == _NS - 1)
        def _():
            pltpu.sync_copy(acc.at[pl.ds(ob, wlast)],
                            out_hbm.at[pl.ds(c * N + ob, wlast)])

    return sc_segment_sum


def _make_sc_epilogue(N):
    estride = (((N + _NW - 1) // _NW) + 63) // 64 * 64
    elast = N - (_NW - 1) * estride
    c1 = (estride // 2 + 63) // 64 * 64
    c2 = estride - c1
    c2l = elast - c1
    assert elast > 0 and c2 > 0 and c2l > 0
    assert c1 % 64 == 0 and c2 % 8 == 0 and c2l % 8 == 0

    mesh = plsc.VectorSubcoreMesh(
        core_axis_name="c", subcore_axis_name="s",
        num_cores=_NC, num_subcores=_NS)

    @functools.partial(
        pl.kernel,
        out_type=jax.ShapeDtypeStruct((N * _D // 128, 128), jnp.float32),
        mesh=mesh,
        scratch_types=[
            pltpu.VMEM((c1, _D), jnp.float32),
            pltpu.VMEM((c1, _D), jnp.float32),
            pltpu.VMEM((c1,), jnp.float32),
            pltpu.VMEM((c1 // 8, 128), jnp.float32),
        ],
        compiler_params=pltpu.CompilerParams(use_tc_tiling_on_sc=False, needs_layout_passes=False),
    )
    def sc_epilogue(p_hbm, sn_hbm, out_hbm, pa, pb, sn, ob):
        c = lax.axis_index("c")
        s = lax.axis_index("s")
        wid = c * _NS + s
        base = wid * estride

        def _chunk(rbase, rows):
            pltpu.sync_copy(p_hbm.at[pl.ds(rbase, rows)], pa.at[pl.ds(0, rows)])
            pltpu.sync_copy(p_hbm.at[pl.ds(N + rbase, rows)],
                            pb.at[pl.ds(0, rows)])
            pltpu.sync_copy(sn_hbm.at[pl.ds(rbase, rows)], sn.at[pl.ds(0, rows)])

            def _row8(i8, carry):
                for k in range(8):
                    i = i8 * 8 + k
                    sv = plsc.load_gather(
                        sn, [jnp.broadcast_to(i, (16,)).astype(jnp.int32)])
                    ob[i8, pl.ds(k * _D, _D)] = jnp.maximum(
                        (pa[i, :] + pb[i, :]) * sv, 0.0)
                return carry
            lax.fori_loop(0, rows // 8, _row8, 0)
            pltpu.sync_copy(ob.at[pl.ds(0, rows // 8)],
                            out_hbm.at[pl.ds(rbase // 8, rows // 8)])

        _chunk(base, c1)

        @pl.when(wid < _NW - 1)
        def _():
            _chunk(base + c1, c2)

        @pl.when(wid == _NW - 1)
        def _():
            _chunk(base + c1, c2l)

    return sc_epilogue


def kernel(h, edge_index, snorm_n, W_fc, W_attn):
    del W_attn
    N, IN_DIM = h.shape
    E = edge_index.shape[1]
    assert W_fc.shape[0] == _D and E % _GRP == 0
    assert N % _NS == 0 and N % _RB == 0
    G = E // _GRP

    nblk = N // _RB
    z = pl.pallas_call(
        _proj_body,
        grid=(nblk,),
        in_specs=[
            pl.BlockSpec((_RB, IN_DIM), lambda i: (i, 0)),
            pl.BlockSpec((_D, IN_DIM), lambda i: (0, 0)),
        ],
        out_specs=pl.BlockSpec((_RB, _D), lambda i: (i, 0)),
        out_shape=jax.ShapeDtypeStruct((N, _D), jnp.float32),
    )(h, W_fc)

    eidx3 = edge_index.reshape(2, G, _GRP)
    partials = _make_sc_segment_sum(N, G)(z, eidx3)
    out_flat = _make_sc_epilogue(N)(partials, snorm_n.reshape(N))
    return out_flat.reshape(N, _D)

# --- scband reference (transcript-rebuilt; emitter-appended) ---
"""Pipeline reference for scband-gathead-layer-32418413150992 (READ-ONLY COPY).

The authoritative reference and input builder live on the scoring server;
editing this copy changes nothing except your own understanding.
"""

import jax, jax.numpy as jnp
import numpy as np

N = 100000
E = 3200000
IN_DIM = 128
OUT_DIM = 16  # 128 // 8 heads


def setup_inputs(seed: int = 0) -> dict:
    key = jax.random.key(seed)
    k1, k2, k3, k4, k5 = jax.random.split(key, 5)
    h = jax.random.normal(k1, (N, IN_DIM), dtype=jnp.float32)
    edge_index = jax.random.randint(k2, (2, E), 0, N, dtype=jnp.int32)
    snorm_n = jax.random.uniform(k3, (N, 1), dtype=jnp.float32)
    # BayesianLinear replaced by its deterministic mean weights
    W_fc = jax.random.normal(k4, (OUT_DIM, IN_DIM), dtype=jnp.float32) * 0.08
    W_attn = jax.random.normal(k5, (1, 2 * OUT_DIM), dtype=jnp.float32) * 0.1
    return {"h": h, "edge_index": edge_index, "snorm_n": snorm_n, "W_fc": W_fc, "W_attn": W_attn}


def reference(h, edge_index, snorm_n, W_fc, W_attn):
    # z = self.fc(h)
    z = h @ W_fc.T  # [N, out_dim]
    src = edge_index[0]
    dst = edge_index[1]
    # edge_attention: cat(z_src, z_dst) -> attn_fc -> leaky_relu
    z_src = jnp.take(z, src, axis=0)  # [E, out_dim]
    z_dst = jnp.take(z, dst, axis=0)  # [E, out_dim]
    z2 = jnp.concatenate([z_src, z_dst], axis=1)  # [E, 2*out_dim]
    e = jax.nn.leaky_relu(z2 @ W_attn.T, negative_slope=0.01)  # [E, 1]
    # reduce_func: F.softmax(nodes.mailbox['e'], dim=-1) -- last dim has size 1,
    # so softmax over a singleton axis yields all-ones alpha (literal translation
    # of the torch/DGL code). Dropout is identity (p=0 / eval).
    alpha = jax.nn.softmax(e, axis=-1)  # [E, 1] == ones
    msg = alpha * z_src  # [E, out_dim]
    h_out = jax.ops.segment_sum(msg, dst, num_segments=N)  # [N, out_dim]
    # graph_norm
    h_out = h_out * snorm_n
    # batch_norm=False, layer_norm=False
    h_out = jax.nn.relu(h_out)
    # dropout p=0.0 -> identity
    return h_out

if __name__ == "__main__":
    import jax
    _d = setup_inputs()
    print(jax.jit(kernel)(*tuple(_d.values())))

</pallas_src>

<mosaic_0001>
#map = affine_map<(d0, d1) -> (0, 0)>
#map1 = affine_map<(d0, d1) -> (0)>
module attributes {stable_mosaic.version = 14 : i64} {
  func.func @sc_epilogue(%arg0: i32, %arg1: i32, %arg2: memref<200000x16xf32, #tpu.memory_space<hbm>>, %arg3: memref<100000xf32, #tpu.memory_space<hbm>>, %arg4: memref<12500x128xf32, #tpu.memory_space<hbm>>, %arg5: memref<1600x16xf32, #tpu.memory_space<vmem>>, %arg6: memref<1600x16xf32, #tpu.memory_space<vmem>>, %arg7: memref<1600xf32, #tpu.memory_space<vmem>>, %arg8: memref<200x128xf32, #tpu.memory_space<vmem>>) attributes {dimension_semantics = [#tpu.dimension_semantics<core_parallel>, #tpu.dimension_semantics<subcore_parallel>], iteration_bounds = array<i64: 2, 16>, scalar_prefetch = 0 : i64, scratch_operands = 4 : i64, tpu.core_type = #tpu.core_type<sc_vector_subcore>, window_params = [{transform_indices = #map}, {transform_indices = #map1}, {transform_indices = #map}]} {
    %mul3A = arith.constant 16 : i32
    %mul3A_0 = arith.muli %arg0, %mul3A : i32
    %add3A = arith.addi %mul3A_0, %arg1 : i32
    %mul3A_1 = arith.constant 3136 : i32
    %mul3A_2 = arith.muli %add3A, %mul3A_1 : i32
    "tpu.region"() ({
      %run_scoped3A = tpu.sem_alloc : memref<!tpu.dma_semaphore, #tpu.memory_space<semaphore_mem>>
      %dma_start3A = arith.constant 0 : i32
      %dma_start3A_32 = arith.constant 0 : i32
      %dma_start3A_33 = tpu.memref_slice %arg5[%dma_start3A, %dma_start3A_32] : memref<1600x16xf32, #tpu.memory_space<vmem>> -> memref<1600x16xf32, #tpu.memory_space<vmem>>
      %dma_start3A_34 = arith.constant 0 : i32
      %dma_start3A_35 = tpu.memref_slice %arg2[%mul3A_2, %dma_start3A_34] : memref<200000x16xf32, #tpu.memory_space<hbm>> -> memref<1600x16xf32, #tpu.memory_space<hbm>>
      %dma_start3A_36 = arith.constant 0 : i32
      %dma_start3A_37 = arith.constant 0 : i32
      %dma_start3A_38 = tpu.memref_slice %arg5[%dma_start3A_36, %dma_start3A_37] : memref<1600x16xf32, #tpu.memory_space<vmem>> -> memref<1600x16xf32, #tpu.memory_space<vmem>>
      %dma_start3A_39 = arith.constant 0 : i32
      %dma_start3A_40 = tpu.memref_slice %arg2[%mul3A_2, %dma_start3A_39] : memref<200000x16xf32, #tpu.memory_space<hbm>> -> memref<1600x16xf32, #tpu.memory_space<hbm>>
      tpu.enqueue_dma source(%dma_start3A_40 : memref<1600x16xf32, #tpu.memory_space<hbm>>) target(%dma_start3A_38 : memref<1600x16xf32, #tpu.memory_space<vmem>>) target_semaphore(%run_scoped3A : memref<!tpu.dma_semaphore, #tpu.memory_space<semaphore_mem>>)
      %dma_wait3A = arith.constant 0 : i32
      %dma_wait3A_41 = arith.constant 0 : i32
      %dma_wait3A_42 = tpu.memref_slice %arg5[%dma_wait3A, %dma_wait3A_41] : memref<1600x16xf32, #tpu.memory_space<vmem>> -> memref<1600x16xf32, #tpu.memory_space<vmem>>
      %dma_wait3A_43 = arith.constant 0 : i32
      %dma_wait3A_44 = tpu.memref_slice %arg2[%mul3A_2, %dma_wait3A_43] : memref<200000x16xf32, #tpu.memory_space<hbm>> -> memref<1600x16xf32, #tpu.memory_space<hbm>>
      %dma_wait3A_45 = arith.constant 0 : i32
      %dma_wait3A_46 = arith.constant 0 : i32
      %dma_wait3A_47 = tpu.memref_slice %arg5[%dma_wait3A_45, %dma_wait3A_46] : memref<1600x16xf32, #tpu.memory_space<vmem>> -> memref<1600x16xf32, #tpu.memory_space<vmem>>
      %dma_wait3A_48 = arith.constant 0 : i32
      %dma_wait3A_49 = tpu.memref_slice %arg2[%mul3A_2, %dma_wait3A_48] : memref<200000x16xf32, #tpu.memory_space<hbm>> -> memref<1600x16xf32, #tpu.memory_space<hbm>>
      tpu.wait_dma2 semaphore(%run_scoped3A : memref<!tpu.dma_semaphore, #tpu.memory_space<semaphore_mem>>) src(%dma_wait3A_49 : memref<1600x16xf32, #tpu.memory_space<hbm>>) dst(%dma_wait3A_47 : memref<1600x16xf32, #tpu.memory_space<vmem>>)
      tpu.yield
    }) : () -> ()
    %add3A_3 = arith.constant 100000 : i32
    %add3A_4 = arith.addi %add3A_3, %mul3A_2 : i32
    "tpu.region"() ({
      %run_scoped3A = tpu.sem_alloc : memref<!tpu.dma_semaphore, #tpu.memory_space<semaphore_mem>>
      %dma_start3A = arith.constant 0 : i32
      %dma_start3A_32 = arith.constant 0 : i32
      %dma_start3A_33 = tpu.memref_slice %arg6[%dma_start3A, %dma_start3A_32] : memref<1600x16xf32, #tpu.memory_space<vmem>> -> memref<1600x16xf32, #tpu.memory_space<vmem>>
      %dma_start3A_34 = arith.constant 0 : i32
      %dma_start3A_35 = tpu.memref_slice %arg2[%add3A_4, %dma_start3A_34] : memref<200000x16xf32, #tpu.memory_space<hbm>> -> memref<1600x16xf32, #tpu.memory_space<hbm>>
      %dma_start3A_36 = arith.constant 0 : i32
      %dma_start3A_37 = arith.constant 0 : i32
      %dma_start3A_38 = tpu.memref_slice %arg6[%dma_start3A_36, %dma_start3A_37] : memref<1600x16xf32, #tpu.memory_space<vmem>> -> memref<1600x16xf32, #tpu.memory_space<vmem>>
      %dma_start3A_39 = arith.constant 0 : i32
      %dma_start3A_40 = tpu.memref_slice %arg2[%add3A_4, %dma_start3A_39] : memref<200000x16xf32, #tpu.memory_space<hbm>> -> memref<1600x16xf32, #tpu.memory_space<hbm>>
      tpu.enqueue_dma source(%dma_start3A_40 : memref<1600x16xf32, #tpu.memory_space<hbm>>) target(%dma_start3A_38 : memref<1600x16xf32, #tpu.memory_space<vmem>>) target_semaphore(%run_scoped3A : memref<!tpu.dma_semaphore, #tpu.memory_space<semaphore_mem>>)
      %dma_wait3A = arith.constant 0 : i32
      %dma_wait3A_41 = arith.constant 0 : i32
      %dma_wait3A_42 = tpu.memref_slice %arg6[%dma_wait3A, %dma_wait3A_41] : memref<1600x16xf32, #tpu.memory_space<vmem>> -> memref<1600x16xf32, #tpu.memory_space<vmem>>
      %dma_wait3A_43 = arith.constant 0 : i32
      %dma_wait3A_44 = tpu.memref_slice %arg2[%add3A_4, %dma_wait3A_43] : memref<200000x16xf32, #tpu.memory_space<hbm>> -> memref<1600x16xf32, #tpu.memory_space<hbm>>
      %dma_wait3A_45 = arith.constant 0 : i32
      %dma_wait3A_46 = arith.constant 0 : i32
      %dma_wait3A_47 = tpu.memref_slice %arg6[%dma_wait3A_45, %dma_wait3A_46] : memref<1600x16xf32, #tpu.memory_space<vmem>> -> memref<1600x16xf32, #tpu.memory_space<vmem>>
      %dma_wait3A_48 = arith.constant 0 : i32
      %dma_wait3A_49 = tpu.memref_slice %arg2[%add3A_4, %dma_wait3A_48] : memref<200000x16xf32, #tpu.memory_space<hbm>> -> memref<1600x16xf32, #tpu.memory_space<hbm>>
      tpu.wait_dma2 semaphore(%run_scoped3A : memref<!tpu.dma_semaphore, #tpu.memory_space<semaphore_mem>>) src(%dma_wait3A_49 : memref<1600x16xf32, #tpu.memory_space<hbm>>) dst(%dma_wait3A_47 : memref<1600x16xf32, #tpu.memory_space<vmem>>)
      tpu.yield
    }) : () -> ()
    "tpu.region"() ({
      %run_scoped3A = tpu.sem_alloc : memref<!tpu.dma_semaphore, #tpu.memory_space<semaphore_mem>>
      %dma_start3A = arith.constant 0 : i32
      %dma_start3A_32 = tpu.memref_slice %arg7[%dma_start3A] : memref<1600xf32, #tpu.memory_space<vmem>> -> memref<1600xf32, #tpu.memory_space<vmem>>
      %dma_start3A_33 = tpu.memref_slice %arg3[%mul3A_2] : memref<100000xf32, #tpu.memory_space<hbm>> -> memref<1600xf32, #tpu.memory_space<hbm>>
      %dma_start3A_34 = arith.constant 0 : i32
      %dma_start3A_35 = tpu.memref_slice %arg7[%dma_start3A_34] : memref<1600xf32, #tpu.memory_space<vmem>> -> memref<1600xf32, #tpu.memory_space<vmem>>
      %dma_start3A_36 = tpu.memref_slice %arg3[%mul3A_2] : memref<100000xf32, #tpu.memory_space<hbm>> -> memref<1600xf32, #tpu.memory_space<hbm>>
      tpu.enqueue_dma source(%dma_start3A_36 : memref<1600xf32, #tpu.memory_space<hbm>>) target(%dma_start3A_35 : memref<1600xf32, #tpu.memory_space<vmem>>) target_semaphore(%run_scoped3A : memref<!tpu.dma_semaphore, #tpu.memory_space<semaphore_mem>>)
      %dma_wait3A = arith.constant 0 : i32
      %dma_wait3A_37 = tpu.memref_slice %arg7[%dma_wait3A] : memref<1600xf32, #tpu.memory_space<vmem>> -> memref<1600xf32, #tpu.memory_space<vmem>>
      %dma_wait3A_38 = tpu.memref_slice %arg3[%mul3A_2] : memref<100000xf32, #tpu.memory_space<hbm>> -> memref<1600xf32, #tpu.memory_space<hbm>>
      %dma_wait3A_39 = arith.constant 0 : i32
      %dma_wait3A_40 = tpu.memref_slice %arg7[%dma_wait3A_39] : memref<1600xf32, #tpu.memory_space<vmem>> -> memref<1600xf32, #tpu.memory_space<vmem>>
      %dma_wait3A_41 = tpu.memref_slice %arg3[%mul3A_2] : memref<100000xf32, #tpu.memory_space<hbm>> -> memref<1600xf32, #tpu.memory_space<hbm>>
      tpu.wait_dma2 semaphore(%run_scoped3A : memref<!tpu.dma_semaphore, #tpu.memory_space<semaphore_mem>>) src(%dma_wait3A_41 : memref<1600xf32, #tpu.memory_space<hbm>>) dst(%dma_wait3A_40 : memref<1600xf32, #tpu.memory_space<vmem>>)
      tpu.yield
    }) : () -> ()
    %scan3A = arith.constant 0 : i32
    %scan3A_5 = arith.constant 0 : i32
    %scan3A_6 = arith.constant 200 : i32
    %scan3A_7 = arith.addi %scan3A_5, %scan3A_6 : i32
    %scan3A_8 = arith.constant 1 : i32
    scf.for %scan3A_32 = %scan3A_5 to %scan3A_7 step %scan3A_8  : i32 {
      %mul3A_33 = arith.constant 8 : i32
      %mul3A_34 = arith.muli %scan3A_32, %mul3A_33 : i32
      %add3A_35 = arith.constant 0 : i32
      %add3A_36 = arith.addi %mul3A_34, %add3A_35 : i32
      %broadcast_in_dim3A = vector.broadcast %add3A_36 : i32 to vector<16xi32>
      %gather3A = tpu.vector_load_idx %arg7[%broadcast_in_dim3A] : memref<1600xf32, #tpu.memory_space<vmem>>[vector<16xi32>], vector<16xf32>,
      %get3A = arith.index_cast %add3A_36 : i32 to index
      %get3A_37 = arith.constant 0 : index
      %get3A_38 = tpu.vector_load %arg5[%get3A, %get3A_37] {strides = array<i32>} : memref<1600x16xf32, #tpu.memory_space<vmem>>, vector<16xf32>,
      %get3A_39 = arith.index_cast %add3A_36 : i32 to index
      %get3A_40 = arith.constant 0 : index
      %get3A_41 = tpu.vector_load %arg6[%get3A_39, %get3A_40] {strides = array<i32>} : memref<1600x16xf32, #tpu.memory_space<vmem>>, vector<16xf32>,
      %add3A_42 = arith.addf %get3A_38, %get3A_41 : vector<16xf32>
      %mul3A_43 = arith.mulf %add3A_42, %gather3A : vector<16xf32>
      %max3A = arith.constant 0.000000e+00 : f32
      %max3A_44 = vector.broadcast %max3A : f32 to vector<16xf32>
      %max3A_45 = arith.maximumf %mul3A_43, %max3A_44 : vector<16xf32>
      %swap3A = arith.index_cast %scan3A_32 : i32 to index
      %swap3A_46 = arith.constant 0 : index
      %swap3A_47 = tpu.vector_load %arg8[%swap3A, %swap3A_46] {strides = array<i32>} : memref<200x128xf32, #tpu.memory_space<vmem>>, vector<16xf32>,
      tpu.vector_store %arg8[%swap3A, %swap3A_46], %max3A_45 {strides = array<i32>} : memref<200x128xf32, #tpu.memory_space<vmem>>, vector<16xf32>,
      %mul3A_48 = arith.constant 8 : i32
      %mul3A_49 = arith.muli %scan3A_32, %mul3A_48 : i32
      %add3A_50 = arith.constant 1 : i32
      %add3A_51 = arith.addi %mul3A_49, %add3A_50 : i32
      %broadcast_in_dim3A_52 = vector.broadcast %add3A_51 : i32 to vector<16xi32>
      %gather3A_53 = tpu.vector_load_idx %arg7[%broadcast_in_dim3A_52] : memref<1600xf32, #tpu.memory_space<vmem>>[vector<16xi32>], vector<16xf32>,
      %get3A_54 = arith.index_cast %add3A_51 : i32 to index
      %get3A_55 = arith.constant 0 : index
      %get3A_56 = tpu.vector_load %arg5[%get3A_54, %get3A_55] {strides = array<i32>} : memref<1600x16xf32, #tpu.memory_space<vmem>>, vector<16xf32>,
      %get3A_57 = arith.index_cast %add3A_51 : i32 to index
      %get3A_58 = arith.constant 0 : index
      %get3A_59 = tpu.vector_load %arg6[%get3A_57, %get3A_58] {strides = array<i32>} : memref<1600x16xf32, #tpu.memory_space<vmem>>, vector<16xf32>,
      %add3A_60 = arith.addf %get3A_56, %get3A_59 : vector<16xf32>
      %mul3A_61 = arith.mulf %add3A_60, %gather3A_53 : vector<16xf32>
      %max3A_62 = arith.constant 0.000000e+00 : f32
      %max3A_63 = vector.broadcast %max3A_62 : f32 to vector<16xf32>
      %max3A_64 = arith.maximumf %mul3A_61, %max3A_63 : vector<16xf32>
      %swap3A_65 = arith.index_cast %scan3A_32 : i32 to index
      %swap3A_66 = arith.constant 16 : index
      %swap3A_67 = tpu.vector_load %arg8[%swap3A_65, %swap3A_66] {strides = array<i32>} : memref<200x128xf32, #tpu.memory_space<vmem>>, vector<16xf32>,
      tpu.vector_store %arg8[%swap3A_65, %swap3A_66], %max3A_64 {strides = array<i32>} : memref<200x128xf32, #tpu.memory_space<vmem>>, vector<16xf32>,
      %mul3A_68 = arith.constant 8 : i32
      %mul3A_69 = arith.muli %scan3A_32, %mul3A_68 : i32
      %add3A_70 = arith.constant 2 : i32
      %add3A_71 = arith.addi %mul3A_69, %add3A_70 : i32
      %broadcast_in_dim3A_72 = vector.broadcast %add3A_71 : i32 to vector<16xi32>
      %gather3A_73 = tpu.vector_load_idx %arg7[%broadcast_in_dim3A_72] : memref<1600xf32, #tpu.memory_space<vmem>>[vector<16xi32>], vector<16xf32>,
      %get3A_74 = arith.index_cast %add3A_71 : i32 to index
      %get3A_75 = arith.constant 0 : index
      %get3A_76 = tpu.vector_load %arg5[%get3A_74, %get3A_75] {strides = array<i32>} : memref<1600x16xf32, #tpu.memory_space<vmem>>, vector<16xf32>,
      %get3A_77 = arith.index_cast %add3A_71 : i32 to index
      %get3A_78 = arith.constant 0 : index
      %get3A_79 = tpu.vector_load %arg6[%get3A_77, %get3A_78] {strides = array<i32>} : memref<1600x16xf32, #tpu.memory_space<vmem>>, vector<16xf32>,
      %add3A_80 = arith.addf %get3A_76, %get3A_79 : vector<16xf32>
      %mul3A_81 = arith.mulf %add3A_80, %gather3A_73 : vector<16xf32>
      %max3A_82 = arith.constant 0.000000e+00 : f32
      %max3A_83 = vector.broadcast %max3A_82 : f32 to vector<16xf32>
      %max3A_84 = arith.maximumf %mul3A_81, %max3A_83 : vector<16xf32>
      %swap3A_85 = arith.index_cast %scan3A_32 : i32 to index
      %swap3A_86 = arith.constant 32 : index
      %swap3A_87 = tpu.vector_load %arg8[%swap3A_85, %swap3A_86] {strides = array<i32>} : memref<200x128xf32, #tpu.memory_space<vmem>>, vector<16xf32>,
      tpu.vector_store %arg8[%swap3A_85, %swap3A_86], %max3A_84 {strides = array<i32>} : memref<200x128xf32, #tpu.memory_space<vmem>>, vector<16xf32>,
      %mul3A_88 = arith.constant 8 : i32
      %mul3A_89 = arith.muli %scan3A_32, %mul3A_88 : i32
      %add3A_90 = arith.constant 3 : i32
      %add3A_91 = arith.addi %mul3A_89, %add3A_90 : i32
      %broadcast_in_dim3A_92 = vector.broadcast %add3A_91 : i32 to vector<16xi32>
      %gather3A_93 = tpu.vector_load_idx %arg7[%broadcast_in_dim3A_92] : memref<1600xf32, #tpu.memory_space<vmem>>[vector<16xi32>], vector<16xf32>,
      %get3A_94 = arith.index_cast %add3A_91 : i32 to index
      %get3A_95 = arith.constant 0 : index
      %get3A_96 = tpu.vector_load %arg5[%get3A_94, %get3A_95] {strides = array<i32>} : memref<1600x16xf32, #tpu.memory_space<vmem>>, vector<16xf32>,
      %get3A_97 = arith.index_cast %add3A_91 : i32 to index
      %get3A_98 = arith.constant 0 : index
      %get3A_99 = tpu.vector_load %arg6[%get3A_97, %get3A_98] {strides = array<i32>} : memref<1600x16xf32, #tpu.memory_space<vmem>>, vector<16xf32>,
      %add3A_100 = arith.addf %get3A_96, %get3A_99 : vector<16xf32>
      %mul3A_101 = arith.mulf %add3A_100, %gather3A_93 : vector<16xf32>
      %max3A_102 = arith.constant 0.000000e+00 : f32
      %max3A_103 = vector.broadcast %max3A_102 : f32 to vector<16xf32>
      %max3A_104 = arith.maximumf %mul3A_101, %max3A_103 : vector<16xf32>
      %swap3A_105 = arith.index_cast %scan3A_32 : i32 to index
      %swap3A_106 = arith.constant 48 : index
      %swap3A_107 = tpu.vector_load %arg8[%swap3A_105, %swap3A_106] {strides = array<i32>} : memref<200x128xf32, #tpu.memory_space<vmem>>, vector<16xf32>,
      tpu.vector_store %arg8[%swap3A_105, %swap3A_106], %max3A_104 {strides = array<i32>} : memref<200x128xf32, #tpu.memory_space<vmem>>, vector<16xf32>,
      %mul3A_108 = arith.constant 8 : i32
      %mul3A_109 = arith.muli %scan3A_32, %mul3A_108 : i32
      %add3A_110 = arith.constant 4 : i32
      %add3A_111 = arith.addi %mul3A_109, %add3A_110 : i32
      %broadcast_in_dim3A_112 = vector.broadcast %add3A_111 : i32 to vector<16xi32>
      %gather3A_113 = tpu.vector_load_idx %arg7[%broadcast_in_dim3A_112] : memref<1600xf32, #tpu.memory_space<vmem>>[vector<16xi32>], vector<16xf32>,
      %get3A_114 = arith.index_cast %add3A_111 : i32 to index
      %get3A_115 = arith.constant 0 : index
      %get3A_116 = tpu.vector_load %arg5[%get3A_114, %get3A_115] {strides = array<i32>} : memref<1600x16xf32, #tpu.memory_space<vmem>>, vector<16xf32>,
      %get3A_117 = arith.index_cast %add3A_111 : i32 to index
      %get3A_118 = arith.constant 0 : index
      %get3A_119 = tpu.vector_load %arg6[%get3A_117, %get3A_118] {strides = array<i32>} : memref<1600x16xf32, #tpu.memory_space<vmem>>, vector<16xf32>,
      %add3A_120 = arith.addf %get3A_116, %get3A_119 : vector<16xf32>
      %mul3A_121 = arith.mulf %add3A_120, %gather3A_113 : vector<16xf32>
      %max3A_122 = arith.constant 0.000000e+00 : f32
      %max3A_123 = vector.broadcast %max3A_122 : f32 to vector<16xf32>
      %max3A_124 = arith.maximumf %mul3A_121, %max3A_123 : vector<16xf32>
      %swap3A_125 = arith.index_cast %scan3A_32 : i32 to index
      %swap3A_126 = arith.constant 64 : index
      %swap3A_127 = tpu.vector_load %arg8[%swap3A_125, %swap3A_126] {strides = array<i32>} : memref<200x128xf32, #tpu.memory_space<vmem>>, vector<16xf32>,
      tpu.vector_store %arg8[%swap3A_125, %swap3A_126], %max3A_124 {strides = array<i32>} : memref<200x128xf32, #tpu.memory_space<vmem>>, vector<16xf32>,
      %mul3A_128 = arith.constant 8 : i32
      %mul3A_129 = arith.muli %scan3A_32, %mul3A_128 : i32
      %add3A_130 = arith.constant 5 : i32
      %add3A_131 = arith.addi %mul3A_129, %add3A_130 : i32
      %broadcast_in_dim3A_132 = vector.broadcast %add3A_131 : i32 to vector<16xi32>
      %gather3A_133 = tpu.vector_load_idx %arg7[%broadcast_in_dim3A_132] : memref<1600xf32, #tpu.memory_space<vmem>>[vector<16xi32>], vector<16xf32>,
      %get3A_134 = arith.index_cast %add3A_131 : i32 to index
      %get3A_135 = arith.constant 0 : index
      %get3A_136 = tpu.vector_load %arg5[%get3A_134, %get3A_135] {strides = array<i32>} : memref<1600x16xf32, #tpu.memory_space<vmem>>, vector<16xf32>,
      %get3A_137 = arith.index_cast %add3A_131 : i32 to index
      %get3A_138 = arith.constant 0 : index
      %get3A_139 = tpu.vector_load %arg6[%get3A_137, %get3A_138] {strides = array<i32>} : memref<1600x16xf32, #tpu.memory_space<vmem>>, vector<16xf32>,
      %add3A_140 = arith.addf %get3A_136, %get3A_139 : vector<16xf32>
      %mul3A_141 = arith.mulf %add3A_140, %gather3A_133 : vector<16xf32>
      %max3A_142 = arith.constant 0.000000e+00 : f32
      %max3A_143 = vector.broadcast %max3A_142 : f32 to vector<16xf32>
      %max3A_144 = arith.maximumf %mul3A_141, %max3A_143 : vector<16xf32>
      %swap3A_145 = arith.index_cast %scan3A_32 : i32 to index
      %swap3A_146 = arith.constant 80 : index
      %swap3A_147 = tpu.vector_load %arg8[%swap3A_145, %swap3A_146] {strides = array<i32>} : memref<200x128xf32, #tpu.memory_space<vmem>>, vector<16xf32>,
      tpu.vector_store %arg8[%swap3A_145, %swap3A_146], %max3A_144 {strides = array<i32>} : memref<200x128xf32, #tpu.memory_space<vmem>>, vector<16xf32>,
      %mul3A_148 = arith.constant 8 : i32
      %mul3A_149 = arith.muli %scan3A_32, %mul3A_148 : i32
      %add3A_150 = arith.constant 6 : i32
      %add3A_151 = arith.addi %mul3A_149, %add3A_150 : i32
      %broadcast_in_dim3A_152 = vector.broadcast %add3A_151 : i32 to vector<16xi32>
      %gather3A_153 = tpu.vector_load_idx %arg7[%broadcast_in_dim3A_152] : memref<1600xf32, #tpu.memory_space<vmem>>[vector<16xi32>], vector<16xf32>,
      %get3A_154 = arith.index_cast %add3A_151 : i32 to index
      %get3A_155 = arith.constant 0 : index
      %get3A_156 = tpu.vector_load %arg5[%get3A_154, %get3A_155] {strides = array<i32>} : memref<1600x16xf32, #tpu.memory_space<vmem>>, vector<16xf32>,
      %get3A_157 = arith.index_cast %add3A_151 : i32 to index
      %get3A_158 = arith.constant 0 : index
      %get3A_159 = tpu.vector_load %arg6[%get3A_157, %get3A_158] {strides = array<i32>} : memref<1600x16xf32, #tpu.memory_space<vmem>>, vector<16xf32>,
      %add3A_160 = arith.addf %get3A_156, %get3A_159 : vector<16xf32>
      %mul3A_161 = arith.mulf %add3A_160, %gather3A_153 : vector<16xf32>
      %max3A_162 = arith.constant 0.000000e+00 : f32
      %max3A_163 = vector.broadcast %max3A_162 : f32 to vector<16xf32>
      %max3A_164 = arith.maximumf %mul3A_161, %max3A_163 : vector<16xf32>
      %swap3A_165 = arith.index_cast %scan3A_32 : i32 to index
      %swap3A_166 = arith.constant 96 : index
      %swap3A_167 = tpu.vector_load %arg8[%swap3A_165, %swap3A_166] {strides = array<i32>} : memref<200x128xf32, #tpu.memory_space<vmem>>, vector<16xf32>,
      tpu.vector_store %arg8[%swap3A_165, %swap3A_166], %max3A_164 {strides = array<i32>} : memref<200x128xf32, #tpu.memory_space<vmem>>, vector<16xf32>,
      %mul3A_168 = arith.constant 8 : i32
      %mul3A_169 = arith.muli %scan3A_32, %mul3A_168 : i32
      %add3A_170 = arith.constant 7 : i32
      %add3A_171 = arith.addi %mul3A_169, %add3A_170 : i32
      %broadcast_in_dim3A_172 = vector.broadcast %add3A_171 : i32 to vector<16xi32>
      %gather3A_173 = tpu.vector_load_idx %arg7[%broadcast_in_dim3A_172] : memref<1600xf32, #tpu.memory_space<vmem>>[vector<16xi32>], vector<16xf32>,
      %get3A_174 = arith.index_cast %add3A_171 : i32 to index
      %get3A_175 = arith.constant 0 : index
      %get3A_176 = tpu.vector_load %arg5[%get3A_174, %get3A_175] {strides = array<i32>} : memref<1600x16xf32, #tpu.memory_space<vmem>>, vector<16xf32>,
      %get3A_177 = arith.index_cast %add3A_171 : i32 to index
      %get3A_178 = arith.constant 0 : index
      %get3A_179 = tpu.vector_load %arg6[%get3A_177, %get3A_178] {strides = array<i32>} : memref<1600x16xf32, #tpu.memory_space<vmem>>, vector<16xf32>,
      %add3A_180 = arith.addf %get3A_176, %get3A_179 : vector<16xf32>
      %mul3A_181 = arith.mulf %add3A_180, %gather3A_173 : vector<16xf32>
      %max3A_182 = arith.constant 0.000000e+00 : f32
      %max3A_183 = vector.broadcast %max3A_182 : f32 to vector<16xf32>
      %max3A_184 = arith.maximumf %mul3A_181, %max3A_183 : vector<16xf32>
      %swap3A_185 = arith.index_cast %scan3A_32 : i32 to index
      %swap3A_186 = arith.constant 112 : index
      %swap3A_187 = tpu.vector_load %arg8[%swap3A_185, %swap3A_186] {strides = array<i32>} : memref<200x128xf32, #tpu.memory_space<vmem>>, vector<16xf32>,
      tpu.vector_store %arg8[%swap3A_185, %swap3A_186], %max3A_184 {strides = array<i32>} : memref<200x128xf32, #tpu.memory_space<vmem>>, vector<16xf32>,
    }
    %scan3A_9 = arith.constant 200 : i32
    %jit3A = arith.constant 8 : i32
    %div3A = arith.divsi %mul3A_2, %jit3A : i32
    %sign3A = arith.constant 0 : i32
    %sign3A_10 = arith.cmpi sgt, %mul3A_2, %sign3A : i32
    %sign3A_11 = arith.extui %sign3A_10 : i1 to i32
    %sign3A_12 = arith.constant 0 : i32
    %sign3A_13 = arith.cmpi slt, %mul3A_2, %sign3A_12 : i32
    %sign3A_14 = arith.extui %sign3A_13 : i1 to i32
    %sign3A_15 = arith.subi %sign3A_11, %sign3A_14 : i32
    %sign3A_16 = arith.constant 0 : i32
    %sign3A_17 = arith.cmpi sgt, %jit3A, %sign3A_16 : i32
    %sign3A_18 = arith.extui %sign3A_17 : i1 to i32
    %sign3A_19 = arith.constant 0 : i32
    %sign3A_20 = arith.cmpi slt, %jit3A, %sign3A_19 : i32
    %sign3A_21 = arith.extui %sign3A_20 : i1 to i32
    %sign3A_22 = arith.subi %sign3A_18, %sign3A_21 : i32
    %ne3A = arith.cmpi ne, %sign3A_15, %sign3A_22 : i32
    %rem3A = arith.remsi %mul3A_2, %jit3A : i32
    %ne3A_23 = arith.constant 0 : i32
    %ne3A_24 = arith.cmpi ne, %rem3A, %ne3A_23 : i32
    %and3A = arith.andi %ne3A, %ne3A_24 : i1
    %sub3A = arith.constant 1 : i32
    %sub3A_25 = arith.subi %div3A, %sub3A : i32
    %select_n3A = arith.select %and3A, %sub3A_25, %div3A : i32
    "tpu.region"() ({
      %run_scoped3A = tpu.sem_alloc : memref<!tpu.dma_semaphore, #tpu.memory_space<semaphore_mem>>
      %dma_start3A = arith.constant 0 : i32
      %dma_start3A_32 = arith.constant 0 : i32
      %dma_start3A_33 = tpu.memref_slice %arg8[%dma_start3A, %dma_start3A_32] : memref<200x128xf32, #tpu.memory_space<vmem>> -> memref<200x128xf32, #tpu.memory_space<vmem>>
      %dma_start3A_34 = arith.constant 0 : i32
      %dma_start3A_35 = tpu.memref_slice %arg4[%select_n3A, %dma_start3A_34] : memref<12500x128xf32, #tpu.memory_space<hbm>> -> memref<200x128xf32, #tpu.memory_space<hbm>>
      %dma_start3A_36 = arith.constant 0 : i32
      %dma_start3A_37 = tpu.memref_slice %arg4[%select_n3A, %dma_start3A_36] : memref<12500x128xf32, #tpu.memory_space<hbm>> -> memref<200x128xf32, #tpu.memory_space<hbm>>
      %dma_start3A_38 = arith.constant 0 : i32
      %dma_start3A_39 = arith.constant 0 : i32
      %dma_start3A_40 = tpu.memref_slice %arg8[%dma_start3A_38, %dma_start3A_39] : memref<200x128xf32, #tpu.memory_space<vmem>> -> memref<200x128xf32, #tpu.memory_space<vmem>>
      tpu.enqueue_dma source(%dma_start3A_40 : memref<200x128xf32, #tpu.memory_space<vmem>>) target(%dma_start3A_37 : memref<200x128xf32, #tpu.memory_space<hbm>>) target_semaphore(%run_scoped3A : memref<!tpu.dma_semaphore, #tpu.memory_space<semaphore_mem>>)
      %dma_wait3A = arith.constant 0 : i32
      %dma_wait3A_41 = arith.constant 0 : i32
      %dma_wait3A_42 = tpu.memref_slice %arg8[%dma_wait3A, %dma_wait3A_41] : memref<200x128xf32, #tpu.memory_space<vmem>> -> memref<200x128xf32, #tpu.memory_space<vmem>>
      %dma_wait3A_43 = arith.constant 0 : i32
      %dma_wait3A_44 = tpu.memref_slice %arg4[%select_n3A, %dma_wait3A_43] : memref<12500x128xf32, #tpu.memory_space<hbm>> -> memref<200x128xf32, #tpu.memory_space<hbm>>
      %dma_wait3A_45 = arith.constant 0 : i32
      %dma_wait3A_46 = tpu.memref_slice %arg4[%select_n3A, %dma_wait3A_45] : memref<12500x128xf32, #tpu.memory_space<hbm>> -> memref<200x128xf32, #tpu.memory_space<hbm>>
      %dma_wait3A_47 = arith.constant 0 : i32
      %dma_wait3A_48 = arith.constant 0 : i32
      %dma_wait3A_49 = tpu.memref_slice %arg8[%dma_wait3A_47, %dma_wait3A_48] : memref<200x128xf32, #tpu.memory_space<vmem>> -> memref<200x128xf32, #tpu.memory_space<vmem>>
      tpu.wait_dma2 semaphore(%run_scoped3A : memref<!tpu.dma_semaphore, #tpu.memory_space<semaphore_mem>>) src(%dma_wait3A_49 : memref<200x128xf32, #tpu.memory_space<vmem>>) dst(%dma_wait3A_46 : memref<200x128xf32, #tpu.memory_space<hbm>>)
      tpu.yield
    }) : () -> ()
    %lt3A = arith.constant 31 : i32
    %lt3A_26 = arith.cmpi slt, %add3A, %lt3A : i32
    %convert_element_type3A = arith.extui %lt3A_26 : i1 to i32
    %cond3A = arith.constant 0 : i32
    %cond3A_27 = arith.cmpi ne, %convert_element_type3A, %cond3A : i32
    scf.if %cond3A_27 {
      %add3A_32 = arith.constant 1600 : i32
      %add3A_33 = arith.addi %mul3A_2, %add3A_32 : i32
      "tpu.region"() ({
        %run_scoped3A = tpu.sem_alloc : memref<!tpu.dma_semaphore, #tpu.memory_space<semaphore_mem>>
        %dma_start3A = arith.constant 0 : i32
        %dma_start3A_66 = arith.constant 0 : i32
        %dma_start3A_67 = tpu.memref_slice %arg5[%dma_start3A, %dma_start3A_66] : memref<1600x16xf32, #tpu.memory_space<vmem>> -> memref<1536x16xf32, #tpu.memory_space<vmem>>
        %dma_start3A_68 = arith.constant 0 : i32
        %dma_start3A_69 = tpu.memref_slice %arg2[%add3A_33, %dma_start3A_68] : memref<200000x16xf32, #tpu.memory_space<hbm>> -> memref<1536x16xf32, #tpu.memory_space<hbm>>
        %dma_start3A_70 = arith.constant 0 : i32
        %dma_start3A_71 = arith.constant 0 : i32
        %dma_start3A_72 = tpu.memref_slice %arg5[%dma_start3A_70, %dma_start3A_71] : memref<1600x16xf32, #tpu.memory_space<vmem>> -> memref<1536x16xf32, #tpu.memory_space<vmem>>
        %dma_start3A_73 = arith.constant 0 : i32
        %dma_start3A_74 = tpu.memref_slice %arg2[%add3A_33, %dma_start3A_73] : memref<200000x16xf32, #tpu.memory_space<hbm>> -> memref<1536x16xf32, #tpu.memory_space<hbm>>
        tpu.enqueue_dma source(%dma_start3A_74 : memref<1536x16xf32, #tpu.memory_space<hbm>>) target(%dma_start3A_72 : memref<1536x16xf32, #tpu.memory_space<vmem>>) target_semaphore(%run_scoped3A : memref<!tpu.dma_semaphore, #tpu.memory_space<semaphore_mem>>)
        %dma_wait3A = arith.constant 0 : i32
        %dma_wait3A_75 = arith.constant 0 : i32
        %dma_wait3A_76 = tpu.memref_slice %arg5[%dma_wait3A, %dma_wait3A_75] : memref<1600x16xf32, #tpu.memory_space<vmem>> -> memref<1536x16xf32, #tpu.memory_space<vmem>>
        %dma_wait3A_77 = arith.constant 0 : i32
        %dma_wait3A_78 = tpu.memref_slice %arg2[%add3A_33, %dma_wait3A_77] : memref<200000x16xf32, #tpu.memory_space<hbm>> -> memref<1536x16xf32, #tpu.memory_space<hbm>>
        %dma_wait3A_79 = arith.constant 0 : i32
        %dma_wait3A_80 = arith.constant 0 : i32
        %dma_wait3A_81 = tpu.memref_slice %arg5[%dma_wait3A_79, %dma_wait3A_80] : memref<1600x16xf32, #tpu.memory_space<vmem>> -> memref<1536x16xf32, #tpu.memory_space<vmem>>
        %dma_wait3A_82 = arith.constant 0 : i32
        %dma_wait3A_83 = tpu.memref_slice %arg2[%add3A_33, %dma_wait3A_82] : memref<200000x16xf32, #tpu.memory_space<hbm>> -> memref<1536x16xf32, #tpu.memory_space<hbm>>
        tpu.wait_dma2 semaphore(%run_scoped3A : memref<!tpu.dma_semaphore, #tpu.memory_space<semaphore_mem>>) src(%dma_wait3A_83 : memref<1536x16xf32, #tpu.memory_space<hbm>>) dst(%dma_wait3A_81 : memref<1536x16xf32, #tpu.memory_space<vmem>>)
        tpu.yield
      }) : () -> ()
      %add3A_34 = arith.constant 100000 : i32
      %add3A_35 = arith.addi %add3A_34, %add3A_33 : i32
      "tpu.region"() ({
        %run_scoped3A = tpu.sem_alloc : memref<!tpu.dma_semaphore, #tpu.memory_space<semaphore_mem>>
        %dma_start3A = arith.constant 0 : i32
        %dma_start3A_66 = arith.constant 0 : i32
        %dma_start3A_67 = tpu.memref_slice %arg6[%dma_start3A, %dma_start3A_66] : memref<1600x16xf32, #tpu.memory_space<vmem>> -> memref<1536x16xf32, #tpu.memory_space<vmem>>
        %dma_start3A_68 = arith.constant 0 : i32
        %dma_start3A_69 = tpu.memref_slice %arg2[%add3A_35, %dma_start3A_68] : memref<200000x16xf32, #tpu.memory_space<hbm>> -> memref<1536x16xf32, #tpu.memory_space<hbm>>
        %dma_start3A_70 = arith.constant 0 : i32
        %dma_start3A_71 = arith.constant 0 : i32
        %dma_start3A_72 = tpu.memref_slice %arg6[%dma_start3A_70, %dma_start3A_71] : memref<1600x16xf32, #tpu.memory_space<vmem>> -> memref<1536x16xf32, #tpu.memory_space<vmem>>
        %dma_start3A_73 = arith.constant 0 : i32
        %dma_start3A_74 = tpu.memref_slice %arg2[%add3A_35, %dma_start3A_73] : memref<200000x16xf32, #tpu.memory_space<hbm>> -> memref<1536x16xf32, #tpu.memory_space<hbm>>
        tpu.enqueue_dma source(%dma_start3A_74 : memref<1536x16xf32, #tpu.memory_space<hbm>>) target(%dma_start3A_72 : memref<1536x16xf32, #tpu.memory_space<vmem>>) target_semaphore(%run_scoped3A : memref<!tpu.dma_semaphore, #tpu.memory_space<semaphore_mem>>)
        %dma_wait3A = arith.constant 0 : i32
        %dma_wait3A_75 = arith.constant 0 : i32
        %dma_wait3A_76 = tpu.memref_slice %arg6[%dma_wait3A, %dma_wait3A_75] : memref<1600x16xf32, #tpu.memory_space<vmem>> -> memref<1536x16xf32, #tpu.memory_space<vmem>>
        %dma_wait3A_77 = arith.constant 0 : i32
        %dma_wait3A_78 = tpu.memref_slice %arg2[%add3A_35, %dma_wait3A_77] : memref<200000x16xf32, #tpu.memory_space<hbm>> -> memref<1536x16xf32, #tpu.memory_space<hbm>>
        %dma_wait3A_79 = arith.constant 0 : i32
        %dma_wait3A_80 = arith.constant 0 : i32
        %dma_wait3A_81 = tpu.memref_slice %arg6[%dma_wait3A_79, %dma_wait3A_80] : memref<1600x16xf32, #tpu.memory_space<vmem>> -> memref<1536x16xf32, #tpu.memory_space<vmem>>
        %dma_wait3A_82 = arith.constant 0 : i32
        %dma_wait3A_83 = tpu.memref_slice %arg2[%add3A_35, %dma_wait3A_82] : memref<200000x16xf32, #tpu.memory_space<hbm>> -> memref<1536x16xf32, #tpu.memory_space<hbm>>
        tpu.wait_dma2 semaphore(%run_scoped3A : memref<!tpu.dma_semaphore, #tpu.memory_space<semaphore_mem>>) src(%dma_wait3A_83 : memref<1536x16xf32, #tpu.memory_space<hbm>>) dst(%dma_wait3A_81 : memref<1536x16xf32, #tpu.memory_space<vmem>>)
        tpu.yield
      }) : () -> ()
      "tpu.region"() ({
        %run_scoped3A = tpu.sem_alloc : memref<!tpu.dma_semaphore, #tpu.memory_space<semaphore_mem>>
        %dma_start3A = arith.constant 0 : i32
        %dma_start3A_66 = tpu.memref_slice %arg7[%dma_start3A] : memref<1600xf32, #tpu.memory_space<vmem>> -> memref<1536xf32, #tpu.memory_space<vmem>>
        %dma_start3A_67 = tpu.memref_slice %arg3[%add3A_33] : memref<100000xf32, #tpu.memory_space<hbm>> -> memref<1536xf32, #tpu.memory_space<hbm>>
        %dma_start3A_68 = arith.constant 0 : i32
        %dma_start3A_69 = tpu.memref_slice %arg7[%dma_start3A_68] : memref<1600xf32, #tpu.memory_space<vmem>> -> memref<1536xf32, #tpu.memory_space<vmem>>
        %dma_start3A_70 = tpu.memref_slice %arg3[%add3A_33] : memref<100000xf32, #tpu.memory_space<hbm>> -> memref<1536xf32, #tpu.memory_space<hbm>>
        tpu.enqueue_dma source(%dma_start3A_70 : memref<1536xf32, #tpu.memory_space<hbm>>) target(%dma_start3A_69 : memref<1536xf32, #tpu.memory_space<vmem>>) target_semaphore(%run_scoped3A : memref<!tpu.dma_semaphore, #tpu.memory_space<semaphore_mem>>)
        %dma_wait3A = arith.constant 0 : i32
        %dma_wait3A_71 = tpu.memref_slice %arg7[%dma_wait3A] : memref<1600xf32, #tpu.memory_space<vmem>> -> memref<1536xf32, #tpu.memory_space<vmem>>
        %dma_wait3A_72 = tpu.memref_slice %arg3[%add3A_33] : memref<100000xf32, #tpu.memory_space<hbm>> -> memref<1536xf32, #tpu.memory_space<hbm>>
        %dma_wait3A_73 = arith.constant 0 : i32
        %dma_wait3A_74 = tpu.memref_slice %arg7[%dma_wait3A_73] : memref<1600xf32, #tpu.memory_space<vmem>> -> memref<1536xf32, #tpu.memory_space<vmem>>
        %dma_wait3A_75 = tpu.memref_slice %arg3[%add3A_33] : memref<100000xf32, #tpu.memory_space<hbm>> -> memref<1536xf32, #tpu.memory_space<hbm>>
        tpu.wait_dma2 semaphore(%run_scoped3A : memref<!tpu.dma_semaphore, #tpu.memory_space<semaphore_mem>>) src(%dma_wait3A_75 : memref<1536xf32, #tpu.memory_space<hbm>>) dst(%dma_wait3A_74 : memref<1536xf32, #tpu.memory_space<vmem>>)
        tpu.yield
      }) : () -> ()
      %scan3A_36 = arith.constant 0 : i32
      %scan3A_37 = arith.constant 0 : i32
      %scan3A_38 = arith.constant 192 : i32
      %scan3A_39 = arith.addi %scan3A_37, %scan3A_38 : i32
      %scan3A_40 = arith.constant 1 : i32
      scf.for %scan3A_66 = %scan3A_37 to %scan3A_39 step %scan3A_40  : i32 {
        %mul3A_67 = arith.constant 8 : i32
        %mul3A_68 = arith.muli %scan3A_66, %mul3A_67 : i32
        %add3A_69 = arith.constant 0 : i32
        %add3A_70 = arith.addi %mul3A_68, %add3A_69 : i32
        %broadcast_in_dim3A = vector.broadcast %add3A_70 : i32 to vector<16xi32>
        %gather3A = tpu.vector_load_idx %arg7[%broadcast_in_dim3A] : memref<1600xf32, #tpu.memory_space<vmem>>[vector<16xi32>], vector<16xf32>,
        %get3A = arith.index_cast %add3A_70 : i32 to index
        %get3A_71 = arith.constant 0 : index
        %get3A_72 = tpu.vector_load %arg5[%get3A, %get3A_71] {strides = array<i32>} : memref<1600x16xf32, #tpu.memory_space<vmem>>, vector<16xf32>,
        %get3A_73 = arith.index_cast %add3A_70 : i32 to index
        %get3A_74 = arith.constant 0 : index
        %get3A_75 = tpu.vector_load %arg6[%get3A_73, %get3A_74] {strides = array<i32>} : memref<1600x16xf32, #tpu.memory_space<vmem>>, vector<16xf32>,
        %add3A_76 = arith.addf %get3A_72, %get3A_75 : vector<16xf32>
        %mul3A_77 = arith.mulf %add3A_76, %gather3A : vector<16xf32>
        %max3A = arith.constant 0.000000e+00 : f32
        %max3A_78 = vector.broadcast %max3A : f32 to vector<16xf32>
        %max3A_79 = arith.maximumf %mul3A_77, %max3A_78 : vector<16xf32>
        %swap3A = arith.index_cast %scan3A_66 : i32 to index
        %swap3A_80 = arith.constant 0 : index
        %swap3A_81 = tpu.vector_load %arg8[%swap3A, %swap3A_80] {strides = array<i32>} : memref<200x128xf32, #tpu.memory_space<vmem>>, vector<16xf32>,
        tpu.vector_store %arg8[%swap3A, %swap3A_80], %max3A_79 {strides = array<i32>} : memref<200x128xf32, #tpu.memory_space<vmem>>, vector<16xf32>,
        %mul3A_82 = arith.constant 8 : i32
        %mul3A_83 = arith.muli %scan3A_66, %mul3A_82 : i32
        %add3A_84 = arith.constant 1 : i32
        %add3A_85 = arith.addi %mul3A_83, %add3A_84 : i32
        %broadcast_in_dim3A_86 = vector.broadcast %add3A_85 : i32 to vector<16xi32>
        %gather3A_87 = tpu.vector_load_idx %arg7[%broadcast_in_dim3A_86] : memref<1600xf32, #tpu.memory_space<vmem>>[vector<16xi32>], vector<16xf32>,
        %get3A_88 = arith.index_cast %add3A_85 : i32 to index
        %get3A_89 = arith.constant 0 : index
        %get3A_90 = tpu.vector_load %arg5[%get3A_88, %get3A_89] {strides = array<i32>} : memref<1600x16xf32, #tpu.memory_space<vmem>>, vector<16xf32>,
        %get3A_91 = arith.index_cast %add3A_85 : i32 to index
        %get3A_92 = arith.constant 0 : index
        %get3A_93 = tpu.vector_load %arg6[%get3A_91, %get3A_92] {strides = array<i32>} : memref<1600x16xf32, #tpu.memory_space<vmem>>, vector<16xf32>,
        %add3A_94 = arith.addf %get3A_90, %get3A_93 : vector<16xf32>
        %mul3A_95 = arith.mulf %add3A_94, %gather3A_87 : vector<16xf32>
        %max3A_96 = arith.constant 0.000000e+00 : f32
        %max3A_97 = vector.broadcast %max3A_96 : f32 to vector<16xf32>
        %max3A_98 = arith.maximumf %mul3A_95, %max3A_97 : vector<16xf32>
        %swap3A_99 = arith.index_cast %scan3A_66 : i32 to index
        %swap3A_100 = arith.constant 16 : index
        %swap3A_101 = tpu.vector_load %arg8[%swap3A_99, %swap3A_100] {strides = array<i32>} : memref<200x128xf32, #tpu.memory_space<vmem>>, vector<16xf32>,
        tpu.vector_store %arg8[%swap3A_99, %swap3A_100], %max3A_98 {strides = array<i32>} : memref<200x128xf32, #tpu.memory_space<vmem>>, vector<16xf32>,
        %mul3A_102 = arith.constant 8 : i32
        %mul3A_103 = arith.muli %scan3A_66, %mul3A_102 : i32
        %add3A_104 = arith.constant 2 : i32
        %add3A_105 = arith.addi %mul3A_103, %add3A_104 : i32
        %broadcast_in_dim3A_106 = vector.broadcast %add3A_105 : i32 to vector<16xi32>
        %gather3A_107 = tpu.vector_load_idx %arg7[%broadcast_in_dim3A_106] : memref<1600xf32, #tpu.memory_space<vmem>>[vector<16xi32>], vector<16xf32>,
        %get3A_108 = arith.index_cast %add3A_105 : i32 to index
        %get3A_109 = arith.constant 0 : index
        %get3A_110 = tpu.vector_load %arg5[%get3A_108, %get3A_109] {strides = array<i32>} : memref<1600x16xf32, #tpu.memory_space<vmem>>, vector<16xf32>,
        %get3A_111 = arith.index_cast %add3A_105 : i32 to index
        %get3A_112 = arith.constant 0 : index
        %get3A_113 = tpu.vector_load %arg6[%get3A_111, %get3A_112] {strides = array<i32>} : memref<1600x16xf32, #tpu.memory_space<vmem>>, vector<16xf32>,
        %add3A_114 = arith.addf %get3A_110, %get3A_113 : vector<16xf32>
        %mul3A_115 = arith.mulf %add3A_114, %gather3A_107 : vector<16xf32>
        %max3A_116 = arith.constant 0.000000e+00 : f32
        %max3A_117 = vector.broadcast %max3A_116 : f32 to vector<16xf32>
        %max3A_118 = arith.maximumf %mul3A_115, %max3A_117 : vector<16xf32>
        %swap3A_119 = arith.index_cast %scan3A_66 : i32 to index
        %swap3A_120 = arith.constant 32 : index
        %swap3A_121 = tpu.vector_load %arg8[%swap3A_119, %swap3A_120] {strides = array<i32>} : memref<200x128xf32, #tpu.memory_space<vmem>>, vector<16xf32>,
        tpu.vector_store %arg8[%swap3A_119, %swap3A_120], %max3A_118 {strides = array<i32>} : memref<200x128xf32, #tpu.memory_space<vmem>>, vector<16xf32>,
        %mul3A_122 = arith.constant 8 : i32
        %mul3A_123 = arith.muli %scan3A_66, %mul3A_122 : i32
        %add3A_124 = arith.constant 3 : i32
        %add3A_125 = arith.addi %mul3A_123, %add3A_124 : i32
        %broadcast_in_dim3A_126 = vector.broadcast %add3A_125 : i32 to vector<16xi32>
        %gather3A_127 = tpu.vector_load_idx %arg7[%broadcast_in_dim3A_126] : memref<1600xf32, #tpu.memory_space<vmem>>[vector<16xi32>], vector<16xf32>,
        %get3A_128 = arith.index_cast %add3A_125 : i32 to index
        %get3A_129 = arith.constant 0 : index
        %get3A_130 = tpu.vector_load %arg5[%get3A_128, %get3A_129] {strides = array<i32>} : memref<1600x16xf32, #tpu.memory_space<vmem>>, vector<16xf32>,
        %get3A_131 = arith.index_cast %add3A_125 : i32 to index
        %get3A_132 = arith.constant 0 : index
        %get3A_133 = tpu.vector_load %arg6[%get3A_131, %get3A_132] {strides = array<i32>} : memref<1600x16xf32, #tpu.memory_space<vmem>>, vector<16xf32>,
        %add3A_134 = arith.addf %get3A_130, %get3A_133 : vector<16xf32>
        %mul3A_135 = arith.mulf %add3A_134, %gather3A_127 : vector<16xf32>
        %max3A_136 = arith.constant 0.000000e+00 : f32
        %max3A_137 = vector.broadcast %max3A_136 : f32 to vector<16xf32>
        %max3A_138 = arith.maximumf %mul3A_135, %max3A_137 : vector<16xf32>
        %swap3A_139 = arith.index_cast %scan3A_66 : i32 to index
        %swap3A_140 = arith.constant 48 : index
        %swap3A_141 = tpu.vector_load %arg8[%swap3A_139, %swap3A_140] {strides = array<i32>} : memref<200x128xf32, #tpu.memory_space<vmem>>, vector<16xf32>,
        tpu.vector_store %arg8[%swap3A_139, %swap3A_140], %max3A_138 {strides = array<i32>} : memref<200x128xf32, #tpu.memory_space<vmem>>, vector<16xf32>,
        %mul3A_142 = arith.constant 8 : i32
        %mul3A_143 = arith.muli %scan3A_66, %mul3A_142 : i32
        %add3A_144 = arith.constant 4 : i32
        %add3A_145 = arith.addi %mul3A_143, %add3A_144 : i32
        %broadcast_in_dim3A_146 = vector.broadcast %add3A_145 : i32 to vector<16xi32>
        %gather3A_147 = tpu.vector_load_idx %arg7[%broadcast_in_dim3A_146] : memref<1600xf32, #tpu.memory_space<vmem>>[vector<16xi32>], vector<16xf32>,
        %get3A_148 = arith.index_cast %add3A_145 : i32 to index
        %get3A_149 = arith.constant 0 : index
        %get3A_150 = tpu.vector_load %arg5[%get3A_148, %get3A_149] {strides = array<i32>} : memref<1600x16xf32, #tpu.memory_space<vmem>>, vector<16xf32>,
        %get3A_151 = arith.index_cast %add3A_145 : i32 to index
        %get3A_152 = arith.constant 0 : index
        %get3A_153 = tpu.vector_load %arg6[%get3A_151, %get3A_152] {strides = array<i32>} : memref<1600x16xf32, #tpu.memory_space<vmem>>, vector<16xf32>,
        %add3A_154 = arith.addf %get3A_150, %get3A_153 : vector<16xf32>
        %mul3A_155 = arith.mulf %add3A_154, %gather3A_147 : vector<16xf32>
        %max3A_156 = arith.constant 0.000000e+00 : f32
        %max3A_157 = vector.broadcast %max3A_156 : f32 to vector<16xf32>
        %max3A_158 = arith.maximumf %mul3A_155, %max3A_157 : vector<16xf32>
        %swap3A_159 = arith.index_cast %scan3A_66 : i32 to index
        %swap3A_160 = arith.constant 64 : index
        %swap3A_161 = tpu.vector_load %arg8[%swap3A_159, %swap3A_160] {strides = array<i32>} : memref<200x128xf32, #tpu.memory_space<vmem>>, vector<16xf32>,
        tpu.vector_store %arg8[%swap3A_159, %swap3A_160], %max3A_158 {strides = array<i32>} : memref<200x128xf32, #tpu.memory_space<vmem>>, vector<16xf32>,
        %mul3A_162 = arith.constant 8 : i32
        %mul3A_163 = arith.muli %scan3A_66, %mul3A_162 : i32
        %add3A_164 = arith.constant 5 : i32
        %add3A_165 = arith.addi %mul3A_163, %add3A_164 : i32
        %broadcast_in_dim3A_166 = vector.broadcast %add3A_165 : i32 to vector<16xi32>
        %gather3A_167 = tpu.vector_load_idx %arg7[%broadcast_in_dim3A_166] : memref<1600xf32, #tpu.memory_space<vmem>>[vector<16xi32>], vector<16xf32>,
        %get3A_168 = arith.index_cast %add3A_165 : i32 to index
        %get3A_169 = arith.constant 0 : index
        %get3A_170 = tpu.vector_load %arg5[%get3A_168, %get3A_169] {strides = array<i32>} : memref<1600x16xf32, #tpu.memory_space<vmem>>, vector<16xf32>,
        %get3A_171 = arith.index_cast %add3A_165 : i32 to index
        %get3A_172 = arith.constant 0 : index
        %get3A_173 = tpu.vector_load %arg6[%get3A_171, %get3A_172] {strides = array<i32>} : memref<1600x16xf32, #tpu.memory_space<vmem>>, vector<16xf32>,
        %add3A_174 = arith.addf %get3A_170, %get3A_173 : vector<16xf32>
        %mul3A_175 = arith.mulf %add3A_174, %gather3A_167 : vector<16xf32>
        %max3A_176 = arith.constant 0.000000e+00 : f32
        %max3A_177 = vector.broadcast %max3A_176 : f32 to vector<16xf32>
        %max3A_178 = arith.maximumf %mul3A_175, %max3A_177 : vector<16xf32>
        %swap3A_179 = arith.index_cast %scan3A_66 : i32 to index
        %swap3A_180 = arith.constant 80 : index
        %swap3A_181 = tpu.vector_load %arg8[%swap3A_179, %swap3A_180] {strides = array<i32>} : memref<200x128xf32, #tpu.memory_space<vmem>>, vector<16xf32>,
        tpu.vector_store %arg8[%swap3A_179, %swap3A_180], %max3A_178 {strides = array<i32>} : memref<200x128xf32, #tpu.memory_space<vmem>>, vector<16xf32>,
        %mul3A_182 = arith.constant 8 : i32
        %mul3A_183 = arith.muli %scan3A_66, %mul3A_182 : i32
        %add3A_184 = arith.constant 6 : i32
        %add3A_185 = arith.addi %mul3A_183, %add3A_184 : i32
        %broadcast_in_dim3A_186 = vector.broadcast %add3A_185 : i32 to vector<16xi32>
        %gather3A_187 = tpu.vector_load_idx %arg7[%broadcast_in_dim3A_186] : memref<1600xf32, #tpu.memory_space<vmem>>[vector<16xi32>], vector<16xf32>,
        %get3A_188 = arith.index_cast %add3A_185 : i32 to index
        %get3A_189 = arith.constant 0 : index
        %get3A_190 = tpu.vector_load %arg5[%get3A_188, %get3A_189] {strides = array<i32>} : memref<1600x16xf32, #tpu.memory_space<vmem>>, vector<16xf32>,
        %get3A_191 = arith.index_cast %add3A_185 : i32 to index
        %get3A_192 = arith.constant 0 : index
        %get3A_193 = tpu.vector_load %arg6[%get3A_191, %get3A_192] {strides = array<i32>} : memref<1600x16xf32, #tpu.memory_space<vmem>>, vector<16xf32>,
        %add3A_194 = arith.addf %get3A_190, %get3A_193 : vector<16xf32>
        %mul3A_195 = arith.mulf %add3A_194, %gather3A_187 : vector<16xf32>
        %max3A_196 = arith.constant 0.000000e+00 : f32
        %max3A_197 = vector.broadcast %max3A_196 : f32 to vector<16xf32>
        %max3A_198 = arith.maximumf %mul3A_195, %max3A_197 : vector<16xf32>
        %swap3A_199 = arith.index_cast %scan3A_66 : i32 to index
        %swap3A_200 = arith.constant 96 : index
        %swap3A_201 = tpu.vector_load %arg8[%swap3A_199, %swap3A_200] {strides = array<i32>} : memref<200x128xf32, #tpu.memory_space<vmem>>, vector<16xf32>,
        tpu.vector_store %arg8[%swap3A_199, %swap3A_200], %max3A_198 {strides = array<i32>} : memref<200x128xf32, #tpu.memory_space<vmem>>, vector<16xf32>,
        %mul3A_202 = arith.constant 8 : i32
        %mul3A_203 = arith.muli %scan3A_66, %mul3A_202 : i32
        %add3A_204 = arith.constant 7 : i32
        %add3A_205 = arith.addi %mul3A_203, %add3A_204 : i32
        %broadcast_in_dim3A_206 = vector.broadcast %add3A_205 : i32 to vector<16xi32>
        %gather3A_207 = tpu.vector_load_idx %arg7[%broadcast_in_dim3A_206] : memref<1600xf32, #tpu.memory_space<vmem>>[vector<16xi32>], vector<16xf32>,
        %get3A_208 = arith.index_cast %add3A_205 : i32 to index
        %get3A_209 = arith.constant 0 : index
        %get3A_210 = tpu.vector_load %arg5[%get3A_208, %get3A_209] {strides = array<i32>} : memref<1600x16xf32, #tpu.memory_space<vmem>>, vector<16xf32>,
        %get3A_211 = arith.index_cast %add3A_205 : i32 to index
        %get3A_212 = arith.constant 0 : index
        %get3A_213 = tpu.vector_load %arg6[%get3A_211, %get3A_212] {strides = array<i32>} : memref<1600x16xf32, #tpu.memory_space<vmem>>, vector<16xf32>,
        %add3A_214 = arith.addf %get3A_210, %get3A_213 : vector<16xf32>
        %mul3A_215 = arith.mulf %add3A_214, %gather3A_207 : vector<16xf32>
        %max3A_216 = arith.constant 0.000000e+00 : f32
        %max3A_217 = vector.broadcast %max3A_216 : f32 to vector<16xf32>
        %max3A_218 = arith.maximumf %mul3A_215, %max3A_217 : vector<16xf32>
        %swap3A_219 = arith.index_cast %scan3A_66 : i32 to index
        %swap3A_220 = arith.constant 112 : index
        %swap3A_221 = tpu.vector_load %arg8[%swap3A_219, %swap3A_220] {strides = array<i32>} : memref<200x128xf32, #tpu.memory_space<vmem>>, vector<16xf32>,
        tpu.vector_store %arg8[%swap3A_219, %swap3A_220], %max3A_218 {strides = array<i32>} : memref<200x128xf32, #tpu.memory_space<vmem>>, vector<16xf32>,
      }
      %scan3A_41 = arith.constant 192 : i32
      %jit3A_42 = arith.constant 8 : i32
      %div3A_43 = arith.divsi %add3A_33, %jit3A_42 : i32
      %sign3A_44 = arith.constant 0 : i32
      %sign3A_45 = arith.cmpi sgt, %add3A_33, %sign3A_44 : i32
      %sign3A_46 = arith.extui %sign3A_45 : i1 to i32
      %sign3A_47 = arith.constant 0 : i32
      %sign3A_48 = arith.cmpi slt, %add3A_33, %sign3A_47 : i32
      %sign3A_49 = arith.extui %sign3A_48 : i1 to i32
      %sign3A_50 = arith.subi %sign3A_46, %sign3A_49 : i32
      %sign3A_51 = arith.constant 0 : i32
      %sign3A_52 = arith.cmpi sgt, %jit3A_42, %sign3A_51 : i32
      %sign3A_53 = arith.extui %sign3A_52 : i1 to i32
      %sign3A_54 = arith.constant 0 : i32
      %sign3A_55 = arith.cmpi slt, %jit3A_42, %sign3A_54 : i32
      %sign3A_56 = arith.extui %sign3A_55 : i1 to i32
      %sign3A_57 = arith.subi %sign3A_53, %sign3A_56 : i32
      %ne3A_58 = arith.cmpi ne, %sign3A_50, %sign3A_57 : i32
      %rem3A_59 = arith.remsi %add3A_33, %jit3A_42 : i32
      %ne3A_60 = arith.constant 0 : i32
      %ne3A_61 = arith.cmpi ne, %rem3A_59, %ne3A_60 : i32
      %and3A_62 = arith.andi %ne3A_58, %ne3A_61 : i1
      %sub3A_63 = arith.constant 1 : i32
      %sub3A_64 = arith.subi %div3A_43, %sub3A_63 : i32
      %select_n3A_65 = arith.select %and3A_62, %sub3A_64, %div3A_43 : i32
      "tpu.region"() ({
        %run_scoped3A = tpu.sem_alloc : memref<!tpu.dma_semaphore, #tpu.memory_space<semaphore_mem>>
        %dma_start3A = arith.constant 0 : i32
        %dma_start3A_66 = arith.constant 0 : i32
        %dma_start3A_67 = tpu.memref_slice %arg8[%dma_start3A, %dma_start3A_66] : memref<200x128xf32, #tpu.memory_space<vmem>> -> memref<192x128xf32, #tpu.memory_space<vmem>>
        %dma_start3A_68 = arith.constant 0 : i32
        %dma_start3A_69 = tpu.memref_slice %arg4[%select_n3A_65, %dma_start3A_68] : memref<12500x128xf32, #tpu.memory_space<hbm>> -> memref<192x128xf32, #tpu.memory_space<hbm>>
        %dma_start3A_70 = arith.constant 0 : i32
        %dma_start3A_71 = tpu.memref_slice %arg4[%select_n3A_65, %dma_start3A_70] : memref<12500x128xf32, #tpu.memory_space<hbm>> -> memref<192x128xf32, #tpu.memory_space<hbm>>
        %dma_start3A_72 = arith.constant 0 : i32
        %dma_start3A_73 = arith.constant 0 : i32
        %dma_start3A_74 = tpu.memref_slice %arg8[%dma_start3A_72, %dma_start3A_73] : memref<200x128xf32, #tpu.memory_space<vmem>> -> memref<192x128xf32, #tpu.memory_space<vmem>>
        tpu.enqueue_dma source(%dma_start3A_74 : memref<192x128xf32, #tpu.memory_space<vmem>>) target(%dma_start3A_71 : memref<192x128xf32, #tpu.memory_space<hbm>>) target_semaphore(%run_scoped3A : memref<!tpu.dma_semaphore, #tpu.memory_space<semaphore_mem>>)
        %dma_wait3A = arith.constant 0 : i32
        %dma_wait3A_75 = arith.constant 0 : i32
        %dma_wait3A_76 = tpu.memref_slice %arg8[%dma_wait3A, %dma_wait3A_75] : memref<200x128xf32, #tpu.memory_space<vmem>> -> memref<192x128xf32, #tpu.memory_space<vmem>>
        %dma_wait3A_77 = arith.constant 0 : i32
        %dma_wait3A_78 = tpu.memref_slice %arg4[%select_n3A_65, %dma_wait3A_77] : memref<12500x128xf32, #tpu.memory_space<hbm>> -> memref<192x128xf32, #tpu.memory_space<hbm>>
        %dma_wait3A_79 = arith.constant 0 : i32
        %dma_wait3A_80 = tpu.memref_slice %arg4[%select_n3A_65, %dma_wait3A_79] : memref<12500x128xf32, #tpu.memory_space<hbm>> -> memref<192x128xf32, #tpu.memory_space<hbm>>
        %dma_wait3A_81 = arith.constant 0 : i32
        %dma_wait3A_82 = arith.constant 0 : i32
        %dma_wait3A_83 = tpu.memref_slice %arg8[%dma_wait3A_81, %dma_wait3A_82] : memref<200x128xf32, #tpu.memory_space<vmem>> -> memref<192x128xf32, #tpu.memory_space<vmem>>
        tpu.wait_dma2 semaphore(%run_scoped3A : memref<!tpu.dma_semaphore, #tpu.memory_space<semaphore_mem>>) src(%dma_wait3A_83 : memref<192x128xf32, #tpu.memory_space<vmem>>) dst(%dma_wait3A_80 : memref<192x128xf32, #tpu.memory_space<hbm>>)
        tpu.yield
      }) : () -> ()
    } else {
    }
    %eq3A = arith.constant 31 : i32
    %eq3A_28 = arith.cmpi eq, %add3A, %eq3A : i32
    %convert_element_type3A_29 = arith.extui %eq3A_28 : i1 to i32
    %cond3A_30 = arith.constant 0 : i32
    %cond3A_31 = arith.cmpi ne, %convert_element_type3A_29, %cond3A_30 : i32
    scf.if %cond3A_31 {
      %add3A_32 = arith.constant 1600 : i32
      %add3A_33 = arith.addi %mul3A_2, %add3A_32 : i32
      "tpu.region"() ({
        %run_scoped3A = tpu.sem_alloc : memref<!tpu.dma_semaphore, #tpu.memory_space<semaphore_mem>>
        %dma_start3A = arith.constant 0 : i32
        %dma_start3A_66 = arith.constant 0 : i32
        %dma_start3A_67 = tpu.memref_slice %arg5[%dma_start3A, %dma_start3A_66] : memref<1600x16xf32, #tpu.memory_space<vmem>> -> memref<1184x16xf32, #tpu.memory_space<vmem>>
        %dma_start3A_68 = arith.constant 0 : i32
        %dma_start3A_69 = tpu.memref_slice %arg2[%add3A_33, %dma_start3A_68] : memref<200000x16xf32, #tpu.memory_space<hbm>> -> memref<1184x16xf32, #tpu.memory_space<hbm>>
        %dma_start3A_70 = arith.constant 0 : i32
        %dma_start3A_71 = arith.constant 0 : i32
        %dma_start3A_72 = tpu.memref_slice %arg5[%dma_start3A_70, %dma_start3A_71] : memref<1600x16xf32, #tpu.memory_space<vmem>> -> memref<1184x16xf32, #tpu.memory_space<vmem>>
        %dma_start3A_73 = arith.constant 0 : i32
        %dma_start3A_74 = tpu.memref_slice %arg2[%add3A_33, %dma_start3A_73] : memref<200000x16xf32, #tpu.memory_space<hbm>> -> memref<1184x16xf32, #tpu.memory_space<hbm>>
        tpu.enqueue_dma source(%dma_start3A_74 : memref<1184x16xf32, #tpu.memory_space<hbm>>) target(%dma_start3A_72 : memref<1184x16xf32, #tpu.memory_space<vmem>>) target_semaphore(%run_scoped3A : memref<!tpu.dma_semaphore, #tpu.memory_space<semaphore_mem>>)
        %dma_wait3A = arith.constant 0 : i32
        %dma_wait3A_75 = arith.constant 0 : i32
        %dma_wait3A_76 = tpu.memref_slice %arg5[%dma_wait3A, %dma_wait3A_75] : memref<1600x16xf32, #tpu.memory_space<vmem>> -> memref<1184x16xf32, #tpu.memory_space<vmem>>
        %dma_wait3A_77 = arith.constant 0 : i32
        %dma_wait3A_78 = tpu.memref_slice %arg2[%add3A_33, %dma_wait3A_77] : memref<200000x16xf32, #tpu.memory_space<hbm>> -> memref<1184x16xf32, #tpu.memory_space<hbm>>
        %dma_wait3A_79 = arith.constant 0 : i32
        %dma_wait3A_80 = arith.constant 0 : i32
        %dma_wait3A_81 = tpu.memref_slice %arg5[%dma_wait3A_79, %dma_wait3A_80] : memref<1600x16xf32, #tpu.memory_space<vmem>> -> memref<1184x16xf32, #tpu.memory_space<vmem>>
        %dma_wait3A_82 = arith.constant 0 : i32
        %dma_wait3A_83 = tpu.memref_slice %arg2[%add3A_33, %dma_wait3A_82] : memref<200000x16xf32, #tpu.memory_space<hbm>> -> memref<1184x16xf32, #tpu.memory_space<hbm>>
        tpu.wait_dma2 semaphore(%run_scoped3A : memref<!tpu.dma_semaphore, #tpu.memory_space<semaphore_mem>>) src(%dma_wait3A_83 : memref<1184x16xf32, #tpu.memory_space<hbm>>) dst(%dma_wait3A_81 : memref<1184x16xf32, #tpu.memory_space<vmem>>)
        tpu.yield
      }) : () -> ()
      %add3A_34 = arith.constant 100000 : i32
      %add3A_35 = arith.addi %add3A_34, %add3A_33 : i32
      "tpu.region"() ({
        %run_scoped3A = tpu.sem_alloc : memref<!tpu.dma_semaphore, #tpu.memory_space<semaphore_mem>>
        %dma_start3A = arith.constant 0 : i32
        %dma_start3A_66 = arith.constant 0 : i32
        %dma_start3A_67 = tpu.memref_slice %arg6[%dma_start3A, %dma_start3A_66] : memref<1600x16xf32, #tpu.memory_space<vmem>> -> memref<1184x16xf32, #tpu.memory_space<vmem>>
        %dma_start3A_68 = arith.constant 0 : i32
        %dma_start3A_69 = tpu.memref_slice %arg2[%add3A_35, %dma_start3A_68] : memref<200000x16xf32, #tpu.memory_space<hbm>> -> memref<1184x16xf32, #tpu.memory_space<hbm>>
        %dma_start3A_70 = arith.constant 0 : i32
        %dma_start3A_71 = arith.constant 0 : i32
        %dma_start3A_72 = tpu.memref_slice %arg6[%dma_start3A_70, %dma_start3A_71] : memref<1600x16xf32, #tpu.memory_space<vmem>> -> memref<1184x16xf32, #tpu.memory_space<vmem>>
        %dma_start3A_73 = arith.constant 0 : i32
        %dma_start3A_74 = tpu.memref_slice %arg2[%add3A_35, %dma_start3A_73] : memref<200000x16xf32, #tpu.memory_space<hbm>> -> memref<1184x16xf32, #tpu.memory_space<hbm>>
        tpu.enqueue_dma source(%dma_start3A_74 : memref<1184x16xf32, #tpu.memory_space<hbm>>) target(%dma_start3A_72 : memref<1184x16xf32, #tpu.memory_space<vmem>>) target_semaphore(%run_scoped3A : memref<!tpu.dma_semaphore, #tpu.memory_space<semaphore_mem>>)
        %dma_wait3A = arith.constant 0 : i32
        %dma_wait3A_75 = arith.constant 0 : i32
        %dma_wait3A_76 = tpu.memref_slice %arg6[%dma_wait3A, %dma_wait3A_75] : memref<1600x16xf32, #tpu.memory_space<vmem>> -> memref<1184x16xf32, #tpu.memory_space<vmem>>
        %dma_wait3A_77 = arith.constant 0 : i32
        %dma_wait3A_78 = tpu.memref_slice %arg2[%add3A_35, %dma_wait3A_77] : memref<200000x16xf32, #tpu.memory_space<hbm>> -> memref<1184x16xf32, #tpu.memory_space<hbm>>
        %dma_wait3A_79 = arith.constant 0 : i32
        %dma_wait3A_80 = arith.constant 0 : i32
        %dma_wait3A_81 = tpu.memref_slice %arg6[%dma_wait3A_79, %dma_wait3A_80] : memref<1600x16xf32, #tpu.memory_space<vmem>> -> memref<1184x16xf32, #tpu.memory_space<vmem>>
        %dma_wait3A_82 = arith.constant 0 : i32
        %dma_wait3A_83 = tpu.memref_slice %arg2[%add3A_35, %dma_wait3A_82] : memref<200000x16xf32, #tpu.memory_space<hbm>> -> memref<1184x16xf32, #tpu.memory_space<hbm>>
        tpu.wait_dma2 semaphore(%run_scoped3A : memref<!tpu.dma_semaphore, #tpu.memory_space<semaphore_mem>>) src(%dma_wait3A_83 : memref<1184x16xf32, #tpu.memory_space<hbm>>) dst(%dma_wait3A_81 : memref<1184x16xf32, #tpu.memory_space<vmem>>)
        tpu.yield
      }) : () -> ()
      "tpu.region"() ({
        %run_scoped3A = tpu.sem_alloc : memref<!tpu.dma_semaphore, #tpu.memory_space<semaphore_mem>>
        %dma_start3A = arith.constant 0 : i32
        %dma_start3A_66 = tpu.memref_slice %arg7[%dma_start3A] : memref<1600xf32, #tpu.memory_space<vmem>> -> memref<1184xf32, #tpu.memory_space<vmem>>
        %dma_start3A_67 = tpu.memref_slice %arg3[%add3A_33] : memref<100000xf32, #tpu.memory_space<hbm>> -> memref<1184xf32, #tpu.memory_space<hbm>>
        %dma_start3A_68 = arith.constant 0 : i32
        %dma_start3A_69 = tpu.memref_slice %arg7[%dma_start3A_68] : memref<1600xf32, #tpu.memory_space<vmem>> -> memref<1184xf32, #tpu.memory_space<vmem>>
        %dma_start3A_70 = tpu.memref_slice %arg3[%add3A_33] : memref<100000xf32, #tpu.memory_space<hbm>> -> memref<1184xf32, #tpu.memory_space<hbm>>
        tpu.enqueue_dma source(%dma_start3A_70 : memref<1184xf32, #tpu.memory_space<hbm>>) target(%dma_start3A_69 : memref<1184xf32, #tpu.memory_space<vmem>>) target_semaphore(%run_scoped3A : memref<!tpu.dma_semaphore, #tpu.memory_space<semaphore_mem>>)
        %dma_wait3A = arith.constant 0 : i32
        %dma_wait3A_71 = tpu.memref_slice %arg7[%dma_wait3A] : memref<1600xf32, #tpu.memory_space<vmem>> -> memref<1184xf32, #tpu.memory_space<vmem>>
        %dma_wait3A_72 = tpu.memref_slice %arg3[%add3A_33] : memref<100000xf32, #tpu.memory_space<hbm>> -> memref<1184xf32, #tpu.memory_space<hbm>>
        %dma_wait3A_73 = arith.constant 0 : i32
        %dma_wait3A_74 = tpu.memref_slice %arg7[%dma_wait3A_73] : memref<1600xf32, #tpu.memory_space<vmem>> -> memref<1184xf32, #tpu.memory_space<vmem>>
        %dma_wait3A_75 = tpu.memref_slice %arg3[%add3A_33] : memref<100000xf32, #tpu.memory_space<hbm>> -> memref<1184xf32, #tpu.memory_space<hbm>>
        tpu.wait_dma2 semaphore(%run_scoped3A : memref<!tpu.dma_semaphore, #tpu.memory_space<semaphore_mem>>) src(%dma_wait3A_75 : memref<1184xf32, #tpu.memory_space<hbm>>) dst(%dma_wait3A_74 : memref<1184xf32, #tpu.memory_space<vmem>>)
        tpu.yield
      }) : () -> ()
      %scan3A_36 = arith.constant 0 : i32
      %scan3A_37 = arith.constant 0 : i32
      %scan3A_38 = arith.constant 148 : i32
      %scan3A_39 = arith.addi %scan3A_37, %scan3A_38 : i32
      %scan3A_40 = arith.constant 1 : i32
      scf.for %scan3A_66 = %scan3A_37 to %scan3A_39 step %scan3A_40  : i32 {
        %mul3A_67 = arith.constant 8 : i32
        %mul3A_68 = arith.muli %scan3A_66, %mul3A_67 : i32
        %add3A_69 = arith.constant 0 : i32
        %add3A_70 = arith.addi %mul3A_68, %add3A_69 : i32
        %broadcast_in_dim3A = vector.broadcast %add3A_70 : i32 to vector<16xi32>
        %gather3A = tpu.vector_load_idx %arg7[%broadcast_in_dim3A] : memref<1600xf32, #tpu.memory_space<vmem>>[vector<16xi32>], vector<16xf32>,
        %get3A = arith.index_cast %add3A_70 : i32 to index
        %get3A_71 = arith.constant 0 : index
        %get3A_72 = tpu.vector_load %arg5[%get3A, %get3A_71] {strides = array<i32>} : memref<1600x16xf32, #tpu.memory_space<vmem>>, vector<16xf32>,
        %get3A_73 = arith.index_cast %add3A_70 : i32 to index
        %get3A_74 = arith.constant 0 : index
        %get3A_75 = tpu.vector_load %arg6[%get3A_73, %get3A_74] {strides = array<i32>} : memref<1600x16xf32, #tpu.memory_space<vmem>>, vector<16xf32>,
        %add3A_76 = arith.addf %get3A_72, %get3A_75 : vector<16xf32>
        %mul3A_77 = arith.mulf %add3A_76, %gather3A : vector<16xf32>
        %max3A = arith.constant 0.000000e+00 : f32
        %max3A_78 = vector.broadcast %max3A : f32 to vector<16xf32>
        %max3A_79 = arith.maximumf %mul3A_77, %max3A_78 : vector<16xf32>
        %swap3A = arith.index_cast %scan3A_66 : i32 to index
        %swap3A_80 = arith.constant 0 : index
        %swap3A_81 = tpu.vector_load %arg8[%swap3A, %swap3A_80] {strides = array<i32>} : memref<200x128xf32, #tpu.memory_space<vmem>>, vector<16xf32>,
        tpu.vector_store %arg8[%swap3A, %swap3A_80], %max3A_79 {strides = array<i32>} : memref<200x128xf32, #tpu.memory_space<vmem>>, vector<16xf32>,
        %mul3A_82 = arith.constant 8 : i32
        %mul3A_83 = arith.muli %scan3A_66, %mul3A_82 : i32
        %add3A_84 = arith.constant 1 : i32
        %add3A_85 = arith.addi %mul3A_83, %add3A_84 : i32
        %broadcast_in_dim3A_86 = vector.broadcast %add3A_85 : i32 to vector<16xi32>
        %gather3A_87 = tpu.vector_load_idx %arg7[%broadcast_in_dim3A_86] : memref<1600xf32, #tpu.memory_space<vmem>>[vector<16xi32>], vector<16xf32>,
        %get3A_88 = arith.index_cast %add3A_85 : i32 to index
        %get3A_89 = arith.constant 0 : index
        %get3A_90 = tpu.vector_load %arg5[%get3A_88, %get3A_89] {strides = array<i32>} : memref<1600x16xf32, #tpu.memory_space<vmem>>, vector<16xf32>,
        %get3A_91 = arith.index_cast %add3A_85 : i32 to index
        %get3A_92 = arith.constant 0 : index
        %get3A_93 = tpu.vector_load %arg6[%get3A_91, %get3A_92] {strides = array<i32>} : memref<1600x16xf32, #tpu.memory_space<vmem>>, vector<16xf32>,
        %add3A_94 = arith.addf %get3A_90, %get3A_93 : vector<16xf32>
        %mul3A_95 = arith.mulf %add3A_94, %gather3A_87 : vector<16xf32>
        %max3A_96 = arith.constant 0.000000e+00 : f32
        %max3A_97 = vector.broadcast %max3A_96 : f32 to vector<16xf32>
        %max3A_98 = arith.maximumf %mul3A_95, %max3A_97 : vector<16xf32>
        %swap3A_99 = arith.index_cast %scan3A_66 : i32 to index
        %swap3A_100 = arith.constant 16 : index
        %swap3A_101 = tpu.vector_load %arg8[%swap3A_99, %swap3A_100] {strides = array<i32>} : memref<200x128xf32, #tpu.memory_space<vmem>>, vector<16xf32>,
        tpu.vector_store %arg8[%swap3A_99, %swap3A_100], %max3A_98 {strides = array<i32>} : memref<200x128xf32, #tpu.memory_space<vmem>>, vector<16xf32>,
        %mul3A_102 = arith.constant 8 : i32
        %mul3A_103 = arith.muli %scan3A_66, %mul3A_102 : i32
        %add3A_104 = arith.constant 2 : i32
        %add3A_105 = arith.addi %mul3A_103, %add3A_104 : i32
        %broadcast_in_dim3A_106 = vector.broadcast %add3A_105 : i32 to vector<16xi32>
        %gather3A_107 = tpu.vector_load_idx %arg7[%broadcast_in_dim3A_106] : memref<1600xf32, #tpu.memory_space<vmem>>[vector<16xi32>], vector<16xf32>,
        %get3A_108 = arith.index_cast %add3A_105 : i32 to index
        %get3A_109 = arith.constant 0 : index
        %get3A_110 = tpu.vector_load %arg5[%get3A_108, %get3A_109] {strides = array<i32>} : memref<1600x16xf32, #tpu.memory_space<vmem>>, vector<16xf32>,
        %get3A_111 = arith.index_cast %add3A_105 : i32 to index
        %get3A_112 = arith.constant 0 : index
        %get3A_113 = tpu.vector_load %arg6[%get3A_111, %get3A_112] {strides = array<i32>} : memref<1600x16xf32, #tpu.memory_space<vmem>>, vector<16xf32>,
        %add3A_114 = arith.addf %get3A_110, %get3A_113 : vector<16xf32>
        %mul3A_115 = arith.mulf %add3A_114, %gather3A_107 : vector<16xf32>
        %max3A_116 = arith.constant 0.000000e+00 : f32
        %max3A_117 = vector.broadcast %max3A_116 : f32 to vector<16xf32>
        %max3A_118 = arith.maximumf %mul3A_115, %max3A_117 : vector<16xf32>
        %swap3A_119 = arith.index_cast %scan3A_66 : i32 to index
        %swap3A_120 = arith.constant 32 : index
        %swap3A_121 = tpu.vector_load %arg8[%swap3A_119, %swap3A_120] {strides = array<i32>} : memref<200x128xf32, #tpu.memory_space<vmem>>, vector<16xf32>,
        tpu.vector_store %arg8[%swap3A_119, %swap3A_120], %max3A_118 {strides = array<i32>} : memref<200x128xf32, #tpu.memory_space<vmem>>, vector<16xf32>,
        %mul3A_122 = arith.constant 8 : i32
        %mul3A_123 = arith.muli %scan3A_66, %mul3A_122 : i32
        %add3A_124 = arith.constant 3 : i32
        %add3A_125 = arith.addi %mul3A_123, %add3A_124 : i32
        %broadcast_in_dim3A_126 = vector.broadcast %add3A_125 : i32 to vector<16xi32>
        %gather3A_127 = tpu.vector_load_idx %arg7[%broadcast_in_dim3A_126] : memref<1600xf32, #tpu.memory_space<vmem>>[vector<16xi32>], vector<16xf32>,
        %get3A_128 = arith.index_cast %add3A_125 : i32 to index
        %get3A_129 = arith.constant 0 : index
        %get3A_130 = tpu.vector_load %arg5[%get3A_128, %get3A_129] {strides = array<i32>} : memref<1600x16xf32, #tpu.memory_space<vmem>>, vector<16xf32>,
        %get3A_131 = arith.index_cast %add3A_125 : i32 to index
        %get3A_132 = arith.constant 0 : index
        %get3A_133 = tpu.vector_load %arg6[%get3A_131, %get3A_132] {strides = array<i32>} : memref<1600x16xf32, #tpu.memory_space<vmem>>, vector<16xf32>,
        %add3A_134 = arith.addf %get3A_130, %get3A_133 : vector<16xf32>
        %mul3A_135 = arith.mulf %add3A_134, %gather3A_127 : vector<16xf32>
        %max3A_136 = arith.constant 0.000000e+00 : f32
        %max3A_137 = vector.broadcast %max3A_136 : f32 to vector<16xf32>
        %max3A_138 = arith.maximumf %mul3A_135, %max3A_137 : vector<16xf32>
        %swap3A_139 = arith.index_cast %scan3A_66 : i32 to index
        %swap3A_140 = arith.constant 48 : index
        %swap3A_141 = tpu.vector_load %arg8[%swap3A_139, %swap3A_140] {strides = array<i32>} : memref<200x128xf32, #tpu.memory_space<vmem>>, vector<16xf32>,
        tpu.vector_store %arg8[%swap3A_139, %swap3A_140], %max3A_138 {strides = array<i32>} : memref<200x128xf32, #tpu.memory_space<vmem>>, vector<16xf32>,
        %mul3A_142 = arith.constant 8 : i32
        %mul3A_143 = arith.muli %scan3A_66, %mul3A_142 : i32
        %add3A_144 = arith.constant 4 : i32
        %add3A_145 = arith.addi %mul3A_143, %add3A_144 : i32
        %broadcast_in_dim3A_146 = vector.broadcast %add3A_145 : i32 to vector<16xi32>
        %gather3A_147 = tpu.vector_load_idx %arg7[%broadcast_in_dim3A_146] : memref<1600xf32, #tpu.memory_space<vmem>>[vector<16xi32>], vector<16xf32>,
        %get3A_148 = arith.index_cast %add3A_145 : i32 to index
        %get3A_149 = arith.constant 0 : index
        %get3A_150 = tpu.vector_load %arg5[%get3A_148, %get3A_149] {strides = array<i32>} : memref<1600x16xf32, #tpu.memory_space<vmem>>, vector<16xf32>,
        %get3A_151 = arith.index_cast %add3A_145 : i32 to index
        %get3A_152 = arith.constant 0 : index
        %get3A_153 = tpu.vector_load %arg6[%get3A_151, %get3A_152] {strides = array<i32>} : memref<1600x16xf32, #tpu.memory_space<vmem>>, vector<16xf32>,
        %add3A_154 = arith.addf %get3A_150, %get3A_153 : vector<16xf32>
        %mul3A_155 = arith.mulf %add3A_154, %gather3A_147 : vector<16xf32>
        %max3A_156 = arith.constant 0.000000e+00 : f32
        %max3A_157 = vector.broadcast %max3A_156 : f32 to vector<16xf32>
        %max3A_158 = arith.maximumf %mul3A_155, %max3A_157 : vector<16xf32>
        %swap3A_159 = arith.index_cast %scan3A_66 : i32 to index
        %swap3A_160 = arith.constant 64 : index
        %swap3A_161 = tpu.vector_load %arg8[%swap3A_159, %swap3A_160] {strides = array<i32>} : memref<200x128xf32, #tpu.memory_space<vmem>>, vector<16xf32>,
        tpu.vector_store %arg8[%swap3A_159, %swap3A_160], %max3A_158 {strides = array<i32>} : memref<200x128xf32, #tpu.memory_space<vmem>>, vector<16xf32>,
        %mul3A_162 = arith.constant 8 : i32
        %mul3A_163 = arith.muli %scan3A_66, %mul3A_162 : i32
        %add3A_164 = arith.constant 5 : i32
        %add3A_165 = arith.addi %mul3A_163, %add3A_164 : i32
        %broadcast_in_dim3A_166 = vector.broadcast %add3A_165 : i32 to vector<16xi32>
        %gather3A_167 = tpu.vector_load_idx %arg7[%broadcast_in_dim3A_166] : memref<1600xf32, #tpu.memory_space<vmem>>[vector<16xi32>], vector<16xf32>,
        %get3A_168 = arith.index_cast %add3A_165 : i32 to index
        %get3A_169 = arith.constant 0 : index
        %get3A_170 = tpu.vector_load %arg5[%get3A_168, %get3A_169] {strides = array<i32>} : memref<1600x16xf32, #tpu.memory_space<vmem>>, vector<16xf32>,
        %get3A_171 = arith.index_cast %add3A_165 : i32 to index
        %get3A_172 = arith.constant 0 : index
        %get3A_173 = tpu.vector_load %arg6[%get3A_171, %get3A_172] {strides = array<i32>} : memref<1600x16xf32, #tpu.memory_space<vmem>>, vector<16xf32>,
        %add3A_174 = arith.addf %get3A_170, %get3A_173 : vector<16xf32>
        %mul3A_175 = arith.mulf %add3A_174, %gather3A_167 : vector<16xf32>
        %max3A_176 = arith.constant 0.000000e+00 : f32
        %max3A_177 = vector.broadcast %max3A_176 : f32 to vector<16xf32>
        %max3A_178 = arith.maximumf %mul3A_175, %max3A_177 : vector<16xf32>
        %swap3A_179 = arith.index_cast %scan3A_66 : i32 to index
        %swap3A_180 = arith.constant 80 : index
        %swap3A_181 = tpu.vector_load %arg8[%swap3A_179, %swap3A_180] {strides = array<i32>} : memref<200x128xf32, #tpu.memory_space<vmem>>, vector<16xf32>,
        tpu.vector_store %arg8[%swap3A_179, %swap3A_180], %max3A_178 {strides = array<i32>} : memref<200x128xf32, #tpu.memory_space<vmem>>, vector<16xf32>,
        %mul3A_182 = arith.constant 8 : i32
        %mul3A_183 = arith.muli %scan3A_66, %mul3A_182 : i32
        %add3A_184 = arith.constant 6 : i32
        %add3A_185 = arith.addi %mul3A_183, %add3A_184 : i32
        %broadcast_in_dim3A_186 = vector.broadcast %add3A_185 : i32 to vector<16xi32>
        %gather3A_187 = tpu.vector_load_idx %arg7[%broadcast_in_dim3A_186] : memref<1600xf32, #tpu.memory_space<vmem>>[vector<16xi32>], vector<16xf32>,
        %get3A_188 = arith.index_cast %add3A_185 : i32 to index
        %get3A_189 = arith.constant 0 : index
        %get3A_190 = tpu.vector_load %arg5[%get3A_188, %get3A_189] {strides = array<i32>} : memref<1600x16xf32, #tpu.memory_space<vmem>>, vector<16xf32>,
        %get3A_191 = arith.index_cast %add3A_185 : i32 to index
        %get3A_192 = arith.constant 0 : index
        %get3A_193 = tpu.vector_load %arg6[%get3A_191, %get3A_192] {strides = array<i32>} : memref<1600x16xf32, #tpu.memory_space<vmem>>, vector<16xf32>,
        %add3A_194 = arith.addf %get3A_190, %get3A_193 : vector<16xf32>
        %mul3A_195 = arith.mulf %add3A_194, %gather3A_187 : vector<16xf32>
        %max3A_196 = arith.constant 0.000000e+00 : f32
        %max3A_197 = vector.broadcast %max3A_196 : f32 to vector<16xf32>
        %max3A_198 = arith.maximumf %mul3A_195, %max3A_197 : vector<16xf32>
        %swap3A_199 = arith.index_cast %scan3A_66 : i32 to index
        %swap3A_200 = arith.constant 96 : index
        %swap3A_201 = tpu.vector_load %arg8[%swap3A_199, %swap3A_200] {strides = array<i32>} : memref<200x128xf32, #tpu.memory_space<vmem>>, vector<16xf32>,
        tpu.vector_store %arg8[%swap3A_199, %swap3A_200], %max3A_198 {strides = array<i32>} : memref<200x128xf32, #tpu.memory_space<vmem>>, vector<16xf32>,
        %mul3A_202 = arith.constant 8 : i32
        %mul3A_203 = arith.muli %scan3A_66, %mul3A_202 : i32
        %add3A_204 = arith.constant 7 : i32
        %add3A_205 = arith.addi %mul3A_203, %add3A_204 : i32
        %broadcast_in_dim3A_206 = vector.broadcast %add3A_205 : i32 to vector<16xi32>
        %gather3A_207 = tpu.vector_load_idx %arg7[%broadcast_in_dim3A_206] : memref<1600xf32, #tpu.memory_space<vmem>>[vector<16xi32>], vector<16xf32>,
        %get3A_208 = arith.index_cast %add3A_205 : i32 to index
        %get3A_209 = arith.constant 0 : index
        %get3A_210 = tpu.vector_load %arg5[%get3A_208, %get3A_209] {strides = array<i32>} : memref<1600x16xf32, #tpu.memory_space<vmem>>, vector<16xf32>,
        %get3A_211 = arith.index_cast %add3A_205 : i32 to index
        %get3A_212 = arith.constant 0 : index
        %get3A_213 = tpu.vector_load %arg6[%get3A_211, %get3A_212] {strides = array<i32>} : memref<1600x16xf32, #tpu.memory_space<vmem>>, vector<16xf32>,
        %add3A_214 = arith.addf %get3A_210, %get3A_213 : vector<16xf32>
        %mul3A_215 = arith.mulf %add3A_214, %gather3A_207 : vector<16xf32>
        %max3A_216 = arith.constant 0.000000e+00 : f32
        %max3A_217 = vector.broadcast %max3A_216 : f32 to vector<16xf32>
        %max3A_218 = arith.maximumf %mul3A_215, %max3A_217 : vector<16xf32>
        %swap3A_219 = arith.index_cast %scan3A_66 : i32 to index
        %swap3A_220 = arith.constant 112 : index
        %swap3A_221 = tpu.vector_load %arg8[%swap3A_219, %swap3A_220] {strides = array<i32>} : memref<200x128xf32, #tpu.memory_space<vmem>>, vector<16xf32>,
        tpu.vector_store %arg8[%swap3A_219, %swap3A_220], %max3A_218 {strides = array<i32>} : memref<200x128xf32, #tpu.memory_space<vmem>>, vector<16xf32>,
      }
      %scan3A_41 = arith.constant 148 : i32
      %jit3A_42 = arith.constant 8 : i32
      %div3A_43 = arith.divsi %add3A_33, %jit3A_42 : i32
      %sign3A_44 = arith.constant 0 : i32
      %sign3A_45 = arith.cmpi sgt, %add3A_33, %sign3A_44 : i32
      %sign3A_46 = arith.extui %sign3A_45 : i1 to i32
      %sign3A_47 = arith.constant 0 : i32
      %sign3A_48 = arith.cmpi slt, %add3A_33, %sign3A_47 : i32
      %sign3A_49 = arith.extui %sign3A_48 : i1 to i32
      %sign3A_50 = arith.subi %sign3A_46, %sign3A_49 : i32
      %sign3A_51 = arith.constant 0 : i32
      %sign3A_52 = arith.cmpi sgt, %jit3A_42, %sign3A_51 : i32
      %sign3A_53 = arith.extui %sign3A_52 : i1 to i32
      %sign3A_54 = arith.constant 0 : i32
      %sign3A_55 = arith.cmpi slt, %jit3A_42, %sign3A_54 : i32
      %sign3A_56 = arith.extui %sign3A_55 : i1 to i32
      %sign3A_57 = arith.subi %sign3A_53, %sign3A_56 : i32
      %ne3A_58 = arith.cmpi ne, %sign3A_50, %sign3A_57 : i32
      %rem3A_59 = arith.remsi %add3A_33, %jit3A_42 : i32
      %ne3A_60 = arith.constant 0 : i32
      %ne3A_61 = arith.cmpi ne, %rem3A_59, %ne3A_60 : i32
      %and3A_62 = arith.andi %ne3A_58, %ne3A_61 : i1
      %sub3A_63 = arith.constant 1 : i32
      %sub3A_64 = arith.subi %div3A_43, %sub3A_63 : i32
      %select_n3A_65 = arith.select %and3A_62, %sub3A_64, %div3A_43 : i32
      "tpu.region"() ({
        %run_scoped3A = tpu.sem_alloc : memref<!tpu.dma_semaphore, #tpu.memory_space<semaphore_mem>>
        %dma_start3A = arith.constant 0 : i32
        %dma_start3A_66 = arith.constant 0 : i32
        %dma_start3A_67 = tpu.memref_slice %arg8[%dma_start3A, %dma_start3A_66] : memref<200x128xf32, #tpu.memory_space<vmem>> -> memref<148x128xf32, #tpu.memory_space<vmem>>
        %dma_start3A_68 = arith.constant 0 : i32
        %dma_start3A_69 = tpu.memref_slice %arg4[%select_n3A_65, %dma_start3A_68] : memref<12500x128xf32, #tpu.memory_space<hbm>> -> memref<148x128xf32, #tpu.memory_space<hbm>>
        %dma_start3A_70 = arith.constant 0 : i32
        %dma_start3A_71 = tpu.memref_slice %arg4[%select_n3A_65, %dma_start3A_70] : memref<12500x128xf32, #tpu.memory_space<hbm>> -> memref<148x128xf32, #tpu.memory_space<hbm>>
        %dma_start3A_72 = arith.constant 0 : i32
        %dma_start3A_73 = arith.constant 0 : i32
        %dma_start3A_74 = tpu.memref_slice %arg8[%dma_start3A_72, %dma_start3A_73] : memref<200x128xf32, #tpu.memory_space<vmem>> -> memref<148x128xf32, #tpu.memory_space<vmem>>
        tpu.enqueue_dma source(%dma_start3A_74 : memref<148x128xf32, #tpu.memory_space<vmem>>) target(%dma_start3A_71 : memref<148x128xf32, #tpu.memory_space<hbm>>) target_semaphore(%run_scoped3A : memref<!tpu.dma_semaphore, #tpu.memory_space<semaphore_mem>>)
        %dma_wait3A = arith.constant 0 : i32
        %dma_wait3A_75 = arith.constant 0 : i32
        %dma_wait3A_76 = tpu.memref_slice %arg8[%dma_wait3A, %dma_wait3A_75] : memref<200x128xf32, #tpu.memory_space<vmem>> -> memref<148x128xf32, #tpu.memory_space<vmem>>
        %dma_wait3A_77 = arith.constant 0 : i32
        %dma_wait3A_78 = tpu.memref_slice %arg4[%select_n3A_65, %dma_wait3A_77] : memref<12500x128xf32, #tpu.memory_space<hbm>> -> memref<148x128xf32, #tpu.memory_space<hbm>>
        %dma_wait3A_79 = arith.constant 0 : i32
        %dma_wait3A_80 = tpu.memref_slice %arg4[%select_n3A_65, %dma_wait3A_79] : memref<12500x128xf32, #tpu.memory_space<hbm>> -> memref<148x128xf32, #tpu.memory_space<hbm>>
        %dma_wait3A_81 = arith.constant 0 : i32
        %dma_wait3A_82 = arith.constant 0 : i32
        %dma_wait3A_83 = tpu.memref_slice %arg8[%dma_wait3A_81, %dma_wait3A_82] : memref<200x128xf32, #tpu.memory_space<vmem>> -> memref<148x128xf32, #tpu.memory_space<vmem>>
        tpu.wait_dma2 semaphore(%run_scoped3A : memref<!tpu.dma_semaphore, #tpu.memory_space<semaphore_mem>>) src(%dma_wait3A_83 : memref<148x128xf32, #tpu.memory_space<vmem>>) dst(%dma_wait3A_80 : memref<148x128xf32, #tpu.memory_space<hbm>>)
        tpu.yield
      }) : () -> ()
    } else {
    }
    return
  }
}

#map = affine_map<(d0, d1) -> (0, 0)>
#map1 = affine_map<(d0, d1) -> (0, 0, 0)>
module attributes {stable_mosaic.version = 14 : i64} {
  func.func @sc_segment_sum(%arg0: i32, %arg1: i32, %arg2: memref<100000x16xf32, #tpu.memory_space<hbm>>, %arg3: memref<2x25000x128xi32, #tpu.memory_space<hbm>>, %arg4: memref<200000x16xf32, #tpu.memory_space<hbm>>, %arg5: memref<2x6x128xi32, #tpu.memory_space<vmem>>, %arg6: memref<2x6x128xi32, #tpu.memory_space<vmem>>, %arg7: memref<2x768x16xf32, #tpu.memory_space<vmem>>, %arg8: memref<100096x16xf32, #tpu.memory_space<vmem_shared>>, %arg9: memref<!tpu.dma_semaphore, #tpu.memory_space<semaphore_mem>>, %arg10: memref<!tpu.dma_semaphore, #tpu.memory_space<semaphore_mem>>, %arg11: memref<!tpu.dma_semaphore, #tpu.memory_space<semaphore_mem>>, %arg12: memref<!tpu.dma_semaphore, #tpu.memory_space<semaphore_mem>>, %arg13: memref<!tpu.dma_semaphore, #tpu.memory_space<semaphore_mem>>) attributes {dimension_semantics = [#tpu.dimension_semantics<core_parallel>, #tpu.dimension_semantics<subcore_parallel>], iteration_bounds = array<i64: 2, 16>, scalar_prefetch = 0 : i64, scratch_operands = 9 : i64, tpu.core_type = #tpu.core_type<sc_vector_subcore>, window_params = [{transform_indices = #map}, {transform_indices = #map1}, {transform_indices = #map}]} {
    %mul3A = arith.constant 16 : i32
    %mul3A_0 = arith.muli %arg0, %mul3A : i32
    %add3A = arith.addi %mul3A_0, %arg1 : i32
    %mul3A_1 = arith.constant 25000 : i32
    %mul3A_2 = arith.muli %add3A, %mul3A_1 : i32
    %jit3A = arith.constant 32 : i32
    %div3A = arith.divsi %mul3A_2, %jit3A : i32
    %sign3A = arith.constant 0 : i32
    %sign3A_3 = arith.cmpi sgt, %mul3A_2, %sign3A : i32
    %sign3A_4 = arith.extui %sign3A_3 : i1 to i32
    %sign3A_5 = arith.constant 0 : i32
    %sign3A_6 = arith.cmpi slt, %mul3A_2, %sign3A_5 : i32
    %sign3A_7 = arith.extui %sign3A_6 : i1 to i32
    %sign3A_8 = arith.subi %sign3A_4, %sign3A_7 : i32
    %sign3A_9 = arith.constant 0 : i32
    %sign3A_10 = arith.cmpi sgt, %jit3A, %sign3A_9 : i32
    %sign3A_11 = arith.extui %sign3A_10 : i1 to i32
    %sign3A_12 = arith.constant 0 : i32
    %sign3A_13 = arith.cmpi slt, %jit3A, %sign3A_12 : i32
    %sign3A_14 = arith.extui %sign3A_13 : i1 to i32
    %sign3A_15 = arith.subi %sign3A_11, %sign3A_14 : i32
    %ne3A = arith.cmpi ne, %sign3A_8, %sign3A_15 : i32
    %rem3A = arith.remsi %mul3A_2, %jit3A : i32
    %ne3A_16 = arith.constant 0 : i32
    %ne3A_17 = arith.cmpi ne, %rem3A, %ne3A_16 : i32
    %and3A = arith.andi %ne3A, %ne3A_17 : i1
    %sub3A = arith.constant 1 : i32
    %sub3A_18 = arith.subi %div3A, %sub3A : i32
    %select_n3A = arith.select %and3A, %sub3A_18, %div3A : i32
    %add3A_19 = arith.constant 1 : i32
    %add3A_20 = arith.addi %add3A, %add3A_19 : i32
    %mul3A_21 = arith.constant 25000 : i32
    %mul3A_22 = arith.muli %add3A_20, %mul3A_21 : i32
    %jit3A_23 = arith.constant 32 : i32
    %div3A_24 = arith.divsi %mul3A_22, %jit3A_23 : i32
    %sign3A_25 = arith.constant 0 : i32
    %sign3A_26 = arith.cmpi sgt, %mul3A_22, %sign3A_25 : i32
    %sign3A_27 = arith.extui %sign3A_26 : i1 to i32
    %sign3A_28 = arith.constant 0 : i32
    %sign3A_29 = arith.cmpi slt, %mul3A_22, %sign3A_28 : i32
    %sign3A_30 = arith.extui %sign3A_29 : i1 to i32
    %sign3A_31 = arith.subi %sign3A_27, %sign3A_30 : i32
    %sign3A_32 = arith.constant 0 : i32
    %sign3A_33 = arith.cmpi sgt, %jit3A_23, %sign3A_32 : i32
    %sign3A_34 = arith.extui %sign3A_33 : i1 to i32
    %sign3A_35 = arith.constant 0 : i32
    %sign3A_36 = arith.cmpi slt, %jit3A_23, %sign3A_35 : i32
    %sign3A_37 = arith.extui %sign3A_36 : i1 to i32
    %sign3A_38 = arith.subi %sign3A_34, %sign3A_37 : i32
    %ne3A_39 = arith.cmpi ne, %sign3A_31, %sign3A_38 : i32
    %rem3A_40 = arith.remsi %mul3A_22, %jit3A_23 : i32
    %ne3A_41 = arith.constant 0 : i32
    %ne3A_42 = arith.cmpi ne, %rem3A_40, %ne3A_41 : i32
    %and3A_43 = arith.andi %ne3A_39, %ne3A_42 : i1
    %sub3A_44 = arith.constant 1 : i32
    %sub3A_45 = arith.subi %div3A_24, %sub3A_44 : i32
    %select_n3A_46 = arith.select %and3A_43, %sub3A_45, %div3A_24 : i32
    %min3A = arith.constant 24994 : i32
    %min3A_47 = arith.minsi %select_n3A, %min3A : i32
    %run_scoped3A = arith.constant 0 : i32
    %run_scoped3A_48 = arith.constant 0 : i32
    "tpu.region"() ({
      %run_scoped3A_342 = tpu.sem_alloc : memref<!tpu.dma_semaphore, #tpu.memory_space<semaphore_mem>>
      %dma_start3A_343 = arith.constant 0 : i32
      %dma_start3A_344 = arith.constant 0 : i32
      %dma_start3A_345 = tpu.memref_slice %arg5[%run_scoped3A_48, %dma_start3A_343, %dma_start3A_344] : memref<2x6x128xi32, #tpu.memory_space<vmem>> -> memref<1x6x128xi32, #tpu.memory_space<vmem>>
      %dma_start3A_346 = tpu.memref_squeeze %dma_start3A_345 : memref<1x6x128xi32, #tpu.memory_space<vmem>> -> memref<6x128xi32, #tpu.memory_space<vmem>>
      %dma_start3A_347 = arith.constant 0 : i32
      %dma_start3A_348 = tpu.memref_slice %arg3[%run_scoped3A, %min3A_47, %dma_start3A_347] : memref<2x25000x128xi32, #tpu.memory_space<hbm>> -> memref<1x6x128xi32, #tpu.memory_space<hbm>>
      %dma_start3A_349 = tpu.memref_squeeze %dma_start3A_348 : memref<1x6x128xi32, #tpu.memory_space<hbm>> -> memref<6x128xi32, #tpu.memory_space<hbm>>
      %dma_start3A_350 = arith.constant 0 : i32
      %dma_start3A_351 = arith.constant 0 : i32
      %dma_start3A_352 = tpu.memref_slice %arg5[%run_scoped3A_48, %dma_start3A_350, %dma_start3A_351] : memref<2x6x128xi32, #tpu.memory_space<vmem>> -> memref<1x6x128xi32, #tpu.memory_space<vmem>>
      %dma_start3A_353 = tpu.memref_squeeze %dma_start3A_352 : memref<1x6x128xi32, #tpu.memory_space<vmem>> -> memref<6x128xi32, #tpu.memory_space<vmem>>
      %dma_start3A_354 = arith.constant 0 : i32
      %dma_start3A_355 = tpu.memref_slice %arg3[%run_scoped3A, %min3A_47, %dma_start3A_354] : memref<2x25000x128xi32, #tpu.memory_space<hbm>> -> memref<1x6x128xi32, #tpu.memory_space<hbm>>
      %dma_start3A_356 = tpu.memref_squeeze %dma_start3A_355 : memref<1x6x128xi32, #tpu.memory_space<hbm>> -> memref<6x128xi32, #tpu.memory_space<hbm>>
      tpu.enqueue_dma source(%dma_start3A_356 : memref<6x128xi32, #tpu.memory_space<hbm>>) target(%dma_start3A_353 : memref<6x128xi32, #tpu.memory_space<vmem>>) target_semaphore(%run_scoped3A_342 : memref<!tpu.dma_semaphore, #tpu.memory_space<semaphore_mem>>)
      %dma_wait3A_357 = arith.constant 0 : i32
      %dma_wait3A_358 = arith.constant 0 : i32
      %dma_wait3A_359 = tpu.memref_slice %arg5[%run_scoped3A_48, %dma_wait3A_357, %dma_wait3A_358] : memref<2x6x128xi32, #tpu.memory_space<vmem>> -> memref<1x6x128xi32, #tpu.memory_space<vmem>>
      %dma_wait3A_360 = tpu.memref_squeeze %dma_wait3A_359 : memref<1x6x128xi32, #tpu.memory_space<vmem>> -> memref<6x128xi32, #tpu.memory_space<vmem>>
      %dma_wait3A_361 = arith.constant 0 : i32
      %dma_wait3A_362 = tpu.memref_slice %arg3[%run_scoped3A, %min3A_47, %dma_wait3A_361] : memref<2x25000x128xi32, #tpu.memory_space<hbm>> -> memref<1x6x128xi32, #tpu.memory_space<hbm>>
      %dma_wait3A_363 = tpu.memref_squeeze %dma_wait3A_362 : memref<1x6x128xi32, #tpu.memory_space<hbm>> -> memref<6x128xi32, #tpu.memory_space<hbm>>
      %dma_wait3A_364 = arith.constant 0 : i32
      %dma_wait3A_365 = arith.constant 0 : i32
      %dma_wait3A_366 = tpu.memref_slice %arg5[%run_scoped3A_48, %dma_wait3A_364, %dma_wait3A_365] : memref<2x6x128xi32, #tpu.memory_space<vmem>> -> memref<1x6x128xi32, #tpu.memory_space<vmem>>
      %dma_wait3A_367 = tpu.memref_squeeze %dma_wait3A_366 : memref<1x6x128xi32, #tpu.memory_space<vmem>> -> memref<6x128xi32, #tpu.memory_space<vmem>>
      %dma_wait3A_368 = arith.constant 0 : i32
      %dma_wait3A_369 = tpu.memref_slice %arg3[%run_scoped3A, %min3A_47, %dma_wait3A_368] : memref<2x25000x128xi32, #tpu.memory_space<hbm>> -> memref<1x6x128xi32, #tpu.memory_space<hbm>>
      %dma_wait3A_370 = tpu.memref_squeeze %dma_wait3A_369 : memref<1x6x128xi32, #tpu.memory_space<hbm>> -> memref<6x128xi32, #tpu.memory_space<hbm>>
      tpu.wait_dma2 semaphore(%run_scoped3A_342 : memref<!tpu.dma_semaphore, #tpu.memory_space<semaphore_mem>>) src(%dma_wait3A_370 : memref<6x128xi32, #tpu.memory_space<hbm>>) dst(%dma_wait3A_367 : memref<6x128xi32, #tpu.memory_space<vmem>>)
      tpu.yield
    }) : () -> ()
    %run_scoped3A_49 = arith.constant 1 : i32
    %run_scoped3A_50 = arith.constant 0 : i32
    "tpu.region"() ({
      %run_scoped3A_342 = tpu.sem_alloc : memref<!tpu.dma_semaphore, #tpu.memory_space<semaphore_mem>>
      %dma_start3A_343 = arith.constant 0 : i32
      %dma_start3A_344 = arith.constant 0 : i32
      %dma_start3A_345 = tpu.memref_slice %arg6[%run_scoped3A_50, %dma_start3A_343, %dma_start3A_344] : memref<2x6x128xi32, #tpu.memory_space<vmem>> -> memref<1x6x128xi32, #tpu.memory_space<vmem>>
      %dma_start3A_346 = tpu.memref_squeeze %dma_start3A_345 : memref<1x6x128xi32, #tpu.memory_space<vmem>> -> memref<6x128xi32, #tpu.memory_space<vmem>>
      %dma_start3A_347 = arith.constant 0 : i32
      %dma_start3A_348 = tpu.memref_slice %arg3[%run_scoped3A_49, %min3A_47, %dma_start3A_347] : memref<2x25000x128xi32, #tpu.memory_space<hbm>> -> memref<1x6x128xi32, #tpu.memory_space<hbm>>
      %dma_start3A_349 = tpu.memref_squeeze %dma_start3A_348 : memref<1x6x128xi32, #tpu.memory_space<hbm>> -> memref<6x128xi32, #tpu.memory_space<hbm>>
      %dma_start3A_350 = arith.constant 0 : i32
      %dma_start3A_351 = arith.constant 0 : i32
      %dma_start3A_352 = tpu.memref_slice %arg6[%run_scoped3A_50, %dma_start3A_350, %dma_start3A_351] : memref<2x6x128xi32, #tpu.memory_space<vmem>> -> memref<1x6x128xi32, #tpu.memory_space<vmem>>
      %dma_start3A_353 = tpu.memref_squeeze %dma_start3A_352 : memref<1x6x128xi32, #tpu.memory_space<vmem>> -> memref<6x128xi32, #tpu.memory_space<vmem>>
      %dma_start3A_354 = arith.constant 0 : i32
      %dma_start3A_355 = tpu.memref_slice %arg3[%run_scoped3A_49, %min3A_47, %dma_start3A_354] : memref<2x25000x128xi32, #tpu.memory_space<hbm>> -> memref<1x6x128xi32, #tpu.memory_space<hbm>>
      %dma_start3A_356 = tpu.memref_squeeze %dma_start3A_355 : memref<1x6x128xi32, #tpu.memory_space<hbm>> -> memref<6x128xi32, #tpu.memory_space<hbm>>
      tpu.enqueue_dma source(%dma_start3A_356 : memref<6x128xi32, #tpu.memory_space<hbm>>) target(%dma_start3A_353 : memref<6x128xi32, #tpu.memory_space<vmem>>) target_semaphore(%run_scoped3A_342 : memref<!tpu.dma_semaphore, #tpu.memory_space<semaphore_mem>>)
      %dma_wait3A_357 = arith.constant 0 : i32
      %dma_wait3A_358 = arith.constant 0 : i32
      %dma_wait3A_359 = tpu.memref_slice %arg6[%run_scoped3A_50, %dma_wait3A_357, %dma_wait3A_358] : memref<2x6x128xi32, #tpu.memory_space<vmem>> -> memref<1x6x128xi32, #tpu.memory_space<vmem>>
      %dma_wait3A_360 = tpu.memref_squeeze %dma_wait3A_359 : memref<1x6x128xi32, #tpu.memory_space<vmem>> -> memref<6x128xi32, #tpu.memory_space<vmem>>
      %dma_wait3A_361 = arith.constant 0 : i32
      %dma_wait3A_362 = tpu.memref_slice %arg3[%run_scoped3A_49, %min3A_47, %dma_wait3A_361] : memref<2x25000x128xi32, #tpu.memory_space<hbm>> -> memref<1x6x128xi32, #tpu.memory_space<hbm>>
      %dma_wait3A_363 = tpu.memref_squeeze %dma_wait3A_362 : memref<1x6x128xi32, #tpu.memory_space<hbm>> -> memref<6x128xi32, #tpu.memory_space<hbm>>
      %dma_wait3A_364 = arith.constant 0 : i32
      %dma_wait3A_365 = arith.constant 0 : i32
      %dma_wait3A_366 = tpu.memref_slice %arg6[%run_scoped3A_50, %dma_wait3A_364, %dma_wait3A_365] : memref<2x6x128xi32, #tpu.memory_space<vmem>> -> memref<1x6x128xi32, #tpu.memory_space<vmem>>
      %dma_wait3A_367 = tpu.memref_squeeze %dma_wait3A_366 : memref<1x6x128xi32, #tpu.memory_space<vmem>> -> memref<6x128xi32, #tpu.memory_space<vmem>>
      %dma_wait3A_368 = arith.constant 0 : i32
      %dma_wait3A_369 = tpu.memref_slice %arg3[%run_scoped3A_49, %min3A_47, %dma_wait3A_368] : memref<2x25000x128xi32, #tpu.memory_space<hbm>> -> memref<1x6x128xi32, #tpu.memory_space<hbm>>
      %dma_wait3A_370 = tpu.memref_squeeze %dma_wait3A_369 : memref<1x6x128xi32, #tpu.memory_space<hbm>> -> memref<6x128xi32, #tpu.memory_space<hbm>>
      tpu.wait_dma2 semaphore(%run_scoped3A_342 : memref<!tpu.dma_semaphore, #tpu.memory_space<semaphore_mem>>) src(%dma_wait3A_370 : memref<6x128xi32, #tpu.memory_space<hbm>>) dst(%dma_wait3A_367 : memref<6x128xi32, #tpu.memory_space<vmem>>)
      tpu.yield
    }) : () -> ()
    %dma_start3A = arith.constant 0 : i32
    %dma_start3A_51 = arith.constant 0 : i32
    %dma_start3A_52 = arith.constant 0 : i32
    %dma_start3A_53 = arith.constant 0 : i32
    %dma_start3A_54 = arith.constant 0 : i32
    %dma_start3A_55 = tpu.memref_slice %arg7[%dma_start3A_52, %dma_start3A_53, %dma_start3A_54] : memref<2x768x16xf32, #tpu.memory_space<vmem>> -> memref<1x128x16xf32, #tpu.memory_space<vmem>>
    %dma_start3A_56 = tpu.memref_squeeze %dma_start3A_55 : memref<1x128x16xf32, #tpu.memory_space<vmem>> -> memref<128x16xf32, #tpu.memory_space<vmem>>
    %dma_start3A_57 = arith.constant 0 : i32
    %dma_start3A_58 = tpu.memref_slice %arg5[%dma_start3A, %dma_start3A_51, %dma_start3A_57] : memref<2x6x128xi32, #tpu.memory_space<vmem>> -> memref<1x1x128xi32, #tpu.memory_space<vmem>>
    %dma_start3A_59 = tpu.memref_squeeze %dma_start3A_58 : memref<1x1x128xi32, #tpu.memory_space<vmem>> -> memref<128xi32, #tpu.memory_space<vmem>>
    %dma_start3A_60 = arith.constant 0 : i32
    %dma_start3A_61 = arith.constant 0 : i32
    %dma_start3A_62 = tpu.memref_slice %arg2[%dma_start3A_60, %dma_start3A_61] : memref<100000x16xf32, #tpu.memory_space<hbm>> -> memref<100000x16xf32, #tpu.memory_space<hbm>>
    tpu.enqueue_indirect_dma source(%dma_start3A_62 : memref<100000x16xf32, #tpu.memory_space<hbm>>) target(%dma_start3A_56 : memref<128x16xf32, #tpu.memory_space<vmem>>) offsets(%dma_start3A_59 : memref<128xi32, #tpu.memory_space<vmem>>) semaphore(%arg10 : memref<!tpu.dma_semaphore, #tpu.memory_space<semaphore_mem>>)
    %dma_start3A_63 = arith.constant 0 : i32
    %dma_start3A_64 = arith.constant 1 : i32
    %dma_start3A_65 = arith.constant 0 : i32
    %dma_start3A_66 = arith.constant 128 : i32
    %dma_start3A_67 = arith.constant 0 : i32
    %dma_start3A_68 = tpu.memref_slice %arg7[%dma_start3A_65, %dma_start3A_66, %dma_start3A_67] : memref<2x768x16xf32, #tpu.memory_space<vmem>> -> memref<1x128x16xf32, #tpu.memory_space<vmem>>
    %dma_start3A_69 = tpu.memref_squeeze %dma_start3A_68 : memref<1x128x16xf32, #tpu.memory_space<vmem>> -> memref<128x16xf32, #tpu.memory_space<vmem>>
    %dma_start3A_70 = arith.constant 0 : i32
    %dma_start3A_71 = tpu.memref_slice %arg5[%dma_start3A_63, %dma_start3A_64, %dma_start3A_70] : memref<2x6x128xi32, #tpu.memory_space<vmem>> -> memref<1x1x128xi32, #tpu.memory_space<vmem>>
    %dma_start3A_72 = tpu.memref_squeeze %dma_start3A_71 : memref<1x1x128xi32, #tpu.memory_space<vmem>> -> memref<128xi32, #tpu.memory_space<vmem>>
    %dma_start3A_73 = arith.constant 0 : i32
    %dma_start3A_74 = arith.constant 0 : i32
    %dma_start3A_75 = tpu.memref_slice %arg2[%dma_start3A_73, %dma_start3A_74] : memref<100000x16xf32, #tpu.memory_space<hbm>> -> memref<100000x16xf32, #tpu.memory_space<hbm>>
    tpu.enqueue_indirect_dma source(%dma_start3A_75 : memref<100000x16xf32, #tpu.memory_space<hbm>>) target(%dma_start3A_69 : memref<128x16xf32, #tpu.memory_space<vmem>>) offsets(%dma_start3A_72 : memref<128xi32, #tpu.memory_space<vmem>>) semaphore(%arg10 : memref<!tpu.dma_semaphore, #tpu.memory_space<semaphore_mem>>)
    %dma_start3A_76 = arith.constant 0 : i32
    %dma_start3A_77 = arith.constant 2 : i32
    %dma_start3A_78 = arith.constant 0 : i32
    %dma_start3A_79 = arith.constant 256 : i32
    %dma_start3A_80 = arith.constant 0 : i32
    %dma_start3A_81 = tpu.memref_slice %arg7[%dma_start3A_78, %dma_start3A_79, %dma_start3A_80] : memref<2x768x16xf32, #tpu.memory_space<vmem>> -> memref<1x128x16xf32, #tpu.memory_space<vmem>>
    %dma_start3A_82 = tpu.memref_squeeze %dma_start3A_81 : memref<1x128x16xf32, #tpu.memory_space<vmem>> -> memref<128x16xf32, #tpu.memory_space<vmem>>
    %dma_start3A_83 = arith.constant 0 : i32
    %dma_start3A_84 = tpu.memref_slice %arg5[%dma_start3A_76, %dma_start3A_77, %dma_start3A_83] : memref<2x6x128xi32, #tpu.memory_space<vmem>> -> memref<1x1x128xi32, #tpu.memory_space<vmem>>
    %dma_start3A_85 = tpu.memref_squeeze %dma_start3A_84 : memref<1x1x128xi32, #tpu.memory_space<vmem>> -> memref<128xi32, #tpu.memory_space<vmem>>
    %dma_start3A_86 = arith.constant 0 : i32
    %dma_start3A_87 = arith.constant 0 : i32
    %dma_start3A_88 = tpu.memref_slice %arg2[%dma_start3A_86, %dma_start3A_87] : memref<100000x16xf32, #tpu.memory_space<hbm>> -> memref<100000x16xf32, #tpu.memory_space<hbm>>
    tpu.enqueue_indirect_dma source(%dma_start3A_88 : memref<100000x16xf32, #tpu.memory_space<hbm>>) target(%dma_start3A_82 : memref<128x16xf32, #tpu.memory_space<vmem>>) offsets(%dma_start3A_85 : memref<128xi32, #tpu.memory_space<vmem>>) semaphore(%arg10 : memref<!tpu.dma_semaphore, #tpu.memory_space<semaphore_mem>>)
    %dma_start3A_89 = arith.constant 0 : i32
    %dma_start3A_90 = arith.constant 3 : i32
    %dma_start3A_91 = arith.constant 0 : i32
    %dma_start3A_92 = arith.constant 384 : i32
    %dma_start3A_93 = arith.constant 0 : i32
    %dma_start3A_94 = tpu.memref_slice %arg7[%dma_start3A_91, %dma_start3A_92, %dma_start3A_93] : memref<2x768x16xf32, #tpu.memory_space<vmem>> -> memref<1x128x16xf32, #tpu.memory_space<vmem>>
    %dma_start3A_95 = tpu.memref_squeeze %dma_start3A_94 : memref<1x128x16xf32, #tpu.memory_space<vmem>> -> memref<128x16xf32, #tpu.memory_space<vmem>>
    %dma_start3A_96 = arith.constant 0 : i32
    %dma_start3A_97 = tpu.memref_slice %arg5[%dma_start3A_89, %dma_start3A_90, %dma_start3A_96] : memref<2x6x128xi32, #tpu.memory_space<vmem>> -> memref<1x1x128xi32, #tpu.memory_space<vmem>>
    %dma_start3A_98 = tpu.memref_squeeze %dma_start3A_97 : memref<1x1x128xi32, #tpu.memory_space<vmem>> -> memref<128xi32, #tpu.memory_space<vmem>>
    %dma_start3A_99 = arith.constant 0 : i32
    %dma_start3A_100 = arith.constant 0 : i32
    %dma_start3A_101 = tpu.memref_slice %arg2[%dma_start3A_99, %dma_start3A_100] : memref<100000x16xf32, #tpu.memory_space<hbm>> -> memref<100000x16xf32, #tpu.memory_space<hbm>>
    tpu.enqueue_indirect_dma source(%dma_start3A_101 : memref<100000x16xf32, #tpu.memory_space<hbm>>) target(%dma_start3A_95 : memref<128x16xf32, #tpu.memory_space<vmem>>) offsets(%dma_start3A_98 : memref<128xi32, #tpu.memory_space<vmem>>) semaphore(%arg10 : memref<!tpu.dma_semaphore, #tpu.memory_space<semaphore_mem>>)
    %dma_start3A_102 = arith.constant 0 : i32
    %dma_start3A_103 = arith.constant 4 : i32
    %dma_start3A_104 = arith.constant 0 : i32
    %dma_start3A_105 = arith.constant 512 : i32
    %dma_start3A_106 = arith.constant 0 : i32
    %dma_start3A_107 = tpu.memref_slice %arg7[%dma_start3A_104, %dma_start3A_105, %dma_start3A_106] : memref<2x768x16xf32, #tpu.memory_space<vmem>> -> memref<1x128x16xf32, #tpu.memory_space<vmem>>
    %dma_start3A_108 = tpu.memref_squeeze %dma_start3A_107 : memref<1x128x16xf32, #tpu.memory_space<vmem>> -> memref<128x16xf32, #tpu.memory_space<vmem>>
    %dma_start3A_109 = arith.constant 0 : i32
    %dma_start3A_110 = tpu.memref_slice %arg5[%dma_start3A_102, %dma_start3A_103, %dma_start3A_109] : memref<2x6x128xi32, #tpu.memory_space<vmem>> -> memref<1x1x128xi32, #tpu.memory_space<vmem>>
    %dma_start3A_111 = tpu.memref_squeeze %dma_start3A_110 : memref<1x1x128xi32, #tpu.memory_space<vmem>> -> memref<128xi32, #tpu.memory_space<vmem>>
    %dma_start3A_112 = arith.constant 0 : i32
    %dma_start3A_113 = arith.constant 0 : i32
    %dma_start3A_114 = tpu.memref_slice %arg2[%dma_start3A_112, %dma_start3A_113] : memref<100000x16xf32, #tpu.memory_space<hbm>> -> memref<100000x16xf32, #tpu.memory_space<hbm>>
    tpu.enqueue_indirect_dma source(%dma_start3A_114 : memref<100000x16xf32, #tpu.memory_space<hbm>>) target(%dma_start3A_108 : memref<128x16xf32, #tpu.memory_space<vmem>>) offsets(%dma_start3A_111 : memref<128xi32, #tpu.memory_space<vmem>>) semaphore(%arg10 : memref<!tpu.dma_semaphore, #tpu.memory_space<semaphore_mem>>)
    %dma_start3A_115 = arith.constant 0 : i32
    %dma_start3A_116 = arith.constant 5 : i32
    %dma_start3A_117 = arith.constant 0 : i32
    %dma_start3A_118 = arith.constant 640 : i32
    %dma_start3A_119 = arith.constant 0 : i32
    %dma_start3A_120 = tpu.memref_slice %arg7[%dma_start3A_117, %dma_start3A_118, %dma_start3A_119] : memref<2x768x16xf32, #tpu.memory_space<vmem>> -> memref<1x128x16xf32, #tpu.memory_space<vmem>>
    %dma_start3A_121 = tpu.memref_squeeze %dma_start3A_120 : memref<1x128x16xf32, #tpu.memory_space<vmem>> -> memref<128x16xf32, #tpu.memory_space<vmem>>
    %dma_start3A_122 = arith.constant 0 : i32
    %dma_start3A_123 = tpu.memref_slice %arg5[%dma_start3A_115, %dma_start3A_116, %dma_start3A_122] : memref<2x6x128xi32, #tpu.memory_space<vmem>> -> memref<1x1x128xi32, #tpu.memory_space<vmem>>
    %dma_start3A_124 = tpu.memref_squeeze %dma_start3A_123 : memref<1x1x128xi32, #tpu.memory_space<vmem>> -> memref<128xi32, #tpu.memory_space<vmem>>
    %dma_start3A_125 = arith.constant 0 : i32
    %dma_start3A_126 = arith.constant 0 : i32
    %dma_start3A_127 = tpu.memref_slice %arg2[%dma_start3A_125, %dma_start3A_126] : memref<100000x16xf32, #tpu.memory_space<hbm>> -> memref<100000x16xf32, #tpu.memory_space<hbm>>
    tpu.enqueue_indirect_dma source(%dma_start3A_127 : memref<100000x16xf32, #tpu.memory_space<hbm>>) target(%dma_start3A_121 : memref<128x16xf32, #tpu.memory_space<vmem>>) offsets(%dma_start3A_124 : memref<128xi32, #tpu.memory_space<vmem>>) semaphore(%arg10 : memref<!tpu.dma_semaphore, #tpu.memory_space<semaphore_mem>>)
    %scan3A = arith.constant 0 : i32
    %scan3A_128 = arith.constant 0 : i32
    %scan3A_129 = arith.constant 768 : i32
    %scan3A_130 = arith.addi %scan3A_128, %scan3A_129 : i32
    %scan3A_131 = arith.constant 1 : i32
    scf.for %scan3A_342 = %scan3A_128 to %scan3A_130 step %scan3A_131  : i32 {
      %broadcast_in_dim3A = arith.constant 0.000000e+00 : f32
      %broadcast_in_dim3A_343 = vector.broadcast %broadcast_in_dim3A : f32 to vector<16xf32>
      %swap3A = arith.constant 1 : i32
      %swap3A_344 = arith.index_cast %swap3A : i32 to index
      %swap3A_345 = arith.index_cast %scan3A_342 : i32 to index
      %swap3A_346 = arith.constant 0 : index
      %swap3A_347 = tpu.vector_load %arg7[%swap3A_344, %swap3A_345, %swap3A_346] {strides = array<i32>} : memref<2x768x16xf32, #tpu.memory_space<vmem>>, vector<16xf32>,
      tpu.vector_store %arg7[%swap3A_344, %swap3A_345, %swap3A_346], %broadcast_in_dim3A_343 {strides = array<i32>} : memref<2x768x16xf32, #tpu.memory_space<vmem>>, vector<16xf32>,
    }
    %scan3A_132 = arith.constant 768 : i32
    %mul3A_133 = arith.constant 6256 : i32
    %mul3A_134 = arith.muli %arg1, %mul3A_133 : i32
    %add3A_135 = arith.constant 0 : i32
    %add3A_136 = arith.addi %mul3A_134, %add3A_135 : i32
    %run_scoped3A_137 = arith.constant 1 : i32
    "tpu.region"() ({
      %run_scoped3A_342 = tpu.sem_alloc : memref<!tpu.dma_semaphore, #tpu.memory_space<semaphore_mem>>
      %dma_start3A_343 = arith.constant 0 : i32
      %dma_start3A_344 = arith.constant 0 : i32
      %dma_start3A_345 = tpu.memref_slice %arg7[%run_scoped3A_137, %dma_start3A_343, %dma_start3A_344] : memref<2x768x16xf32, #tpu.memory_space<vmem>> -> memref<1x768x16xf32, #tpu.memory_space<vmem>>
      %dma_start3A_346 = tpu.memref_squeeze %dma_start3A_345 : memref<1x768x16xf32, #tpu.memory_space<vmem>> -> memref<768x16xf32, #tpu.memory_space<vmem>>
      %dma_start3A_347 = arith.constant 0 : i32
      %dma_start3A_348 = tpu.memref_slice %arg8[%add3A_136, %dma_start3A_347] : memref<100096x16xf32, #tpu.memory_space<vmem_shared>> -> memref<768x16xf32, #tpu.memory_space<vmem_shared>>
      %dma_start3A_349 = arith.constant 0 : i32
      %dma_start3A_350 = tpu.memref_slice %arg8[%add3A_136, %dma_start3A_349] : memref<100096x16xf32, #tpu.memory_space<vmem_shared>> -> memref<768x16xf32, #tpu.memory_space<vmem_shared>>
      %dma_start3A_351 = arith.constant 0 : i32
      %dma_start3A_352 = arith.constant 0 : i32
      %dma_start3A_353 = tpu.memref_slice %arg7[%run_scoped3A_137, %dma_start3A_351, %dma_start3A_352] : memref<2x768x16xf32, #tpu.memory_space<vmem>> -> memref<1x768x16xf32, #tpu.memory_space<vmem>>
      %dma_start3A_354 = tpu.memref_squeeze %dma_start3A_353 : memref<1x768x16xf32, #tpu.memory_space<vmem>> -> memref<768x16xf32, #tpu.memory_space<vmem>>
      tpu.enqueue_dma source(%dma_start3A_354 : memref<768x16xf32, #tpu.memory_space<vmem>>) target(%dma_start3A_350 : memref<768x16xf32, #tpu.memory_space<vmem_shared>>) target_semaphore(%run_scoped3A_342 : memref<!tpu.dma_semaphore, #tpu.memory_space<semaphore_mem>>)
      %dma_wait3A_355 = arith.constant 0 : i32
      %dma_wait3A_356 = arith.constant 0 : i32
      %dma_wait3A_357 = tpu.memref_slice %arg7[%run_scoped3A_137, %dma_wait3A_355, %dma_wait3A_356] : memref<2x768x16xf32, #tpu.memory_space<vmem>> -> memref<1x768x16xf32, #tpu.memory_space<vmem>>
      %dma_wait3A_358 = tpu.memref_squeeze %dma_wait3A_357 : memref<1x768x16xf32, #tpu.memory_space<vmem>> -> memref<768x16xf32, #tpu.memory_space<vmem>>
      %dma_wait3A_359 = arith.constant 0 : i32
      %dma_wait3A_360 = tpu.memref_slice %arg8[%add3A_136, %dma_wait3A_359] : memref<100096x16xf32, #tpu.memory_space<vmem_shared>> -> memref<768x16xf32, #tpu.memory_space<vmem_shared>>
      %dma_wait3A_361 = arith.constant 0 : i32
      %dma_wait3A_362 = tpu.memref_slice %arg8[%add3A_136, %dma_wait3A_361] : memref<100096x16xf32, #tpu.memory_space<vmem_shared>> -> memref<768x16xf32, #tpu.memory_space<vmem_shared>>
      %dma_wait3A_363 = arith.constant 0 : i32
      %dma_wait3A_364 = arith.constant 0 : i32
      %dma_wait3A_365 = tpu.memref_slice %arg7[%run_scoped3A_137, %dma_wait3A_363, %dma_wait3A_364] : memref<2x768x16xf32, #tpu.memory_space<vmem>> -> memref<1x768x16xf32, #tpu.memory_space<vmem>>
      %dma_wait3A_366 = tpu.memref_squeeze %dma_wait3A_365 : memref<1x768x16xf32, #tpu.memory_space<vmem>> -> memref<768x16xf32, #tpu.memory_space<vmem>>
      tpu.wait_dma2 semaphore(%run_scoped3A_342 : memref<!tpu.dma_semaphore, #tpu.memory_space<semaphore_mem>>) src(%dma_wait3A_366 : memref<768x16xf32, #tpu.memory_space<vmem>>) dst(%dma_wait3A_362 : memref<768x16xf32, #tpu.memory_space<vmem_shared>>)
      tpu.yield
    }) : () -> ()
    %add3A_138 = arith.constant 768 : i32
    %add3A_139 = arith.addi %mul3A_134, %add3A_138 : i32
    %run_scoped3A_140 = arith.constant 1 : i32
    "tpu.region"() ({
      %run_scoped3A_342 = tpu.sem_alloc : memref<!tpu.dma_semaphore, #tpu.memory_space<semaphore_mem>>
      %dma_start3A_343 = arith.constant 0 : i32
      %dma_start3A_344 = arith.constant 0 : i32
      %dma_start3A_345 = tpu.memref_slice %arg7[%run_scoped3A_140, %dma_start3A_343, %dma_start3A_344] : memref<2x768x16xf32, #tpu.memory_space<vmem>> -> memref<1x768x16xf32, #tpu.memory_space<vmem>>
      %dma_start3A_346 = tpu.memref_squeeze %dma_start3A_345 : memref<1x768x16xf32, #tpu.memory_space<vmem>> -> memref<768x16xf32, #tpu.memory_space<vmem>>
      %dma_start3A_347 = arith.constant 0 : i32
      %dma_start3A_348 = tpu.memref_slice %arg8[%add3A_139, %dma_start3A_347] : memref<100096x16xf32, #tpu.memory_space<vmem_shared>> -> memref<768x16xf32, #tpu.memory_space<vmem_shared>>
      %dma_start3A_349 = arith.constant 0 : i32
      %dma_start3A_350 = tpu.memref_slice %arg8[%add3A_139, %dma_start3A_349] : memref<100096x16xf32, #tpu.memory_space<vmem_shared>> -> memref<768x16xf32, #tpu.memory_space<vmem_shared>>
      %dma_start3A_351 = arith.constant 0 : i32
      %dma_start3A_352 = arith.constant 0 : i32
      %dma_start3A_353 = tpu.memref_slice %arg7[%run_scoped3A_140, %dma_start3A_351, %dma_start3A_352] : memref<2x768x16xf32, #tpu.memory_space<vmem>> -> memref<1x768x16xf32, #tpu.memory_space<vmem>>
      %dma_start3A_354 = tpu.memref_squeeze %dma_start3A_353 : memref<1x768x16xf32, #tpu.memory_space<vmem>> -> memref<768x16xf32, #tpu.memory_space<vmem>>
      tpu.enqueue_dma source(%dma_start3A_354 : memref<768x16xf32, #tpu.memory_space<vmem>>) target(%dma_start3A_350 : memref<768x16xf32, #tpu.memory_space<vmem_shared>>) target_semaphore(%run_scoped3A_342 : memref<!tpu.dma_semaphore, #tpu.memory_space<semaphore_mem>>)
      %dma_wait3A_355 = arith.constant 0 : i32
      %dma_wait3A_356 = arith.constant 0 : i32
      %dma_wait3A_357 = tpu.memref_slice %arg7[%run_scoped3A_140, %dma_wait3A_355, %dma_wait3A_356] : memref<2x768x16xf32, #tpu.memory_space<vmem>> -> memref<1x768x16xf32, #tpu.memory_space<vmem>>
      %dma_wait3A_358 = tpu.memref_squeeze %dma_wait3A_357 : memref<1x768x16xf32, #tpu.memory_space<vmem>> -> memref<768x16xf32, #tpu.memory_space<vmem>>
      %dma_wait3A_359 = arith.constant 0 : i32
      %dma_wait3A_360 = tpu.memref_slice %arg8[%add3A_139, %dma_wait3A_359] : memref<100096x16xf32, #tpu.memory_space<vmem_shared>> -> memref<768x16xf32, #tpu.memory_space<vmem_shared>>
      %dma_wait3A_361 = arith.constant 0 : i32
      %dma_wait3A_362 = tpu.memref_slice %arg8[%add3A_139, %dma_wait3A_361] : memref<100096x16xf32, #tpu.memory_space<vmem_shared>> -> memref<768x16xf32, #tpu.memory_space<vmem_shared>>
      %dma_wait3A_363 = arith.constant 0 : i32
      %dma_wait3A_364 = arith.constant 0 : i32
      %dma_wait3A_365 = tpu.memref_slice %arg7[%run_scoped3A_140, %dma_wait3A_363, %dma_wait3A_364] : memref<2x768x16xf32, #tpu.memory_space<vmem>> -> memref<1x768x16xf32, #tpu.memory_space<vmem>>
      %dma_wait3A_366 = tpu.memref_squeeze %dma_wait3A_365 : memref<1x768x16xf32, #tpu.memory_space<vmem>> -> memref<768x16xf32, #tpu.memory_space<vmem>>
      tpu.wait_dma2 semaphore(%run_scoped3A_342 : memref<!tpu.dma_semaphore, #tpu.memory_space<semaphore_mem>>) src(%dma_wait3A_366 : memref<768x16xf32, #tpu.memory_space<vmem>>) dst(%dma_wait3A_362 : memref<768x16xf32, #tpu.memory_space<vmem_shared>>)
      tpu.yield
    }) : () -> ()
    %add3A_141 = arith.constant 1536 : i32
    %add3A_142 = arith.addi %mul3A_134, %add3A_141 : i32
    %run_scoped3A_143 = arith.constant 1 : i32
    "tpu.region"() ({
      %run_scoped3A_342 = tpu.sem_alloc : memref<!tpu.dma_semaphore, #tpu.memory_space<semaphore_mem>>
      %dma_start3A_343 = arith.constant 0 : i32
      %dma_start3A_344 = arith.constant 0 : i32
      %dma_start3A_345 = tpu.memref_slice %arg7[%run_scoped3A_143, %dma_start3A_343, %dma_start3A_344] : memref<2x768x16xf32, #tpu.memory_space<vmem>> -> memref<1x768x16xf32, #tpu.memory_space<vmem>>
      %dma_start3A_346 = tpu.memref_squeeze %dma_start3A_345 : memref<1x768x16xf32, #tpu.memory_space<vmem>> -> memref<768x16xf32, #tpu.memory_space<vmem>>
      %dma_start3A_347 = arith.constant 0 : i32
      %dma_start3A_348 = tpu.memref_slice %arg8[%add3A_142, %dma_start3A_347] : memref<100096x16xf32, #tpu.memory_space<vmem_shared>> -> memref<768x16xf32, #tpu.memory_space<vmem_shared>>
      %dma_start3A_349 = arith.constant 0 : i32
      %dma_start3A_350 = tpu.memref_slice %arg8[%add3A_142, %dma_start3A_349] : memref<100096x16xf32, #tpu.memory_space<vmem_shared>> -> memref<768x16xf32, #tpu.memory_space<vmem_shared>>
      %dma_start3A_351 = arith.constant 0 : i32
      %dma_start3A_352 = arith.constant 0 : i32
      %dma_start3A_353 = tpu.memref_slice %arg7[%run_scoped3A_143, %dma_start3A_351, %dma_start3A_352] : memref<2x768x16xf32, #tpu.memory_space<vmem>> -> memref<1x768x16xf32, #tpu.memory_space<vmem>>
      %dma_start3A_354 = tpu.memref_squeeze %dma_start3A_353 : memref<1x768x16xf32, #tpu.memory_space<vmem>> -> memref<768x16xf32, #tpu.memory_space<vmem>>
      tpu.enqueue_dma source(%dma_start3A_354 : memref<768x16xf32, #tpu.memory_space<vmem>>) target(%dma_start3A_350 : memref<768x16xf32, #tpu.memory_space<vmem_shared>>) target_semaphore(%run_scoped3A_342 : memref<!tpu.dma_semaphore, #tpu.memory_space<semaphore_mem>>)
      %dma_wait3A_355 = arith.constant 0 : i32
      %dma_wait3A_356 = arith.constant 0 : i32
      %dma_wait3A_357 = tpu.memref_slice %arg7[%run_scoped3A_143, %dma_wait3A_355, %dma_wait3A_356] : memref<2x768x16xf32, #tpu.memory_space<vmem>> -> memref<1x768x16xf32, #tpu.memory_space<vmem>>
      %dma_wait3A_358 = tpu.memref_squeeze %dma_wait3A_357 : memref<1x768x16xf32, #tpu.memory_space<vmem>> -> memref<768x16xf32, #tpu.memory_space<vmem>>
      %dma_wait3A_359 = arith.constant 0 : i32
      %dma_wait3A_360 = tpu.memref_slice %arg8[%add3A_142, %dma_wait3A_359] : memref<100096x16xf32, #tpu.memory_space<vmem_shared>> -> memref<768x16xf32, #tpu.memory_space<vmem_shared>>
      %dma_wait3A_361 = arith.constant 0 : i32
      %dma_wait3A_362 = tpu.memref_slice %arg8[%add3A_142, %dma_wait3A_361] : memref<100096x16xf32, #tpu.memory_space<vmem_shared>> -> memref<768x16xf32, #tpu.memory_space<vmem_shared>>
      %dma_wait3A_363 = arith.constant 0 : i32
      %dma_wait3A_364 = arith.constant 0 : i32
      %dma_wait3A_365 = tpu.memref_slice %arg7[%run_scoped3A_143, %dma_wait3A_363, %dma_wait3A_364] : memref<2x768x16xf32, #tpu.memory_space<vmem>> -> memref<1x768x16xf32, #tpu.memory_space<vmem>>
      %dma_wait3A_366 = tpu.memref_squeeze %dma_wait3A_365 : memref<1x768x16xf32, #tpu.memory_space<vmem>> -> memref<768x16xf32, #tpu.memory_space<vmem>>
      tpu.wait_dma2 semaphore(%run_scoped3A_342 : memref<!tpu.dma_semaphore, #tpu.memory_space<semaphore_mem>>) src(%dma_wait3A_366 : memref<768x16xf32, #tpu.memory_space<vmem>>) dst(%dma_wait3A_362 : memref<768x16xf32, #tpu.memory_space<vmem_shared>>)
      tpu.yield
    }) : () -> ()
    %add3A_144 = arith.constant 2304 : i32
    %add3A_145 = arith.addi %mul3A_134, %add3A_144 : i32
    %run_scoped3A_146 = arith.constant 1 : i32
    "tpu.region"() ({
      %run_scoped3A_342 = tpu.sem_alloc : memref<!tpu.dma_semaphore, #tpu.memory_space<semaphore_mem>>
      %dma_start3A_343 = arith.constant 0 : i32
      %dma_start3A_344 = arith.constant 0 : i32
      %dma_start3A_345 = tpu.memref_slice %arg7[%run_scoped3A_146, %dma_start3A_343, %dma_start3A_344] : memref<2x768x16xf32, #tpu.memory_space<vmem>> -> memref<1x768x16xf32, #tpu.memory_space<vmem>>
      %dma_start3A_346 = tpu.memref_squeeze %dma_start3A_345 : memref<1x768x16xf32, #tpu.memory_space<vmem>> -> memref<768x16xf32, #tpu.memory_space<vmem>>
      %dma_start3A_347 = arith.constant 0 : i32
      %dma_start3A_348 = tpu.memref_slice %arg8[%add3A_145, %dma_start3A_347] : memref<100096x16xf32, #tpu.memory_space<vmem_shared>> -> memref<768x16xf32, #tpu.memory_space<vmem_shared>>
      %dma_start3A_349 = arith.constant 0 : i32
      %dma_start3A_350 = tpu.memref_slice %arg8[%add3A_145, %dma_start3A_349] : memref<100096x16xf32, #tpu.memory_space<vmem_shared>> -> memref<768x16xf32, #tpu.memory_space<vmem_shared>>
      %dma_start3A_351 = arith.constant 0 : i32
      %dma_start3A_352 = arith.constant 0 : i32
      %dma_start3A_353 = tpu.memref_slice %arg7[%run_scoped3A_146, %dma_start3A_351, %dma_start3A_352] : memref<2x768x16xf32, #tpu.memory_space<vmem>> -> memref<1x768x16xf32, #tpu.memory_space<vmem>>
      %dma_start3A_354 = tpu.memref_squeeze %dma_start3A_353 : memref<1x768x16xf32, #tpu.memory_space<vmem>> -> memref<768x16xf32, #tpu.memory_space<vmem>>
      tpu.enqueue_dma source(%dma_start3A_354 : memref<768x16xf32, #tpu.memory_space<vmem>>) target(%dma_start3A_350 : memref<768x16xf32, #tpu.memory_space<vmem_shared>>) target_semaphore(%run_scoped3A_342 : memref<!tpu.dma_semaphore, #tpu.memory_space<semaphore_mem>>)
      %dma_wait3A_355 = arith.constant 0 : i32
      %dma_wait3A_356 = arith.constant 0 : i32
      %dma_wait3A_357 = tpu.memref_slice %arg7[%run_scoped3A_146, %dma_wait3A_355, %dma_wait3A_356] : memref<2x768x16xf32, #tpu.memory_space<vmem>> -> memref<1x768x16xf32, #tpu.memory_space<vmem>>
      %dma_wait3A_358 = tpu.memref_squeeze %dma_wait3A_357 : memref<1x768x16xf32, #tpu.memory_space<vmem>> -> memref<768x16xf32, #tpu.memory_space<vmem>>
      %dma_wait3A_359 = arith.constant 0 : i32
      %dma_wait3A_360 = tpu.memref_slice %arg8[%add3A_145, %dma_wait3A_359] : memref<100096x16xf32, #tpu.memory_space<vmem_shared>> -> memref<768x16xf32, #tpu.memory_space<vmem_shared>>
      %dma_wait3A_361 = arith.constant 0 : i32
      %dma_wait3A_362 = tpu.memref_slice %arg8[%add3A_145, %dma_wait3A_361] : memref<100096x16xf32, #tpu.memory_space<vmem_shared>> -> memref<768x16xf32, #tpu.memory_space<vmem_shared>>
      %dma_wait3A_363 = arith.constant 0 : i32
      %dma_wait3A_364 = arith.constant 0 : i32
      %dma_wait3A_365 = tpu.memref_slice %arg7[%run_scoped3A_146, %dma_wait3A_363, %dma_wait3A_364] : memref<2x768x16xf32, #tpu.memory_space<vmem>> -> memref<1x768x16xf32, #tpu.memory_space<vmem>>
      %dma_wait3A_366 = tpu.memref_squeeze %dma_wait3A_365 : memref<1x768x16xf32, #tpu.memory_space<vmem>> -> memref<768x16xf32, #tpu.memory_space<vmem>>
      tpu.wait_dma2 semaphore(%run_scoped3A_342 : memref<!tpu.dma_semaphore, #tpu.memory_space<semaphore_mem>>) src(%dma_wait3A_366 : memref<768x16xf32, #tpu.memory_space<vmem>>) dst(%dma_wait3A_362 : memref<768x16xf32, #tpu.memory_space<vmem_shared>>)
      tpu.yield
    }) : () -> ()
    %add3A_147 = arith.constant 3072 : i32
    %add3A_148 = arith.addi %mul3A_134, %add3A_147 : i32
    %run_scoped3A_149 = arith.constant 1 : i32
    "tpu.region"() ({
      %run_scoped3A_342 = tpu.sem_alloc : memref<!tpu.dma_semaphore, #tpu.memory_space<semaphore_mem>>
      %dma_start3A_343 = arith.constant 0 : i32
      %dma_start3A_344 = arith.constant 0 : i32
      %dma_start3A_345 = tpu.memref_slice %arg7[%run_scoped3A_149, %dma_start3A_343, %dma_start3A_344] : memref<2x768x16xf32, #tpu.memory_space<vmem>> -> memref<1x768x16xf32, #tpu.memory_space<vmem>>
      %dma_start3A_346 = tpu.memref_squeeze %dma_start3A_345 : memref<1x768x16xf32, #tpu.memory_space<vmem>> -> memref<768x16xf32, #tpu.memory_space<vmem>>
      %dma_start3A_347 = arith.constant 0 : i32
      %dma_start3A_348 = tpu.memref_slice %arg8[%add3A_148, %dma_start3A_347] : memref<100096x16xf32, #tpu.memory_space<vmem_shared>> -> memref<768x16xf32, #tpu.memory_space<vmem_shared>>
      %dma_start3A_349 = arith.constant 0 : i32
      %dma_start3A_350 = tpu.memref_slice %arg8[%add3A_148, %dma_start3A_349] : memref<100096x16xf32, #tpu.memory_space<vmem_shared>> -> memref<768x16xf32, #tpu.memory_space<vmem_shared>>
      %dma_start3A_351 = arith.constant 0 : i32
      %dma_start3A_352 = arith.constant 0 : i32
      %dma_start3A_353 = tpu.memref_slice %arg7[%run_scoped3A_149, %dma_start3A_351, %dma_start3A_352] : memref<2x768x16xf32, #tpu.memory_space<vmem>> -> memref<1x768x16xf32, #tpu.memory_space<vmem>>
      %dma_start3A_354 = tpu.memref_squeeze %dma_start3A_353 : memref<1x768x16xf32, #tpu.memory_space<vmem>> -> memref<768x16xf32, #tpu.memory_space<vmem>>
      tpu.enqueue_dma source(%dma_start3A_354 : memref<768x16xf32, #tpu.memory_space<vmem>>) target(%dma_start3A_350 : memref<768x16xf32, #tpu.memory_space<vmem_shared>>) target_semaphore(%run_scoped3A_342 : memref<!tpu.dma_semaphore, #tpu.memory_space<semaphore_mem>>)
      %dma_wait3A_355 = arith.constant 0 : i32
      %dma_wait3A_356 = arith.constant 0 : i32
      %dma_wait3A_357 = tpu.memref_slice %arg7[%run_scoped3A_149, %dma_wait3A_355, %dma_wait3A_356] : memref<2x768x16xf32, #tpu.memory_space<vmem>> -> memref<1x768x16xf32, #tpu.memory_space<vmem>>
      %dma_wait3A_358 = tpu.memref_squeeze %dma_wait3A_357 : memref<1x768x16xf32, #tpu.memory_space<vmem>> -> memref<768x16xf32, #tpu.memory_space<vmem>>
      %dma_wait3A_359 = arith.constant 0 : i32
      %dma_wait3A_360 = tpu.memref_slice %arg8[%add3A_148, %dma_wait3A_359] : memref<100096x16xf32, #tpu.memory_space<vmem_shared>> -> memref<768x16xf32, #tpu.memory_space<vmem_shared>>
      %dma_wait3A_361 = arith.constant 0 : i32
      %dma_wait3A_362 = tpu.memref_slice %arg8[%add3A_148, %dma_wait3A_361] : memref<100096x16xf32, #tpu.memory_space<vmem_shared>> -> memref<768x16xf32, #tpu.memory_space<vmem_shared>>
      %dma_wait3A_363 = arith.constant 0 : i32
      %dma_wait3A_364 = arith.constant 0 : i32
      %dma_wait3A_365 = tpu.memref_slice %arg7[%run_scoped3A_149, %dma_wait3A_363, %dma_wait3A_364] : memref<2x768x16xf32, #tpu.memory_space<vmem>> -> memref<1x768x16xf32, #tpu.memory_space<vmem>>
      %dma_wait3A_366 = tpu.memref_squeeze %dma_wait3A_365 : memref<1x768x16xf32, #tpu.memory_space<vmem>> -> memref<768x16xf32, #tpu.memory_space<vmem>>
      tpu.wait_dma2 semaphore(%run_scoped3A_342 : memref<!tpu.dma_semaphore, #tpu.memory_space<semaphore_mem>>) src(%dma_wait3A_366 : memref<768x16xf32, #tpu.memory_space<vmem>>) dst(%dma_wait3A_362 : memref<768x16xf32, #tpu.memory_space<vmem_shared>>)
      tpu.yield
    }) : () -> ()
    %add3A_150 = arith.constant 3840 : i32
    %add3A_151 = arith.addi %mul3A_134, %add3A_150 : i32
    %run_scoped3A_152 = arith.constant 1 : i32
    "tpu.region"() ({
      %run_scoped3A_342 = tpu.sem_alloc : memref<!tpu.dma_semaphore, #tpu.memory_space<semaphore_mem>>
      %dma_start3A_343 = arith.constant 0 : i32
      %dma_start3A_344 = arith.constant 0 : i32
      %dma_start3A_345 = tpu.memref_slice %arg7[%run_scoped3A_152, %dma_start3A_343, %dma_start3A_344] : memref<2x768x16xf32, #tpu.memory_space<vmem>> -> memref<1x768x16xf32, #tpu.memory_space<vmem>>
      %dma_start3A_346 = tpu.memref_squeeze %dma_start3A_345 : memref<1x768x16xf32, #tpu.memory_space<vmem>> -> memref<768x16xf32, #tpu.memory_space<vmem>>
      %dma_start3A_347 = arith.constant 0 : i32
      %dma_start3A_348 = tpu.memref_slice %arg8[%add3A_151, %dma_start3A_347] : memref<100096x16xf32, #tpu.memory_space<vmem_shared>> -> memref<768x16xf32, #tpu.memory_space<vmem_shared>>
      %dma_start3A_349 = arith.constant 0 : i32
      %dma_start3A_350 = tpu.memref_slice %arg8[%add3A_151, %dma_start3A_349] : memref<100096x16xf32, #tpu.memory_space<vmem_shared>> -> memref<768x16xf32, #tpu.memory_space<vmem_shared>>
      %dma_start3A_351 = arith.constant 0 : i32
      %dma_start3A_352 = arith.constant 0 : i32
      %dma_start3A_353 = tpu.memref_slice %arg7[%run_scoped3A_152, %dma_start3A_351, %dma_start3A_352] : memref<2x768x16xf32, #tpu.memory_space<vmem>> -> memref<1x768x16xf32, #tpu.memory_space<vmem>>
      %dma_start3A_354 = tpu.memref_squeeze %dma_start3A_353 : memref<1x768x16xf32, #tpu.memory_space<vmem>> -> memref<768x16xf32, #tpu.memory_space<vmem>>
      tpu.enqueue_dma source(%dma_start3A_354 : memref<768x16xf32, #tpu.memory_space<vmem>>) target(%dma_start3A_350 : memref<768x16xf32, #tpu.memory_space<vmem_shared>>) target_semaphore(%run_scoped3A_342 : memref<!tpu.dma_semaphore, #tpu.memory_space<semaphore_mem>>)
      %dma_wait3A_355 = arith.constant 0 : i32
      %dma_wait3A_356 = arith.constant 0 : i32
      %dma_wait3A_357 = tpu.memref_slice %arg7[%run_scoped3A_152, %dma_wait3A_355, %dma_wait3A_356] : memref<2x768x16xf32, #tpu.memory_space<vmem>> -> memref<1x768x16xf32, #tpu.memory_space<vmem>>
      %dma_wait3A_358 = tpu.memref_squeeze %dma_wait3A_357 : memref<1x768x16xf32, #tpu.memory_space<vmem>> -> memref<768x16xf32, #tpu.memory_space<vmem>>
      %dma_wait3A_359 = arith.constant 0 : i32
      %dma_wait3A_360 = tpu.memref_slice %arg8[%add3A_151, %dma_wait3A_359] : memref<100096x16xf32, #tpu.memory_space<vmem_shared>> -> memref<768x16xf32, #tpu.memory_space<vmem_shared>>
      %dma_wait3A_361 = arith.constant 0 : i32
      %dma_wait3A_362 = tpu.memref_slice %arg8[%add3A_151, %dma_wait3A_361] : memref<100096x16xf32, #tpu.memory_space<vmem_shared>> -> memref<768x16xf32, #tpu.memory_space<vmem_shared>>
      %dma_wait3A_363 = arith.constant 0 : i32
      %dma_wait3A_364 = arith.constant 0 : i32
      %dma_wait3A_365 = tpu.memref_slice %arg7[%run_scoped3A_152, %dma_wait3A_363, %dma_wait3A_364] : memref<2x768x16xf32, #tpu.memory_space<vmem>> -> memref<1x768x16xf32, #tpu.memory_space<vmem>>
      %dma_wait3A_366 = tpu.memref_squeeze %dma_wait3A_365 : memref<1x768x16xf32, #tpu.memory_space<vmem>> -> memref<768x16xf32, #tpu.memory_space<vmem>>
      tpu.wait_dma2 semaphore(%run_scoped3A_342 : memref<!tpu.dma_semaphore, #tpu.memory_space<semaphore_mem>>) src(%dma_wait3A_366 : memref<768x16xf32, #tpu.memory_space<vmem>>) dst(%dma_wait3A_362 : memref<768x16xf32, #tpu.memory_space<vmem_shared>>)
      tpu.yield
    }) : () -> ()
    %add3A_153 = arith.constant 4608 : i32
    %add3A_154 = arith.addi %mul3A_134, %add3A_153 : i32
    %run_scoped3A_155 = arith.constant 1 : i32
    "tpu.region"() ({
      %run_scoped3A_342 = tpu.sem_alloc : memref<!tpu.dma_semaphore, #tpu.memory_space<semaphore_mem>>
      %dma_start3A_343 = arith.constant 0 : i32
      %dma_start3A_344 = arith.constant 0 : i32
      %dma_start3A_345 = tpu.memref_slice %arg7[%run_scoped3A_155, %dma_start3A_343, %dma_start3A_344] : memref<2x768x16xf32, #tpu.memory_space<vmem>> -> memref<1x768x16xf32, #tpu.memory_space<vmem>>
      %dma_start3A_346 = tpu.memref_squeeze %dma_start3A_345 : memref<1x768x16xf32, #tpu.memory_space<vmem>> -> memref<768x16xf32, #tpu.memory_space<vmem>>
      %dma_start3A_347 = arith.constant 0 : i32
      %dma_start3A_348 = tpu.memref_slice %arg8[%add3A_154, %dma_start3A_347] : memref<100096x16xf32, #tpu.memory_space<vmem_shared>> -> memref<768x16xf32, #tpu.memory_space<vmem_shared>>
      %dma_start3A_349 = arith.constant 0 : i32
      %dma_start3A_350 = tpu.memref_slice %arg8[%add3A_154, %dma_start3A_349] : memref<100096x16xf32, #tpu.memory_space<vmem_shared>> -> memref<768x16xf32, #tpu.memory_space<vmem_shared>>
      %dma_start3A_351 = arith.constant 0 : i32
      %dma_start3A_352 = arith.constant 0 : i32
      %dma_start3A_353 = tpu.memref_slice %arg7[%run_scoped3A_155, %dma_start3A_351, %dma_start3A_352] : memref<2x768x16xf32, #tpu.memory_space<vmem>> -> memref<1x768x16xf32, #tpu.memory_space<vmem>>
      %dma_start3A_354 = tpu.memref_squeeze %dma_start3A_353 : memref<1x768x16xf32, #tpu.memory_space<vmem>> -> memref<768x16xf32, #tpu.memory_space<vmem>>
      tpu.enqueue_dma source(%dma_start3A_354 : memref<768x16xf32, #tpu.memory_space<vmem>>) target(%dma_start3A_350 : memref<768x16xf32, #tpu.memory_space<vmem_shared>>) target_semaphore(%run_scoped3A_342 : memref<!tpu.dma_semaphore, #tpu.memory_space<semaphore_mem>>)
      %dma_wait3A_355 = arith.constant 0 : i32
      %dma_wait3A_356 = arith.constant 0 : i32
      %dma_wait3A_357 = tpu.memref_slice %arg7[%run_scoped3A_155, %dma_wait3A_355, %dma_wait3A_356] : memref<2x768x16xf32, #tpu.memory_space<vmem>> -> memref<1x768x16xf32, #tpu.memory_space<vmem>>
      %dma_wait3A_358 = tpu.memref_squeeze %dma_wait3A_357 : memref<1x768x16xf32, #tpu.memory_space<vmem>> -> memref<768x16xf32, #tpu.memory_space<vmem>>
      %dma_wait3A_359 = arith.constant 0 : i32
      %dma_wait3A_360 = tpu.memref_slice %arg8[%add3A_154, %dma_wait3A_359] : memref<100096x16xf32, #tpu.memory_space<vmem_shared>> -> memref<768x16xf32, #tpu.memory_space<vmem_shared>>
      %dma_wait3A_361 = arith.constant 0 : i32
      %dma_wait3A_362 = tpu.memref_slice %arg8[%add3A_154, %dma_wait3A_361] : memref<100096x16xf32, #tpu.memory_space<vmem_shared>> -> memref<768x16xf32, #tpu.memory_space<vmem_shared>>
      %dma_wait3A_363 = arith.constant 0 : i32
      %dma_wait3A_364 = arith.constant 0 : i32
      %dma_wait3A_365 = tpu.memref_slice %arg7[%run_scoped3A_155, %dma_wait3A_363, %dma_wait3A_364] : memref<2x768x16xf32, #tpu.memory_space<vmem>> -> memref<1x768x16xf32, #tpu.memory_space<vmem>>
      %dma_wait3A_366 = tpu.memref_squeeze %dma_wait3A_365 : memref<1x768x16xf32, #tpu.memory_space<vmem>> -> memref<768x16xf32, #tpu.memory_space<vmem>>
      tpu.wait_dma2 semaphore(%run_scoped3A_342 : memref<!tpu.dma_semaphore, #tpu.memory_space<semaphore_mem>>) src(%dma_wait3A_366 : memref<768x16xf32, #tpu.memory_space<vmem>>) dst(%dma_wait3A_362 : memref<768x16xf32, #tpu.memory_space<vmem_shared>>)
      tpu.yield
    }) : () -> ()
    %add3A_156 = arith.constant 5376 : i32
    %add3A_157 = arith.addi %mul3A_134, %add3A_156 : i32
    %run_scoped3A_158 = arith.constant 1 : i32
    "tpu.region"() ({
      %run_scoped3A_342 = tpu.sem_alloc : memref<!tpu.dma_semaphore, #tpu.memory_space<semaphore_mem>>
      %dma_start3A_343 = arith.constant 0 : i32
      %dma_start3A_344 = arith.constant 0 : i32
      %dma_start3A_345 = tpu.memref_slice %arg7[%run_scoped3A_158, %dma_start3A_343, %dma_start3A_344] : memref<2x768x16xf32, #tpu.memory_space<vmem>> -> memref<1x768x16xf32, #tpu.memory_space<vmem>>
      %dma_start3A_346 = tpu.memref_squeeze %dma_start3A_345 : memref<1x768x16xf32, #tpu.memory_space<vmem>> -> memref<768x16xf32, #tpu.memory_space<vmem>>
      %dma_start3A_347 = arith.constant 0 : i32
      %dma_start3A_348 = tpu.memref_slice %arg8[%add3A_157, %dma_start3A_347] : memref<100096x16xf32, #tpu.memory_space<vmem_shared>> -> memref<768x16xf32, #tpu.memory_space<vmem_shared>>
      %dma_start3A_349 = arith.constant 0 : i32
      %dma_start3A_350 = tpu.memref_slice %arg8[%add3A_157, %dma_start3A_349] : memref<100096x16xf32, #tpu.memory_space<vmem_shared>> -> memref<768x16xf32, #tpu.memory_space<vmem_shared>>
      %dma_start3A_351 = arith.constant 0 : i32
      %dma_start3A_352 = arith.constant 0 : i32
      %dma_start3A_353 = tpu.memref_slice %arg7[%run_scoped3A_158, %dma_start3A_351, %dma_start3A_352] : memref<2x768x16xf32, #tpu.memory_space<vmem>> -> memref<1x768x16xf32, #tpu.memory_space<vmem>>
      %dma_start3A_354 = tpu.memref_squeeze %dma_start3A_353 : memref<1x768x16xf32, #tpu.memory_space<vmem>> -> memref<768x16xf32, #tpu.memory_space<vmem>>
      tpu.enqueue_dma source(%dma_start3A_354 : memref<768x16xf32, #tpu.memory_space<vmem>>) target(%dma_start3A_350 : memref<768x16xf32, #tpu.memory_space<vmem_shared>>) target_semaphore(%run_scoped3A_342 : memref<!tpu.dma_semaphore, #tpu.memory_space<semaphore_mem>>)
      %dma_wait3A_355 = arith.constant 0 : i32
      %dma_wait3A_356 = arith.constant 0 : i32
      %dma_wait3A_357 = tpu.memref_slice %arg7[%run_scoped3A_158, %dma_wait3A_355, %dma_wait3A_356] : memref<2x768x16xf32, #tpu.memory_space<vmem>> -> memref<1x768x16xf32, #tpu.memory_space<vmem>>
      %dma_wait3A_358 = tpu.memref_squeeze %dma_wait3A_357 : memref<1x768x16xf32, #tpu.memory_space<vmem>> -> memref<768x16xf32, #tpu.memory_space<vmem>>
      %dma_wait3A_359 = arith.constant 0 : i32
      %dma_wait3A_360 = tpu.memref_slice %arg8[%add3A_157, %dma_wait3A_359] : memref<100096x16xf32, #tpu.memory_space<vmem_shared>> -> memref<768x16xf32, #tpu.memory_space<vmem_shared>>
      %dma_wait3A_361 = arith.constant 0 : i32
      %dma_wait3A_362 = tpu.memref_slice %arg8[%add3A_157, %dma_wait3A_361] : memref<100096x16xf32, #tpu.memory_space<vmem_shared>> -> memref<768x16xf32, #tpu.memory_space<vmem_shared>>
      %dma_wait3A_363 = arith.constant 0 : i32
      %dma_wait3A_364 = arith.constant 0 : i32
      %dma_wait3A_365 = tpu.memref_slice %arg7[%run_scoped3A_158, %dma_wait3A_363, %dma_wait3A_364] : memref<2x768x16xf32, #tpu.memory_space<vmem>> -> memref<1x768x16xf32, #tpu.memory_space<vmem>>
      %dma_wait3A_366 = tpu.memref_squeeze %dma_wait3A_365 : memref<1x768x16xf32, #tpu.memory_space<vmem>> -> memref<768x16xf32, #tpu.memory_space<vmem>>
      tpu.wait_dma2 semaphore(%run_scoped3A_342 : memref<!tpu.dma_semaphore, #tpu.memory_space<semaphore_mem>>) src(%dma_wait3A_366 : memref<768x16xf32, #tpu.memory_space<vmem>>) dst(%dma_wait3A_362 : memref<768x16xf32, #tpu.memory_space<vmem_shared>>)
      tpu.yield
    }) : () -> ()
    %add3A_159 = arith.constant 6144 : i32
    %add3A_160 = arith.addi %mul3A_134, %add3A_159 : i32
    %run_scoped3A_161 = arith.constant 1 : i32
    "tpu.region"() ({
      %run_scoped3A_342 = tpu.sem_alloc : memref<!tpu.dma_semaphore, #tpu.memory_space<semaphore_mem>>
      %dma_start3A_343 = arith.constant 0 : i32
      %dma_start3A_344 = arith.constant 0 : i32
      %dma_start3A_345 = tpu.memref_slice %arg7[%run_scoped3A_161, %dma_start3A_343, %dma_start3A_344] : memref<2x768x16xf32, #tpu.memory_space<vmem>> -> memref<1x112x16xf32, #tpu.memory_space<vmem>>
      %dma_start3A_346 = tpu.memref_squeeze %dma_start3A_345 : memref<1x112x16xf32, #tpu.memory_space<vmem>> -> memref<112x16xf32, #tpu.memory_space<vmem>>
      %dma_start3A_347 = arith.constant 0 : i32
      %dma_start3A_348 = tpu.memref_slice %arg8[%add3A_160, %dma_start3A_347] : memref<100096x16xf32, #tpu.memory_space<vmem_shared>> -> memref<112x16xf32, #tpu.memory_space<vmem_shared>>
      %dma_start3A_349 = arith.constant 0 : i32
      %dma_start3A_350 = tpu.memref_slice %arg8[%add3A_160, %dma_start3A_349] : memref<100096x16xf32, #tpu.memory_space<vmem_shared>> -> memref<112x16xf32, #tpu.memory_space<vmem_shared>>
      %dma_start3A_351 = arith.constant 0 : i32
      %dma_start3A_352 = arith.constant 0 : i32
      %dma_start3A_353 = tpu.memref_slice %arg7[%run_scoped3A_161, %dma_start3A_351, %dma_start3A_352] : memref<2x768x16xf32, #tpu.memory_space<vmem>> -> memref<1x112x16xf32, #tpu.memory_space<vmem>>
      %dma_start3A_354 = tpu.memref_squeeze %dma_start3A_353 : memref<1x112x16xf32, #tpu.memory_space<vmem>> -> memref<112x16xf32, #tpu.memory_space<vmem>>
      tpu.enqueue_dma source(%dma_start3A_354 : memref<112x16xf32, #tpu.memory_space<vmem>>) target(%dma_start3A_350 : memref<112x16xf32, #tpu.memory_space<vmem_shared>>) target_semaphore(%run_scoped3A_342 : memref<!tpu.dma_semaphore, #tpu.memory_space<semaphore_mem>>)
      %dma_wait3A_355 = arith.constant 0 : i32
      %dma_wait3A_356 = arith.constant 0 : i32
      %dma_wait3A_357 = tpu.memref_slice %arg7[%run_scoped3A_161, %dma_wait3A_355, %dma_wait3A_356] : memref<2x768x16xf32, #tpu.memory_space<vmem>> -> memref<1x112x16xf32, #tpu.memory_space<vmem>>
      %dma_wait3A_358 = tpu.memref_squeeze %dma_wait3A_357 : memref<1x112x16xf32, #tpu.memory_space<vmem>> -> memref<112x16xf32, #tpu.memory_space<vmem>>
      %dma_wait3A_359 = arith.constant 0 : i32
      %dma_wait3A_360 = tpu.memref_slice %arg8[%add3A_160, %dma_wait3A_359] : memref<100096x16xf32, #tpu.memory_space<vmem_shared>> -> memref<112x16xf32, #tpu.memory_space<vmem_shared>>
      %dma_wait3A_361 = arith.constant 0 : i32
      %dma_wait3A_362 = tpu.memref_slice %arg8[%add3A_160, %dma_wait3A_361] : memref<100096x16xf32, #tpu.memory_space<vmem_shared>> -> memref<112x16xf32, #tpu.memory_space<vmem_shared>>
      %dma_wait3A_363 = arith.constant 0 : i32
      %dma_wait3A_364 = arith.constant 0 : i32
      %dma_wait3A_365 = tpu.memref_slice %arg7[%run_scoped3A_161, %dma_wait3A_363, %dma_wait3A_364] : memref<2x768x16xf32, #tpu.memory_space<vmem>> -> memref<1x112x16xf32, #tpu.memory_space<vmem>>
      %dma_wait3A_366 = tpu.memref_squeeze %dma_wait3A_365 : memref<1x112x16xf32, #tpu.memory_space<vmem>> -> memref<112x16xf32, #tpu.memory_space<vmem>>
      tpu.wait_dma2 semaphore(%run_scoped3A_342 : memref<!tpu.dma_semaphore, #tpu.memory_space<semaphore_mem>>) src(%dma_wait3A_366 : memref<112x16xf32, #tpu.memory_space<vmem>>) dst(%dma_wait3A_362 : memref<112x16xf32, #tpu.memory_space<vmem_shared>>)
      tpu.yield
    }) : () -> ()
    %barrier3A = arith.constant 0 : index
    tpu.barrier barrier_id(%barrier3A)
    %scan3A_162 = arith.constant 0 : i32
    %scan3A_163 = arith.constant 0 : i32
    %scan3A_164 = arith.constant 65 : i32
    %scan3A_165 = arith.addi %scan3A_163, %scan3A_164 : i32
    %scan3A_166 = arith.constant 1 : i32
    scf.for %scan3A_342 = %scan3A_163 to %scan3A_165 step %scan3A_166  : i32 {
      %mul3A_343 = arith.constant 2 : i32
      %mul3A_344 = arith.muli %mul3A_343, %scan3A_342 : i32
      %mul3A_345 = arith.constant 6 : i32
      %mul3A_346 = arith.muli %mul3A_344, %mul3A_345 : i32
      %add3A_347 = arith.addi %select_n3A, %mul3A_346 : i32
      %dma_wait3A_348 = arith.constant 0 : i32
      %dma_wait3A_349 = arith.constant 0 : i32
      %dma_wait3A_350 = arith.constant 0 : i32
      %dma_wait3A_351 = arith.constant 0 : i32
      %dma_wait3A_352 = arith.constant 0 : i32
      %dma_wait3A_353 = tpu.memref_slice %arg7[%dma_wait3A_350, %dma_wait3A_351, %dma_wait3A_352] : memref<2x768x16xf32, #tpu.memory_space<vmem>> -> memref<1x128x16xf32, #tpu.memory_space<vmem>>
      %dma_wait3A_354 = tpu.memref_squeeze %dma_wait3A_353 : memref<1x128x16xf32, #tpu.memory_space<vmem>> -> memref<128x16xf32, #tpu.memory_space<vmem>>
      %dma_wait3A_355 = arith.constant 0 : i32
      %dma_wait3A_356 = tpu.memref_slice %arg5[%dma_wait3A_348, %dma_wait3A_349, %dma_wait3A_355] : memref<2x6x128xi32, #tpu.memory_space<vmem>> -> memref<1x1x128xi32, #tpu.memory_space<vmem>>
      %dma_wait3A_357 = tpu.memref_squeeze %dma_wait3A_356 : memref<1x1x128xi32, #tpu.memory_space<vmem>> -> memref<128xi32, #tpu.memory_space<vmem>>
      %dma_wait3A_358 = arith.constant 0 : i32
      %dma_wait3A_359 = arith.constant 0 : i32
      %dma_wait3A_360 = tpu.memref_slice %arg2[%dma_wait3A_358, %dma_wait3A_359] : memref<100000x16xf32, #tpu.memory_space<hbm>> -> memref<100000x16xf32, #tpu.memory_space<hbm>>
      tpu.wait_indirect_dma semaphore(%arg10 : memref<!tpu.dma_semaphore, #tpu.memory_space<semaphore_mem>>) src(%dma_wait3A_360 : memref<100000x16xf32, #tpu.memory_space<hbm>>) dst(%dma_wait3A_354 : memref<128x16xf32, #tpu.memory_space<vmem>>)
      %dma_wait3A_361 = arith.constant 0 : i32
      %dma_wait3A_362 = arith.constant 1 : i32
      %dma_wait3A_363 = arith.constant 0 : i32
      %dma_wait3A_364 = arith.constant 128 : i32
      %dma_wait3A_365 = arith.constant 0 : i32
      %dma_wait3A_366 = tpu.memref_slice %arg7[%dma_wait3A_363, %dma_wait3A_364, %dma_wait3A_365] : memref<2x768x16xf32, #tpu.memory_space<vmem>> -> memref<1x128x16xf32, #tpu.memory_space<vmem>>
      %dma_wait3A_367 = tpu.memref_squeeze %dma_wait3A_366 : memref<1x128x16xf32, #tpu.memory_space<vmem>> -> memref<128x16xf32, #tpu.memory_space<vmem>>
      %dma_wait3A_368 = arith.constant 0 : i32
      %dma_wait3A_369 = tpu.memref_slice %arg5[%dma_wait3A_361, %dma_wait3A_362, %dma_wait3A_368] : memref<2x6x128xi32, #tpu.memory_space<vmem>> -> memref<1x1x128xi32, #tpu.memory_space<vmem>>
      %dma_wait3A_370 = tpu.memref_squeeze %dma_wait3A_369 : memref<1x1x128xi32, #tpu.memory_space<vmem>> -> memref<128xi32, #tpu.memory_space<vmem>>
      %dma_wait3A_371 = arith.constant 0 : i32
      %dma_wait3A_372 = arith.constant 0 : i32
      %dma_wait3A_373 = tpu.memref_slice %arg2[%dma_wait3A_371, %dma_wait3A_372] : memref<100000x16xf32, #tpu.memory_space<hbm>> -> memref<100000x16xf32, #tpu.memory_space<hbm>>
      tpu.wait_indirect_dma semaphore(%arg10 : memref<!tpu.dma_semaphore, #tpu.memory_space<semaphore_mem>>) src(%dma_wait3A_373 : memref<100000x16xf32, #tpu.memory_space<hbm>>) dst(%dma_wait3A_367 : memref<128x16xf32, #tpu.memory_space<vmem>>)
      %dma_wait3A_374 = arith.constant 0 : i32
      %dma_wait3A_375 = arith.constant 2 : i32
      %dma_wait3A_376 = arith.constant 0 : i32
      %dma_wait3A_377 = arith.constant 256 : i32
      %dma_wait3A_378 = arith.constant 0 : i32
      %dma_wait3A_379 = tpu.memref_slice %arg7[%dma_wait3A_376, %dma_wait3A_377, %dma_wait3A_378] : memref<2x768x16xf32, #tpu.memory_space<vmem>> -> memref<1x128x16xf32, #tpu.memory_space<vmem>>
      %dma_wait3A_380 = tpu.memref_squeeze %dma_wait3A_379 : memref<1x128x16xf32, #tpu.memory_space<vmem>> -> memref<128x16xf32, #tpu.memory_space<vmem>>
      %dma_wait3A_381 = arith.constant 0 : i32
      %dma_wait3A_382 = tpu.memref_slice %arg5[%dma_wait3A_374, %dma_wait3A_375, %dma_wait3A_381] : memref<2x6x128xi32, #tpu.memory_space<vmem>> -> memref<1x1x128xi32, #tpu.memory_space<vmem>>
      %dma_wait3A_383 = tpu.memref_squeeze %dma_wait3A_382 : memref<1x1x128xi32, #tpu.memory_space<vmem>> -> memref<128xi32, #tpu.memory_space<vmem>>
      %dma_wait3A_384 = arith.constant 0 : i32
      %dma_wait3A_385 = arith.constant 0 : i32
      %dma_wait3A_386 = tpu.memref_slice %arg2[%dma_wait3A_384, %dma_wait3A_385] : memref<100000x16xf32, #tpu.memory_space<hbm>> -> memref<100000x16xf32, #tpu.memory_space<hbm>>
      tpu.wait_indirect_dma semaphore(%arg10 : memref<!tpu.dma_semaphore, #tpu.memory_space<semaphore_mem>>) src(%dma_wait3A_386 : memref<100000x16xf32, #tpu.memory_space<hbm>>) dst(%dma_wait3A_380 : memref<128x16xf32, #tpu.memory_space<vmem>>)
      %dma_wait3A_387 = arith.constant 0 : i32
      %dma_wait3A_388 = arith.constant 3 : i32
      %dma_wait3A_389 = arith.constant 0 : i32
      %dma_wait3A_390 = arith.constant 384 : i32
      %dma_wait3A_391 = arith.constant 0 : i32
      %dma_wait3A_392 = tpu.memref_slice %arg7[%dma_wait3A_389, %dma_wait3A_390, %dma_wait3A_391] : memref<2x768x16xf32, #tpu.memory_space<vmem>> -> memref<1x128x16xf32, #tpu.memory_space<vmem>>
      %dma_wait3A_393 = tpu.memref_squeeze %dma_wait3A_392 : memref<1x128x16xf32, #tpu.memory_space<vmem>> -> memref<128x16xf32, #tpu.memory_space<vmem>>
      %dma_wait3A_394 = arith.constant 0 : i32
      %dma_wait3A_395 = tpu.memref_slice %arg5[%dma_wait3A_387, %dma_wait3A_388, %dma_wait3A_394] : memref<2x6x128xi32, #tpu.memory_space<vmem>> -> memref<1x1x128xi32, #tpu.memory_space<vmem>>
      %dma_wait3A_396 = tpu.memref_squeeze %dma_wait3A_395 : memref<1x1x128xi32, #tpu.memory_space<vmem>> -> memref<128xi32, #tpu.memory_space<vmem>>
      %dma_wait3A_397 = arith.constant 0 : i32
      %dma_wait3A_398 = arith.constant 0 : i32
      %dma_wait3A_399 = tpu.memref_slice %arg2[%dma_wait3A_397, %dma_wait3A_398] : memref<100000x16xf32, #tpu.memory_space<hbm>> -> memref<100000x16xf32, #tpu.memory_space<hbm>>
      tpu.wait_indirect_dma semaphore(%arg10 : memref<!tpu.dma_semaphore, #tpu.memory_space<semaphore_mem>>) src(%dma_wait3A_399 : memref<100000x16xf32, #tpu.memory_space<hbm>>) dst(%dma_wait3A_393 : memref<128x16xf32, #tpu.memory_space<vmem>>)
      %dma_wait3A_400 = arith.constant 0 : i32
      %dma_wait3A_401 = arith.constant 4 : i32
      %dma_wait3A_402 = arith.constant 0 : i32
      %dma_wait3A_403 = arith.constant 512 : i32
      %dma_wait3A_404 = arith.constant 0 : i32
      %dma_wait3A_405 = tpu.memref_slice %arg7[%dma_wait3A_402, %dma_wait3A_403, %dma_wait3A_404] : memref<2x768x16xf32, #tpu.memory_space<vmem>> -> memref<1x128x16xf32, #tpu.memory_space<vmem>>
      %dma_wait3A_406 = tpu.memref_squeeze %dma_wait3A_405 : memref<1x128x16xf32, #tpu.memory_space<vmem>> -> memref<128x16xf32, #tpu.memory_space<vmem>>
      %dma_wait3A_407 = arith.constant 0 : i32
      %dma_wait3A_408 = tpu.memref_slice %arg5[%dma_wait3A_400, %dma_wait3A_401, %dma_wait3A_407] : memref<2x6x128xi32, #tpu.memory_space<vmem>> -> memref<1x1x128xi32, #tpu.memory_space<vmem>>
      %dma_wait3A_409 = tpu.memref_squeeze %dma_wait3A_408 : memref<1x1x128xi32, #tpu.memory_space<vmem>> -> memref<128xi32, #tpu.memory_space<vmem>>
      %dma_wait3A_410 = arith.constant 0 : i32
      %dma_wait3A_411 = arith.constant 0 : i32
      %dma_wait3A_412 = tpu.memref_slice %arg2[%dma_wait3A_410, %dma_wait3A_411] : memref<100000x16xf32, #tpu.memory_space<hbm>> -> memref<100000x16xf32, #tpu.memory_space<hbm>>
      tpu.wait_indirect_dma semaphore(%arg10 : memref<!tpu.dma_semaphore, #tpu.memory_space<semaphore_mem>>) src(%dma_wait3A_412 : memref<100000x16xf32, #tpu.memory_space<hbm>>) dst(%dma_wait3A_406 : memref<128x16xf32, #tpu.memory_space<vmem>>)
      %dma_wait3A_413 = arith.constant 0 : i32
      %dma_wait3A_414 = arith.constant 5 : i32
      %dma_wait3A_415 = arith.constant 0 : i32
      %dma_wait3A_416 = arith.constant 640 : i32
      %dma_wait3A_417 = arith.constant 0 : i32
      %dma_wait3A_418 = tpu.memref_slice %arg7[%dma_wait3A_415, %dma_wait3A_416, %dma_wait3A_417] : memref<2x768x16xf32, #tpu.memory_space<vmem>> -> memref<1x128x16xf32, #tpu.memory_space<vmem>>
      %dma_wait3A_419 = tpu.memref_squeeze %dma_wait3A_418 : memref<1x128x16xf32, #tpu.memory_space<vmem>> -> memref<128x16xf32, #tpu.memory_space<vmem>>
      %dma_wait3A_420 = arith.constant 0 : i32
      %dma_wait3A_421 = tpu.memref_slice %arg5[%dma_wait3A_413, %dma_wait3A_414, %dma_wait3A_420] : memref<2x6x128xi32, #tpu.memory_space<vmem>> -> memref<1x1x128xi32, #tpu.memory_space<vmem>>
      %dma_wait3A_422 = tpu.memref_squeeze %dma_wait3A_421 : memref<1x1x128xi32, #tpu.memory_space<vmem>> -> memref<128xi32, #tpu.memory_space<vmem>>
      %dma_wait3A_423 = arith.constant 0 : i32
      %dma_wait3A_424 = arith.constant 0 : i32
      %dma_wait3A_425 = tpu.memref_slice %arg2[%dma_wait3A_423, %dma_wait3A_424] : memref<100000x16xf32, #tpu.memory_space<hbm>> -> memref<100000x16xf32, #tpu.memory_space<hbm>>
      tpu.wait_indirect_dma semaphore(%arg10 : memref<!tpu.dma_semaphore, #tpu.memory_space<semaphore_mem>>) src(%dma_wait3A_425 : memref<100000x16xf32, #tpu.memory_space<hbm>>) dst(%dma_wait3A_419 : memref<128x16xf32, #tpu.memory_space<vmem>>)
      %gt3A = arith.constant 0 : i32
      %gt3A_426 = arith.cmpi sgt, %scan3A_342, %gt3A : i32
      %convert_element_type3A_427 = arith.extui %gt3A_426 : i1 to i32
      %cond3A_428 = arith.constant 0 : i32
      %cond3A_429 = arith.cmpi ne, %convert_element_type3A_427, %cond3A_428 : i32
      scf.if %cond3A_429 {
        %dma_wait3A_914 = arith.constant 1 : i32
        %dma_wait3A_915 = arith.constant 1 : i32
        %dma_wait3A_916 = arith.constant 0 : i32
        %dma_wait3A_917 = arith.constant 0 : i32
        %dma_wait3A_918 = arith.constant 0 : i32
        %dma_wait3A_919 = tpu.memref_slice %arg7[%dma_wait3A_914, %dma_wait3A_917, %dma_wait3A_918] : memref<2x768x16xf32, #tpu.memory_space<vmem>> -> memref<1x128x16xf32, #tpu.memory_space<vmem>>
        %dma_wait3A_920 = tpu.memref_squeeze %dma_wait3A_919 : memref<1x128x16xf32, #tpu.memory_space<vmem>> -> memref<128x16xf32, #tpu.memory_space<vmem>>
        %dma_wait3A_921 = arith.constant 0 : i32
        %dma_wait3A_922 = tpu.memref_slice %arg6[%dma_wait3A_915, %dma_wait3A_916, %dma_wait3A_921] : memref<2x6x128xi32, #tpu.memory_space<vmem>> -> memref<1x1x128xi32, #tpu.memory_space<vmem>>
        %dma_wait3A_923 = tpu.memref_squeeze %dma_wait3A_922 : memref<1x1x128xi32, #tpu.memory_space<vmem>> -> memref<128xi32, #tpu.memory_space<vmem>>
        %dma_wait3A_924 = arith.constant 0 : i32
        %dma_wait3A_925 = arith.constant 0 : i32
        %dma_wait3A_926 = tpu.memref_slice %arg8[%dma_wait3A_924, %dma_wait3A_925] : memref<100096x16xf32, #tpu.memory_space<vmem_shared>> -> memref<100096x16xf32, #tpu.memory_space<vmem_shared>>
        tpu.wait_indirect_dma semaphore(%arg13 : memref<!tpu.dma_semaphore, #tpu.memory_space<semaphore_mem>>) src(%dma_wait3A_920 : memref<128x16xf32, #tpu.memory_space<vmem>>) dst(%dma_wait3A_926 : memref<100096x16xf32, #tpu.memory_space<vmem_shared>>)
        %dma_wait3A_927 = arith.constant 1 : i32
        %dma_wait3A_928 = arith.constant 1 : i32
        %dma_wait3A_929 = arith.constant 1 : i32
        %dma_wait3A_930 = arith.constant 128 : i32
        %dma_wait3A_931 = arith.constant 0 : i32
        %dma_wait3A_932 = tpu.memref_slice %arg7[%dma_wait3A_927, %dma_wait3A_930, %dma_wait3A_931] : memref<2x768x16xf32, #tpu.memory_space<vmem>> -> memref<1x128x16xf32, #tpu.memory_space<vmem>>
        %dma_wait3A_933 = tpu.memref_squeeze %dma_wait3A_932 : memref<1x128x16xf32, #tpu.memory_space<vmem>> -> memref<128x16xf32, #tpu.memory_space<vmem>>
        %dma_wait3A_934 = arith.constant 0 : i32
        %dma_wait3A_935 = tpu.memref_slice %arg6[%dma_wait3A_928, %dma_wait3A_929, %dma_wait3A_934] : memref<2x6x128xi32, #tpu.memory_space<vmem>> -> memref<1x1x128xi32, #tpu.memory_space<vmem>>
        %dma_wait3A_936 = tpu.memref_squeeze %dma_wait3A_935 : memref<1x1x128xi32, #tpu.memory_space<vmem>> -> memref<128xi32, #tpu.memory_space<vmem>>
        %dma_wait3A_937 = arith.constant 0 : i32
        %dma_wait3A_938 = arith.constant 0 : i32
        %dma_wait3A_939 = tpu.memref_slice %arg8[%dma_wait3A_937, %dma_wait3A_938] : memref<100096x16xf32, #tpu.memory_space<vmem_shared>> -> memref<100096x16xf32, #tpu.memory_space<vmem_shared>>
        tpu.wait_indirect_dma semaphore(%arg13 : memref<!tpu.dma_semaphore, #tpu.memory_space<semaphore_mem>>) src(%dma_wait3A_933 : memref<128x16xf32, #tpu.memory_space<vmem>>) dst(%dma_wait3A_939 : memref<100096x16xf32, #tpu.memory_space<vmem_shared>>)
        %dma_wait3A_940 = arith.constant 1 : i32
        %dma_wait3A_941 = arith.constant 1 : i32
        %dma_wait3A_942 = arith.constant 2 : i32
        %dma_wait3A_943 = arith.constant 256 : i32
        %dma_wait3A_944 = arith.constant 0 : i32
        %dma_wait3A_945 = tpu.memref_slice %arg7[%dma_wait3A_940, %dma_wait3A_943, %dma_wait3A_944] : memref<2x768x16xf32, #tpu.memory_space<vmem>> -> memref<1x128x16xf32, #tpu.memory_space<vmem>>
        %dma_wait3A_946 = tpu.memref_squeeze %dma_wait3A_945 : memref<1x128x16xf32, #tpu.memory_space<vmem>> -> memref<128x16xf32, #tpu.memory_space<vmem>>
        %dma_wait3A_947 = arith.constant 0 : i32
        %dma_wait3A_948 = tpu.memref_slice %arg6[%dma_wait3A_941, %dma_wait3A_942, %dma_wait3A_947] : memref<2x6x128xi32, #tpu.memory_space<vmem>> -> memref<1x1x128xi32, #tpu.memory_space<vmem>>
        %dma_wait3A_949 = tpu.memref_squeeze %dma_wait3A_948 : memref<1x1x128xi32, #tpu.memory_space<vmem>> -> memref<128xi32, #tpu.memory_space<vmem>>
        %dma_wait3A_950 = arith.constant 0 : i32
        %dma_wait3A_951 = arith.constant 0 : i32
        %dma_wait3A_952 = tpu.memref_slice %arg8[%dma_wait3A_950, %dma_wait3A_951] : memref<100096x16xf32, #tpu.memory_space<vmem_shared>> -> memref<100096x16xf32, #tpu.memory_space<vmem_shared>>
        tpu.wait_indirect_dma semaphore(%arg13 : memref<!tpu.dma_semaphore, #tpu.memory_space<semaphore_mem>>) src(%dma_wait3A_946 : memref<128x16xf32, #tpu.memory_space<vmem>>) dst(%dma_wait3A_952 : memref<100096x16xf32, #tpu.memory_space<vmem_shared>>)
        %dma_wait3A_953 = arith.constant 1 : i32
        %dma_wait3A_954 = arith.constant 1 : i32
        %dma_wait3A_955 = arith.constant 3 : i32
        %dma_wait3A_956 = arith.constant 384 : i32
        %dma_wait3A_957 = arith.constant 0 : i32
        %dma_wait3A_958 = tpu.memref_slice %arg7[%dma_wait3A_953, %dma_wait3A_956, %dma_wait3A_957] : memref<2x768x16xf32, #tpu.memory_space<vmem>> -> memref<1x128x16xf32, #tpu.memory_space<vmem>>
        %dma_wait3A_959 = tpu.memref_squeeze %dma_wait3A_958 : memref<1x128x16xf32, #tpu.memory_space<vmem>> -> memref<128x16xf32, #tpu.memory_space<vmem>>
        %dma_wait3A_960 = arith.constant 0 : i32
        %dma_wait3A_961 = tpu.memref_slice %arg6[%dma_wait3A_954, %dma_wait3A_955, %dma_wait3A_960] : memref<2x6x128xi32, #tpu.memory_space<vmem>> -> memref<1x1x128xi32, #tpu.memory_space<vmem>>
        %dma_wait3A_962 = tpu.memref_squeeze %dma_wait3A_961 : memref<1x1x128xi32, #tpu.memory_space<vmem>> -> memref<128xi32, #tpu.memory_space<vmem>>
        %dma_wait3A_963 = arith.constant 0 : i32
        %dma_wait3A_964 = arith.constant 0 : i32
        %dma_wait3A_965 = tpu.memref_slice %arg8[%dma_wait3A_963, %dma_wait3A_964] : memref<100096x16xf32, #tpu.memory_space<vmem_shared>> -> memref<100096x16xf32, #tpu.memory_space<vmem_shared>>
        tpu.wait_indirect_dma semaphore(%arg13 : memref<!tpu.dma_semaphore, #tpu.memory_space<semaphore_mem>>) src(%dma_wait3A_959 : memref<128x16xf32, #tpu.memory_space<vmem>>) dst(%dma_wait3A_965 : memref<100096x16xf32, #tpu.memory_space<vmem_shared>>)
        %dma_wait3A_966 = arith.constant 1 : i32
        %dma_wait3A_967 = arith.constant 1 : i32
        %dma_wait3A_968 = arith.constant 4 : i32
        %dma_wait3A_969 = arith.constant 512 : i32
        %dma_wait3A_970 = arith.constant 0 : i32
        %dma_wait3A_971 = tpu.memref_slice %arg7[%dma_wait3A_966, %dma_wait3A_969, %dma_wait3A_970] : memref<2x768x16xf32, #tpu.memory_space<vmem>> -> memref<1x128x16xf32, #tpu.memory_space<vmem>>
        %dma_wait3A_972 = tpu.memref_squeeze %dma_wait3A_971 : memref<1x128x16xf32, #tpu.memory_space<vmem>> -> memref<128x16xf32, #tpu.memory_space<vmem>>
        %dma_wait3A_973 = arith.constant 0 : i32
        %dma_wait3A_974 = tpu.memref_slice %arg6[%dma_wait3A_967, %dma_wait3A_968, %dma_wait3A_973] : memref<2x6x128xi32, #tpu.memory_space<vmem>> -> memref<1x1x128xi32, #tpu.memory_space<vmem>>
        %dma_wait3A_975 = tpu.memref_squeeze %dma_wait3A_974 : memref<1x1x128xi32, #tpu.memory_space<vmem>> -> memref<128xi32, #tpu.memory_space<vmem>>
        %dma_wait3A_976 = arith.constant 0 : i32
        %dma_wait3A_977 = arith.constant 0 : i32
        %dma_wait3A_978 = tpu.memref_slice %arg8[%dma_wait3A_976, %dma_wait3A_977] : memref<100096x16xf32, #tpu.memory_space<vmem_shared>> -> memref<100096x16xf32, #tpu.memory_space<vmem_shared>>
        tpu.wait_indirect_dma semaphore(%arg13 : memref<!tpu.dma_semaphore, #tpu.memory_space<semaphore_mem>>) src(%dma_wait3A_972 : memref<128x16xf32, #tpu.memory_space<vmem>>) dst(%dma_wait3A_978 : memref<100096x16xf32, #tpu.memory_space<vmem_shared>>)
        %dma_wait3A_979 = arith.constant 1 : i32
        %dma_wait3A_980 = arith.constant 1 : i32
        %dma_wait3A_981 = arith.constant 5 : i32
        %dma_wait3A_982 = arith.constant 640 : i32
        %dma_wait3A_983 = arith.constant 0 : i32
        %dma_wait3A_984 = tpu.memref_slice %arg7[%dma_wait3A_979, %dma_wait3A_982, %dma_wait3A_983] : memref<2x768x16xf32, #tpu.memory_space<vmem>> -> memref<1x128x16xf32, #tpu.memory_space<vmem>>
        %dma_wait3A_985 = tpu.memref_squeeze %dma_wait3A_984 : memref<1x128x16xf32, #tpu.memory_space<vmem>> -> memref<128x16xf32, #tpu.memory_space<vmem>>
        %dma_wait3A_986 = arith.constant 0 : i32
        %dma_wait3A_987 = tpu.memref_slice %arg6[%dma_wait3A_980, %dma_wait3A_981, %dma_wait3A_986] : memref<2x6x128xi32, #tpu.memory_space<vmem>> -> memref<1x1x128xi32, #tpu.memory_space<vmem>>
        %dma_wait3A_988 = tpu.memref_squeeze %dma_wait3A_987 : memref<1x1x128xi32, #tpu.memory_space<vmem>> -> memref<128xi32, #tpu.memory_space<vmem>>
        %dma_wait3A_989 = arith.constant 0 : i32
        %dma_wait3A_990 = arith.constant 0 : i32
        %dma_wait3A_991 = tpu.memref_slice %arg8[%dma_wait3A_989, %dma_wait3A_990] : memref<100096x16xf32, #tpu.memory_space<vmem_shared>> -> memref<100096x16xf32, #tpu.memory_space<vmem_shared>>
        tpu.wait_indirect_dma semaphore(%arg13 : memref<!tpu.dma_semaphore, #tpu.memory_space<semaphore_mem>>) src(%dma_wait3A_985 : memref<128x16xf32, #tpu.memory_space<vmem>>) dst(%dma_wait3A_991 : memref<100096x16xf32, #tpu.memory_space<vmem_shared>>)
      } else {
      }
      %add3A_430 = arith.constant 6 : i32
      %add3A_431 = arith.addi %add3A_347, %add3A_430 : i32
      %min3A_432 = arith.constant 24994 : i32
      %min3A_433 = arith.minsi %add3A_431, %min3A_432 : i32
      %run_scoped3A_434 = arith.constant 0 : i32
      %run_scoped3A_435 = arith.constant 1 : i32
      "tpu.region"() ({
        %run_scoped3A_914 = tpu.sem_alloc : memref<!tpu.dma_semaphore, #tpu.memory_space<semaphore_mem>>
        %dma_start3A_915 = arith.constant 0 : i32
        %dma_start3A_916 = arith.constant 0 : i32
        %dma_start3A_917 = tpu.memref_slice %arg5[%run_scoped3A_435, %dma_start3A_915, %dma_start3A_916] : memref<2x6x128xi32, #tpu.memory_space<vmem>> -> memref<1x6x128xi32, #tpu.memory_space<vmem>>
        %dma_start3A_918 = tpu.memref_squeeze %dma_start3A_917 : memref<1x6x128xi32, #tpu.memory_space<vmem>> -> memref<6x128xi32, #tpu.memory_space<vmem>>
        %dma_start3A_919 = arith.constant 0 : i32
        %dma_start3A_920 = tpu.memref_slice %arg3[%run_scoped3A_434, %min3A_433, %dma_start3A_919] : memref<2x25000x128xi32, #tpu.memory_space<hbm>> -> memref<1x6x128xi32, #tpu.memory_space<hbm>>
        %dma_start3A_921 = tpu.memref_squeeze %dma_start3A_920 : memref<1x6x128xi32, #tpu.memory_space<hbm>> -> memref<6x128xi32, #tpu.memory_space<hbm>>
        %dma_start3A_922 = arith.constant 0 : i32
        %dma_start3A_923 = arith.constant 0 : i32
        %dma_start3A_924 = tpu.memref_slice %arg5[%run_scoped3A_435, %dma_start3A_922, %dma_start3A_923] : memref<2x6x128xi32, #tpu.memory_space<vmem>> -> memref<1x6x128xi32, #tpu.memory_space<vmem>>
        %dma_start3A_925 = tpu.memref_squeeze %dma_start3A_924 : memref<1x6x128xi32, #tpu.memory_space<vmem>> -> memref<6x128xi32, #tpu.memory_space<vmem>>
        %dma_start3A_926 = arith.constant 0 : i32
        %dma_start3A_927 = tpu.memref_slice %arg3[%run_scoped3A_434, %min3A_433, %dma_start3A_926] : memref<2x25000x128xi32, #tpu.memory_space<hbm>> -> memref<1x6x128xi32, #tpu.memory_space<hbm>>
        %dma_start3A_928 = tpu.memref_squeeze %dma_start3A_927 : memref<1x6x128xi32, #tpu.memory_space<hbm>> -> memref<6x128xi32, #tpu.memory_space<hbm>>
        tpu.enqueue_dma source(%dma_start3A_928 : memref<6x128xi32, #tpu.memory_space<hbm>>) target(%dma_start3A_925 : memref<6x128xi32, #tpu.memory_space<vmem>>) target_semaphore(%run_scoped3A_914 : memref<!tpu.dma_semaphore, #tpu.memory_space<semaphore_mem>>)
        %dma_wait3A_929 = arith.constant 0 : i32
        %dma_wait3A_930 = arith.constant 0 : i32
        %dma_wait3A_931 = tpu.memref_slice %arg5[%run_scoped3A_435, %dma_wait3A_929, %dma_wait3A_930] : memref<2x6x128xi32, #tpu.memory_space<vmem>> -> memref<1x6x128xi32, #tpu.memory_space<vmem>>
        %dma_wait3A_932 = tpu.memref_squeeze %dma_wait3A_931 : memref<1x6x128xi32, #tpu.memory_space<vmem>> -> memref<6x128xi32, #tpu.memory_space<vmem>>
        %dma_wait3A_933 = arith.constant 0 : i32
        %dma_wait3A_934 = tpu.memref_slice %arg3[%run_scoped3A_434, %min3A_433, %dma_wait3A_933] : memref<2x25000x128xi32, #tpu.memory_space<hbm>> -> memref<1x6x128xi32, #tpu.memory_space<hbm>>
        %dma_wait3A_935 = tpu.memref_squeeze %dma_wait3A_934 : memref<1x6x128xi32, #tpu.memory_space<hbm>> -> memref<6x128xi32, #tpu.memory_space<hbm>>
        %dma_wait3A_936 = arith.constant 0 : i32
        %dma_wait3A_937 = arith.constant 0 : i32
        %dma_wait3A_938 = tpu.memref_slice %arg5[%run_scoped3A_435, %dma_wait3A_936, %dma_wait3A_937] : memref<2x6x128xi32, #tpu.memory_space<vmem>> -> memref<1x6x128xi32, #tpu.memory_space<vmem>>
        %dma_wait3A_939 = tpu.memref_squeeze %dma_wait3A_938 : memref<1x6x128xi32, #tpu.memory_space<vmem>> -> memref<6x128xi32, #tpu.memory_space<vmem>>
        %dma_wait3A_940 = arith.constant 0 : i32
        %dma_wait3A_941 = tpu.memref_slice %arg3[%run_scoped3A_434, %min3A_433, %dma_wait3A_940] : memref<2x25000x128xi32, #tpu.memory_space<hbm>> -> memref<1x6x128xi32, #tpu.memory_space<hbm>>
        %dma_wait3A_942 = tpu.memref_squeeze %dma_wait3A_941 : memref<1x6x128xi32, #tpu.memory_space<hbm>> -> memref<6x128xi32, #tpu.memory_space<hbm>>
        tpu.wait_dma2 semaphore(%run_scoped3A_914 : memref<!tpu.dma_semaphore, #tpu.memory_space<semaphore_mem>>) src(%dma_wait3A_942 : memref<6x128xi32, #tpu.memory_space<hbm>>) dst(%dma_wait3A_939 : memref<6x128xi32, #tpu.memory_space<vmem>>)
        tpu.yield
      }) : () -> ()
      %run_scoped3A_436 = arith.constant 1 : i32
      %run_scoped3A_437 = arith.constant 1 : i32
      "tpu.region"() ({
        %run_scoped3A_914 = tpu.sem_alloc : memref<!tpu.dma_semaphore, #tpu.memory_space<semaphore_mem>>
        %dma_start3A_915 = arith.constant 0 : i32
        %dma_start3A_916 = arith.constant 0 : i32
        %dma_start3A_917 = tpu.memref_slice %arg6[%run_scoped3A_437, %dma_start3A_915, %dma_start3A_916] : memref<2x6x128xi32, #tpu.memory_space<vmem>> -> memref<1x6x128xi32, #tpu.memory_space<vmem>>
        %dma_start3A_918 = tpu.memref_squeeze %dma_start3A_917 : memref<1x6x128xi32, #tpu.memory_space<vmem>> -> memref<6x128xi32, #tpu.memory_space<vmem>>
        %dma_start3A_919 = arith.constant 0 : i32
        %dma_start3A_920 = tpu.memref_slice %arg3[%run_scoped3A_436, %min3A_433, %dma_start3A_919] : memref<2x25000x128xi32, #tpu.memory_space<hbm>> -> memref<1x6x128xi32, #tpu.memory_space<hbm>>
        %dma_start3A_921 = tpu.memref_squeeze %dma_start3A_920 : memref<1x6x128xi32, #tpu.memory_space<hbm>> -> memref<6x128xi32, #tpu.memory_space<hbm>>
        %dma_start3A_922 = arith.constant 0 : i32
        %dma_start3A_923 = arith.constant 0 : i32
        %dma_start3A_924 = tpu.memref_slice %arg6[%run_scoped3A_437, %dma_start3A_922, %dma_start3A_923] : memref<2x6x128xi32, #tpu.memory_space<vmem>> -> memref<1x6x128xi32, #tpu.memory_space<vmem>>
        %dma_start3A_925 = tpu.memref_squeeze %dma_start3A_924 : memref<1x6x128xi32, #tpu.memory_space<vmem>> -> memref<6x128xi32, #tpu.memory_space<vmem>>
        %dma_start3A_926 = arith.constant 0 : i32
        %dma_start3A_927 = tpu.memref_slice %arg3[%run_scoped3A_436, %min3A_433, %dma_start3A_926] : memref<2x25000x128xi32, #tpu.memory_space<hbm>> -> memref<1x6x128xi32, #tpu.memory_space<hbm>>
        %dma_start3A_928 = tpu.memref_squeeze %dma_start3A_927 : memref<1x6x128xi32, #tpu.memory_space<hbm>> -> memref<6x128xi32, #tpu.memory_space<hbm>>
        tpu.enqueue_dma source(%dma_start3A_928 : memref<6x128xi32, #tpu.memory_space<hbm>>) target(%dma_start3A_925 : memref<6x128xi32, #tpu.memory_space<vmem>>) target_semaphore(%run_scoped3A_914 : memref<!tpu.dma_semaphore, #tpu.memory_space<semaphore_mem>>)
        %dma_wait3A_929 = arith.constant 0 : i32
        %dma_wait3A_930 = arith.constant 0 : i32
        %dma_wait3A_931 = tpu.memref_slice %arg6[%run_scoped3A_437, %dma_wait3A_929, %dma_wait3A_930] : memref<2x6x128xi32, #tpu.memory_space<vmem>> -> memref<1x6x128xi32, #tpu.memory_space<vmem>>
        %dma_wait3A_932 = tpu.memref_squeeze %dma_wait3A_931 : memref<1x6x128xi32, #tpu.memory_space<vmem>> -> memref<6x128xi32, #tpu.memory_space<vmem>>
        %dma_wait3A_933 = arith.constant 0 : i32
        %dma_wait3A_934 = tpu.memref_slice %arg3[%run_scoped3A_436, %min3A_433, %dma_wait3A_933] : memref<2x25000x128xi32, #tpu.memory_space<hbm>> -> memref<1x6x128xi32, #tpu.memory_space<hbm>>
        %dma_wait3A_935 = tpu.memref_squeeze %dma_wait3A_934 : memref<1x6x128xi32, #tpu.memory_space<hbm>> -> memref<6x128xi32, #tpu.memory_space<hbm>>
        %dma_wait3A_936 = arith.constant 0 : i32
        %dma_wait3A_937 = arith.constant 0 : i32
        %dma_wait3A_938 = tpu.memref_slice %arg6[%run_scoped3A_437, %dma_wait3A_936, %dma_wait3A_937] : memref<2x6x128xi32, #tpu.memory_space<vmem>> -> memref<1x6x128xi32, #tpu.memory_space<vmem>>
        %dma_wait3A_939 = tpu.memref_squeeze %dma_wait3A_938 : memref<1x6x128xi32, #tpu.memory_space<vmem>> -> memref<6x128xi32, #tpu.memory_space<vmem>>
        %dma_wait3A_940 = arith.constant 0 : i32
        %dma_wait3A_941 = tpu.memref_slice %arg3[%run_scoped3A_436, %min3A_433, %dma_wait3A_940] : memref<2x25000x128xi32, #tpu.memory_space<hbm>> -> memref<1x6x128xi32, #tpu.memory_space<hbm>>
        %dma_wait3A_942 = tpu.memref_squeeze %dma_wait3A_941 : memref<1x6x128xi32, #tpu.memory_space<hbm>> -> memref<6x128xi32, #tpu.memory_space<hbm>>
        tpu.wait_dma2 semaphore(%run_scoped3A_914 : memref<!tpu.dma_semaphore, #tpu.memory_space<semaphore_mem>>) src(%dma_wait3A_942 : memref<6x128xi32, #tpu.memory_space<hbm>>) dst(%dma_wait3A_939 : memref<6x128xi32, #tpu.memory_space<vmem>>)
        tpu.yield
      }) : () -> ()
      %dma_start3A_438 = arith.constant 1 : i32
      %dma_start3A_439 = arith.constant 0 : i32
      %dma_start3A_440 = arith.constant 1 : i32
      %dma_start3A_441 = arith.constant 0 : i32
      %dma_start3A_442 = arith.constant 0 : i32
      %dma_start3A_443 = tpu.memref_slice %arg7[%dma_start3A_440, %dma_start3A_441, %dma_start3A_442] : memref<2x768x16xf32, #tpu.memory_space<vmem>> -> memref<1x128x16xf32, #tpu.memory_space<vmem>>
      %dma_start3A_444 = tpu.memref_squeeze %dma_start3A_443 : memref<1x128x16xf32, #tpu.memory_space<vmem>> -> memref<128x16xf32, #tpu.memory_space<vmem>>
      %dma_start3A_445 = arith.constant 0 : i32
      %dma_start3A_446 = tpu.memref_slice %arg5[%dma_start3A_438, %dma_start3A_439, %dma_start3A_445] : memref<2x6x128xi32, #tpu.memory_space<vmem>> -> memref<1x1x128xi32, #tpu.memory_space<vmem>>
      %dma_start3A_447 = tpu.memref_squeeze %dma_start3A_446 : memref<1x1x128xi32, #tpu.memory_space<vmem>> -> memref<128xi32, #tpu.memory_space<vmem>>
      %dma_start3A_448 = arith.constant 0 : i32
      %dma_start3A_449 = arith.constant 0 : i32
      %dma_start3A_450 = tpu.memref_slice %arg2[%dma_start3A_448, %dma_start3A_449] : memref<100000x16xf32, #tpu.memory_space<hbm>> -> memref<100000x16xf32, #tpu.memory_space<hbm>>
      tpu.enqueue_indirect_dma source(%dma_start3A_450 : memref<100000x16xf32, #tpu.memory_space<hbm>>) target(%dma_start3A_444 : memref<128x16xf32, #tpu.memory_space<vmem>>) offsets(%dma_start3A_447 : memref<128xi32, #tpu.memory_space<vmem>>) semaphore(%arg11 : memref<!tpu.dma_semaphore, #tpu.memory_space<semaphore_mem>>)
      %dma_start3A_451 = arith.constant 1 : i32
      %dma_start3A_452 = arith.constant 1 : i32
      %dma_start3A_453 = arith.constant 1 : i32
      %dma_start3A_454 = arith.constant 128 : i32
      %dma_start3A_455 = arith.constant 0 : i32
      %dma_start3A_456 = tpu.memref_slice %arg7[%dma_start3A_453, %dma_start3A_454, %dma_start3A_455] : memref<2x768x16xf32, #tpu.memory_space<vmem>> -> memref<1x128x16xf32, #tpu.memory_space<vmem>>
      %dma_start3A_457 = tpu.memref_squeeze %dma_start3A_456 : memref<1x128x16xf32, #tpu.memory_space<vmem>> -> memref<128x16xf32, #tpu.memory_space<vmem>>
      %dma_start3A_458 = arith.constant 0 : i32
      %dma_start3A_459 = tpu.memref_slice %arg5[%dma_start3A_451, %dma_start3A_452, %dma_start3A_458] : memref<2x6x128xi32, #tpu.memory_space<vmem>> -> memref<1x1x128xi32, #tpu.memory_space<vmem>>
      %dma_start3A_460 = tpu.memref_squeeze %dma_start3A_459 : memref<1x1x128xi32, #tpu.memory_space<vmem>> -> memref<128xi32, #tpu.memory_space<vmem>>
      %dma_start3A_461 = arith.constant 0 : i32
      %dma_start3A_462 = arith.constant 0 : i32
      %dma_start3A_463 = tpu.memref_slice %arg2[%dma_start3A_461, %dma_start3A_462] : memref<100000x16xf32, #tpu.memory_space<hbm>> -> memref<100000x16xf32, #tpu.memory_space<hbm>>
      tpu.enqueue_indirect_dma source(%dma_start3A_463 : memref<100000x16xf32, #tpu.memory_space<hbm>>) target(%dma_start3A_457 : memref<128x16xf32, #tpu.memory_space<vmem>>) offsets(%dma_start3A_460 : memref<128xi32, #tpu.memory_space<vmem>>) semaphore(%arg11 : memref<!tpu.dma_semaphore, #tpu.memory_space<semaphore_mem>>)
      %dma_start3A_464 = arith.constant 1 : i32
      %dma_start3A_465 = arith.constant 2 : i32
      %dma_start3A_466 = arith.constant 1 : i32
      %dma_start3A_467 = arith.constant 256 : i32
      %dma_start3A_468 = arith.constant 0 : i32
      %dma_start3A_469 = tpu.memref_slice %arg7[%dma_start3A_466, %dma_start3A_467, %dma_start3A_468] : memref<2x768x16xf32, #tpu.memory_space<vmem>> -> memref<1x128x16xf32, #tpu.memory_space<vmem>>
      %dma_start3A_470 = tpu.memref_squeeze %dma_start3A_469 : memref<1x128x16xf32, #tpu.memory_space<vmem>> -> memref<128x16xf32, #tpu.memory_space<vmem>>
      %dma_start3A_471 = arith.constant 0 : i32
      %dma_start3A_472 = tpu.memref_slice %arg5[%dma_start3A_464, %dma_start3A_465, %dma_start3A_471] : memref<2x6x128xi32, #tpu.memory_space<vmem>> -> memref<1x1x128xi32, #tpu.memory_space<vmem>>
      %dma_start3A_473 = tpu.memref_squeeze %dma_start3A_472 : memref<1x1x128xi32, #tpu.memory_space<vmem>> -> memref<128xi32, #tpu.memory_space<vmem>>
      %dma_start3A_474 = arith.constant 0 : i32
      %dma_start3A_475 = arith.constant 0 : i32
      %dma_start3A_476 = tpu.memref_slice %arg2[%dma_start3A_474, %dma_start3A_475] : memref<100000x16xf32, #tpu.memory_space<hbm>> -> memref<100000x16xf32, #tpu.memory_space<hbm>>
      tpu.enqueue_indirect_dma source(%dma_start3A_476 : memref<100000x16xf32, #tpu.memory_space<hbm>>) target(%dma_start3A_470 : memref<128x16xf32, #tpu.memory_space<vmem>>) offsets(%dma_start3A_473 : memref<128xi32, #tpu.memory_space<vmem>>) semaphore(%arg11 : memref<!tpu.dma_semaphore, #tpu.memory_space<semaphore_mem>>)
      %dma_start3A_477 = arith.constant 1 : i32
      %dma_start3A_478 = arith.constant 3 : i32
      %dma_start3A_479 = arith.constant 1 : i32
      %dma_start3A_480 = arith.constant 384 : i32
      %dma_start3A_481 = arith.constant 0 : i32
      %dma_start3A_482 = tpu.memref_slice %arg7[%dma_start3A_479, %dma_start3A_480, %dma_start3A_481] : memref<2x768x16xf32, #tpu.memory_space<vmem>> -> memref<1x128x16xf32, #tpu.memory_space<vmem>>
      %dma_start3A_483 = tpu.memref_squeeze %dma_start3A_482 : memref<1x128x16xf32, #tpu.memory_space<vmem>> -> memref<128x16xf32, #tpu.memory_space<vmem>>
      %dma_start3A_484 = arith.constant 0 : i32
      %dma_start3A_485 = tpu.memref_slice %arg5[%dma_start3A_477, %dma_start3A_478, %dma_start3A_484] : memref<2x6x128xi32, #tpu.memory_space<vmem>> -> memref<1x1x128xi32, #tpu.memory_space<vmem>>
      %dma_start3A_486 = tpu.memref_squeeze %dma_start3A_485 : memref<1x1x128xi32, #tpu.memory_space<vmem>> -> memref<128xi32, #tpu.memory_space<vmem>>
      %dma_start3A_487 = arith.constant 0 : i32
      %dma_start3A_488 = arith.constant 0 : i32
      %dma_start3A_489 = tpu.memref_slice %arg2[%dma_start3A_487, %dma_start3A_488] : memref<100000x16xf32, #tpu.memory_space<hbm>> -> memref<100000x16xf32, #tpu.memory_space<hbm>>
      tpu.enqueue_indirect_dma source(%dma_start3A_489 : memref<100000x16xf32, #tpu.memory_space<hbm>>) target(%dma_start3A_483 : memref<128x16xf32, #tpu.memory_space<vmem>>) offsets(%dma_start3A_486 : memref<128xi32, #tpu.memory_space<vmem>>) semaphore(%arg11 : memref<!tpu.dma_semaphore, #tpu.memory_space<semaphore_mem>>)
      %dma_start3A_490 = arith.constant 1 : i32
      %dma_start3A_491 = arith.constant 4 : i32
      %dma_start3A_492 = arith.constant 1 : i32
      %dma_start3A_493 = arith.constant 512 : i32
      %dma_start3A_494 = arith.constant 0 : i32
      %dma_start3A_495 = tpu.memref_slice %arg7[%dma_start3A_492, %dma_start3A_493, %dma_start3A_494] : memref<2x768x16xf32, #tpu.memory_space<vmem>> -> memref<1x128x16xf32, #tpu.memory_space<vmem>>
      %dma_start3A_496 = tpu.memref_squeeze %dma_start3A_495 : memref<1x128x16xf32, #tpu.memory_space<vmem>> -> memref<128x16xf32, #tpu.memory_space<vmem>>
      %dma_start3A_497 = arith.constant 0 : i32
      %dma_start3A_498 = tpu.memref_slice %arg5[%dma_start3A_490, %dma_start3A_491, %dma_start3A_497] : memref<2x6x128xi32, #tpu.memory_space<vmem>> -> memref<1x1x128xi32, #tpu.memory_space<vmem>>
      %dma_start3A_499 = tpu.memref_squeeze %dma_start3A_498 : memref<1x1x128xi32, #tpu.memory_space<vmem>> -> memref<128xi32, #tpu.memory_space<vmem>>
      %dma_start3A_500 = arith.constant 0 : i32
      %dma_start3A_501 = arith.constant 0 : i32
      %dma_start3A_502 = tpu.memref_slice %arg2[%dma_start3A_500, %dma_start3A_501] : memref<100000x16xf32, #tpu.memory_space<hbm>> -> memref<100000x16xf32, #tpu.memory_space<hbm>>
      tpu.enqueue_indirect_dma source(%dma_start3A_502 : memref<100000x16xf32, #tpu.memory_space<hbm>>) target(%dma_start3A_496 : memref<128x16xf32, #tpu.memory_space<vmem>>) offsets(%dma_start3A_499 : memref<128xi32, #tpu.memory_space<vmem>>) semaphore(%arg11 : memref<!tpu.dma_semaphore, #tpu.memory_space<semaphore_mem>>)
      %dma_start3A_503 = arith.constant 1 : i32
      %dma_start3A_504 = arith.constant 5 : i32
      %dma_start3A_505 = arith.constant 1 : i32
      %dma_start3A_506 = arith.constant 640 : i32
      %dma_start3A_507 = arith.constant 0 : i32
      %dma_start3A_508 = tpu.memref_slice %arg7[%dma_start3A_505, %dma_start3A_506, %dma_start3A_507] : memref<2x768x16xf32, #tpu.memory_space<vmem>> -> memref<1x128x16xf32, #tpu.memory_space<vmem>>
      %dma_start3A_509 = tpu.memref_squeeze %dma_start3A_508 : memref<1x128x16xf32, #tpu.memory_space<vmem>> -> memref<128x16xf32, #tpu.memory_space<vmem>>
      %dma_start3A_510 = arith.constant 0 : i32
      %dma_start3A_511 = tpu.memref_slice %arg5[%dma_start3A_503, %dma_start3A_504, %dma_start3A_510] : memref<2x6x128xi32, #tpu.memory_space<vmem>> -> memref<1x1x128xi32, #tpu.memory_space<vmem>>
      %dma_start3A_512 = tpu.memref_squeeze %dma_start3A_511 : memref<1x1x128xi32, #tpu.memory_space<vmem>> -> memref<128xi32, #tpu.memory_space<vmem>>
      %dma_start3A_513 = arith.constant 0 : i32
      %dma_start3A_514 = arith.constant 0 : i32
      %dma_start3A_515 = tpu.memref_slice %arg2[%dma_start3A_513, %dma_start3A_514] : memref<100000x16xf32, #tpu.memory_space<hbm>> -> memref<100000x16xf32, #tpu.memory_space<hbm>>
      tpu.enqueue_indirect_dma source(%dma_start3A_515 : memref<100000x16xf32, #tpu.memory_space<hbm>>) target(%dma_start3A_509 : memref<128x16xf32, #tpu.memory_space<vmem>>) offsets(%dma_start3A_512 : memref<128xi32, #tpu.memory_space<vmem>>) semaphore(%arg11 : memref<!tpu.dma_semaphore, #tpu.memory_space<semaphore_mem>>)
      %dma_start3A_516 = arith.constant 0 : i32
      %dma_start3A_517 = arith.constant 0 : i32
      %dma_start3A_518 = arith.constant 0 : i32
      %dma_start3A_519 = arith.constant 0 : i32
      %dma_start3A_520 = arith.constant 0 : i32
      %dma_start3A_521 = tpu.memref_slice %arg7[%dma_start3A_516, %dma_start3A_519, %dma_start3A_520] : memref<2x768x16xf32, #tpu.memory_space<vmem>> -> memref<1x128x16xf32, #tpu.memory_space<vmem>>
      %dma_start3A_522 = tpu.memref_squeeze %dma_start3A_521 : memref<1x128x16xf32, #tpu.memory_space<vmem>> -> memref<128x16xf32, #tpu.memory_space<vmem>>
      %dma_start3A_523 = arith.constant 0 : i32
      %dma_start3A_524 = tpu.memref_slice %arg6[%dma_start3A_517, %dma_start3A_518, %dma_start3A_523] : memref<2x6x128xi32, #tpu.memory_space<vmem>> -> memref<1x1x128xi32, #tpu.memory_space<vmem>>
      %dma_start3A_525 = tpu.memref_squeeze %dma_start3A_524 : memref<1x1x128xi32, #tpu.memory_space<vmem>> -> memref<128xi32, #tpu.memory_space<vmem>>
      %dma_start3A_526 = arith.constant 0 : i32
      %dma_start3A_527 = arith.constant 0 : i32
      %dma_start3A_528 = tpu.memref_slice %arg8[%dma_start3A_526, %dma_start3A_527] : memref<100096x16xf32, #tpu.memory_space<vmem_shared>> -> memref<100096x16xf32, #tpu.memory_space<vmem_shared>>
      tpu.enqueue_indirect_dma source(%dma_start3A_522 : memref<128x16xf32, #tpu.memory_space<vmem>>) target(%dma_start3A_528 : memref<100096x16xf32, #tpu.memory_space<vmem_shared>>) offsets(%dma_start3A_525 : memref<128xi32, #tpu.memory_space<vmem>>) semaphore(%arg12 : memref<!tpu.dma_semaphore, #tpu.memory_space<semaphore_mem>>) {add = true}
      %dma_start3A_529 = arith.constant 0 : i32
      %dma_start3A_530 = arith.constant 0 : i32
      %dma_start3A_531 = arith.constant 1 : i32
      %dma_start3A_532 = arith.constant 128 : i32
      %dma_start3A_533 = arith.constant 0 : i32
      %dma_start3A_534 = tpu.memref_slice %arg7[%dma_start3A_529, %dma_start3A_532, %dma_start3A_533] : memref<2x768x16xf32, #tpu.memory_space<vmem>> -> memref<1x128x16xf32, #tpu.memory_space<vmem>>
      %dma_start3A_535 = tpu.memref_squeeze %dma_start3A_534 : memref<1x128x16xf32, #tpu.memory_space<vmem>> -> memref<128x16xf32, #tpu.memory_space<vmem>>
      %dma_start3A_536 = arith.constant 0 : i32
      %dma_start3A_537 = tpu.memref_slice %arg6[%dma_start3A_530, %dma_start3A_531, %dma_start3A_536] : memref<2x6x128xi32, #tpu.memory_space<vmem>> -> memref<1x1x128xi32, #tpu.memory_space<vmem>>
      %dma_start3A_538 = tpu.memref_squeeze %dma_start3A_537 : memref<1x1x128xi32, #tpu.memory_space<vmem>> -> memref<128xi32, #tpu.memory_space<vmem>>
      %dma_start3A_539 = arith.constant 0 : i32
      %dma_start3A_540 = arith.constant 0 : i32
      %dma_start3A_541 = tpu.memref_slice %arg8[%dma_start3A_539, %dma_start3A_540] : memref<100096x16xf32, #tpu.memory_space<vmem_shared>> -> memref<100096x16xf32, #tpu.memory_space<vmem_shared>>
      tpu.enqueue_indirect_dma source(%dma_start3A_535 : memref<128x16xf32, #tpu.memory_space<vmem>>) target(%dma_start3A_541 : memref<100096x16xf32, #tpu.memory_space<vmem_shared>>) offsets(%dma_start3A_538 : memref<128xi32, #tpu.memory_space<vmem>>) semaphore(%arg12 : memref<!tpu.dma_semaphore, #tpu.memory_space<semaphore_mem>>) {add = true}
      %dma_start3A_542 = arith.constant 0 : i32
      %dma_start3A_543 = arith.constant 0 : i32
      %dma_start3A_544 = arith.constant 2 : i32
      %dma_start3A_545 = arith.constant 256 : i32
      %dma_start3A_546 = arith.constant 0 : i32
      %dma_start3A_547 = tpu.memref_slice %arg7[%dma_start3A_542, %dma_start3A_545, %dma_start3A_546] : memref<2x768x16xf32, #tpu.memory_space<vmem>> -> memref<1x128x16xf32, #tpu.memory_space<vmem>>
      %dma_start3A_548 = tpu.memref_squeeze %dma_start3A_547 : memref<1x128x16xf32, #tpu.memory_space<vmem>> -> memref<128x16xf32, #tpu.memory_space<vmem>>
      %dma_start3A_549 = arith.constant 0 : i32
      %dma_start3A_550 = tpu.memref_slice %arg6[%dma_start3A_543, %dma_start3A_544, %dma_start3A_549] : memref<2x6x128xi32, #tpu.memory_space<vmem>> -> memref<1x1x128xi32, #tpu.memory_space<vmem>>
      %dma_start3A_551 = tpu.memref_squeeze %dma_start3A_550 : memref<1x1x128xi32, #tpu.memory_space<vmem>> -> memref<128xi32, #tpu.memory_space<vmem>>
      %dma_start3A_552 = arith.constant 0 : i32
      %dma_start3A_553 = arith.constant 0 : i32
      %dma_start3A_554 = tpu.memref_slice %arg8[%dma_start3A_552, %dma_start3A_553] : memref<100096x16xf32, #tpu.memory_space<vmem_shared>> -> memref<100096x16xf32, #tpu.memory_space<vmem_shared>>
      tpu.enqueue_indirect_dma source(%dma_start3A_548 : memref<128x16xf32, #tpu.memory_space<vmem>>) target(%dma_start3A_554 : memref<100096x16xf32, #tpu.memory_space<vmem_shared>>) offsets(%dma_start3A_551 : memref<128xi32, #tpu.memory_space<vmem>>) semaphore(%arg12 : memref<!tpu.dma_semaphore, #tpu.memory_space<semaphore_mem>>) {add = true}
      %dma_start3A_555 = arith.constant 0 : i32
      %dma_start3A_556 = arith.constant 0 : i32
      %dma_start3A_557 = arith.constant 3 : i32
      %dma_start3A_558 = arith.constant 384 : i32
      %dma_start3A_559 = arith.constant 0 : i32
      %dma_start3A_560 = tpu.memref_slice %arg7[%dma_start3A_555, %dma_start3A_558, %dma_start3A_559] : memref<2x768x16xf32, #tpu.memory_space<vmem>> -> memref<1x128x16xf32, #tpu.memory_space<vmem>>
      %dma_start3A_561 = tpu.memref_squeeze %dma_start3A_560 : memref<1x128x16xf32, #tpu.memory_space<vmem>> -> memref<128x16xf32, #tpu.memory_space<vmem>>
      %dma_start3A_562 = arith.constant 0 : i32
      %dma_start3A_563 = tpu.memref_slice %arg6[%dma_start3A_556, %dma_start3A_557, %dma_start3A_562] : memref<2x6x128xi32, #tpu.memory_space<vmem>> -> memref<1x1x128xi32, #tpu.memory_space<vmem>>
      %dma_start3A_564 = tpu.memref_squeeze %dma_start3A_563 : memref<1x1x128xi32, #tpu.memory_space<vmem>> -> memref<128xi32, #tpu.memory_space<vmem>>
      %dma_start3A_565 = arith.constant 0 : i32
      %dma_start3A_566 = arith.constant 0 : i32
      %dma_start3A_567 = tpu.memref_slice %arg8[%dma_start3A_565, %dma_start3A_566] : memref<100096x16xf32, #tpu.memory_space<vmem_shared>> -> memref<100096x16xf32, #tpu.memory_space<vmem_shared>>
      tpu.enqueue_indirect_dma source(%dma_start3A_561 : memref<128x16xf32, #tpu.memory_space<vmem>>) target(%dma_start3A_567 : memref<100096x16xf32, #tpu.memory_space<vmem_shared>>) offsets(%dma_start3A_564 : memref<128xi32, #tpu.memory_space<vmem>>) semaphore(%arg12 : memref<!tpu.dma_semaphore, #tpu.memory_space<semaphore_mem>>) {add = true}
      %dma_start3A_568 = arith.constant 0 : i32
      %dma_start3A_569 = arith.constant 0 : i32
      %dma_start3A_570 = arith.constant 4 : i32
      %dma_start3A_571 = arith.constant 512 : i32
      %dma_start3A_572 = arith.constant 0 : i32
      %dma_start3A_573 = tpu.memref_slice %arg7[%dma_start3A_568, %dma_start3A_571, %dma_start3A_572] : memref<2x768x16xf32, #tpu.memory_space<vmem>> -> memref<1x128x16xf32, #tpu.memory_space<vmem>>
      %dma_start3A_574 = tpu.memref_squeeze %dma_start3A_573 : memref<1x128x16xf32, #tpu.memory_space<vmem>> -> memref<128x16xf32, #tpu.memory_space<vmem>>
      %dma_start3A_575 = arith.constant 0 : i32
      %dma_start3A_576 = tpu.memref_slice %arg6[%dma_start3A_569, %dma_start3A_570, %dma_start3A_575] : memref<2x6x128xi32, #tpu.memory_space<vmem>> -> memref<1x1x128xi32, #tpu.memory_space<vmem>>
      %dma_start3A_577 = tpu.memref_squeeze %dma_start3A_576 : memref<1x1x128xi32, #tpu.memory_space<vmem>> -> memref<128xi32, #tpu.memory_space<vmem>>
      %dma_start3A_578 = arith.constant 0 : i32
      %dma_start3A_579 = arith.constant 0 : i32
      %dma_start3A_580 = tpu.memref_slice %arg8[%dma_start3A_578, %dma_start3A_579] : memref<100096x16xf32, #tpu.memory_space<vmem_shared>> -> memref<100096x16xf32, #tpu.memory_space<vmem_shared>>
      tpu.enqueue_indirect_dma source(%dma_start3A_574 : memref<128x16xf32, #tpu.memory_space<vmem>>) target(%dma_start3A_580 : memref<100096x16xf32, #tpu.memory_space<vmem_shared>>) offsets(%dma_start3A_577 : memref<128xi32, #tpu.memory_space<vmem>>) semaphore(%arg12 : memref<!tpu.dma_semaphore, #tpu.memory_space<semaphore_mem>>) {add = true}
      %dma_start3A_581 = arith.constant 0 : i32
      %dma_start3A_582 = arith.constant 0 : i32
      %dma_start3A_583 = arith.constant 5 : i32
      %dma_start3A_584 = arith.constant 640 : i32
      %dma_start3A_585 = arith.constant 0 : i32
      %dma_start3A_586 = tpu.memref_slice %arg7[%dma_start3A_581, %dma_start3A_584, %dma_start3A_585] : memref<2x768x16xf32, #tpu.memory_space<vmem>> -> memref<1x128x16xf32, #tpu.memory_space<vmem>>
      %dma_start3A_587 = tpu.memref_squeeze %dma_start3A_586 : memref<1x128x16xf32, #tpu.memory_space<vmem>> -> memref<128x16xf32, #tpu.memory_space<vmem>>
      %dma_start3A_588 = arith.constant 0 : i32
      %dma_start3A_589 = tpu.memref_slice %arg6[%dma_start3A_582, %dma_start3A_583, %dma_start3A_588] : memref<2x6x128xi32, #tpu.memory_space<vmem>> -> memref<1x1x128xi32, #tpu.memory_space<vmem>>
      %dma_start3A_590 = tpu.memref_squeeze %dma_start3A_589 : memref<1x1x128xi32, #tpu.memory_space<vmem>> -> memref<128xi32, #tpu.memory_space<vmem>>
      %dma_start3A_591 = arith.constant 0 : i32
      %dma_start3A_592 = arith.constant 0 : i32
      %dma_start3A_593 = tpu.memref_slice %arg8[%dma_start3A_591, %dma_start3A_592] : memref<100096x16xf32, #tpu.memory_space<vmem_shared>> -> memref<100096x16xf32, #tpu.memory_space<vmem_shared>>
      tpu.enqueue_indirect_dma source(%dma_start3A_587 : memref<128x16xf32, #tpu.memory_space<vmem>>) target(%dma_start3A_593 : memref<100096x16xf32, #tpu.memory_space<vmem_shared>>) offsets(%dma_start3A_590 : memref<128xi32, #tpu.memory_space<vmem>>) semaphore(%arg12 : memref<!tpu.dma_semaphore, #tpu.memory_space<semaphore_mem>>) {add = true}
      %dma_wait3A_594 = arith.constant 1 : i32
      %dma_wait3A_595 = arith.constant 0 : i32
      %dma_wait3A_596 = arith.constant 1 : i32
      %dma_wait3A_597 = arith.constant 0 : i32
      %dma_wait3A_598 = arith.constant 0 : i32
      %dma_wait3A_599 = tpu.memref_slice %arg7[%dma_wait3A_596, %dma_wait3A_597, %dma_wait3A_598] : memref<2x768x16xf32, #tpu.memory_space<vmem>> -> memref<1x128x16xf32, #tpu.memory_space<vmem>>
      %dma_wait3A_600 = tpu.memref_squeeze %dma_wait3A_599 : memref<1x128x16xf32, #tpu.memory_space<vmem>> -> memref<128x16xf32, #tpu.memory_space<vmem>>
      %dma_wait3A_601 = arith.constant 0 : i32
      %dma_wait3A_602 = tpu.memref_slice %arg5[%dma_wait3A_594, %dma_wait3A_595, %dma_wait3A_601] : memref<2x6x128xi32, #tpu.memory_space<vmem>> -> memref<1x1x128xi32, #tpu.memory_space<vmem>>
      %dma_wait3A_603 = tpu.memref_squeeze %dma_wait3A_602 : memref<1x1x128xi32, #tpu.memory_space<vmem>> -> memref<128xi32, #tpu.memory_space<vmem>>
      %dma_wait3A_604 = arith.constant 0 : i32
      %dma_wait3A_605 = arith.constant 0 : i32
      %dma_wait3A_606 = tpu.memref_slice %arg2[%dma_wait3A_604, %dma_wait3A_605] : memref<100000x16xf32, #tpu.memory_space<hbm>> -> memref<100000x16xf32, #tpu.memory_space<hbm>>
      tpu.wait_indirect_dma semaphore(%arg11 : memref<!tpu.dma_semaphore, #tpu.memory_space<semaphore_mem>>) src(%dma_wait3A_606 : memref<100000x16xf32, #tpu.memory_space<hbm>>) dst(%dma_wait3A_600 : memref<128x16xf32, #tpu.memory_space<vmem>>)
      %dma_wait3A_607 = arith.constant 1 : i32
      %dma_wait3A_608 = arith.constant 1 : i32
      %dma_wait3A_609 = arith.constant 1 : i32
      %dma_wait3A_610 = arith.constant 128 : i32
      %dma_wait3A_611 = arith.constant 0 : i32
      %dma_wait3A_612 = tpu.memref_slice %arg7[%dma_wait3A_609, %dma_wait3A_610, %dma_wait3A_611] : memref<2x768x16xf32, #tpu.memory_space<vmem>> -> memref<1x128x16xf32, #tpu.memory_space<vmem>>
      %dma_wait3A_613 = tpu.memref_squeeze %dma_wait3A_612 : memref<1x128x16xf32, #tpu.memory_space<vmem>> -> memref<128x16xf32, #tpu.memory_space<vmem>>
      %dma_wait3A_614 = arith.constant 0 : i32
      %dma_wait3A_615 = tpu.memref_slice %arg5[%dma_wait3A_607, %dma_wait3A_608, %dma_wait3A_614] : memref<2x6x128xi32, #tpu.memory_space<vmem>> -> memref<1x1x128xi32, #tpu.memory_space<vmem>>
      %dma_wait3A_616 = tpu.memref_squeeze %dma_wait3A_615 : memref<1x1x128xi32, #tpu.memory_space<vmem>> -> memref<128xi32, #tpu.memory_space<vmem>>
      %dma_wait3A_617 = arith.constant 0 : i32
      %dma_wait3A_618 = arith.constant 0 : i32
      %dma_wait3A_619 = tpu.memref_slice %arg2[%dma_wait3A_617, %dma_wait3A_618] : memref<100000x16xf32, #tpu.memory_space<hbm>> -> memref<100000x16xf32, #tpu.memory_space<hbm>>
      tpu.wait_indirect_dma semaphore(%arg11 : memref<!tpu.dma_semaphore, #tpu.memory_space<semaphore_mem>>) src(%dma_wait3A_619 : memref<100000x16xf32, #tpu.memory_space<hbm>>) dst(%dma_wait3A_613 : memref<128x16xf32, #tpu.memory_space<vmem>>)
      %dma_wait3A_620 = arith.constant 1 : i32
      %dma_wait3A_621 = arith.constant 2 : i32
      %dma_wait3A_622 = arith.constant 1 : i32
      %dma_wait3A_623 = arith.constant 256 : i32
      %dma_wait3A_624 = arith.constant 0 : i32
      %dma_wait3A_625 = tpu.memref_slice %arg7[%dma_wait3A_622, %dma_wait3A_623, %dma_wait3A_624] : memref<2x768x16xf32, #tpu.memory_space<vmem>> -> memref<1x128x16xf32, #tpu.memory_space<vmem>>
      %dma_wait3A_626 = tpu.memref_squeeze %dma_wait3A_625 : memref<1x128x16xf32, #tpu.memory_space<vmem>> -> memref<128x16xf32, #tpu.memory_space<vmem>>
      %dma_wait3A_627 = arith.constant 0 : i32
      %dma_wait3A_628 = tpu.memref_slice %arg5[%dma_wait3A_620, %dma_wait3A_621, %dma_wait3A_627] : memref<2x6x128xi32, #tpu.memory_space<vmem>> -> memref<1x1x128xi32, #tpu.memory_space<vmem>>
      %dma_wait3A_629 = tpu.memref_squeeze %dma_wait3A_628 : memref<1x1x128xi32, #tpu.memory_space<vmem>> -> memref<128xi32, #tpu.memory_space<vmem>>
      %dma_wait3A_630 = arith.constant 0 : i32
      %dma_wait3A_631 = arith.constant 0 : i32
      %dma_wait3A_632 = tpu.memref_slice %arg2[%dma_wait3A_630, %dma_wait3A_631] : memref<100000x16xf32, #tpu.memory_space<hbm>> -> memref<100000x16xf32, #tpu.memory_space<hbm>>
      tpu.wait_indirect_dma semaphore(%arg11 : memref<!tpu.dma_semaphore, #tpu.memory_space<semaphore_mem>>) src(%dma_wait3A_632 : memref<100000x16xf32, #tpu.memory_space<hbm>>) dst(%dma_wait3A_626 : memref<128x16xf32, #tpu.memory_space<vmem>>)
      %dma_wait3A_633 = arith.constant 1 : i32
      %dma_wait3A_634 = arith.constant 3 : i32
      %dma_wait3A_635 = arith.constant 1 : i32
      %dma_wait3A_636 = arith.constant 384 : i32
      %dma_wait3A_637 = arith.constant 0 : i32
      %dma_wait3A_638 = tpu.memref_slice %arg7[%dma_wait3A_635, %dma_wait3A_636, %dma_wait3A_637] : memref<2x768x16xf32, #tpu.memory_space<vmem>> -> memref<1x128x16xf32, #tpu.memory_space<vmem>>
      %dma_wait3A_639 = tpu.memref_squeeze %dma_wait3A_638 : memref<1x128x16xf32, #tpu.memory_space<vmem>> -> memref<128x16xf32, #tpu.memory_space<vmem>>
      %dma_wait3A_640 = arith.constant 0 : i32
      %dma_wait3A_641 = tpu.memref_slice %arg5[%dma_wait3A_633, %dma_wait3A_634, %dma_wait3A_640] : memref<2x6x128xi32, #tpu.memory_space<vmem>> -> memref<1x1x128xi32, #tpu.memory_space<vmem>>
      %dma_wait3A_642 = tpu.memref_squeeze %dma_wait3A_641 : memref<1x1x128xi32, #tpu.memory_space<vmem>> -> memref<128xi32, #tpu.memory_space<vmem>>
      %dma_wait3A_643 = arith.constant 0 : i32
      %dma_wait3A_644 = arith.constant 0 : i32
      %dma_wait3A_645 = tpu.memref_slice %arg2[%dma_wait3A_643, %dma_wait3A_644] : memref<100000x16xf32, #tpu.memory_space<hbm>> -> memref<100000x16xf32, #tpu.memory_space<hbm>>
      tpu.wait_indirect_dma semaphore(%arg11 : memref<!tpu.dma_semaphore, #tpu.memory_space<semaphore_mem>>) src(%dma_wait3A_645 : memref<100000x16xf32, #tpu.memory_space<hbm>>) dst(%dma_wait3A_639 : memref<128x16xf32, #tpu.memory_space<vmem>>)
      %dma_wait3A_646 = arith.constant 1 : i32
      %dma_wait3A_647 = arith.constant 4 : i32
      %dma_wait3A_648 = arith.constant 1 : i32
      %dma_wait3A_649 = arith.constant 512 : i32
      %dma_wait3A_650 = arith.constant 0 : i32
      %dma_wait3A_651 = tpu.memref_slice %arg7[%dma_wait3A_648, %dma_wait3A_649, %dma_wait3A_650] : memref<2x768x16xf32, #tpu.memory_space<vmem>> -> memref<1x128x16xf32, #tpu.memory_space<vmem>>
      %dma_wait3A_652 = tpu.memref_squeeze %dma_wait3A_651 : memref<1x128x16xf32, #tpu.memory_space<vmem>> -> memref<128x16xf32, #tpu.memory_space<vmem>>
      %dma_wait3A_653 = arith.constant 0 : i32
      %dma_wait3A_654 = tpu.memref_slice %arg5[%dma_wait3A_646, %dma_wait3A_647, %dma_wait3A_653] : memref<2x6x128xi32, #tpu.memory_space<vmem>> -> memref<1x1x128xi32, #tpu.memory_space<vmem>>
      %dma_wait3A_655 = tpu.memref_squeeze %dma_wait3A_654 : memref<1x1x128xi32, #tpu.memory_space<vmem>> -> memref<128xi32, #tpu.memory_space<vmem>>
      %dma_wait3A_656 = arith.constant 0 : i32
      %dma_wait3A_657 = arith.constant 0 : i32
      %dma_wait3A_658 = tpu.memref_slice %arg2[%dma_wait3A_656, %dma_wait3A_657] : memref<100000x16xf32, #tpu.memory_space<hbm>> -> memref<100000x16xf32, #tpu.memory_space<hbm>>
      tpu.wait_indirect_dma semaphore(%arg11 : memref<!tpu.dma_semaphore, #tpu.memory_space<semaphore_mem>>) src(%dma_wait3A_658 : memref<100000x16xf32, #tpu.memory_space<hbm>>) dst(%dma_wait3A_652 : memref<128x16xf32, #tpu.memory_space<vmem>>)
      %dma_wait3A_659 = arith.constant 1 : i32
      %dma_wait3A_660 = arith.constant 5 : i32
      %dma_wait3A_661 = arith.constant 1 : i32
      %dma_wait3A_662 = arith.constant 640 : i32
      %dma_wait3A_663 = arith.constant 0 : i32
      %dma_wait3A_664 = tpu.memref_slice %arg7[%dma_wait3A_661, %dma_wait3A_662, %dma_wait3A_663] : memref<2x768x16xf32, #tpu.memory_space<vmem>> -> memref<1x128x16xf32, #tpu.memory_space<vmem>>
      %dma_wait3A_665 = tpu.memref_squeeze %dma_wait3A_664 : memref<1x128x16xf32, #tpu.memory_space<vmem>> -> memref<128x16xf32, #tpu.memory_space<vmem>>
      %dma_wait3A_666 = arith.constant 0 : i32
      %dma_wait3A_667 = tpu.memref_slice %arg5[%dma_wait3A_659, %dma_wait3A_660, %dma_wait3A_666] : memref<2x6x128xi32, #tpu.memory_space<vmem>> -> memref<1x1x128xi32, #tpu.memory_space<vmem>>
      %dma_wait3A_668 = tpu.memref_squeeze %dma_wait3A_667 : memref<1x1x128xi32, #tpu.memory_space<vmem>> -> memref<128xi32, #tpu.memory_space<vmem>>
      %dma_wait3A_669 = arith.constant 0 : i32
      %dma_wait3A_670 = arith.constant 0 : i32
      %dma_wait3A_671 = tpu.memref_slice %arg2[%dma_wait3A_669, %dma_wait3A_670] : memref<100000x16xf32, #tpu.memory_space<hbm>> -> memref<100000x16xf32, #tpu.memory_space<hbm>>
      tpu.wait_indirect_dma semaphore(%arg11 : memref<!tpu.dma_semaphore, #tpu.memory_space<semaphore_mem>>) src(%dma_wait3A_671 : memref<100000x16xf32, #tpu.memory_space<hbm>>) dst(%dma_wait3A_665 : memref<128x16xf32, #tpu.memory_space<vmem>>)
      %dma_wait3A_672 = arith.constant 0 : i32
      %dma_wait3A_673 = arith.constant 0 : i32
      %dma_wait3A_674 = arith.constant 0 : i32
      %dma_wait3A_675 = arith.constant 0 : i32
      %dma_wait3A_676 = arith.constant 0 : i32
      %dma_wait3A_677 = tpu.memref_slice %arg7[%dma_wait3A_672, %dma_wait3A_675, %dma_wait3A_676] : memref<2x768x16xf32, #tpu.memory_space<vmem>> -> memref<1x128x16xf32, #tpu.memory_space<vmem>>
      %dma_wait3A_678 = tpu.memref_squeeze %dma_wait3A_677 : memref<1x128x16xf32, #tpu.memory_space<vmem>> -> memref<128x16xf32, #tpu.memory_space<vmem>>
      %dma_wait3A_679 = arith.constant 0 : i32
      %dma_wait3A_680 = tpu.memref_slice %arg6[%dma_wait3A_673, %dma_wait3A_674, %dma_wait3A_679] : memref<2x6x128xi32, #tpu.memory_space<vmem>> -> memref<1x1x128xi32, #tpu.memory_space<vmem>>
      %dma_wait3A_681 = tpu.memref_squeeze %dma_wait3A_680 : memref<1x1x128xi32, #tpu.memory_space<vmem>> -> memref<128xi32, #tpu.memory_space<vmem>>
      %dma_wait3A_682 = arith.constant 0 : i32
      %dma_wait3A_683 = arith.constant 0 : i32
      %dma_wait3A_684 = tpu.memref_slice %arg8[%dma_wait3A_682, %dma_wait3A_683] : memref<100096x16xf32, #tpu.memory_space<vmem_shared>> -> memref<100096x16xf32, #tpu.memory_space<vmem_shared>>
      tpu.wait_indirect_dma semaphore(%arg12 : memref<!tpu.dma_semaphore, #tpu.memory_space<semaphore_mem>>) src(%dma_wait3A_678 : memref<128x16xf32, #tpu.memory_space<vmem>>) dst(%dma_wait3A_684 : memref<100096x16xf32, #tpu.memory_space<vmem_shared>>)
      %dma_wait3A_685 = arith.constant 0 : i32
      %dma_wait3A_686 = arith.constant 0 : i32
      %dma_wait3A_687 = arith.constant 1 : i32
      %dma_wait3A_688 = arith.constant 128 : i32
      %dma_wait3A_689 = arith.constant 0 : i32
      %dma_wait3A_690 = tpu.memref_slice %arg7[%dma_wait3A_685, %dma_wait3A_688, %dma_wait3A_689] : memref<2x768x16xf32, #tpu.memory_space<vmem>> -> memref<1x128x16xf32, #tpu.memory_space<vmem>>
      %dma_wait3A_691 = tpu.memref_squeeze %dma_wait3A_690 : memref<1x128x16xf32, #tpu.memory_space<vmem>> -> memref<128x16xf32, #tpu.memory_space<vmem>>
      %dma_wait3A_692 = arith.constant 0 : i32
      %dma_wait3A_693 = tpu.memref_slice %arg6[%dma_wait3A_686, %dma_wait3A_687, %dma_wait3A_692] : memref<2x6x128xi32, #tpu.memory_space<vmem>> -> memref<1x1x128xi32, #tpu.memory_space<vmem>>
      %dma_wait3A_694 = tpu.memref_squeeze %dma_wait3A_693 : memref<1x1x128xi32, #tpu.memory_space<vmem>> -> memref<128xi32, #tpu.memory_space<vmem>>
      %dma_wait3A_695 = arith.constant 0 : i32
      %dma_wait3A_696 = arith.constant 0 : i32
      %dma_wait3A_697 = tpu.memref_slice %arg8[%dma_wait3A_695, %dma_wait3A_696] : memref<100096x16xf32, #tpu.memory_space<vmem_shared>> -> memref<100096x16xf32, #tpu.memory_space<vmem_shared>>
      tpu.wait_indirect_dma semaphore(%arg12 : memref<!tpu.dma_semaphore, #tpu.memory_space<semaphore_mem>>) src(%dma_wait3A_691 : memref<128x16xf32, #tpu.memory_space<vmem>>) dst(%dma_wait3A_697 : memref<100096x16xf32, #tpu.memory_space<vmem_shared>>)
      %dma_wait3A_698 = arith.constant 0 : i32
      %dma_wait3A_699 = arith.constant 0 : i32
      %dma_wait3A_700 = arith.constant 2 : i32
      %dma_wait3A_701 = arith.constant 256 : i32
      %dma_wait3A_702 = arith.constant 0 : i32
      %dma_wait3A_703 = tpu.memref_slice %arg7[%dma_wait3A_698, %dma_wait3A_701, %dma_wait3A_702] : memref<2x768x16xf32, #tpu.memory_space<vmem>> -> memref<1x128x16xf32, #tpu.memory_space<vmem>>
      %dma_wait3A_704 = tpu.memref_squeeze %dma_wait3A_703 : memref<1x128x16xf32, #tpu.memory_space<vmem>> -> memref<128x16xf32, #tpu.memory_space<vmem>>
      %dma_wait3A_705 = arith.constant 0 : i32
      %dma_wait3A_706 = tpu.memref_slice %arg6[%dma_wait3A_699, %dma_wait3A_700, %dma_wait3A_705] : memref<2x6x128xi32, #tpu.memory_space<vmem>> -> memref<1x1x128xi32, #tpu.memory_space<vmem>>
      %dma_wait3A_707 = tpu.memref_squeeze %dma_wait3A_706 : memref<1x1x128xi32, #tpu.memory_space<vmem>> -> memref<128xi32, #tpu.memory_space<vmem>>
      %dma_wait3A_708 = arith.constant 0 : i32
      %dma_wait3A_709 = arith.constant 0 : i32
      %dma_wait3A_710 = tpu.memref_slice %arg8[%dma_wait3A_708, %dma_wait3A_709] : memref<100096x16xf32, #tpu.memory_space<vmem_shared>> -> memref<100096x16xf32, #tpu.memory_space<vmem_shared>>
      tpu.wait_indirect_dma semaphore(%arg12 : memref<!tpu.dma_semaphore, #tpu.memory_space<semaphore_mem>>) src(%dma_wait3A_704 : memref<128x16xf32, #tpu.memory_space<vmem>>) dst(%dma_wait3A_710 : memref<100096x16xf32, #tpu.memory_space<vmem_shared>>)
      %dma_wait3A_711 = arith.constant 0 : i32
      %dma_wait3A_712 = arith.constant 0 : i32
      %dma_wait3A_713 = arith.constant 3 : i32
      %dma_wait3A_714 = arith.constant 384 : i32
      %dma_wait3A_715 = arith.constant 0 : i32
      %dma_wait3A_716 = tpu.memref_slice %arg7[%dma_wait3A_711, %dma_wait3A_714, %dma_wait3A_715] : memref<2x768x16xf32, #tpu.memory_space<vmem>> -> memref<1x128x16xf32, #tpu.memory_space<vmem>>
      %dma_wait3A_717 = tpu.memref_squeeze %dma_wait3A_716 : memref<1x128x16xf32, #tpu.memory_space<vmem>> -> memref<128x16xf32, #tpu.memory_space<vmem>>
      %dma_wait3A_718 = arith.constant 0 : i32
      %dma_wait3A_719 = tpu.memref_slice %arg6[%dma_wait3A_712, %dma_wait3A_713, %dma_wait3A_718] : memref<2x6x128xi32, #tpu.memory_space<vmem>> -> memref<1x1x128xi32, #tpu.memory_space<vmem>>
      %dma_wait3A_720 = tpu.memref_squeeze %dma_wait3A_719 : memref<1x1x128xi32, #tpu.memory_space<vmem>> -> memref<128xi32, #tpu.memory_space<vmem>>
      %dma_wait3A_721 = arith.constant 0 : i32
      %dma_wait3A_722 = arith.constant 0 : i32
      %dma_wait3A_723 = tpu.memref_slice %arg8[%dma_wait3A_721, %dma_wait3A_722] : memref<100096x16xf32, #tpu.memory_space<vmem_shared>> -> memref<100096x16xf32, #tpu.memory_space<vmem_shared>>
      tpu.wait_indirect_dma semaphore(%arg12 : memref<!tpu.dma_semaphore, #tpu.memory_space<semaphore_mem>>) src(%dma_wait3A_717 : memref<128x16xf32, #tpu.memory_space<vmem>>) dst(%dma_wait3A_723 : memref<100096x16xf32, #tpu.memory_space<vmem_shared>>)
      %dma_wait3A_724 = arith.constant 0 : i32
      %dma_wait3A_725 = arith.constant 0 : i32
      %dma_wait3A_726 = arith.constant 4 : i32
      %dma_wait3A_727 = arith.constant 512 : i32
      %dma_wait3A_728 = arith.constant 0 : i32
      %dma_wait3A_729 = tpu.memref_slice %arg7[%dma_wait3A_724, %dma_wait3A_727, %dma_wait3A_728] : memref<2x768x16xf32, #tpu.memory_space<vmem>> -> memref<1x128x16xf32, #tpu.memory_space<vmem>>
      %dma_wait3A_730 = tpu.memref_squeeze %dma_wait3A_729 : memref<1x128x16xf32, #tpu.memory_space<vmem>> -> memref<128x16xf32, #tpu.memory_space<vmem>>
      %dma_wait3A_731 = arith.constant 0 : i32
      %dma_wait3A_732 = tpu.memref_slice %arg6[%dma_wait3A_725, %dma_wait3A_726, %dma_wait3A_731] : memref<2x6x128xi32, #tpu.memory_space<vmem>> -> memref<1x1x128xi32, #tpu.memory_space<vmem>>
      %dma_wait3A_733 = tpu.memref_squeeze %dma_wait3A_732 : memref<1x1x128xi32, #tpu.memory_space<vmem>> -> memref<128xi32, #tpu.memory_space<vmem>>
      %dma_wait3A_734 = arith.constant 0 : i32
      %dma_wait3A_735 = arith.constant 0 : i32
      %dma_wait3A_736 = tpu.memref_slice %arg8[%dma_wait3A_734, %dma_wait3A_735] : memref<100096x16xf32, #tpu.memory_space<vmem_shared>> -> memref<100096x16xf32, #tpu.memory_space<vmem_shared>>
      tpu.wait_indirect_dma semaphore(%arg12 : memref<!tpu.dma_semaphore, #tpu.memory_space<semaphore_mem>>) src(%dma_wait3A_730 : memref<128x16xf32, #tpu.memory_space<vmem>>) dst(%dma_wait3A_736 : memref<100096x16xf32, #tpu.memory_space<vmem_shared>>)
      %dma_wait3A_737 = arith.constant 0 : i32
      %dma_wait3A_738 = arith.constant 0 : i32
      %dma_wait3A_739 = arith.constant 5 : i32
      %dma_wait3A_740 = arith.constant 640 : i32
      %dma_wait3A_741 = arith.constant 0 : i32
      %dma_wait3A_742 = tpu.memref_slice %arg7[%dma_wait3A_737, %dma_wait3A_740, %dma_wait3A_741] : memref<2x768x16xf32, #tpu.memory_space<vmem>> -> memref<1x128x16xf32, #tpu.memory_space<vmem>>
      %dma_wait3A_743 = tpu.memref_squeeze %dma_wait3A_742 : memref<1x128x16xf32, #tpu.memory_space<vmem>> -> memref<128x16xf32, #tpu.memory_space<vmem>>
      %dma_wait3A_744 = arith.constant 0 : i32
      %dma_wait3A_745 = tpu.memref_slice %arg6[%dma_wait3A_738, %dma_wait3A_739, %dma_wait3A_744] : memref<2x6x128xi32, #tpu.memory_space<vmem>> -> memref<1x1x128xi32, #tpu.memory_space<vmem>>
      %dma_wait3A_746 = tpu.memref_squeeze %dma_wait3A_745 : memref<1x1x128xi32, #tpu.memory_space<vmem>> -> memref<128xi32, #tpu.memory_space<vmem>>
      %dma_wait3A_747 = arith.constant 0 : i32
      %dma_wait3A_748 = arith.constant 0 : i32
      %dma_wait3A_749 = tpu.memref_slice %arg8[%dma_wait3A_747, %dma_wait3A_748] : memref<100096x16xf32, #tpu.memory_space<vmem_shared>> -> memref<100096x16xf32, #tpu.memory_space<vmem_shared>>
      tpu.wait_indirect_dma semaphore(%arg12 : memref<!tpu.dma_semaphore, #tpu.memory_space<semaphore_mem>>) src(%dma_wait3A_743 : memref<128x16xf32, #tpu.memory_space<vmem>>) dst(%dma_wait3A_749 : memref<100096x16xf32, #tpu.memory_space<vmem_shared>>)
      %add3A_750 = arith.constant 12 : i32
      %add3A_751 = arith.addi %add3A_347, %add3A_750 : i32
      %min3A_752 = arith.constant 24994 : i32
      %min3A_753 = arith.minsi %add3A_751, %min3A_752 : i32
      %run_scoped3A_754 = arith.constant 0 : i32
      %run_scoped3A_755 = arith.constant 0 : i32
      "tpu.region"() ({
        %run_scoped3A_914 = tpu.sem_alloc : memref<!tpu.dma_semaphore, #tpu.memory_space<semaphore_mem>>
        %dma_start3A_915 = arith.constant 0 : i32
        %dma_start3A_916 = arith.constant 0 : i32
        %dma_start3A_917 = tpu.memref_slice %arg5[%run_scoped3A_755, %dma_start3A_915, %dma_start3A_916] : memref<2x6x128xi32, #tpu.memory_space<vmem>> -> memref<1x6x128xi32, #tpu.memory_space<vmem>>
        %dma_start3A_918 = tpu.memref_squeeze %dma_start3A_917 : memref<1x6x128xi32, #tpu.memory_space<vmem>> -> memref<6x128xi32, #tpu.memory_space<vmem>>
        %dma_start3A_919 = arith.constant 0 : i32
        %dma_start3A_920 = tpu.memref_slice %arg3[%run_scoped3A_754, %min3A_753, %dma_start3A_919] : memref<2x25000x128xi32, #tpu.memory_space<hbm>> -> memref<1x6x128xi32, #tpu.memory_space<hbm>>
        %dma_start3A_921 = tpu.memref_squeeze %dma_start3A_920 : memref<1x6x128xi32, #tpu.memory_space<hbm>> -> memref<6x128xi32, #tpu.memory_space<hbm>>
        %dma_start3A_922 = arith.constant 0 : i32
        %dma_start3A_923 = arith.constant 0 : i32
        %dma_start3A_924 = tpu.memref_slice %arg5[%run_scoped3A_755, %dma_start3A_922, %dma_start3A_923] : memref<2x6x128xi32, #tpu.memory_space<vmem>> -> memref<1x6x128xi32, #tpu.memory_space<vmem>>
        %dma_start3A_925 = tpu.memref_squeeze %dma_start3A_924 : memref<1x6x128xi32, #tpu.memory_space<vmem>> -> memref<6x128xi32, #tpu.memory_space<vmem>>
        %dma_start3A_926 = arith.constant 0 : i32
        %dma_start3A_927 = tpu.memref_slice %arg3[%run_scoped3A_754, %min3A_753, %dma_start3A_926] : memref<2x25000x128xi32, #tpu.memory_space<hbm>> -> memref<1x6x128xi32, #tpu.memory_space<hbm>>
        %dma_start3A_928 = tpu.memref_squeeze %dma_start3A_927 : memref<1x6x128xi32, #tpu.memory_space<hbm>> -> memref<6x128xi32, #tpu.memory_space<hbm>>
        tpu.enqueue_dma source(%dma_start3A_928 : memref<6x128xi32, #tpu.memory_space<hbm>>) target(%dma_start3A_925 : memref<6x128xi32, #tpu.memory_space<vmem>>) target_semaphore(%run_scoped3A_914 : memref<!tpu.dma_semaphore, #tpu.memory_space<semaphore_mem>>)
        %dma_wait3A_929 = arith.constant 0 : i32
        %dma_wait3A_930 = arith.constant 0 : i32
        %dma_wait3A_931 = tpu.memref_slice %arg5[%run_scoped3A_755, %dma_wait3A_929, %dma_wait3A_930] : memref<2x6x128xi32, #tpu.memory_space<vmem>> -> memref<1x6x128xi32, #tpu.memory_space<vmem>>
        %dma_wait3A_932 = tpu.memref_squeeze %dma_wait3A_931 : memref<1x6x128xi32, #tpu.memory_space<vmem>> -> memref<6x128xi32, #tpu.memory_space<vmem>>
        %dma_wait3A_933 = arith.constant 0 : i32
        %dma_wait3A_934 = tpu.memref_slice %arg3[%run_scoped3A_754, %min3A_753, %dma_wait3A_933] : memref<2x25000x128xi32, #tpu.memory_space<hbm>> -> memref<1x6x128xi32, #tpu.memory_space<hbm>>
        %dma_wait3A_935 = tpu.memref_squeeze %dma_wait3A_934 : memref<1x6x128xi32, #tpu.memory_space<hbm>> -> memref<6x128xi32, #tpu.memory_space<hbm>>
        %dma_wait3A_936 = arith.constant 0 : i32
        %dma_wait3A_937 = arith.constant 0 : i32
        %dma_wait3A_938 = tpu.memref_slice %arg5[%run_scoped3A_755, %dma_wait3A_936, %dma_wait3A_937] : memref<2x6x128xi32, #tpu.memory_space<vmem>> -> memref<1x6x128xi32, #tpu.memory_space<vmem>>
        %dma_wait3A_939 = tpu.memref_squeeze %dma_wait3A_938 : memref<1x6x128xi32, #tpu.memory_space<vmem>> -> memref<6x128xi32, #tpu.memory_space<vmem>>
        %dma_wait3A_940 = arith.constant 0 : i32
        %dma_wait3A_941 = tpu.memref_slice %arg3[%run_scoped3A_754, %min3A_753, %dma_wait3A_940] : memref<2x25000x128xi32, #tpu.memory_space<hbm>> -> memref<1x6x128xi32, #tpu.memory_space<hbm>>
        %dma_wait3A_942 = tpu.memref_squeeze %dma_wait3A_941 : memref<1x6x128xi32, #tpu.memory_space<hbm>> -> memref<6x128xi32, #tpu.memory_space<hbm>>
        tpu.wait_dma2 semaphore(%run_scoped3A_914 : memref<!tpu.dma_semaphore, #tpu.memory_space<semaphore_mem>>) src(%dma_wait3A_942 : memref<6x128xi32, #tpu.memory_space<hbm>>) dst(%dma_wait3A_939 : memref<6x128xi32, #tpu.memory_space<vmem>>)
        tpu.yield
      }) : () -> ()
      %run_scoped3A_756 = arith.constant 1 : i32
      %run_scoped3A_757 = arith.constant 0 : i32
      "tpu.region"() ({
        %run_scoped3A_914 = tpu.sem_alloc : memref<!tpu.dma_semaphore, #tpu.memory_space<semaphore_mem>>
        %dma_start3A_915 = arith.constant 0 : i32
        %dma_start3A_916 = arith.constant 0 : i32
        %dma_start3A_917 = tpu.memref_slice %arg6[%run_scoped3A_757, %dma_start3A_915, %dma_start3A_916] : memref<2x6x128xi32, #tpu.memory_space<vmem>> -> memref<1x6x128xi32, #tpu.memory_space<vmem>>
        %dma_start3A_918 = tpu.memref_squeeze %dma_start3A_917 : memref<1x6x128xi32, #tpu.memory_space<vmem>> -> memref<6x128xi32, #tpu.memory_space<vmem>>
        %dma_start3A_919 = arith.constant 0 : i32
        %dma_start3A_920 = tpu.memref_slice %arg3[%run_scoped3A_756, %min3A_753, %dma_start3A_919] : memref<2x25000x128xi32, #tpu.memory_space<hbm>> -> memref<1x6x128xi32, #tpu.memory_space<hbm>>
        %dma_start3A_921 = tpu.memref_squeeze %dma_start3A_920 : memref<1x6x128xi32, #tpu.memory_space<hbm>> -> memref<6x128xi32, #tpu.memory_space<hbm>>
        %dma_start3A_922 = arith.constant 0 : i32
        %dma_start3A_923 = arith.constant 0 : i32
        %dma_start3A_924 = tpu.memref_slice %arg6[%run_scoped3A_757, %dma_start3A_922, %dma_start3A_923] : memref<2x6x128xi32, #tpu.memory_space<vmem>> -> memref<1x6x128xi32, #tpu.memory_space<vmem>>
        %dma_start3A_925 = tpu.memref_squeeze %dma_start3A_924 : memref<1x6x128xi32, #tpu.memory_space<vmem>> -> memref<6x128xi32, #tpu.memory_space<vmem>>
        %dma_start3A_926 = arith.constant 0 : i32
        %dma_start3A_927 = tpu.memref_slice %arg3[%run_scoped3A_756, %min3A_753, %dma_start3A_926] : memref<2x25000x128xi32, #tpu.memory_space<hbm>> -> memref<1x6x128xi32, #tpu.memory_space<hbm>>
        %dma_start3A_928 = tpu.memref_squeeze %dma_start3A_927 : memref<1x6x128xi32, #tpu.memory_space<hbm>> -> memref<6x128xi32, #tpu.memory_space<hbm>>
        tpu.enqueue_dma source(%dma_start3A_928 : memref<6x128xi32, #tpu.memory_space<hbm>>) target(%dma_start3A_925 : memref<6x128xi32, #tpu.memory_space<vmem>>) target_semaphore(%run_scoped3A_914 : memref<!tpu.dma_semaphore, #tpu.memory_space<semaphore_mem>>)
        %dma_wait3A_929 = arith.constant 0 : i32
        %dma_wait3A_930 = arith.constant 0 : i32
        %dma_wait3A_931 = tpu.memref_slice %arg6[%run_scoped3A_757, %dma_wait3A_929, %dma_wait3A_930] : memref<2x6x128xi32, #tpu.memory_space<vmem>> -> memref<1x6x128xi32, #tpu.memory_space<vmem>>
        %dma_wait3A_932 = tpu.memref_squeeze %dma_wait3A_931 : memref<1x6x128xi32, #tpu.memory_space<vmem>> -> memref<6x128xi32, #tpu.memory_space<vmem>>
        %dma_wait3A_933 = arith.constant 0 : i32
        %dma_wait3A_934 = tpu.memref_slice %arg3[%run_scoped3A_756, %min3A_753, %dma_wait3A_933] : memref<2x25000x128xi32, #tpu.memory_space<hbm>> -> memref<1x6x128xi32, #tpu.memory_space<hbm>>
        %dma_wait3A_935 = tpu.memref_squeeze %dma_wait3A_934 : memref<1x6x128xi32, #tpu.memory_space<hbm>> -> memref<6x128xi32, #tpu.memory_space<hbm>>
        %dma_wait3A_936 = arith.constant 0 : i32
        %dma_wait3A_937 = arith.constant 0 : i32
        %dma_wait3A_938 = tpu.memref_slice %arg6[%run_scoped3A_757, %dma_wait3A_936, %dma_wait3A_937] : memref<2x6x128xi32, #tpu.memory_space<vmem>> -> memref<1x6x128xi32, #tpu.memory_space<vmem>>
        %dma_wait3A_939 = tpu.memref_squeeze %dma_wait3A_938 : memref<1x6x128xi32, #tpu.memory_space<vmem>> -> memref<6x128xi32, #tpu.memory_space<vmem>>
        %dma_wait3A_940 = arith.constant 0 : i32
        %dma_wait3A_941 = tpu.memref_slice %arg3[%run_scoped3A_756, %min3A_753, %dma_wait3A_940] : memref<2x25000x128xi32, #tpu.memory_space<hbm>> -> memref<1x6x128xi32, #tpu.memory_space<hbm>>
        %dma_wait3A_942 = tpu.memref_squeeze %dma_wait3A_941 : memref<1x6x128xi32, #tpu.memory_space<hbm>> -> memref<6x128xi32, #tpu.memory_space<hbm>>
        tpu.wait_dma2 semaphore(%run_scoped3A_914 : memref<!tpu.dma_semaphore, #tpu.memory_space<semaphore_mem>>) src(%dma_wait3A_942 : memref<6x128xi32, #tpu.memory_space<hbm>>) dst(%dma_wait3A_939 : memref<6x128xi32, #tpu.memory_space<vmem>>)
        tpu.yield
      }) : () -> ()
      %dma_start3A_758 = arith.constant 0 : i32
      %dma_start3A_759 = arith.constant 0 : i32
      %dma_start3A_760 = arith.constant 0 : i32
      %dma_start3A_761 = arith.constant 0 : i32
      %dma_start3A_762 = arith.constant 0 : i32
      %dma_start3A_763 = tpu.memref_slice %arg7[%dma_start3A_760, %dma_start3A_761, %dma_start3A_762] : memref<2x768x16xf32, #tpu.memory_space<vmem>> -> memref<1x128x16xf32, #tpu.memory_space<vmem>>
      %dma_start3A_764 = tpu.memref_squeeze %dma_start3A_763 : memref<1x128x16xf32, #tpu.memory_space<vmem>> -> memref<128x16xf32, #tpu.memory_space<vmem>>
      %dma_start3A_765 = arith.constant 0 : i32
      %dma_start3A_766 = tpu.memref_slice %arg5[%dma_start3A_758, %dma_start3A_759, %dma_start3A_765] : memref<2x6x128xi32, #tpu.memory_space<vmem>> -> memref<1x1x128xi32, #tpu.memory_space<vmem>>
      %dma_start3A_767 = tpu.memref_squeeze %dma_start3A_766 : memref<1x1x128xi32, #tpu.memory_space<vmem>> -> memref<128xi32, #tpu.memory_space<vmem>>
      %dma_start3A_768 = arith.constant 0 : i32
      %dma_start3A_769 = arith.constant 0 : i32
      %dma_start3A_770 = tpu.memref_slice %arg2[%dma_start3A_768, %dma_start3A_769] : memref<100000x16xf32, #tpu.memory_space<hbm>> -> memref<100000x16xf32, #tpu.memory_space<hbm>>
      tpu.enqueue_indirect_dma source(%dma_start3A_770 : memref<100000x16xf32, #tpu.memory_space<hbm>>) target(%dma_start3A_764 : memref<128x16xf32, #tpu.memory_space<vmem>>) offsets(%dma_start3A_767 : memref<128xi32, #tpu.memory_space<vmem>>) semaphore(%arg10 : memref<!tpu.dma_semaphore, #tpu.memory_space<semaphore_mem>>)
      %dma_start3A_771 = arith.constant 0 : i32
      %dma_start3A_772 = arith.constant 1 : i32
      %dma_start3A_773 = arith.constant 0 : i32
      %dma_start3A_774 = arith.constant 128 : i32
      %dma_start3A_775 = arith.constant 0 : i32
      %dma_start3A_776 = tpu.memref_slice %arg7[%dma_start3A_773, %dma_start3A_774, %dma_start3A_775] : memref<2x768x16xf32, #tpu.memory_space<vmem>> -> memref<1x128x16xf32, #tpu.memory_space<vmem>>
      %dma_start3A_777 = tpu.memref_squeeze %dma_start3A_776 : memref<1x128x16xf32, #tpu.memory_space<vmem>> -> memref<128x16xf32, #tpu.memory_space<vmem>>
      %dma_start3A_778 = arith.constant 0 : i32
      %dma_start3A_779 = tpu.memref_slice %arg5[%dma_start3A_771, %dma_start3A_772, %dma_start3A_778] : memref<2x6x128xi32, #tpu.memory_space<vmem>> -> memref<1x1x128xi32, #tpu.memory_space<vmem>>
      %dma_start3A_780 = tpu.memref_squeeze %dma_start3A_779 : memref<1x1x128xi32, #tpu.memory_space<vmem>> -> memref<128xi32, #tpu.memory_space<vmem>>
      %dma_start3A_781 = arith.constant 0 : i32
      %dma_start3A_782 = arith.constant 0 : i32
      %dma_start3A_783 = tpu.memref_slice %arg2[%dma_start3A_781, %dma_start3A_782] : memref<100000x16xf32, #tpu.memory_space<hbm>> -> memref<100000x16xf32, #tpu.memory_space<hbm>>
      tpu.enqueue_indirect_dma source(%dma_start3A_783 : memref<100000x16xf32, #tpu.memory_space<hbm>>) target(%dma_start3A_777 : memref<128x16xf32, #tpu.memory_space<vmem>>) offsets(%dma_start3A_780 : memref<128xi32, #tpu.memory_space<vmem>>) semaphore(%arg10 : memref<!tpu.dma_semaphore, #tpu.memory_space<semaphore_mem>>)
      %dma_start3A_784 = arith.constant 0 : i32
      %dma_start3A_785 = arith.constant 2 : i32
      %dma_start3A_786 = arith.constant 0 : i32
      %dma_start3A_787 = arith.constant 256 : i32
      %dma_start3A_788 = arith.constant 0 : i32
      %dma_start3A_789 = tpu.memref_slice %arg7[%dma_start3A_786, %dma_start3A_787, %dma_start3A_788] : memref<2x768x16xf32, #tpu.memory_space<vmem>> -> memref<1x128x16xf32, #tpu.memory_space<vmem>>
      %dma_start3A_790 = tpu.memref_squeeze %dma_start3A_789 : memref<1x128x16xf32, #tpu.memory_space<vmem>> -> memref<128x16xf32, #tpu.memory_space<vmem>>
      %dma_start3A_791 = arith.constant 0 : i32
      %dma_start3A_792 = tpu.memref_slice %arg5[%dma_start3A_784, %dma_start3A_785, %dma_start3A_791] : memref<2x6x128xi32, #tpu.memory_space<vmem>> -> memref<1x1x128xi32, #tpu.memory_space<vmem>>
      %dma_start3A_793 = tpu.memref_squeeze %dma_start3A_792 : memref<1x1x128xi32, #tpu.memory_space<vmem>> -> memref<128xi32, #tpu.memory_space<vmem>>
      %dma_start3A_794 = arith.constant 0 : i32
      %dma_start3A_795 = arith.constant 0 : i32
      %dma_start3A_796 = tpu.memref_slice %arg2[%dma_start3A_794, %dma_start3A_795] : memref<100000x16xf32, #tpu.memory_space<hbm>> -> memref<100000x16xf32, #tpu.memory_space<hbm>>
      tpu.enqueue_indirect_dma source(%dma_start3A_796 : memref<100000x16xf32, #tpu.memory_space<hbm>>) target(%dma_start3A_790 : memref<128x16xf32, #tpu.memory_space<vmem>>) offsets(%dma_start3A_793 : memref<128xi32, #tpu.memory_space<vmem>>) semaphore(%arg10 : memref<!tpu.dma_semaphore, #tpu.memory_space<semaphore_mem>>)
      %dma_start3A_797 = arith.constant 0 : i32
      %dma_start3A_798 = arith.constant 3 : i32
      %dma_start3A_799 = arith.constant 0 : i32
      %dma_start3A_800 = arith.constant 384 : i32
      %dma_start3A_801 = arith.constant 0 : i32
      %dma_start3A_802 = tpu.memref_slice %arg7[%dma_start3A_799, %dma_start3A_800, %dma_start3A_801] : memref<2x768x16xf32, #tpu.memory_space<vmem>> -> memref<1x128x16xf32, #tpu.memory_space<vmem>>
      %dma_start3A_803 = tpu.memref_squeeze %dma_start3A_802 : memref<1x128x16xf32, #tpu.memory_space<vmem>> -> memref<128x16xf32, #tpu.memory_space<vmem>>
      %dma_start3A_804 = arith.constant 0 : i32
      %dma_start3A_805 = tpu.memref_slice %arg5[%dma_start3A_797, %dma_start3A_798, %dma_start3A_804] : memref<2x6x128xi32, #tpu.memory_space<vmem>> -> memref<1x1x128xi32, #tpu.memory_space<vmem>>
      %dma_start3A_806 = tpu.memref_squeeze %dma_start3A_805 : memref<1x1x128xi32, #tpu.memory_space<vmem>> -> memref<128xi32, #tpu.memory_space<vmem>>
      %dma_start3A_807 = arith.constant 0 : i32
      %dma_start3A_808 = arith.constant 0 : i32
      %dma_start3A_809 = tpu.memref_slice %arg2[%dma_start3A_807, %dma_start3A_808] : memref<100000x16xf32, #tpu.memory_space<hbm>> -> memref<100000x16xf32, #tpu.memory_space<hbm>>
      tpu.enqueue_indirect_dma source(%dma_start3A_809 : memref<100000x16xf32, #tpu.memory_space<hbm>>) target(%dma_start3A_803 : memref<128x16xf32, #tpu.memory_space<vmem>>) offsets(%dma_start3A_806 : memref<128xi32, #tpu.memory_space<vmem>>) semaphore(%arg10 : memref<!tpu.dma_semaphore, #tpu.memory_space<semaphore_mem>>)
      %dma_start3A_810 = arith.constant 0 : i32
      %dma_start3A_811 = arith.constant 4 : i32
      %dma_start3A_812 = arith.constant 0 : i32
      %dma_start3A_813 = arith.constant 512 : i32
      %dma_start3A_814 = arith.constant 0 : i32
      %dma_start3A_815 = tpu.memref_slice %arg7[%dma_start3A_812, %dma_start3A_813, %dma_start3A_814] : memref<2x768x16xf32, #tpu.memory_space<vmem>> -> memref<1x128x16xf32, #tpu.memory_space<vmem>>
      %dma_start3A_816 = tpu.memref_squeeze %dma_start3A_815 : memref<1x128x16xf32, #tpu.memory_space<vmem>> -> memref<128x16xf32, #tpu.memory_space<vmem>>
      %dma_start3A_817 = arith.constant 0 : i32
      %dma_start3A_818 = tpu.memref_slice %arg5[%dma_start3A_810, %dma_start3A_811, %dma_start3A_817] : memref<2x6x128xi32, #tpu.memory_space<vmem>> -> memref<1x1x128xi32, #tpu.memory_space<vmem>>
      %dma_start3A_819 = tpu.memref_squeeze %dma_start3A_818 : memref<1x1x128xi32, #tpu.memory_space<vmem>> -> memref<128xi32, #tpu.memory_space<vmem>>
      %dma_start3A_820 = arith.constant 0 : i32
      %dma_start3A_821 = arith.constant 0 : i32
      %dma_start3A_822 = tpu.memref_slice %arg2[%dma_start3A_820, %dma_start3A_821] : memref<100000x16xf32, #tpu.memory_space<hbm>> -> memref<100000x16xf32, #tpu.memory_space<hbm>>
      tpu.enqueue_indirect_dma source(%dma_start3A_822 : memref<100000x16xf32, #tpu.memory_space<hbm>>) target(%dma_start3A_816 : memref<128x16xf32, #tpu.memory_space<vmem>>) offsets(%dma_start3A_819 : memref<128xi32, #tpu.memory_space<vmem>>) semaphore(%arg10 : memref<!tpu.dma_semaphore, #tpu.memory_space<semaphore_mem>>)
      %dma_start3A_823 = arith.constant 0 : i32
      %dma_start3A_824 = arith.constant 5 : i32
      %dma_start3A_825 = arith.constant 0 : i32
      %dma_start3A_826 = arith.constant 640 : i32
      %dma_start3A_827 = arith.constant 0 : i32
      %dma_start3A_828 = tpu.memref_slice %arg7[%dma_start3A_825, %dma_start3A_826, %dma_start3A_827] : memref<2x768x16xf32, #tpu.memory_space<vmem>> -> memref<1x128x16xf32, #tpu.memory_space<vmem>>
      %dma_start3A_829 = tpu.memref_squeeze %dma_start3A_828 : memref<1x128x16xf32, #tpu.memory_space<vmem>> -> memref<128x16xf32, #tpu.memory_space<vmem>>
      %dma_start3A_830 = arith.constant 0 : i32
      %dma_start3A_831 = tpu.memref_slice %arg5[%dma_start3A_823, %dma_start3A_824, %dma_start3A_830] : memref<2x6x128xi32, #tpu.memory_space<vmem>> -> memref<1x1x128xi32, #tpu.memory_space<vmem>>
      %dma_start3A_832 = tpu.memref_squeeze %dma_start3A_831 : memref<1x1x128xi32, #tpu.memory_space<vmem>> -> memref<128xi32, #tpu.memory_space<vmem>>
      %dma_start3A_833 = arith.constant 0 : i32
      %dma_start3A_834 = arith.constant 0 : i32
      %dma_start3A_835 = tpu.memref_slice %arg2[%dma_start3A_833, %dma_start3A_834] : memref<100000x16xf32, #tpu.memory_space<hbm>> -> memref<100000x16xf32, #tpu.memory_space<hbm>>
      tpu.enqueue_indirect_dma source(%dma_start3A_835 : memref<100000x16xf32, #tpu.memory_space<hbm>>) target(%dma_start3A_829 : memref<128x16xf32, #tpu.memory_space<vmem>>) offsets(%dma_start3A_832 : memref<128xi32, #tpu.memory_space<vmem>>) semaphore(%arg10 : memref<!tpu.dma_semaphore, #tpu.memory_space<semaphore_mem>>)
      %dma_start3A_836 = arith.constant 1 : i32
      %dma_start3A_837 = arith.constant 1 : i32
      %dma_start3A_838 = arith.constant 0 : i32
      %dma_start3A_839 = arith.constant 0 : i32
      %dma_start3A_840 = arith.constant 0 : i32
      %dma_start3A_841 = tpu.memref_slice %arg7[%dma_start3A_836, %dma_start3A_839, %dma_start3A_840] : memref<2x768x16xf32, #tpu.memory_space<vmem>> -> memref<1x128x16xf32, #tpu.memory_space<vmem>>
      %dma_start3A_842 = tpu.memref_squeeze %dma_start3A_841 : memref<1x128x16xf32, #tpu.memory_space<vmem>> -> memref<128x16xf32, #tpu.memory_space<vmem>>
      %dma_start3A_843 = arith.constant 0 : i32
      %dma_start3A_844 = tpu.memref_slice %arg6[%dma_start3A_837, %dma_start3A_838, %dma_start3A_843] : memref<2x6x128xi32, #tpu.memory_space<vmem>> -> memref<1x1x128xi32, #tpu.memory_space<vmem>>
      %dma_start3A_845 = tpu.memref_squeeze %dma_start3A_844 : memref<1x1x128xi32, #tpu.memory_space<vmem>> -> memref<128xi32, #tpu.memory_space<vmem>>
      %dma_start3A_846 = arith.constant 0 : i32
      %dma_start3A_847 = arith.constant 0 : i32
      %dma_start3A_848 = tpu.memref_slice %arg8[%dma_start3A_846, %dma_start3A_847] : memref<100096x16xf32, #tpu.memory_space<vmem_shared>> -> memref<100096x16xf32, #tpu.memory_space<vmem_shared>>
      tpu.enqueue_indirect_dma source(%dma_start3A_842 : memref<128x16xf32, #tpu.memory_space<vmem>>) target(%dma_start3A_848 : memref<100096x16xf32, #tpu.memory_space<vmem_shared>>) offsets(%dma_start3A_845 : memref<128xi32, #tpu.memory_space<vmem>>) semaphore(%arg13 : memref<!tpu.dma_semaphore, #tpu.memory_space<semaphore_mem>>) {add = true}
      %dma_start3A_849 = arith.constant 1 : i32
      %dma_start3A_850 = arith.constant 1 : i32
      %dma_start3A_851 = arith.constant 1 : i32
      %dma_start3A_852 = arith.constant 128 : i32
      %dma_start3A_853 = arith.constant 0 : i32
      %dma_start3A_854 = tpu.memref_slice %arg7[%dma_start3A_849, %dma_start3A_852, %dma_start3A_853] : memref<2x768x16xf32, #tpu.memory_space<vmem>> -> memref<1x128x16xf32, #tpu.memory_space<vmem>>
      %dma_start3A_855 = tpu.memref_squeeze %dma_start3A_854 : memref<1x128x16xf32, #tpu.memory_space<vmem>> -> memref<128x16xf32, #tpu.memory_space<vmem>>
      %dma_start3A_856 = arith.constant 0 : i32
      %dma_start3A_857 = tpu.memref_slice %arg6[%dma_start3A_850, %dma_start3A_851, %dma_start3A_856] : memref<2x6x128xi32, #tpu.memory_space<vmem>> -> memref<1x1x128xi32, #tpu.memory_space<vmem>>
      %dma_start3A_858 = tpu.memref_squeeze %dma_start3A_857 : memref<1x1x128xi32, #tpu.memory_space<vmem>> -> memref<128xi32, #tpu.memory_space<vmem>>
      %dma_start3A_859 = arith.constant 0 : i32
      %dma_start3A_860 = arith.constant 0 : i32
      %dma_start3A_861 = tpu.memref_slice %arg8[%dma_start3A_859, %dma_start3A_860] : memref<100096x16xf32, #tpu.memory_space<vmem_shared>> -> memref<100096x16xf32, #tpu.memory_space<vmem_shared>>
      tpu.enqueue_indirect_dma source(%dma_start3A_855 : memref<128x16xf32, #tpu.memory_space<vmem>>) target(%dma_start3A_861 : memref<100096x16xf32, #tpu.memory_space<vmem_shared>>) offsets(%dma_start3A_858 : memref<128xi32, #tpu.memory_space<vmem>>) semaphore(%arg13 : memref<!tpu.dma_semaphore, #tpu.memory_space<semaphore_mem>>) {add = true}
      %dma_start3A_862 = arith.constant 1 : i32
      %dma_start3A_863 = arith.constant 1 : i32
      %dma_start3A_864 = arith.constant 2 : i32
      %dma_start3A_865 = arith.constant 256 : i32
      %dma_start3A_866 = arith.constant 0 : i32
      %dma_start3A_867 = tpu.memref_slice %arg7[%dma_start3A_862, %dma_start3A_865, %dma_start3A_866] : memref<2x768x16xf32, #tpu.memory_space<vmem>> -> memref<1x128x16xf32, #tpu.memory_space<vmem>>
      %dma_start3A_868 = tpu.memref_squeeze %dma_start3A_867 : memref<1x128x16xf32, #tpu.memory_space<vmem>> -> memref<128x16xf32, #tpu.memory_space<vmem>>
      %dma_start3A_869 = arith.constant 0 : i32
      %dma_start3A_870 = tpu.memref_slice %arg6[%dma_start3A_863, %dma_start3A_864, %dma_start3A_869] : memref<2x6x128xi32, #tpu.memory_space<vmem>> -> memref<1x1x128xi32, #tpu.memory_space<vmem>>
      %dma_start3A_871 = tpu.memref_squeeze %dma_start3A_870 : memref<1x1x128xi32, #tpu.memory_space<vmem>> -> memref<128xi32, #tpu.memory_space<vmem>>
      %dma_start3A_872 = arith.constant 0 : i32
      %dma_start3A_873 = arith.constant 0 : i32
      %dma_start3A_874 = tpu.memref_slice %arg8[%dma_start3A_872, %dma_start3A_873] : memref<100096x16xf32, #tpu.memory_space<vmem_shared>> -> memref<100096x16xf32, #tpu.memory_space<vmem_shared>>
      tpu.enqueue_indirect_dma source(%dma_start3A_868 : memref<128x16xf32, #tpu.memory_space<vmem>>) target(%dma_start3A_874 : memref<100096x16xf32, #tpu.memory_space<vmem_shared>>) offsets(%dma_start3A_871 : memref<128xi32, #tpu.memory_space<vmem>>) semaphore(%arg13 : memref<!tpu.dma_semaphore, #tpu.memory_space<semaphore_mem>>) {add = true}
      %dma_start3A_875 = arith.constant 1 : i32
      %dma_start3A_876 = arith.constant 1 : i32
      %dma_start3A_877 = arith.constant 3 : i32
      %dma_start3A_878 = arith.constant 384 : i32
      %dma_start3A_879 = arith.constant 0 : i32
      %dma_start3A_880 = tpu.memref_slice %arg7[%dma_start3A_875, %dma_start3A_878, %dma_start3A_879] : memref<2x768x16xf32, #tpu.memory_space<vmem>> -> memref<1x128x16xf32, #tpu.memory_space<vmem>>
      %dma_start3A_881 = tpu.memref_squeeze %dma_start3A_880 : memref<1x128x16xf32, #tpu.memory_space<vmem>> -> memref<128x16xf32, #tpu.memory_space<vmem>>
      %dma_start3A_882 = arith.constant 0 : i32
      %dma_start3A_883 = tpu.memref_slice %arg6[%dma_start3A_876, %dma_start3A_877, %dma_start3A_882] : memref<2x6x128xi32, #tpu.memory_space<vmem>> -> memref<1x1x128xi32, #tpu.memory_space<vmem>>
      %dma_start3A_884 = tpu.memref_squeeze %dma_start3A_883 : memref<1x1x128xi32, #tpu.memory_space<vmem>> -> memref<128xi32, #tpu.memory_space<vmem>>
      %dma_start3A_885 = arith.constant 0 : i32
      %dma_start3A_886 = arith.constant 0 : i32
      %dma_start3A_887 = tpu.memref_slice %arg8[%dma_start3A_885, %dma_start3A_886] : memref<100096x16xf32, #tpu.memory_space<vmem_shared>> -> memref<100096x16xf32, #tpu.memory_space<vmem_shared>>
      tpu.enqueue_indirect_dma source(%dma_start3A_881 : memref<128x16xf32, #tpu.memory_space<vmem>>) target(%dma_start3A_887 : memref<100096x16xf32, #tpu.memory_space<vmem_shared>>) offsets(%dma_start3A_884 : memref<128xi32, #tpu.memory_space<vmem>>) semaphore(%arg13 : memref<!tpu.dma_semaphore, #tpu.memory_space<semaphore_mem>>) {add = true}
      %dma_start3A_888 = arith.constant 1 : i32
      %dma_start3A_889 = arith.constant 1 : i32
      %dma_start3A_890 = arith.constant 4 : i32
      %dma_start3A_891 = arith.constant 512 : i32
      %dma_start3A_892 = arith.constant 0 : i32
      %dma_start3A_893 = tpu.memref_slice %arg7[%dma_start3A_888, %dma_start3A_891, %dma_start3A_892] : memref<2x768x16xf32, #tpu.memory_space<vmem>> -> memref<1x128x16xf32, #tpu.memory_space<vmem>>
      %dma_start3A_894 = tpu.memref_squeeze %dma_start3A_893 : memref<1x128x16xf32, #tpu.memory_space<vmem>> -> memref<128x16xf32, #tpu.memory_space<vmem>>
      %dma_start3A_895 = arith.constant 0 : i32
      %dma_start3A_896 = tpu.memref_slice %arg6[%dma_start3A_889, %dma_start3A_890, %dma_start3A_895] : memref<2x6x128xi32, #tpu.memory_space<vmem>> -> memref<1x1x128xi32, #tpu.memory_space<vmem>>
      %dma_start3A_897 = tpu.memref_squeeze %dma_start3A_896 : memref<1x1x128xi32, #tpu.memory_space<vmem>> -> memref<128xi32, #tpu.memory_space<vmem>>
      %dma_start3A_898 = arith.constant 0 : i32
      %dma_start3A_899 = arith.constant 0 : i32
      %dma_start3A_900 = tpu.memref_slice %arg8[%dma_start3A_898, %dma_start3A_899] : memref<100096x16xf32, #tpu.memory_space<vmem_shared>> -> memref<100096x16xf32, #tpu.memory_space<vmem_shared>>
      tpu.enqueue_indirect_dma source(%dma_start3A_894 : memref<128x16xf32, #tpu.memory_space<vmem>>) target(%dma_start3A_900 : memref<100096x16xf32, #tpu.memory_space<vmem_shared>>) offsets(%dma_start3A_897 : memref<128xi32, #tpu.memory_space<vmem>>) semaphore(%arg13 : memref<!tpu.dma_semaphore, #tpu.memory_space<semaphore_mem>>) {add = true}
      %dma_start3A_901 = arith.constant 1 : i32
      %dma_start3A_902 = arith.constant 1 : i32
      %dma_start3A_903 = arith.constant 5 : i32
      %dma_start3A_904 = arith.constant 640 : i32
      %dma_start3A_905 = arith.constant 0 : i32
      %dma_start3A_906 = tpu.memref_slice %arg7[%dma_start3A_901, %dma_start3A_904, %dma_start3A_905] : memref<2x768x16xf32, #tpu.memory_space<vmem>> -> memref<1x128x16xf32, #tpu.memory_space<vmem>>
      %dma_start3A_907 = tpu.memref_squeeze %dma_start3A_906 : memref<1x128x16xf32, #tpu.memory_space<vmem>> -> memref<128x16xf32, #tpu.memory_space<vmem>>
      %dma_start3A_908 = arith.constant 0 : i32
      %dma_start3A_909 = tpu.memref_slice %arg6[%dma_start3A_902, %dma_start3A_903, %dma_start3A_908] : memref<2x6x128xi32, #tpu.memory_space<vmem>> -> memref<1x1x128xi32, #tpu.memory_space<vmem>>
      %dma_start3A_910 = tpu.memref_squeeze %dma_start3A_909 : memref<1x1x128xi32, #tpu.memory_space<vmem>> -> memref<128xi32, #tpu.memory_space<vmem>>
      %dma_start3A_911 = arith.constant 0 : i32
      %dma_start3A_912 = arith.constant 0 : i32
      %dma_start3A_913 = tpu.memref_slice %arg8[%dma_start3A_911, %dma_start3A_912] : memref<100096x16xf32, #tpu.memory_space<vmem_shared>> -> memref<100096x16xf32, #tpu.memory_space<vmem_shared>>
      tpu.enqueue_indirect_dma source(%dma_start3A_907 : memref<128x16xf32, #tpu.memory_space<vmem>>) target(%dma_start3A_913 : memref<100096x16xf32, #tpu.memory_space<vmem_shared>>) offsets(%dma_start3A_910 : memref<128xi32, #tpu.memory_space<vmem>>) semaphore(%arg13 : memref<!tpu.dma_semaphore, #tpu.memory_space<semaphore_mem>>) {add = true}
    }
    %scan3A_167 = arith.constant 65 : i32
    %dma_wait3A = arith.constant 0 : i32
    %dma_wait3A_168 = arith.constant 0 : i32
    %dma_wait3A_169 = arith.constant 0 : i32
    %dma_wait3A_170 = arith.constant 0 : i32
    %dma_wait3A_171 = arith.constant 0 : i32
    %dma_wait3A_172 = tpu.memref_slice %arg7[%dma_wait3A_169, %dma_wait3A_170, %dma_wait3A_171] : memref<2x768x16xf32, #tpu.memory_space<vmem>> -> memref<1x128x16xf32, #tpu.memory_space<vmem>>
    %dma_wait3A_173 = tpu.memref_squeeze %dma_wait3A_172 : memref<1x128x16xf32, #tpu.memory_space<vmem>> -> memref<128x16xf32, #tpu.memory_space<vmem>>
    %dma_wait3A_174 = arith.constant 0 : i32
    %dma_wait3A_175 = tpu.memref_slice %arg5[%dma_wait3A, %dma_wait3A_168, %dma_wait3A_174] : memref<2x6x128xi32, #tpu.memory_space<vmem>> -> memref<1x1x128xi32, #tpu.memory_space<vmem>>
    %dma_wait3A_176 = tpu.memref_squeeze %dma_wait3A_175 : memref<1x1x128xi32, #tpu.memory_space<vmem>> -> memref<128xi32, #tpu.memory_space<vmem>>
    %dma_wait3A_177 = arith.constant 0 : i32
    %dma_wait3A_178 = arith.constant 0 : i32
    %dma_wait3A_179 = tpu.memref_slice %arg2[%dma_wait3A_177, %dma_wait3A_178] : memref<100000x16xf32, #tpu.memory_space<hbm>> -> memref<100000x16xf32, #tpu.memory_space<hbm>>
    tpu.wait_indirect_dma semaphore(%arg10 : memref<!tpu.dma_semaphore, #tpu.memory_space<semaphore_mem>>) src(%dma_wait3A_179 : memref<100000x16xf32, #tpu.memory_space<hbm>>) dst(%dma_wait3A_173 : memref<128x16xf32, #tpu.memory_space<vmem>>)
    %dma_wait3A_180 = arith.constant 0 : i32
    %dma_wait3A_181 = arith.constant 1 : i32
    %dma_wait3A_182 = arith.constant 0 : i32
    %dma_wait3A_183 = arith.constant 128 : i32
    %dma_wait3A_184 = arith.constant 0 : i32
    %dma_wait3A_185 = tpu.memref_slice %arg7[%dma_wait3A_182, %dma_wait3A_183, %dma_wait3A_184] : memref<2x768x16xf32, #tpu.memory_space<vmem>> -> memref<1x128x16xf32, #tpu.memory_space<vmem>>
    %dma_wait3A_186 = tpu.memref_squeeze %dma_wait3A_185 : memref<1x128x16xf32, #tpu.memory_space<vmem>> -> memref<128x16xf32, #tpu.memory_space<vmem>>
    %dma_wait3A_187 = arith.constant 0 : i32
    %dma_wait3A_188 = tpu.memref_slice %arg5[%dma_wait3A_180, %dma_wait3A_181, %dma_wait3A_187] : memref<2x6x128xi32, #tpu.memory_space<vmem>> -> memref<1x1x128xi32, #tpu.memory_space<vmem>>
    %dma_wait3A_189 = tpu.memref_squeeze %dma_wait3A_188 : memref<1x1x128xi32, #tpu.memory_space<vmem>> -> memref<128xi32, #tpu.memory_space<vmem>>
    %dma_wait3A_190 = arith.constant 0 : i32
    %dma_wait3A_191 = arith.constant 0 : i32
    %dma_wait3A_192 = tpu.memref_slice %arg2[%dma_wait3A_190, %dma_wait3A_191] : memref<100000x16xf32, #tpu.memory_space<hbm>> -> memref<100000x16xf32, #tpu.memory_space<hbm>>
    tpu.wait_indirect_dma semaphore(%arg10 : memref<!tpu.dma_semaphore, #tpu.memory_space<semaphore_mem>>) src(%dma_wait3A_192 : memref<100000x16xf32, #tpu.memory_space<hbm>>) dst(%dma_wait3A_186 : memref<128x16xf32, #tpu.memory_space<vmem>>)
    %dma_wait3A_193 = arith.constant 0 : i32
    %dma_wait3A_194 = arith.constant 2 : i32
    %dma_wait3A_195 = arith.constant 0 : i32
    %dma_wait3A_196 = arith.constant 256 : i32
    %dma_wait3A_197 = arith.constant 0 : i32
    %dma_wait3A_198 = tpu.memref_slice %arg7[%dma_wait3A_195, %dma_wait3A_196, %dma_wait3A_197] : memref<2x768x16xf32, #tpu.memory_space<vmem>> -> memref<1x128x16xf32, #tpu.memory_space<vmem>>
    %dma_wait3A_199 = tpu.memref_squeeze %dma_wait3A_198 : memref<1x128x16xf32, #tpu.memory_space<vmem>> -> memref<128x16xf32, #tpu.memory_space<vmem>>
    %dma_wait3A_200 = arith.constant 0 : i32
    %dma_wait3A_201 = tpu.memref_slice %arg5[%dma_wait3A_193, %dma_wait3A_194, %dma_wait3A_200] : memref<2x6x128xi32, #tpu.memory_space<vmem>> -> memref<1x1x128xi32, #tpu.memory_space<vmem>>
    %dma_wait3A_202 = tpu.memref_squeeze %dma_wait3A_201 : memref<1x1x128xi32, #tpu.memory_space<vmem>> -> memref<128xi32, #tpu.memory_space<vmem>>
    %dma_wait3A_203 = arith.constant 0 : i32
    %dma_wait3A_204 = arith.constant 0 : i32
    %dma_wait3A_205 = tpu.memref_slice %arg2[%dma_wait3A_203, %dma_wait3A_204] : memref<100000x16xf32, #tpu.memory_space<hbm>> -> memref<100000x16xf32, #tpu.memory_space<hbm>>
    tpu.wait_indirect_dma semaphore(%arg10 : memref<!tpu.dma_semaphore, #tpu.memory_space<semaphore_mem>>) src(%dma_wait3A_205 : memref<100000x16xf32, #tpu.memory_space<hbm>>) dst(%dma_wait3A_199 : memref<128x16xf32, #tpu.memory_space<vmem>>)
    %dma_wait3A_206 = arith.constant 0 : i32
    %dma_wait3A_207 = arith.constant 3 : i32
    %dma_wait3A_208 = arith.constant 0 : i32
    %dma_wait3A_209 = arith.constant 384 : i32
    %dma_wait3A_210 = arith.constant 0 : i32
    %dma_wait3A_211 = tpu.memref_slice %arg7[%dma_wait3A_208, %dma_wait3A_209, %dma_wait3A_210] : memref<2x768x16xf32, #tpu.memory_space<vmem>> -> memref<1x128x16xf32, #tpu.memory_space<vmem>>
    %dma_wait3A_212 = tpu.memref_squeeze %dma_wait3A_211 : memref<1x128x16xf32, #tpu.memory_space<vmem>> -> memref<128x16xf32, #tpu.memory_space<vmem>>
    %dma_wait3A_213 = arith.constant 0 : i32
    %dma_wait3A_214 = tpu.memref_slice %arg5[%dma_wait3A_206, %dma_wait3A_207, %dma_wait3A_213] : memref<2x6x128xi32, #tpu.memory_space<vmem>> -> memref<1x1x128xi32, #tpu.memory_space<vmem>>
    %dma_wait3A_215 = tpu.memref_squeeze %dma_wait3A_214 : memref<1x1x128xi32, #tpu.memory_space<vmem>> -> memref<128xi32, #tpu.memory_space<vmem>>
    %dma_wait3A_216 = arith.constant 0 : i32
    %dma_wait3A_217 = arith.constant 0 : i32
    %dma_wait3A_218 = tpu.memref_slice %arg2[%dma_wait3A_216, %dma_wait3A_217] : memref<100000x16xf32, #tpu.memory_space<hbm>> -> memref<100000x16xf32, #tpu.memory_space<hbm>>
    tpu.wait_indirect_dma semaphore(%arg10 : memref<!tpu.dma_semaphore, #tpu.memory_space<semaphore_mem>>) src(%dma_wait3A_218 : memref<100000x16xf32, #tpu.memory_space<hbm>>) dst(%dma_wait3A_212 : memref<128x16xf32, #tpu.memory_space<vmem>>)
    %dma_wait3A_219 = arith.constant 0 : i32
    %dma_wait3A_220 = arith.constant 4 : i32
    %dma_wait3A_221 = arith.constant 0 : i32
    %dma_wait3A_222 = arith.constant 512 : i32
    %dma_wait3A_223 = arith.constant 0 : i32
    %dma_wait3A_224 = tpu.memref_slice %arg7[%dma_wait3A_221, %dma_wait3A_222, %dma_wait3A_223] : memref<2x768x16xf32, #tpu.memory_space<vmem>> -> memref<1x128x16xf32, #tpu.memory_space<vmem>>
    %dma_wait3A_225 = tpu.memref_squeeze %dma_wait3A_224 : memref<1x128x16xf32, #tpu.memory_space<vmem>> -> memref<128x16xf32, #tpu.memory_space<vmem>>
    %dma_wait3A_226 = arith.constant 0 : i32
    %dma_wait3A_227 = tpu.memref_slice %arg5[%dma_wait3A_219, %dma_wait3A_220, %dma_wait3A_226] : memref<2x6x128xi32, #tpu.memory_space<vmem>> -> memref<1x1x128xi32, #tpu.memory_space<vmem>>
    %dma_wait3A_228 = tpu.memref_squeeze %dma_wait3A_227 : memref<1x1x128xi32, #tpu.memory_space<vmem>> -> memref<128xi32, #tpu.memory_space<vmem>>
    %dma_wait3A_229 = arith.constant 0 : i32
    %dma_wait3A_230 = arith.constant 0 : i32
    %dma_wait3A_231 = tpu.memref_slice %arg2[%dma_wait3A_229, %dma_wait3A_230] : memref<100000x16xf32, #tpu.memory_space<hbm>> -> memref<100000x16xf32, #tpu.memory_space<hbm>>
    tpu.wait_indirect_dma semaphore(%arg10 : memref<!tpu.dma_semaphore, #tpu.memory_space<semaphore_mem>>) src(%dma_wait3A_231 : memref<100000x16xf32, #tpu.memory_space<hbm>>) dst(%dma_wait3A_225 : memref<128x16xf32, #tpu.memory_space<vmem>>)
    %dma_wait3A_232 = arith.constant 0 : i32
    %dma_wait3A_233 = arith.constant 5 : i32
    %dma_wait3A_234 = arith.constant 0 : i32
    %dma_wait3A_235 = arith.constant 640 : i32
    %dma_wait3A_236 = arith.constant 0 : i32
    %dma_wait3A_237 = tpu.memref_slice %arg7[%dma_wait3A_234, %dma_wait3A_235, %dma_wait3A_236] : memref<2x768x16xf32, #tpu.memory_space<vmem>> -> memref<1x128x16xf32, #tpu.memory_space<vmem>>
    %dma_wait3A_238 = tpu.memref_squeeze %dma_wait3A_237 : memref<1x128x16xf32, #tpu.memory_space<vmem>> -> memref<128x16xf32, #tpu.memory_space<vmem>>
    %dma_wait3A_239 = arith.constant 0 : i32
    %dma_wait3A_240 = tpu.memref_slice %arg5[%dma_wait3A_232, %dma_wait3A_233, %dma_wait3A_239] : memref<2x6x128xi32, #tpu.memory_space<vmem>> -> memref<1x1x128xi32, #tpu.memory_space<vmem>>
    %dma_wait3A_241 = tpu.memref_squeeze %dma_wait3A_240 : memref<1x1x128xi32, #tpu.memory_space<vmem>> -> memref<128xi32, #tpu.memory_space<vmem>>
    %dma_wait3A_242 = arith.constant 0 : i32
    %dma_wait3A_243 = arith.constant 0 : i32
    %dma_wait3A_244 = tpu.memref_slice %arg2[%dma_wait3A_242, %dma_wait3A_243] : memref<100000x16xf32, #tpu.memory_space<hbm>> -> memref<100000x16xf32, #tpu.memory_space<hbm>>
    tpu.wait_indirect_dma semaphore(%arg10 : memref<!tpu.dma_semaphore, #tpu.memory_space<semaphore_mem>>) src(%dma_wait3A_244 : memref<100000x16xf32, #tpu.memory_space<hbm>>) dst(%dma_wait3A_238 : memref<128x16xf32, #tpu.memory_space<vmem>>)
    %dma_wait3A_245 = arith.constant 1 : i32
    %dma_wait3A_246 = arith.constant 1 : i32
    %dma_wait3A_247 = arith.constant 0 : i32
    %dma_wait3A_248 = arith.constant 0 : i32
    %dma_wait3A_249 = arith.constant 0 : i32
    %dma_wait3A_250 = tpu.memref_slice %arg7[%dma_wait3A_245, %dma_wait3A_248, %dma_wait3A_249] : memref<2x768x16xf32, #tpu.memory_space<vmem>> -> memref<1x128x16xf32, #tpu.memory_space<vmem>>
    %dma_wait3A_251 = tpu.memref_squeeze %dma_wait3A_250 : memref<1x128x16xf32, #tpu.memory_space<vmem>> -> memref<128x16xf32, #tpu.memory_space<vmem>>
    %dma_wait3A_252 = arith.constant 0 : i32
    %dma_wait3A_253 = tpu.memref_slice %arg6[%dma_wait3A_246, %dma_wait3A_247, %dma_wait3A_252] : memref<2x6x128xi32, #tpu.memory_space<vmem>> -> memref<1x1x128xi32, #tpu.memory_space<vmem>>
    %dma_wait3A_254 = tpu.memref_squeeze %dma_wait3A_253 : memref<1x1x128xi32, #tpu.memory_space<vmem>> -> memref<128xi32, #tpu.memory_space<vmem>>
    %dma_wait3A_255 = arith.constant 0 : i32
    %dma_wait3A_256 = arith.constant 0 : i32
    %dma_wait3A_257 = tpu.memref_slice %arg8[%dma_wait3A_255, %dma_wait3A_256] : memref<100096x16xf32, #tpu.memory_space<vmem_shared>> -> memref<100096x16xf32, #tpu.memory_space<vmem_shared>>
    tpu.wait_indirect_dma semaphore(%arg13 : memref<!tpu.dma_semaphore, #tpu.memory_space<semaphore_mem>>) src(%dma_wait3A_251 : memref<128x16xf32, #tpu.memory_space<vmem>>) dst(%dma_wait3A_257 : memref<100096x16xf32, #tpu.memory_space<vmem_shared>>)
    %dma_wait3A_258 = arith.constant 1 : i32
    %dma_wait3A_259 = arith.constant 1 : i32
    %dma_wait3A_260 = arith.constant 1 : i32
    %dma_wait3A_261 = arith.constant 128 : i32
    %dma_wait3A_262 = arith.constant 0 : i32
    %dma_wait3A_263 = tpu.memref_slice %arg7[%dma_wait3A_258, %dma_wait3A_261, %dma_wait3A_262] : memref<2x768x16xf32, #tpu.memory_space<vmem>> -> memref<1x128x16xf32, #tpu.memory_space<vmem>>
    %dma_wait3A_264 = tpu.memref_squeeze %dma_wait3A_263 : memref<1x128x16xf32, #tpu.memory_space<vmem>> -> memref<128x16xf32, #tpu.memory_space<vmem>>
    %dma_wait3A_265 = arith.constant 0 : i32
    %dma_wait3A_266 = tpu.memref_slice %arg6[%dma_wait3A_259, %dma_wait3A_260, %dma_wait3A_265] : memref<2x6x128xi32, #tpu.memory_space<vmem>> -> memref<1x1x128xi32, #tpu.memory_space<vmem>>
    %dma_wait3A_267 = tpu.memref_squeeze %dma_wait3A_266 : memref<1x1x128xi32, #tpu.memory_space<vmem>> -> memref<128xi32, #tpu.memory_space<vmem>>
    %dma_wait3A_268 = arith.constant 0 : i32
    %dma_wait3A_269 = arith.constant 0 : i32
    %dma_wait3A_270 = tpu.memref_slice %arg8[%dma_wait3A_268, %dma_wait3A_269] : memref<100096x16xf32, #tpu.memory_space<vmem_shared>> -> memref<100096x16xf32, #tpu.memory_space<vmem_shared>>
    tpu.wait_indirect_dma semaphore(%arg13 : memref<!tpu.dma_semaphore, #tpu.memory_space<semaphore_mem>>) src(%dma_wait3A_264 : memref<128x16xf32, #tpu.memory_space<vmem>>) dst(%dma_wait3A_270 : memref<100096x16xf32, #tpu.memory_space<vmem_shared>>)
    %dma_wait3A_271 = arith.constant 1 : i32
    %dma_wait3A_272 = arith.constant 1 : i32
    %dma_wait3A_273 = arith.constant 2 : i32
    %dma_wait3A_274 = arith.constant 256 : i32
    %dma_wait3A_275 = arith.constant 0 : i32
    %dma_wait3A_276 = tpu.memref_slice %arg7[%dma_wait3A_271, %dma_wait3A_274, %dma_wait3A_275] : memref<2x768x16xf32, #tpu.memory_space<vmem>> -> memref<1x128x16xf32, #tpu.memory_space<vmem>>
    %dma_wait3A_277 = tpu.memref_squeeze %dma_wait3A_276 : memref<1x128x16xf32, #tpu.memory_space<vmem>> -> memref<128x16xf32, #tpu.memory_space<vmem>>
    %dma_wait3A_278 = arith.constant 0 : i32
    %dma_wait3A_279 = tpu.memref_slice %arg6[%dma_wait3A_272, %dma_wait3A_273, %dma_wait3A_278] : memref<2x6x128xi32, #tpu.memory_space<vmem>> -> memref<1x1x128xi32, #tpu.memory_space<vmem>>
    %dma_wait3A_280 = tpu.memref_squeeze %dma_wait3A_279 : memref<1x1x128xi32, #tpu.memory_space<vmem>> -> memref<128xi32, #tpu.memory_space<vmem>>
    %dma_wait3A_281 = arith.constant 0 : i32
    %dma_wait3A_282 = arith.constant 0 : i32
    %dma_wait3A_283 = tpu.memref_slice %arg8[%dma_wait3A_281, %dma_wait3A_282] : memref<100096x16xf32, #tpu.memory_space<vmem_shared>> -> memref<100096x16xf32, #tpu.memory_space<vmem_shared>>
    tpu.wait_indirect_dma semaphore(%arg13 : memref<!tpu.dma_semaphore, #tpu.memory_space<semaphore_mem>>) src(%dma_wait3A_277 : memref<128x16xf32, #tpu.memory_space<vmem>>) dst(%dma_wait3A_283 : memref<100096x16xf32, #tpu.memory_space<vmem_shared>>)
    %dma_wait3A_284 = arith.constant 1 : i32
    %dma_wait3A_285 = arith.constant 1 : i32
    %dma_wait3A_286 = arith.constant 3 : i32
    %dma_wait3A_287 = arith.constant 384 : i32
    %dma_wait3A_288 = arith.constant 0 : i32
    %dma_wait3A_289 = tpu.memref_slice %arg7[%dma_wait3A_284, %dma_wait3A_287, %dma_wait3A_288] : memref<2x768x16xf32, #tpu.memory_space<vmem>> -> memref<1x128x16xf32, #tpu.memory_space<vmem>>
    %dma_wait3A_290 = tpu.memref_squeeze %dma_wait3A_289 : memref<1x128x16xf32, #tpu.memory_space<vmem>> -> memref<128x16xf32, #tpu.memory_space<vmem>>
    %dma_wait3A_291 = arith.constant 0 : i32
    %dma_wait3A_292 = tpu.memref_slice %arg6[%dma_wait3A_285, %dma_wait3A_286, %dma_wait3A_291] : memref<2x6x128xi32, #tpu.memory_space<vmem>> -> memref<1x1x128xi32, #tpu.memory_space<vmem>>
    %dma_wait3A_293 = tpu.memref_squeeze %dma_wait3A_292 : memref<1x1x128xi32, #tpu.memory_space<vmem>> -> memref<128xi32, #tpu.memory_space<vmem>>
    %dma_wait3A_294 = arith.constant 0 : i32
    %dma_wait3A_295 = arith.constant 0 : i32
    %dma_wait3A_296 = tpu.memref_slice %arg8[%dma_wait3A_294, %dma_wait3A_295] : memref<100096x16xf32, #tpu.memory_space<vmem_shared>> -> memref<100096x16xf32, #tpu.memory_space<vmem_shared>>
    tpu.wait_indirect_dma semaphore(%arg13 : memref<!tpu.dma_semaphore, #tpu.memory_space<semaphore_mem>>) src(%dma_wait3A_290 : memref<128x16xf32, #tpu.memory_space<vmem>>) dst(%dma_wait3A_296 : memref<100096x16xf32, #tpu.memory_space<vmem_shared>>)
    %dma_wait3A_297 = arith.constant 1 : i32
    %dma_wait3A_298 = arith.constant 1 : i32
    %dma_wait3A_299 = arith.constant 4 : i32
    %dma_wait3A_300 = arith.constant 512 : i32
    %dma_wait3A_301 = arith.constant 0 : i32
    %dma_wait3A_302 = tpu.memref_slice %arg7[%dma_wait3A_297, %dma_wait3A_300, %dma_wait3A_301] : memref<2x768x16xf32, #tpu.memory_space<vmem>> -> memref<1x128x16xf32, #tpu.memory_space<vmem>>
    %dma_wait3A_303 = tpu.memref_squeeze %dma_wait3A_302 : memref<1x128x16xf32, #tpu.memory_space<vmem>> -> memref<128x16xf32, #tpu.memory_space<vmem>>
    %dma_wait3A_304 = arith.constant 0 : i32
    %dma_wait3A_305 = tpu.memref_slice %arg6[%dma_wait3A_298, %dma_wait3A_299, %dma_wait3A_304] : memref<2x6x128xi32, #tpu.memory_space<vmem>> -> memref<1x1x128xi32, #tpu.memory_space<vmem>>
    %dma_wait3A_306 = tpu.memref_squeeze %dma_wait3A_305 : memref<1x1x128xi32, #tpu.memory_space<vmem>> -> memref<128xi32, #tpu.memory_space<vmem>>
    %dma_wait3A_307 = arith.constant 0 : i32
    %dma_wait3A_308 = arith.constant 0 : i32
    %dma_wait3A_309 = tpu.memref_slice %arg8[%dma_wait3A_307, %dma_wait3A_308] : memref<100096x16xf32, #tpu.memory_space<vmem_shared>> -> memref<100096x16xf32, #tpu.memory_space<vmem_shared>>
    tpu.wait_indirect_dma semaphore(%arg13 : memref<!tpu.dma_semaphore, #tpu.memory_space<semaphore_mem>>) src(%dma_wait3A_303 : memref<128x16xf32, #tpu.memory_space<vmem>>) dst(%dma_wait3A_309 : memref<100096x16xf32, #tpu.memory_space<vmem_shared>>)
    %dma_wait3A_310 = arith.constant 1 : i32
    %dma_wait3A_311 = arith.constant 1 : i32
    %dma_wait3A_312 = arith.constant 5 : i32
    %dma_wait3A_313 = arith.constant 640 : i32
    %dma_wait3A_314 = arith.constant 0 : i32
    %dma_wait3A_315 = tpu.memref_slice %arg7[%dma_wait3A_310, %dma_wait3A_313, %dma_wait3A_314] : memref<2x768x16xf32, #tpu.memory_space<vmem>> -> memref<1x128x16xf32, #tpu.memory_space<vmem>>
    %dma_wait3A_316 = tpu.memref_squeeze %dma_wait3A_315 : memref<1x128x16xf32, #tpu.memory_space<vmem>> -> memref<128x16xf32, #tpu.memory_space<vmem>>
    %dma_wait3A_317 = arith.constant 0 : i32
    %dma_wait3A_318 = tpu.memref_slice %arg6[%dma_wait3A_311, %dma_wait3A_312, %dma_wait3A_317] : memref<2x6x128xi32, #tpu.memory_space<vmem>> -> memref<1x1x128xi32, #tpu.memory_space<vmem>>
    %dma_wait3A_319 = tpu.memref_squeeze %dma_wait3A_318 : memref<1x1x128xi32, #tpu.memory_space<vmem>> -> memref<128xi32, #tpu.memory_space<vmem>>
    %dma_wait3A_320 = arith.constant 0 : i32
    %dma_wait3A_321 = arith.constant 0 : i32
    %dma_wait3A_322 = tpu.memref_slice %arg8[%dma_wait3A_320, %dma_wait3A_321] : memref<100096x16xf32, #tpu.memory_space<vmem_shared>> -> memref<100096x16xf32, #tpu.memory_space<vmem_shared>>
    tpu.wait_indirect_dma semaphore(%arg13 : memref<!tpu.dma_semaphore, #tpu.memory_space<semaphore_mem>>) src(%dma_wait3A_316 : memref<128x16xf32, #tpu.memory_space<vmem>>) dst(%dma_wait3A_322 : memref<100096x16xf32, #tpu.memory_space<vmem_shared>>)
    %add3A_323 = arith.constant 780 : i32
    %add3A_324 = arith.addi %select_n3A, %add3A_323 : i32
    %while3A = arith.constant 0 : i32
    %while3A_325 = arith.subi %select_n3A_46, %add3A_324 : i32
    %while3A_326 = arith.addi %add3A_324, %while3A_325 : i32
    %while3A_327 = arith.constant 1 : i32
    %while3A_328 = arith.divsi %while3A_325, %while3A_327 : i32
    %while3A_329 = arith.muli %while3A_328, %while3A_327 : i32
    %while3A_330 = arith.addi %add3A_324, %while3A_329 : i32
    %while3A_331 = arith.constant 1 : i32
    scf.for %while3A_342 = %add3A_324 to %while3A_330 step %while3A_331  : i32 {
      %run_scoped3A_343 = arith.constant 0 : i32
      %run_scoped3A_344 = arith.constant 0 : i32
      %run_scoped3A_345 = arith.constant 0 : i32
      "tpu.region"() ({
        %run_scoped3A_378 = tpu.sem_alloc : memref<!tpu.dma_semaphore, #tpu.memory_space<semaphore_mem>>
        %dma_start3A_379 = arith.constant 0 : i32
        %dma_start3A_380 = tpu.memref_slice %arg5[%run_scoped3A_344, %run_scoped3A_345, %dma_start3A_379] : memref<2x6x128xi32, #tpu.memory_space<vmem>> -> memref<1x1x128xi32, #tpu.memory_space<vmem>>
        %dma_start3A_381 = tpu.memref_squeeze %dma_start3A_380 : memref<1x1x128xi32, #tpu.memory_space<vmem>> -> memref<128xi32, #tpu.memory_space<vmem>>
        %dma_start3A_382 = arith.constant 0 : i32
        %dma_start3A_383 = tpu.memref_slice %arg3[%run_scoped3A_343, %while3A_342, %dma_start3A_382] : memref<2x25000x128xi32, #tpu.memory_space<hbm>> -> memref<1x1x128xi32, #tpu.memory_space<hbm>>
        %dma_start3A_384 = tpu.memref_squeeze %dma_start3A_383 : memref<1x1x128xi32, #tpu.memory_space<hbm>> -> memref<128xi32, #tpu.memory_space<hbm>>
        %dma_start3A_385 = arith.constant 0 : i32
        %dma_start3A_386 = tpu.memref_slice %arg5[%run_scoped3A_344, %run_scoped3A_345, %dma_start3A_385] : memref<2x6x128xi32, #tpu.memory_space<vmem>> -> memref<1x1x128xi32, #tpu.memory_space<vmem>>
        %dma_start3A_387 = tpu.memref_squeeze %dma_start3A_386 : memref<1x1x128xi32, #tpu.memory_space<vmem>> -> memref<128xi32, #tpu.memory_space<vmem>>
        %dma_start3A_388 = arith.constant 0 : i32
        %dma_start3A_389 = tpu.memref_slice %arg3[%run_scoped3A_343, %while3A_342, %dma_start3A_388] : memref<2x25000x128xi32, #tpu.memory_space<hbm>> -> memref<1x1x128xi32, #tpu.memory_space<hbm>>
        %dma_start3A_390 = tpu.memref_squeeze %dma_start3A_389 : memref<1x1x128xi32, #tpu.memory_space<hbm>> -> memref<128xi32, #tpu.memory_space<hbm>>
        tpu.enqueue_dma source(%dma_start3A_390 : memref<128xi32, #tpu.memory_space<hbm>>) target(%dma_start3A_387 : memref<128xi32, #tpu.memory_space<vmem>>) target_semaphore(%run_scoped3A_378 : memref<!tpu.dma_semaphore, #tpu.memory_space<semaphore_mem>>)
        %dma_wait3A_391 = arith.constant 0 : i32
        %dma_wait3A_392 = tpu.memref_slice %arg5[%run_scoped3A_344, %run_scoped3A_345, %dma_wait3A_391] : memref<2x6x128xi32, #tpu.memory_space<vmem>> -> memref<1x1x128xi32, #tpu.memory_space<vmem>>
        %dma_wait3A_393 = tpu.memref_squeeze %dma_wait3A_392 : memref<1x1x128xi32, #tpu.memory_space<vmem>> -> memref<128xi32, #tpu.memory_space<vmem>>
        %dma_wait3A_394 = arith.constant 0 : i32
        %dma_wait3A_395 = tpu.memref_slice %arg3[%run_scoped3A_343, %while3A_342, %dma_wait3A_394] : memref<2x25000x128xi32, #tpu.memory_space<hbm>> -> memref<1x1x128xi32, #tpu.memory_space<hbm>>
        %dma_wait3A_396 = tpu.memref_squeeze %dma_wait3A_395 : memref<1x1x128xi32, #tpu.memory_space<hbm>> -> memref<128xi32, #tpu.memory_space<hbm>>
        %dma_wait3A_397 = arith.constant 0 : i32
        %dma_wait3A_398 = tpu.memref_slice %arg5[%run_scoped3A_344, %run_scoped3A_345, %dma_wait3A_397] : memref<2x6x128xi32, #tpu.memory_space<vmem>> -> memref<1x1x128xi32, #tpu.memory_space<vmem>>
        %dma_wait3A_399 = tpu.memref_squeeze %dma_wait3A_398 : memref<1x1x128xi32, #tpu.memory_space<vmem>> -> memref<128xi32, #tpu.memory_space<vmem>>
        %dma_wait3A_400 = arith.constant 0 : i32
        %dma_wait3A_401 = tpu.memref_slice %arg3[%run_scoped3A_343, %while3A_342, %dma_wait3A_400] : memref<2x25000x128xi32, #tpu.memory_space<hbm>> -> memref<1x1x128xi32, #tpu.memory_space<hbm>>
        %dma_wait3A_402 = tpu.memref_squeeze %dma_wait3A_401 : memref<1x1x128xi32, #tpu.memory_space<hbm>> -> memref<128xi32, #tpu.memory_space<hbm>>
        tpu.wait_dma2 semaphore(%run_scoped3A_378 : memref<!tpu.dma_semaphore, #tpu.memory_space<semaphore_mem>>) src(%dma_wait3A_402 : memref<128xi32, #tpu.memory_space<hbm>>) dst(%dma_wait3A_399 : memref<128xi32, #tpu.memory_space<vmem>>)
        tpu.yield
      }) : () -> ()
      %run_scoped3A_346 = arith.constant 1 : i32
      %run_scoped3A_347 = arith.constant 0 : i32
      %run_scoped3A_348 = arith.constant 0 : i32
      "tpu.region"() ({
        %run_scoped3A_378 = tpu.sem_alloc : memref<!tpu.dma_semaphore, #tpu.memory_space<semaphore_mem>>
        %dma_start3A_379 = arith.constant 0 : i32
        %dma_start3A_380 = tpu.memref_slice %arg6[%run_scoped3A_347, %run_scoped3A_348, %dma_start3A_379] : memref<2x6x128xi32, #tpu.memory_space<vmem>> -> memref<1x1x128xi32, #tpu.memory_space<vmem>>
        %dma_start3A_381 = tpu.memref_squeeze %dma_start3A_380 : memref<1x1x128xi32, #tpu.memory_space<vmem>> -> memref<128xi32, #tpu.memory_space<vmem>>
        %dma_start3A_382 = arith.constant 0 : i32
        %dma_start3A_383 = tpu.memref_slice %arg3[%run_scoped3A_346, %while3A_342, %dma_start3A_382] : memref<2x25000x128xi32, #tpu.memory_space<hbm>> -> memref<1x1x128xi32, #tpu.memory_space<hbm>>
        %dma_start3A_384 = tpu.memref_squeeze %dma_start3A_383 : memref<1x1x128xi32, #tpu.memory_space<hbm>> -> memref<128xi32, #tpu.memory_space<hbm>>
        %dma_start3A_385 = arith.constant 0 : i32
        %dma_start3A_386 = tpu.memref_slice %arg6[%run_scoped3A_347, %run_scoped3A_348, %dma_start3A_385] : memref<2x6x128xi32, #tpu.memory_space<vmem>> -> memref<1x1x128xi32, #tpu.memory_space<vmem>>
        %dma_start3A_387 = tpu.memref_squeeze %dma_start3A_386 : memref<1x1x128xi32, #tpu.memory_space<vmem>> -> memref<128xi32, #tpu.memory_space<vmem>>
        %dma_start3A_388 = arith.constant 0 : i32
        %dma_start3A_389 = tpu.memref_slice %arg3[%run_scoped3A_346, %while3A_342, %dma_start3A_388] : memref<2x25000x128xi32, #tpu.memory_space<hbm>> -> memref<1x1x128xi32, #tpu.memory_space<hbm>>
        %dma_start3A_390 = tpu.memref_squeeze %dma_start3A_389 : memref<1x1x128xi32, #tpu.memory_space<hbm>> -> memref<128xi32, #tpu.memory_space<hbm>>
        tpu.enqueue_dma source(%dma_start3A_390 : memref<128xi32, #tpu.memory_space<hbm>>) target(%dma_start3A_387 : memref<128xi32, #tpu.memory_space<vmem>>) target_semaphore(%run_scoped3A_378 : memref<!tpu.dma_semaphore, #tpu.memory_space<semaphore_mem>>)
        %dma_wait3A_391 = arith.constant 0 : i32
        %dma_wait3A_392 = tpu.memref_slice %arg6[%run_scoped3A_347, %run_scoped3A_348, %dma_wait3A_391] : memref<2x6x128xi32, #tpu.memory_space<vmem>> -> memref<1x1x128xi32, #tpu.memory_space<vmem>>
        %dma_wait3A_393 = tpu.memref_squeeze %dma_wait3A_392 : memref<1x1x128xi32, #tpu.memory_space<vmem>> -> memref<128xi32, #tpu.memory_space<vmem>>
        %dma_wait3A_394 = arith.constant 0 : i32
        %dma_wait3A_395 = tpu.memref_slice %arg3[%run_scoped3A_346, %while3A_342, %dma_wait3A_394] : memref<2x25000x128xi32, #tpu.memory_space<hbm>> -> memref<1x1x128xi32, #tpu.memory_space<hbm>>
        %dma_wait3A_396 = tpu.memref_squeeze %dma_wait3A_395 : memref<1x1x128xi32, #tpu.memory_space<hbm>> -> memref<128xi32, #tpu.memory_space<hbm>>
        %dma_wait3A_397 = arith.constant 0 : i32
        %dma_wait3A_398 = tpu.memref_slice %arg6[%run_scoped3A_347, %run_scoped3A_348, %dma_wait3A_397] : memref<2x6x128xi32, #tpu.memory_space<vmem>> -> memref<1x1x128xi32, #tpu.memory_space<vmem>>
        %dma_wait3A_399 = tpu.memref_squeeze %dma_wait3A_398 : memref<1x1x128xi32, #tpu.memory_space<vmem>> -> memref<128xi32, #tpu.memory_space<vmem>>
        %dma_wait3A_400 = arith.constant 0 : i32
        %dma_wait3A_401 = tpu.memref_slice %arg3[%run_scoped3A_346, %while3A_342, %dma_wait3A_400] : memref<2x25000x128xi32, #tpu.memory_space<hbm>> -> memref<1x1x128xi32, #tpu.memory_space<hbm>>
        %dma_wait3A_402 = tpu.memref_squeeze %dma_wait3A_401 : memref<1x1x128xi32, #tpu.memory_space<hbm>> -> memref<128xi32, #tpu.memory_space<hbm>>
        tpu.wait_dma2 semaphore(%run_scoped3A_378 : memref<!tpu.dma_semaphore, #tpu.memory_space<semaphore_mem>>) src(%dma_wait3A_402 : memref<128xi32, #tpu.memory_space<hbm>>) dst(%dma_wait3A_399 : memref<128xi32, #tpu.memory_space<vmem>>)
        tpu.yield
      }) : () -> ()
      %dma_start3A_349 = arith.constant 0 : i32
      %dma_start3A_350 = arith.constant 0 : i32
      %dma_start3A_351 = arith.constant 0 : i32
      %dma_start3A_352 = arith.constant 0 : i32
      %dma_start3A_353 = arith.constant 0 : i32
      %dma_start3A_354 = tpu.memref_slice %arg7[%dma_start3A_351, %dma_start3A_352, %dma_start3A_353] : memref<2x768x16xf32, #tpu.memory_space<vmem>> -> memref<1x128x16xf32, #tpu.memory_space<vmem>>
      %dma_start3A_355 = tpu.memref_squeeze %dma_start3A_354 : memref<1x128x16xf32, #tpu.memory_space<vmem>> -> memref<128x16xf32, #tpu.memory_space<vmem>>
      %dma_start3A_356 = arith.constant 0 : i32
      %dma_start3A_357 = tpu.memref_slice %arg5[%dma_start3A_349, %dma_start3A_350, %dma_start3A_356] : memref<2x6x128xi32, #tpu.memory_space<vmem>> -> memref<1x1x128xi32, #tpu.memory_space<vmem>>
      %dma_start3A_358 = tpu.memref_squeeze %dma_start3A_357 : memref<1x1x128xi32, #tpu.memory_space<vmem>> -> memref<128xi32, #tpu.memory_space<vmem>>
      %dma_start3A_359 = arith.constant 0 : i32
      %dma_start3A_360 = arith.constant 0 : i32
      %dma_start3A_361 = tpu.memref_slice %arg2[%dma_start3A_359, %dma_start3A_360] : memref<100000x16xf32, #tpu.memory_space<hbm>> -> memref<100000x16xf32, #tpu.memory_space<hbm>>
      tpu.enqueue_indirect_dma source(%dma_start3A_361 : memref<100000x16xf32, #tpu.memory_space<hbm>>) target(%dma_start3A_355 : memref<128x16xf32, #tpu.memory_space<vmem>>) offsets(%dma_start3A_358 : memref<128xi32, #tpu.memory_space<vmem>>) semaphore(%arg10 : memref<!tpu.dma_semaphore, #tpu.memory_space<semaphore_mem>>)
      %dma_wait3A_362 = arith.constant 0 : i32
      %dma_wait3A_363 = arith.constant 0 : i32
      %dma_wait3A_364 = arith.constant 0 : i32
      %dma_wait3A_365 = arith.constant 0 : i32
      %dma_wait3A_366 = arith.constant 0 : i32
      %dma_wait3A_367 = tpu.memref_slice %arg7[%dma_wait3A_364, %dma_wait3A_365, %dma_wait3A_366] : memref<2x768x16xf32, #tpu.memory_space<vmem>> -> memref<1x128x16xf32, #tpu.memory_space<vmem>>
      %dma_wait3A_368 = tpu.memref_squeeze %dma_wait3A_367 : memref<1x128x16xf32, #tpu.memory_space<vmem>> -> memref<128x16xf32, #tpu.memory_space<vmem>>
      %dma_wait3A_369 = arith.constant 0 : i32
      %dma_wait3A_370 = tpu.memref_slice %arg5[%dma_wait3A_362, %dma_wait3A_363, %dma_wait3A_369] : memref<2x6x128xi32, #tpu.memory_space<vmem>> -> memref<1x1x128xi32, #tpu.memory_space<vmem>>
      %dma_wait3A_371 = tpu.memref_squeeze %dma_wait3A_370 : memref<1x1x128xi32, #tpu.memory_space<vmem>> -> memref<128xi32, #tpu.memory_space<vmem>>
      %dma_wait3A_372 = arith.constant 0 : i32
      %dma_wait3A_373 = arith.constant 0 : i32
      %dma_wait3A_374 = tpu.memref_slice %arg2[%dma_wait3A_372, %dma_wait3A_373] : memref<100000x16xf32, #tpu.memory_space<hbm>> -> memref<100000x16xf32, #tpu.memory_space<hbm>>
      tpu.wait_indirect_dma semaphore(%arg10 : memref<!tpu.dma_semaphore, #tpu.memory_space<semaphore_mem>>) src(%dma_wait3A_374 : memref<100000x16xf32, #tpu.memory_space<hbm>>) dst(%dma_wait3A_368 : memref<128x16xf32, #tpu.memory_space<vmem>>)
      %run_scoped3A_375 = arith.constant 0 : i32
      %run_scoped3A_376 = arith.constant 0 : i32
      %run_scoped3A_377 = arith.constant 0 : i32
      "tpu.region"() ({
        %run_scoped3A_378 = tpu.sem_alloc : memref<!tpu.dma_semaphore, #tpu.memory_space<semaphore_mem>>
        %dma_start3A_379 = arith.constant 0 : i32
        %dma_start3A_380 = arith.constant 0 : i32
        %dma_start3A_381 = tpu.memref_slice %arg7[%run_scoped3A_375, %dma_start3A_379, %dma_start3A_380] : memref<2x768x16xf32, #tpu.memory_space<vmem>> -> memref<1x128x16xf32, #tpu.memory_space<vmem>>
        %dma_start3A_382 = tpu.memref_squeeze %dma_start3A_381 : memref<1x128x16xf32, #tpu.memory_space<vmem>> -> memref<128x16xf32, #tpu.memory_space<vmem>>
        %dma_start3A_383 = arith.constant 0 : i32
        %dma_start3A_384 = tpu.memref_slice %arg6[%run_scoped3A_376, %run_scoped3A_377, %dma_start3A_383] : memref<2x6x128xi32, #tpu.memory_space<vmem>> -> memref<1x1x128xi32, #tpu.memory_space<vmem>>
        %dma_start3A_385 = tpu.memref_squeeze %dma_start3A_384 : memref<1x1x128xi32, #tpu.memory_space<vmem>> -> memref<128xi32, #tpu.memory_space<vmem>>
        %dma_start3A_386 = arith.constant 0 : i32
        %dma_start3A_387 = arith.constant 0 : i32
        %dma_start3A_388 = tpu.memref_slice %arg8[%dma_start3A_386, %dma_start3A_387] : memref<100096x16xf32, #tpu.memory_space<vmem_shared>> -> memref<100096x16xf32, #tpu.memory_space<vmem_shared>>
        tpu.enqueue_indirect_dma source(%dma_start3A_382 : memref<128x16xf32, #tpu.memory_space<vmem>>) target(%dma_start3A_388 : memref<100096x16xf32, #tpu.memory_space<vmem_shared>>) offsets(%dma_start3A_385 : memref<128xi32, #tpu.memory_space<vmem>>) semaphore(%run_scoped3A_378 : memref<!tpu.dma_semaphore, #tpu.memory_space<semaphore_mem>>) {add = true}
        %dma_wait3A_389 = arith.constant 0 : i32
        %dma_wait3A_390 = arith.constant 0 : i32
        %dma_wait3A_391 = tpu.memref_slice %arg7[%run_scoped3A_375, %dma_wait3A_389, %dma_wait3A_390] : memref<2x768x16xf32, #tpu.memory_space<vmem>> -> memref<1x128x16xf32, #tpu.memory_space<vmem>>
        %dma_wait3A_392 = tpu.memref_squeeze %dma_wait3A_391 : memref<1x128x16xf32, #tpu.memory_space<vmem>> -> memref<128x16xf32, #tpu.memory_space<vmem>>
        %dma_wait3A_393 = arith.constant 0 : i32
        %dma_wait3A_394 = tpu.memref_slice %arg6[%run_scoped3A_376, %run_scoped3A_377, %dma_wait3A_393] : memref<2x6x128xi32, #tpu.memory_space<vmem>> -> memref<1x1x128xi32, #tpu.memory_space<vmem>>
        %dma_wait3A_395 = tpu.memref_squeeze %dma_wait3A_394 : memref<1x1x128xi32, #tpu.memory_space<vmem>> -> memref<128xi32, #tpu.memory_space<vmem>>
        %dma_wait3A_396 = arith.constant 0 : i32
        %dma_wait3A_397 = arith.constant 0 : i32
        %dma_wait3A_398 = tpu.memref_slice %arg8[%dma_wait3A_396, %dma_wait3A_397] : memref<100096x16xf32, #tpu.memory_space<vmem_shared>> -> memref<100096x16xf32, #tpu.memory_space<vmem_shared>>
        tpu.wait_indirect_dma semaphore(%run_scoped3A_378 : memref<!tpu.dma_semaphore, #tpu.memory_space<semaphore_mem>>) src(%dma_wait3A_392 : memref<128x16xf32, #tpu.memory_space<vmem>>) dst(%dma_wait3A_398 : memref<100096x16xf32, #tpu.memory_space<vmem_shared>>)
        tpu.yield
      }) : () -> ()
    }
    %while3A_332 = arith.constant 1 : i32
    scf.for %while3A_342 = %while3A_330 to %while3A_326 step %while3A_332  : i32 {
      %run_scoped3A_343 = arith.constant 0 : i32
      %run_scoped3A_344 = arith.constant 0 : i32
      %run_scoped3A_345 = arith.constant 0 : i32
      "tpu.region"() ({
        %run_scoped3A_378 = tpu.sem_alloc : memref<!tpu.dma_semaphore, #tpu.memory_space<semaphore_mem>>
        %dma_start3A_379 = arith.constant 0 : i32
        %dma_start3A_380 = tpu.memref_slice %arg5[%run_scoped3A_344, %run_scoped3A_345, %dma_start3A_379] : memref<2x6x128xi32, #tpu.memory_space<vmem>> -> memref<1x1x128xi32, #tpu.memory_space<vmem>>
        %dma_start3A_381 = tpu.memref_squeeze %dma_start3A_380 : memref<1x1x128xi32, #tpu.memory_space<vmem>> -> memref<128xi32, #tpu.memory_space<vmem>>
        %dma_start3A_382 = arith.constant 0 : i32
        %dma_start3A_383 = tpu.memref_slice %arg3[%run_scoped3A_343, %while3A_342, %dma_start3A_382] : memref<2x25000x128xi32, #tpu.memory_space<hbm>> -> memref<1x1x128xi32, #tpu.memory_space<hbm>>
        %dma_start3A_384 = tpu.memref_squeeze %dma_start3A_383 : memref<1x1x128xi32, #tpu.memory_space<hbm>> -> memref<128xi32, #tpu.memory_space<hbm>>
        %dma_start3A_385 = arith.constant 0 : i32
        %dma_start3A_386 = tpu.memref_slice %arg5[%run_scoped3A_344, %run_scoped3A_345, %dma_start3A_385] : memref<2x6x128xi32, #tpu.memory_space<vmem>> -> memref<1x1x128xi32, #tpu.memory_space<vmem>>
        %dma_start3A_387 = tpu.memref_squeeze %dma_start3A_386 : memref<1x1x128xi32, #tpu.memory_space<vmem>> -> memref<128xi32, #tpu.memory_space<vmem>>
        %dma_start3A_388 = arith.constant 0 : i32
        %dma_start3A_389 = tpu.memref_slice %arg3[%run_scoped3A_343, %while3A_342, %dma_start3A_388] : memref<2x25000x128xi32, #tpu.memory_space<hbm>> -> memref<1x1x128xi32, #tpu.memory_space<hbm>>
        %dma_start3A_390 = tpu.memref_squeeze %dma_start3A_389 : memref<1x1x128xi32, #tpu.memory_space<hbm>> -> memref<128xi32, #tpu.memory_space<hbm>>
        tpu.enqueue_dma source(%dma_start3A_390 : memref<128xi32, #tpu.memory_space<hbm>>) target(%dma_start3A_387 : memref<128xi32, #tpu.memory_space<vmem>>) target_semaphore(%run_scoped3A_378 : memref<!tpu.dma_semaphore, #tpu.memory_space<semaphore_mem>>)
        %dma_wait3A_391 = arith.constant 0 : i32
        %dma_wait3A_392 = tpu.memref_slice %arg5[%run_scoped3A_344, %run_scoped3A_345, %dma_wait3A_391] : memref<2x6x128xi32, #tpu.memory_space<vmem>> -> memref<1x1x128xi32, #tpu.memory_space<vmem>>
        %dma_wait3A_393 = tpu.memref_squeeze %dma_wait3A_392 : memref<1x1x128xi32, #tpu.memory_space<vmem>> -> memref<128xi32, #tpu.memory_space<vmem>>
        %dma_wait3A_394 = arith.constant 0 : i32
        %dma_wait3A_395 = tpu.memref_slice %arg3[%run_scoped3A_343, %while3A_342, %dma_wait3A_394] : memref<2x25000x128xi32, #tpu.memory_space<hbm>> -> memref<1x1x128xi32, #tpu.memory_space<hbm>>
        %dma_wait3A_396 = tpu.memref_squeeze %dma_wait3A_395 : memref<1x1x128xi32, #tpu.memory_space<hbm>> -> memref<128xi32, #tpu.memory_space<hbm>>
        %dma_wait3A_397 = arith.constant 0 : i32
        %dma_wait3A_398 = tpu.memref_slice %arg5[%run_scoped3A_344, %run_scoped3A_345, %dma_wait3A_397] : memref<2x6x128xi32, #tpu.memory_space<vmem>> -> memref<1x1x128xi32, #tpu.memory_space<vmem>>
        %dma_wait3A_399 = tpu.memref_squeeze %dma_wait3A_398 : memref<1x1x128xi32, #tpu.memory_space<vmem>> -> memref<128xi32, #tpu.memory_space<vmem>>
        %dma_wait3A_400 = arith.constant 0 : i32
        %dma_wait3A_401 = tpu.memref_slice %arg3[%run_scoped3A_343, %while3A_342, %dma_wait3A_400] : memref<2x25000x128xi32, #tpu.memory_space<hbm>> -> memref<1x1x128xi32, #tpu.memory_space<hbm>>
        %dma_wait3A_402 = tpu.memref_squeeze %dma_wait3A_401 : memref<1x1x128xi32, #tpu.memory_space<hbm>> -> memref<128xi32, #tpu.memory_space<hbm>>
        tpu.wait_dma2 semaphore(%run_scoped3A_378 : memref<!tpu.dma_semaphore, #tpu.memory_space<semaphore_mem>>) src(%dma_wait3A_402 : memref<128xi32, #tpu.memory_space<hbm>>) dst(%dma_wait3A_399 : memref<128xi32, #tpu.memory_space<vmem>>)
        tpu.yield
      }) : () -> ()
      %run_scoped3A_346 = arith.constant 1 : i32
      %run_scoped3A_347 = arith.constant 0 : i32
      %run_scoped3A_348 = arith.constant 0 : i32
      "tpu.region"() ({
        %run_scoped3A_378 = tpu.sem_alloc : memref<!tpu.dma_semaphore, #tpu.memory_space<semaphore_mem>>
        %dma_start3A_379 = arith.constant 0 : i32
        %dma_start3A_380 = tpu.memref_slice %arg6[%run_scoped3A_347, %run_scoped3A_348, %dma_start3A_379] : memref<2x6x128xi32, #tpu.memory_space<vmem>> -> memref<1x1x128xi32, #tpu.memory_space<vmem>>
        %dma_start3A_381 = tpu.memref_squeeze %dma_start3A_380 : memref<1x1x128xi32, #tpu.memory_space<vmem>> -> memref<128xi32, #tpu.memory_space<vmem>>
        %dma_start3A_382 = arith.constant 0 : i32
        %dma_start3A_383 = tpu.memref_slice %arg3[%run_scoped3A_346, %while3A_342, %dma_start3A_382] : memref<2x25000x128xi32, #tpu.memory_space<hbm>> -> memref<1x1x128xi32, #tpu.memory_space<hbm>>
        %dma_start3A_384 = tpu.memref_squeeze %dma_start3A_383 : memref<1x1x128xi32, #tpu.memory_space<hbm>> -> memref<128xi32, #tpu.memory_space<hbm>>
        %dma_start3A_385 = arith.constant 0 : i32
        %dma_start3A_386 = tpu.memref_slice %arg6[%run_scoped3A_347, %run_scoped3A_348, %dma_start3A_385] : memref<2x6x128xi32, #tpu.memory_space<vmem>> -> memref<1x1x128xi32, #tpu.memory_space<vmem>>
        %dma_start3A_387 = tpu.memref_squeeze %dma_start3A_386 : memref<1x1x128xi32, #tpu.memory_space<vmem>> -> memref<128xi32, #tpu.memory_space<vmem>>
        %dma_start3A_388 = arith.constant 0 : i32
        %dma_start3A_389 = tpu.memref_slice %arg3[%run_scoped3A_346, %while3A_342, %dma_start3A_388] : memref<2x25000x128xi32, #tpu.memory_space<hbm>> -> memref<1x1x128xi32, #tpu.memory_space<hbm>>
        %dma_start3A_390 = tpu.memref_squeeze %dma_start3A_389 : memref<1x1x128xi32, #tpu.memory_space<hbm>> -> memref<128xi32, #tpu.memory_space<hbm>>
        tpu.enqueue_dma source(%dma_start3A_390 : memref<128xi32, #tpu.memory_space<hbm>>) target(%dma_start3A_387 : memref<128xi32, #tpu.memory_space<vmem>>) target_semaphore(%run_scoped3A_378 : memref<!tpu.dma_semaphore, #tpu.memory_space<semaphore_mem>>)
        %dma_wait3A_391 = arith.constant 0 : i32
        %dma_wait3A_392 = tpu.memref_slice %arg6[%run_scoped3A_347, %run_scoped3A_348, %dma_wait3A_391] : memref<2x6x128xi32, #tpu.memory_space<vmem>> -> memref<1x1x128xi32, #tpu.memory_space<vmem>>
        %dma_wait3A_393 = tpu.memref_squeeze %dma_wait3A_392 : memref<1x1x128xi32, #tpu.memory_space<vmem>> -> memref<128xi32, #tpu.memory_space<vmem>>
        %dma_wait3A_394 = arith.constant 0 : i32
        %dma_wait3A_395 = tpu.memref_slice %arg3[%run_scoped3A_346, %while3A_342, %dma_wait3A_394] : memref<2x25000x128xi32, #tpu.memory_space<hbm>> -> memref<1x1x128xi32, #tpu.memory_space<hbm>>
        %dma_wait3A_396 = tpu.memref_squeeze %dma_wait3A_395 : memref<1x1x128xi32, #tpu.memory_space<hbm>> -> memref<128xi32, #tpu.memory_space<hbm>>
        %dma_wait3A_397 = arith.constant 0 : i32
        %dma_wait3A_398 = tpu.memref_slice %arg6[%run_scoped3A_347, %run_scoped3A_348, %dma_wait3A_397] : memref<2x6x128xi32, #tpu.memory_space<vmem>> -> memref<1x1x128xi32, #tpu.memory_space<vmem>>
        %dma_wait3A_399 = tpu.memref_squeeze %dma_wait3A_398 : memref<1x1x128xi32, #tpu.memory_space<vmem>> -> memref<128xi32, #tpu.memory_space<vmem>>
        %dma_wait3A_400 = arith.constant 0 : i32
        %dma_wait3A_401 = tpu.memref_slice %arg3[%run_scoped3A_346, %while3A_342, %dma_wait3A_400] : memref<2x25000x128xi32, #tpu.memory_space<hbm>> -> memref<1x1x128xi32, #tpu.memory_space<hbm>>
        %dma_wait3A_402 = tpu.memref_squeeze %dma_wait3A_401 : memref<1x1x128xi32, #tpu.memory_space<hbm>> -> memref<128xi32, #tpu.memory_space<hbm>>
        tpu.wait_dma2 semaphore(%run_scoped3A_378 : memref<!tpu.dma_semaphore, #tpu.memory_space<semaphore_mem>>) src(%dma_wait3A_402 : memref<128xi32, #tpu.memory_space<hbm>>) dst(%dma_wait3A_399 : memref<128xi32, #tpu.memory_space<vmem>>)
        tpu.yield
      }) : () -> ()
      %dma_start3A_349 = arith.constant 0 : i32
      %dma_start3A_350 = arith.constant 0 : i32
      %dma_start3A_351 = arith.constant 0 : i32
      %dma_start3A_352 = arith.constant 0 : i32
      %dma_start3A_353 = arith.constant 0 : i32
      %dma_start3A_354 = tpu.memref_slice %arg7[%dma_start3A_351, %dma_start3A_352, %dma_start3A_353] : memref<2x768x16xf32, #tpu.memory_space<vmem>> -> memref<1x128x16xf32, #tpu.memory_space<vmem>>
      %dma_start3A_355 = tpu.memref_squeeze %dma_start3A_354 : memref<1x128x16xf32, #tpu.memory_space<vmem>> -> memref<128x16xf32, #tpu.memory_space<vmem>>
      %dma_start3A_356 = arith.constant 0 : i32
      %dma_start3A_357 = tpu.memref_slice %arg5[%dma_start3A_349, %dma_start3A_350, %dma_start3A_356] : memref<2x6x128xi32, #tpu.memory_space<vmem>> -> memref<1x1x128xi32, #tpu.memory_space<vmem>>
      %dma_start3A_358 = tpu.memref_squeeze %dma_start3A_357 : memref<1x1x128xi32, #tpu.memory_space<vmem>> -> memref<128xi32, #tpu.memory_space<vmem>>
      %dma_start3A_359 = arith.constant 0 : i32
      %dma_start3A_360 = arith.constant 0 : i32
      %dma_start3A_361 = tpu.memref_slice %arg2[%dma_start3A_359, %dma_start3A_360] : memref<100000x16xf32, #tpu.memory_space<hbm>> -> memref<100000x16xf32, #tpu.memory_space<hbm>>
      tpu.enqueue_indirect_dma source(%dma_start3A_361 : memref<100000x16xf32, #tpu.memory_space<hbm>>) target(%dma_start3A_355 : memref<128x16xf32, #tpu.memory_space<vmem>>) offsets(%dma_start3A_358 : memref<128xi32, #tpu.memory_space<vmem>>) semaphore(%arg10 : memref<!tpu.dma_semaphore, #tpu.memory_space<semaphore_mem>>)
      %dma_wait3A_362 = arith.constant 0 : i32
      %dma_wait3A_363 = arith.constant 0 : i32
      %dma_wait3A_364 = arith.constant 0 : i32
      %dma_wait3A_365 = arith.constant 0 : i32
      %dma_wait3A_366 = arith.constant 0 : i32
      %dma_wait3A_367 = tpu.memref_slice %arg7[%dma_wait3A_364, %dma_wait3A_365, %dma_wait3A_366] : memref<2x768x16xf32, #tpu.memory_space<vmem>> -> memref<1x128x16xf32, #tpu.memory_space<vmem>>
      %dma_wait3A_368 = tpu.memref_squeeze %dma_wait3A_367 : memref<1x128x16xf32, #tpu.memory_space<vmem>> -> memref<128x16xf32, #tpu.memory_space<vmem>>
      %dma_wait3A_369 = arith.constant 0 : i32
      %dma_wait3A_370 = tpu.memref_slice %arg5[%dma_wait3A_362, %dma_wait3A_363, %dma_wait3A_369] : memref<2x6x128xi32, #tpu.memory_space<vmem>> -> memref<1x1x128xi32, #tpu.memory_space<vmem>>
      %dma_wait3A_371 = tpu.memref_squeeze %dma_wait3A_370 : memref<1x1x128xi32, #tpu.memory_space<vmem>> -> memref<128xi32, #tpu.memory_space<vmem>>
      %dma_wait3A_372 = arith.constant 0 : i32
      %dma_wait3A_373 = arith.constant 0 : i32
      %dma_wait3A_374 = tpu.memref_slice %arg2[%dma_wait3A_372, %dma_wait3A_373] : memref<100000x16xf32, #tpu.memory_space<hbm>> -> memref<100000x16xf32, #tpu.memory_space<hbm>>
      tpu.wait_indirect_dma semaphore(%arg10 : memref<!tpu.dma_semaphore, #tpu.memory_space<semaphore_mem>>) src(%dma_wait3A_374 : memref<100000x16xf32, #tpu.memory_space<hbm>>) dst(%dma_wait3A_368 : memref<128x16xf32, #tpu.memory_space<vmem>>)
      %run_scoped3A_375 = arith.constant 0 : i32
      %run_scoped3A_376 = arith.constant 0 : i32
      %run_scoped3A_377 = arith.constant 0 : i32
      "tpu.region"() ({
        %run_scoped3A_378 = tpu.sem_alloc : memref<!tpu.dma_semaphore, #tpu.memory_space<semaphore_mem>>
        %dma_start3A_379 = arith.constant 0 : i32
        %dma_start3A_380 = arith.constant 0 : i32
        %dma_start3A_381 = tpu.memref_slice %arg7[%run_scoped3A_375, %dma_start3A_379, %dma_start3A_380] : memref<2x768x16xf32, #tpu.memory_space<vmem>> -> memref<1x128x16xf32, #tpu.memory_space<vmem>>
        %dma_start3A_382 = tpu.memref_squeeze %dma_start3A_381 : memref<1x128x16xf32, #tpu.memory_space<vmem>> -> memref<128x16xf32, #tpu.memory_space<vmem>>
        %dma_start3A_383 = arith.constant 0 : i32
        %dma_start3A_384 = tpu.memref_slice %arg6[%run_scoped3A_376, %run_scoped3A_377, %dma_start3A_383] : memref<2x6x128xi32, #tpu.memory_space<vmem>> -> memref<1x1x128xi32, #tpu.memory_space<vmem>>
        %dma_start3A_385 = tpu.memref_squeeze %dma_start3A_384 : memref<1x1x128xi32, #tpu.memory_space<vmem>> -> memref<128xi32, #tpu.memory_space<vmem>>
        %dma_start3A_386 = arith.constant 0 : i32
        %dma_start3A_387 = arith.constant 0 : i32
        %dma_start3A_388 = tpu.memref_slice %arg8[%dma_start3A_386, %dma_start3A_387] : memref<100096x16xf32, #tpu.memory_space<vmem_shared>> -> memref<100096x16xf32, #tpu.memory_space<vmem_shared>>
        tpu.enqueue_indirect_dma source(%dma_start3A_382 : memref<128x16xf32, #tpu.memory_space<vmem>>) target(%dma_start3A_388 : memref<100096x16xf32, #tpu.memory_space<vmem_shared>>) offsets(%dma_start3A_385 : memref<128xi32, #tpu.memory_space<vmem>>) semaphore(%run_scoped3A_378 : memref<!tpu.dma_semaphore, #tpu.memory_space<semaphore_mem>>) {add = true}
        %dma_wait3A_389 = arith.constant 0 : i32
        %dma_wait3A_390 = arith.constant 0 : i32
        %dma_wait3A_391 = tpu.memref_slice %arg7[%run_scoped3A_375, %dma_wait3A_389, %dma_wait3A_390] : memref<2x768x16xf32, #tpu.memory_space<vmem>> -> memref<1x128x16xf32, #tpu.memory_space<vmem>>
        %dma_wait3A_392 = tpu.memref_squeeze %dma_wait3A_391 : memref<1x128x16xf32, #tpu.memory_space<vmem>> -> memref<128x16xf32, #tpu.memory_space<vmem>>
        %dma_wait3A_393 = arith.constant 0 : i32
        %dma_wait3A_394 = tpu.memref_slice %arg6[%run_scoped3A_376, %run_scoped3A_377, %dma_wait3A_393] : memref<2x6x128xi32, #tpu.memory_space<vmem>> -> memref<1x1x128xi32, #tpu.memory_space<vmem>>
        %dma_wait3A_395 = tpu.memref_squeeze %dma_wait3A_394 : memref<1x1x128xi32, #tpu.memory_space<vmem>> -> memref<128xi32, #tpu.memory_space<vmem>>
        %dma_wait3A_396 = arith.constant 0 : i32
        %dma_wait3A_397 = arith.constant 0 : i32
        %dma_wait3A_398 = tpu.memref_slice %arg8[%dma_wait3A_396, %dma_wait3A_397] : memref<100096x16xf32, #tpu.memory_space<vmem_shared>> -> memref<100096x16xf32, #tpu.memory_space<vmem_shared>>
        tpu.wait_indirect_dma semaphore(%run_scoped3A_378 : memref<!tpu.dma_semaphore, #tpu.memory_space<semaphore_mem>>) src(%dma_wait3A_392 : memref<128x16xf32, #tpu.memory_space<vmem>>) dst(%dma_wait3A_398 : memref<100096x16xf32, #tpu.memory_space<vmem_shared>>)
        tpu.yield
      }) : () -> ()
    }
    %barrier3A_333 = arith.constant 0 : index
    tpu.barrier barrier_id(%barrier3A_333)
    %mul3A_334 = arith.constant 6256 : i32
    %mul3A_335 = arith.muli %arg1, %mul3A_334 : i32
    %lt3A = arith.constant 15 : i32
    %lt3A_336 = arith.cmpi slt, %arg1, %lt3A : i32
    %convert_element_type3A = arith.extui %lt3A_336 : i1 to i32
    %cond3A = arith.constant 0 : i32
    %cond3A_337 = arith.cmpi ne, %convert_element_type3A, %cond3A : i32
    scf.if %cond3A_337 {
      %mul3A_342 = arith.constant 100000 : i32
      %mul3A_343 = arith.muli %arg0, %mul3A_342 : i32
      %add3A_344 = arith.addi %mul3A_343, %mul3A_335 : i32
      "tpu.region"() ({
        %run_scoped3A_345 = tpu.sem_alloc : memref<!tpu.dma_semaphore, #tpu.memory_space<semaphore_mem>>
        %dma_start3A_346 = arith.constant 0 : i32
        %dma_start3A_347 = tpu.memref_slice %arg4[%add3A_344, %dma_start3A_346] : memref<200000x16xf32, #tpu.memory_space<hbm>> -> memref<6256x16xf32, #tpu.memory_space<hbm>>
        %dma_start3A_348 = arith.constant 0 : i32
        %dma_start3A_349 = tpu.memref_slice %arg8[%mul3A_335, %dma_start3A_348] : memref<100096x16xf32, #tpu.memory_space<vmem_shared>> -> memref<6256x16xf32, #tpu.memory_space<vmem_shared>>
        tpu.enqueue_dma source(%dma_start3A_349 : memref<6256x16xf32, #tpu.memory_space<vmem_shared>>) target(%dma_start3A_347 : memref<6256x16xf32, #tpu.memory_space<hbm>>) target_semaphore(%run_scoped3A_345 : memref<!tpu.dma_semaphore, #tpu.memory_space<semaphore_mem>>)
        %dma_wait3A_350 = arith.constant 0 : i32
        %dma_wait3A_351 = tpu.memref_slice %arg4[%add3A_344, %dma_wait3A_350] : memref<200000x16xf32, #tpu.memory_space<hbm>> -> memref<6256x16xf32, #tpu.memory_space<hbm>>
        %dma_wait3A_352 = arith.constant 0 : i32
        %dma_wait3A_353 = tpu.memref_slice %arg8[%mul3A_335, %dma_wait3A_352] : memref<100096x16xf32, #tpu.memory_space<vmem_shared>> -> memref<6256x16xf32, #tpu.memory_space<vmem_shared>>
        tpu.wait_dma2 semaphore(%run_scoped3A_345 : memref<!tpu.dma_semaphore, #tpu.memory_space<semaphore_mem>>) src(%dma_wait3A_353 : memref<6256x16xf32, #tpu.memory_space<vmem_shared>>) dst(%dma_wait3A_351 : memref<6256x16xf32, #tpu.memory_space<hbm>>)
        tpu.yield
      }) : () -> ()
    } else {
    }
    %eq3A = arith.constant 15 : i32
    %eq3A_338 = arith.cmpi eq, %arg1, %eq3A : i32
    %convert_element_type3A_339 = arith.extui %eq3A_338 : i1 to i32
    %cond3A_340 = arith.constant 0 : i32
    %cond3A_341 = arith.cmpi ne, %convert_element_type3A_339, %cond3A_340 : i32
    scf.if %cond3A_341 {
      %mul3A_342 = arith.constant 100000 : i32
      %mul3A_343 = arith.muli %arg0, %mul3A_342 : i32
      %add3A_344 = arith.addi %mul3A_343, %mul3A_335 : i32
      "tpu.region"() ({
        %run_scoped3A_345 = tpu.sem_alloc : memref<!tpu.dma_semaphore, #tpu.memory_space<semaphore_mem>>
        %dma_start3A_346 = arith.constant 0 : i32
        %dma_start3A_347 = tpu.memref_slice %arg4[%add3A_344, %dma_start3A_346] : memref<200000x16xf32, #tpu.memory_space<hbm>> -> memref<6160x16xf32, #tpu.memory_space<hbm>>
        %dma_start3A_348 = arith.constant 0 : i32
        %dma_start3A_349 = tpu.memref_slice %arg8[%mul3A_335, %dma_start3A_348] : memref<100096x16xf32, #tpu.memory_space<vmem_shared>> -> memref<6160x16xf32, #tpu.memory_space<vmem_shared>>
        tpu.enqueue_dma source(%dma_start3A_349 : memref<6160x16xf32, #tpu.memory_space<vmem_shared>>) target(%dma_start3A_347 : memref<6160x16xf32, #tpu.memory_space<hbm>>) target_semaphore(%run_scoped3A_345 : memref<!tpu.dma_semaphore, #tpu.memory_space<semaphore_mem>>)
        %dma_wait3A_350 = arith.constant 0 : i32
        %dma_wait3A_351 = tpu.memref_slice %arg4[%add3A_344, %dma_wait3A_350] : memref<200000x16xf32, #tpu.memory_space<hbm>> -> memref<6160x16xf32, #tpu.memory_space<hbm>>
        %dma_wait3A_352 = arith.constant 0 : i32
        %dma_wait3A_353 = tpu.memref_slice %arg8[%mul3A_335, %dma_wait3A_352] : memref<100096x16xf32, #tpu.memory_space<vmem_shared>> -> memref<6160x16xf32, #tpu.memory_space<vmem_shared>>
        tpu.wait_dma2 semaphore(%run_scoped3A_345 : memref<!tpu.dma_semaphore, #tpu.memory_space<semaphore_mem>>) src(%dma_wait3A_353 : memref<6160x16xf32, #tpu.memory_space<vmem_shared>>) dst(%dma_wait3A_351 : memref<6160x16xf32, #tpu.memory_space<hbm>>)
        tpu.yield
      }) : () -> ()
    } else {
    }
    return
  }
}

module attributes {stable_mosaic.version = 14 : i64} {
  func.func @_proj_body(%arg0: i32, %arg1: memref<10000x128xf32, #tpu.memory_space<vmem>>, %arg2: memref<16x128xf32, #tpu.memory_space<vmem>>, %arg3: memref<10000x16xf32, #tpu.memory_space<vmem>>) attributes {dimension_semantics = [#tpu.dimension_semantics<arbitrary>], iteration_bounds = array<i64: 10>, scalar_prefetch = 0 : i64, scratch_operands = 0 : i64, tpu.core_type = #tpu.core_type<tc>, window_params = [{transform_indices = @transform_0, window_bounds = array<i64: 10000, 128>}, {pipeline_mode = #tpu.pipeline_mode<synchronous>, transform_indices = @transform_1, window_bounds = array<i64: 16, 128>}, {transform_indices = @transform_2, window_bounds = array<i64: 10000, 16>}]} {
    %get3A = arith.constant 0 : index
    %get3A_0 = arith.constant 0 : index
    %get3A_1 = vector.load %arg1[%get3A, %get3A_0] : memref<10000x128xf32, #tpu.memory_space<vmem>>, vector<10000x128xf32>
    %get3A_2 = arith.constant 0 : index
    %get3A_3 = arith.constant 0 : index
    %get3A_4 = vector.load %arg2[%get3A_2, %get3A_3] : memref<16x128xf32, #tpu.memory_space<vmem>>, vector<16x128xf32>
    %dot_general3A = arith.constant dense<0.000000e+00> : vector<10000x16xf32>
    %dot_general3A_5 = tpu.matmul %get3A_1, %get3A_4, %dot_general3A {dimension_numbers = #tpu.dot_dimension_numbers<[1], [1], [0], [0], [0, 0, 1, 0], [], []>, transpose_lhs_hint = false} : vector<10000x128xf32>, vector<16x128xf32>, vector<10000x16xf32> -> vector<10000x16xf32>
    %swap3A = arith.constant 0 : index
    %swap3A_6 = arith.constant 0 : index
    %swap3A_7 = vector.load %arg3[%swap3A, %swap3A_6] : memref<10000x16xf32, #tpu.memory_space<vmem>>, vector<10000x16xf32>
    tpu.vector_store %arg3[%swap3A, %swap3A_6], %dot_general3A_5 {strides = array<i32>} : memref<10000x16xf32, #tpu.memory_space<vmem>>, vector<10000x16xf32>,
    return
  }
  func.func @transform_0(%arg0: i32) -> (i32, i32) {
    %c0_i32 = arith.constant 0 : i32
    %c0_i32_0 = arith.constant 0 : i32
    return %arg0, %c0_i32 : i32, i32
  }
  func.func @transform_1(%arg0: i32) -> (i32, i32) {
    %c0_i32 = arith.constant 0 : i32
    %c0_i32_0 = arith.constant 0 : i32
    %c0_i32_1 = arith.constant 0 : i32
    return %c0_i32, %c0_i32_0 : i32, i32
  }
  func.func @transform_2(%arg0: i32) -> (i32, i32) {
    %c0_i32 = arith.constant 0 : i32
    %c0_i32_0 = arith.constant 0 : i32
    return %arg0, %c0_i32 : i32, i32
  }
}

</mosaic_0001>

<sc_bundles>
// kernel: kernel.5.cloned.1.call-start
scs
__scs_entry_jumppad:
0x0: {  	(pc) =	sbr.rel $0x88, $3  }
0x1: {  	(tag) =	ssettag $0x0;
	lr =	simm.s32 $0x1  }
0x2: {  	[smem:$0x3F9D] =	sst lr;
	_ =	strace $0xD0000000  }
0x3: {  	_ = 	snop  }
0x4: {  	_ = 	snop  }
0x5: {  	_ = 	snop  }
0x6: {  	_ = 	snop  }
0x7: {  	_ = 	snop  }
__scs_overlays_trampoline_lowered:
0x8: {  	[smem:$0x3FAC] =	sst s0  }
0x9: {  	[smem:$0x3FAD] =	sst s1  }
0xa: {  	[smem:$0x3FAE] =	sst s2  }
0xb: {  	[smem:$0x3FAF] =	sst s3  }
0xc: {  	[smem:$0x3FB0] =	sst s4  }
0xd: {  	[smem:$0x3FB1] =	sst s5  }
0xe: {  	[smem:$0x3FB2] =	sst s6  }
0xf: {  	[smem:$0x3FB3] =	sst s7  }
0x10: {  	[smem:$0x3FB4] =	sst s8  }
0x11: {  	[smem:$0x3FB5] =	sst s9;
	s0 =	simm.s32 @!p0 $0x0  }
0x12: {  	s1 =	sld [smem:$0x3F9B];
	s0 =	simm.s32 @p0 $0x1  }
0x13: {  	[smem:$0x3FB6] =	sst s0;
	s0 =	simm.s32 @!p1 $0x0  }
0x14: {  	s2 =	sld [smem:$0x3F9A];
	s0 =	simm.s32 @p1 $0x1  }
0x15: {  	[smem:$0x3FB7] =	sst s0;
	s0 =	simm.s32 @!p2 $0x0  }
0x16: {  	s3 =	sld [smem:$0x3FDB];
	s0 =	simm.s32 @p2 $0x1  }
0x17: {  	s4 =	simm.s32 $0x1BF5;
	[smem:$0x3FB9] =	sst s0  }
0x18: {  	s0 =	sld [smem:$0x3F9C];
	_ =	swait.ge [sflag:s4], $0x0  }
0x19: {  	s7 =	sld [smem:$0x3F9D]  }
0x1a: {  	s8 =	sadd.s32 $0xFFFFE003, lr  }
0x1b: {  	s9 =	sadd.s32 $0xFFFFFEF7, lr;
	s5 =	simm.s32 $0xFFFFFFFF;
	p2 =	slt.u32 s8, $0xFFFFF086  }
0x1c: {  	p1 =	slt.u32 s9, $0xF7A;
	s5 =	simm.s32 @!p2 $0x0  }
0x1d: {  	s5 =	simm.s32 @p1 $0x1;
	p0 =	seq.s32 s7, s2  }
0x1e: {  	s7 =	smul.u32 @!p0 $0xF7A, s2;
	p2 =	seq.s32 @!p0 s5, $0x0  }
0x1f: {  	s9 =	smul.u32 $0xF7A, s1;
	s8 =	simm.s32 @!p0 $0x1BF5;
	p2 =	por !p2, p0  }
0x20: {  	[sflag:s8] =	ssyncset.s32 @!p0 $0xFFFFF086;
	s6 =	sadd.s32 @!p0 s3, s7;
	s7 =	simm.s32 @!p0 $0x108  }
0x21: {  	s3 =	sadd.s32 s3, s9;
	s6 =	sadd.s32 @!p0 $0x88, s6;
	s7 =	simm.s32 @p2 $0x1082  }
0x22: {  	[simem:s7], [sflag:s8] =	dma.local @!p0 [hbm:s6], $0xF7A  }
0x23: {  	s9 =	sor.u32 $0xD0000000, s2;
	s6 =	simm.s32 $0x108;
	_ =	swait.ge @!p0 [sflag:s8], $0x0  }
0x24: {  	s3 =	sadd.s32 $0x88, s3;
	s6 =	simm.s32 @!p1 $0x1082;
	[sflag:s4] =	ssyncset.s32 $0xFFFFF086  }
0x25: {  	[simem:s6], [sflag:s4] =	dma.local [hbm:s3], $0xF7A  }
0x26: {  	[smem:$0x3F9D] =	sst s1;
	(tag) =	ssettag s2;
	_ =	strace s9  }
0x27: {  	s1 =	sld [smem:$0x3FAD]  }
0x28: {  	s2 =	sld [smem:$0x3FAE]  }
0x29: {  	s4 =	sld [smem:$0x3FB0]  }
0x2a: {  	p0 =	seq.s32 s5, $0x0;
	s5 =	sld [smem:$0x3FB1]  }
0x2b: {  	s6 =	sld [smem:$0x3FB2]  }
0x2c: {  	s7 =	sld [smem:$0x3FB3]  }
0x2d: {  	s3 =	simm.s32 $0x108;
	s8 =	sld [smem:$0x3FB4]  }
0x2e: {  	s3 =	simm.s32 @!p0 $0x1082;
	s9 =	sld [smem:$0x3FB5]  }
0x2f: {  	lr =	sadd.s32 s0, s3;
	s0 =	sld [smem:$0x3FAC]  }
0x30: {  	s3 =	sld [smem:$0x3FAF]  }
0x31: {  	[smem:$0x3FB8] =	sst s10  }
0x32: {  	s10 =	sld [smem:$0x3FB6];
	_ =	sdelay $0x3  }
0x33: {  	p0 =	seq.s32 s10, $0x1;
	s10 =	sld [smem:$0x3FB8];
	_ =	sdelay $0x3  }
0x34: {  	[smem:$0x3FB8] =	sst s10  }
0x35: {  	s10 =	sld [smem:$0x3FB7];
	_ =	sdelay $0x3  }
0x36: {  	p1 =	seq.s32 s10, $0x1;
	s10 =	sld [smem:$0x3FB8];
	_ =	sdelay $0x3  }
0x37: {  	[smem:$0x3FB8] =	sst s10  }
0x38: {  	s10 =	sld [smem:$0x3FB9]  }
0x39: {  	_ = 	snop;
	(pc) =	sbr.ind lr, $3  }
0x3a: {  	_ = 	snop  }
0x3b: {  	_ = 	snop  }
0x3c: {  	p2 =	seq.s32 s10, $0x1;
	s10 =	sld [smem:$0x3FB8]  }
0x3d: {  	_ =	shalt  }
0x3e: {  	_ =	shalt  }
0x3f: {  	_ =	shalt  }
0x40: {  	_ =	shalt  }
0x41: {  	_ =	shalt  }
0x42: {  	_ =	shalt  }
0x43: {  	_ =	shalt  }
0x44: {  	_ =	shalt  }
0x45: {  	_ =	shalt  }
0x46: {  	_ =	shalt  }
0x47: {  	_ =	shalt  }
0x48: {  	_ =	shalt  }
0x49: {  	_ =	shalt  }
0x4a: {  	_ =	shalt  }
0x4b: {  	_ =	shalt  }
0x4c: {  	_ =	shalt  }
0x4d: {  	_ =	shalt  }
0x4e: {  	_ =	shalt  }
0x4f: {  	_ =	shalt  }
0x50: {  	_ =	shalt  }
0x51: {  	_ =	shalt  }
0x52: {  	_ =	shalt  }
0x53: {  	_ =	shalt  }
0x54: {  	_ =	shalt  }
0x55: {  	_ =	shalt  }
0x56: {  	_ =	shalt  }
0x57: {  	_ =	shalt  }
0x58: {  	_ =	shalt  }
0x59: {  	_ =	shalt  }
0x5a: {  	_ =	shalt  }
0x5b: {  	_ =	shalt  }
0x5c: {  	_ =	shalt  }
0x5d: {  	_ =	shalt  }
0x5e: {  	_ =	shalt  }
0x5f: {  	_ =	shalt  }
0x60: {  	_ =	shalt  }
0x61: {  	_ =	shalt  }
0x62: {  	_ =	shalt  }
0x63: {  	_ =	shalt  }
0x64: {  	_ =	shalt  }
0x65: {  	_ =	shalt  }
0x66: {  	_ =	shalt  }
0x67: {  	_ =	shalt  }
0x68: {  	_ =	shalt  }
0x69: {  	_ =	shalt  }
0x6a: {  	_ =	shalt  }
0x6b: {  	_ =	shalt  }
0x6c: {  	_ =	shalt  }
0x6d: {  	_ =	shalt  }
0x6e: {  	_ =	shalt  }
0x6f: {  	_ =	shalt  }
0x70: {  	_ =	shalt  }
0x71: {  	_ =	shalt  }
0x72: {  	_ =	shalt  }
0x73: {  	_ =	shalt  }
0x74: {  	_ =	shalt  }
0x75: {  	_ =	shalt  }
0x76: {  	_ =	shalt  }
0x77: {  	_ =	shalt  }
0x78: {  	_ =	shalt  }
0x79: {  	_ =	shalt  }
0x7a: {  	_ =	shalt  }
0x7b: {  	_ =	shalt  }
0x7c: {  	_ =	shalt  }
0x7d: {  	_ =	shalt  }
0x7e: {  	_ =	shalt  }
0x7f: {  	_ =	shalt  }
0x80: {  	_ =	shalt  }
0x81: {  	_ =	shalt  }
0x82: {  	_ =	shalt  }
0x83: {  	_ =	shalt  }
0x84: {  	_ =	shalt  }
0x85: {  	_ =	shalt  }
0x86: {  	_ =	shalt  }
0x87: {  	_ =	shalt  }
.Lfunc_end0:
.L_simem_size_0:
called_computation_lowered:
.L_overlay_start_0:
0x88: {  	s2 =	sld [smem:$0x3FD9]  }
0x89: {  	s3 =	sld [smem:$0x3FFE];
	_ =	sdelay $0x1  }
0x8a: {  	s1 =	srdreg.scid  }
0x8b: {  	s0 =	sand.u32 $0x1, s1  }
0x8c: {  	s17 =	sshll.u32 s0, $0xA;
	s2 =	sadd.s32 s3, s2  }
0x8d: {  	s2 =	sadd.s32 s2, s17  }
0x8e: {  	[smem:$0x3FC4] =	sst s2  }
0x8f: {  	_ = 	snop  }
0x90: {  	s2 =	sld [smem:$0x3FD0];
	(tm) =	ssettm $0x1  }
0x91: {  	s18 =	sld [smem:$0x3FFB];
	_ =	sdelay $0x3  }
0x92: {  	_ =	strace s18  }
0x93: {  	s3 =	sld [smem:$0x3FFC];
	_ =	sdelay $0x3  }
0x94: {  	_ =	strace s3  }
0x95: {  	s3 =	sld [smem:$0x3FFD];
	_ =	sdelay $0x3  }
0x96: {  	_ =	strace s3  }
0x97: {  	_ =	strace $0x8FFFFFFF  }
0x98: {  	s19 =	sld [smem:$0x3FDB];
	_ =	sdelay $0x1  }
0x99: {  	s4 =	simm.s32 $_scs_section_size  }
0x9a: {  	s5 =	simm.s32 $_size__tile_overlayer_lowered;
	s6 =	simm.s32 $_tile_overlayer_lowered  }
0x9b: {  	s22 =	simm.s32 $0x1BFF;
	s21 =	sshll.u32 s6, $0x1;
	s3 =	sadd.s32 s4, s19  }
0x9c: {  	s7 =	simm.s32 $0x0;
	s20 =	sshll.u32 s5, $0x1;
	s5 =	sadd.s32 s21, s3  }
0x9d: {  	[timem:s7], [sflag:s22] =	dma.local [hbm:s5], s20  }
0x9e: {  	_ =	swait.ge [sflag:s22], s20  }
0x9f: {  	s4 =	ssub.s32 $0x0, s20;
	[sflag:s22] =	ssyncset.done $0x0  }
0xa0: {  	[sflag:s22] =	ssyncadd.s32 s4;
	_ =	sdelay $0x1  }
0xa1: {  	s23 =	simm.s32 $0x1B8B  }
0xa2: {  	_ =	swait.ge [sflag:s23], $0x1  }
0xa3: {  	[sflag:s23] =	ssyncset.done $0x0  }
0xa4: {  	s25 =	simm.s32 $0x1B8E;
	s24 =	sld [smem:$0x3FFE];
	[sflag:s23] =	ssyncadd.s32 $0xFFFFFFFF  }
0xa5: {  	s26 =	simm.s32 $execute0_lowered;
	[smem:$0x3FD2] =	sst s25  }
0xa6: {  	s5 =	sshll.u32 s26, $0x1;
	_ =	strace $0x80000046;
	[dreg:$0x1] =	wrdreg $0xFFFFFFFF  }
0xa7: {  	s28 =	simm.s32 $_size_execute0_lowered;
	s3 =	sadd.s32 s3, s5;
	[dreg:$0x0] =	wrdreg $0x0  }
0xa8: {  	s5 =	sshll.u32 s28, $0x1;
	[dreg:$0x2] =	wrdreg s3  }
0xa9: {  	[dreg:$0x3] =	wrdreg s5  }
0xaa: {  	[dreg:$0x4] =	wrdreg $0xC0  }
0xab: {  	_ =	task [dreg:s7], $0x5FFFF  }
0xac: {  	[dreg:$0x1] =	wrdreg $0xFFFFFFFF  }
0xad: {  	[dreg:$0x0] =	wrdreg $0x60  }
0xae: {  	[dreg:$0x2] =	wrdreg s2  }
0xaf: {  	[dreg:$0x3] =	wrdreg s24  }
0xb0: {  	[dreg:$0x4] =	wrdreg $0x6C000  }
0xb1: {  	[dreg:$0x5] =	wrdreg $0x9  }
0xb2: {  	_ =	task.clear_ibuf [dreg:s7], $0x6FFFF;
	_ =	strace $0x90000046  }
0xb3: {  	s29 =	simm.s32 $0x9;
	_ =	strace $0x80000048  }
0xb4: {  	_ =	swait.ge [sflag:s29], $0x1  }
0xb5: {  	[sflag:s29] =	ssyncadd.s32 $0xFFFFFFFF  }
0xb6: {  	_ =	strace $0x90000048  }
0xb7: {  	_ =	sfence  }
0xb8: {  	s30 =	sld [smem:$0x0];
	_ =	sdelay $0x2  }
0xb9: {  	s31 =	sshll.u32 s1, $0xD;
	s1 =	sshrl.u32 s1, $0x2  }
0xba: {  	s3 =	sand.u32 $0x4000, s31;
	s1 =	sadd.s32 s1, s30  }
0xbb: {  	s0 =	sor.u32 s3, s0;
	s1 =	sshll.u32 s1, $0x11  }
0xbc: {  	s0 =	sor.u32 s1, s0  }
0xbd: {  	s0 =	sadd.s32 $0x8F2B, s0  }
0xbe: {  	[sflag:s0] =	ssyncadd.remote.s32 $0x1  }
0xbf: {  	_ =	sfence.sel $0xFFFF  }
0xc0: {  	[dreg:$0x0] =	wrdreg $0xFFFFFFFF;
	(pc) =	sbr.abs _section_cstart, $3  }
0xc1: {  	[dreg:$0x1] =	wrdreg $0xFFFFFFFF  }
0xc2: {  	_ =	task.clear_ibuf [dreg:s7], $0x2FFFF;
	_ =	strace $0x9FFFFFFF  }
0xc3: {  	(tm) =	ssettm $0x7FFFFFFF  }
tec
execute0_lowered:
.L_overlay_start_1:
0x0: {  	(tag) =	ssettag $0x1  }
0x1: {  	s1 =	rddreg [dreg:$0x0]  }
0x2: {  	s0 =	rddreg [dreg:$0x1]  }
0x3: {  	s2 =	rddreg [dreg:$0x2];
	s3 =	srdreg.scid;
	s4 =	simm.s32 $0x0  }
0x4: {  	s11 =	stileid.u32;
	s22 =	simm.s32 $0x380;
	s24 =	simm.s32 $0x400  }
0x5: {  	s28 =	simm.s32 $0x80;
	s29 =	simm.s32 $0xC00;
	s3 =	sand.u32 $0x1, s3  }
0x6: {  	[smem:$0x7FF] =	sst s4;
	s23 =	sadd.s32 $0x2400, s0;
	s9 =	smul.u32 $0x61C00, s11  }
0x7: {  	s0 =	sadd.s32 $0xC5A00, s0;
	_ =	strace $0x80000047;
	[dreg:$0x4] =	wrdreg s22  }
0x8: {  	p1 =	seq.s32 s11, $0xF;
	[dreg:$0x5] =	wrdreg s24;
	s22 =	simm.s32 $0xA00  }
0x9: {  	s24 =	simm.s32 $0xA80;
	s9 =	sshrl.u32 s9, $0x2;
	[dreg:$0xf] =	wrdreg s22  }
0xa: {  	s5 =	sshll.u32 s3, $0x4;
	[dreg:$0x10] =	wrdreg s24;
	s31 =	sadd.s32 s9, s2  }
0xb: {  	s6 =	ssub.s32 $0x2, s3;
	s9 =	sadd.s32 $0x3000, s31;
	[dreg:$0x15] =	wrdreg s31  }
0xc: {  	s21 =	smul.u32 $0x30D40, s3;
	s13 =	sadd.s32 $0x6000, s31;
	[dreg:$0x17] =	wrdreg s9  }
0xd: {  	s5 =	sor.u32 s11, s5;
	s14 =	sadd.s32 $0x9000, s31;
	[dreg:$0x18] =	wrdreg s13  }
0xe: {  	s8 =	sshrl.u32 s6, $0x1;
	s15 =	sadd.s32 $0xC000, s31;
	[dreg:$0x19] =	wrdreg s14  }
0xf: {  	s24 =	simm.s32 $0x2;
	s16 =	sadd.s32 $0xF000, s31;
	[dreg:$0x1a] =	wrdreg s15  }
0x10: {  	s7 =	smul.u32 $0x61A8, s5;
	s17 =	sadd.s32 $0x12000, s31;
	[dreg:$0x1b] =	wrdreg s16  }
0x11: {  	s6 =	ssub.s32 s6, s8;
	s19 =	sadd.s32 $0x15000, s31;
	[dreg:$0x1c] =	wrdreg s17  }
0x12: {  	s5 =	smul.u32 $0x30E0, s11;
	s20 =	sadd.s32 $0x18000, s31;
	[dreg:$0x1d] =	wrdreg s19  }
0x13: {  	s8 =	simm.s32 $0x3;
	s6 =	smax.u32 s6, $0x1;
	[dreg:$0x1e] =	wrdreg s20  }
0x14: {  	s25 =	sshrl.u32 s7, $0x5;
	s14 =	simm.s32 $0x680;
	[smem:$0x7FB] =	sst s6  }
0x15: {  	s7 =	sadd.s32 $0x61A8, s7;
	s15 =	simm.s32 $0x700;
	[dreg:$0x9] =	wrdreg s14  }
0x16: {  	s16 =	simm.s32 $0x780;
	s17 =	simm.s32 $0x800;
	[dreg:$0xa] =	wrdreg s15  }
0x17: {  	s19 =	smul.u32 $0x61A8, s11;
	s20 =	simm.s32 $0x880;
	[dreg:$0xb] =	wrdreg s16  }
0x18: {  	s9 =	simm.s32 $0x3C00;
	s10 =	sshll.u32 s25, $0x4;
	[dreg:$0xc] =	wrdreg s17  }
0x19: {  	s12 =	sadd.s32 $0x30C, s25;
	s25 =	simm.s32 $0x480;
	[dreg:$0xd] =	wrdreg s20  }
0x1a: {  	s11 =	simm.s32 $0x5400;
	s18 =	sshrl.u32 s7, $0x5;
	[dreg:$0x6] =	wrdreg s25  }
0x1b: {  	s14 =	simm.s32 $0x1;
	s17 =	simm.s32 $0x900;
	[dreg:$0x1f] =	wrdreg s12  }
0x1c: {  	s20 =	simm.s32 $0x4C00;
	s26 =	sadd.s32 s23, s10;
	[dreg:$0x13] =	wrdreg s18  }
0x1d: {  	s10 =	simm.s32 $0x580;
	s25 =	simm.s32 $0xB00;
	[dreg:$0x14] =	wrdreg s26  }
0x1e: {  	p0 =	sge.u32 s12, s18;
	s12 =	simm.s32 $0x6400;
	[dreg:$0x8] =	wrdreg s10  }
0x1f: {  	s7 =	sadd.s32 $0x61A80, s26;
	s26 =	smul.u32 $0x186A00, s3;
	[dreg:$0x11] =	wrdreg s25  }
0x20: {  	s3 =	smul.u32 $0x61A80, s3;
	s25 =	simm.s32 $0x5;
	[dreg:$0x16] =	wrdreg s7  }
0x21: {  	s7 =	sadd.s32 s5, s21;
	s5 =	simm.s32 $0x500;
	s21 =	simm.s32 $0x980  }
0x22: {  	s7 =	sadd.s32 s0, s7;
	[dreg:$0x7] =	wrdreg s5;
	s13 =	sshrl.u32 s26, $0x3  }
0x23: {  	s3 =	sadd.s32 s19, s3;
	[dreg:$0xe] =	wrdreg s21;
	s26 =	simm.s32 $0xB80  }
0x24: {  	s19 =	simm.s32 $0x4400;
	s5 =	simm.s32 $0x5C00;
	s21 =	simm.s32 $0x4C00  }
.Ltmp0:
0x25: {  	[smem:$0x7F9] =	sst s7;
	s3 =	sshrl.u32 s3, $0x5;
	(pc) =	sbr.rel .LBB2_1-.Ltmp0, $4  }
0x26: {  	s0 =	sadd.s32 s0, s13;
	[smem:$0x7FC] =	sst s3;
	s3 =	sshll.u32 s3, $0x4  }
0x27: {  	[dreg:$0x12] =	wrdreg s26;
	s0 =	sadd.s32 $0x2DD20, s0;
	s30 =	sadd.s32 s3, s23  }
0x28: {  	s26 =	simm.s32 $0x600;
	[smem:$0x7FA] =	sst s0;
	s3 =	sadd.s32 $0x64B40, s30  }
0x29: {  	v0 =	vimm.f32 $0.0e+00;
	s7 =	simm.s32 $0x300;
	s0 =	simm.s32 $0x0;
	[smem:$0x7FD] =	sst s3  }
.LBB2_9:
0x2a: {  	s9 =	sadd.s32 $0xFFF9E580, s6;
	[sflag:s25] =	ssyncadd.s32 @p2 $0xFFFFF800  }
0x2b: {  	[tilespmem:s4], [sflag:$0x5] =	stream.linear.gather [hbm4b:s9+s4], $0x80, $0x38;
	[tilespmem:$0x1F300] =	vst v63  }
0x2c: {  	_ =	swait.ge [sflag:s25], $0x80  }
0x2d: {  	[sflag:s25] =	ssyncset.done $0x0  }
0x2e: {  	[sflag:s25] =	ssyncadd.s32 $0xFFFFFF80  }
0x2f: {  	[tilespmem:s26], [sflag:$0x5] =	stream.linear.gather [hbm4b:s6+s4], $0x80, $0x38;
	[tilespmem:$0x1F300] =	vst v63  }
0x30: {  	_ =	swait.ge [sflag:s25], $0x80  }
0x31: {  	[sflag:s25] =	ssyncset.done $0x0  }
0x32: {  	[sflag:s25] =	ssyncadd.s32 $0xFFFFFF80  }
0x33: {  	[tilespmem:s29], [sflag:$0x1] =	stream.indirect.gather [hbm4b:s1+s28], $0x10, s4, s28, $0xb8;
	[tilespmem:$0x1F300] =	vst v63  }
0x34: {  	_ =	swait.ge [sflag:s14], $0x800  }
0x35: {  	[sflag:s14] =	ssyncset.done $0x0  }
0x36: {  	[sflag:s14] =	ssyncadd.s32 $0xFFFFF800  }
0x37: {  	[spmem:s2] =	stream.indirect.scatter.add.f32 [tilespmem:s29], [sflag:$0x5], $0x10, s26, s28, $0xb8;
	[tilespmem:$0x1F300] =	vst v63  }
0x38: {  	_ =	swait.ge [sflag:s25], $0x800  }
0x39: {  	[sflag:s25] =	ssyncset.done $0x0  }
0x3a: {  	[sflag:s25] =	ssyncadd.s32 $0xFFFFF800  }
.LBB2_10:
0x3b: {  	[bflag:$0x0] =	sbarrier.arrive $0xFFFF  }
0x3c: {  	s22 =	sld [smem:$0x7FA];
	_ =	sdelay $0x1  }
0x3d: {  	s6 =	sshrl.u32 @p1 s31, $0x3;
	s9 =	simm.s32 @p1 $0x1FC5  }
0x3e: {  	[hbm:s22], [sflag:s9] =	dma.local @p1 [spmem:s6], $0x3020  }
0x3f: {  	s6 =	simm.s32 @p1 $0x5  }
0x40: {  	_ =	swait.ge @p1 [sflag:s6], $0x3020  }
0x41: {  	s9 =	stileid.u32;
	s22 =	sld [smem:$0x7F9]  }
0x42: {  	s9 =	sshll.u32 @!p1 s9, $0x6;
	[sflag:s6] =	ssyncset.done @p1 $0x0  }
0x43: {  	[sflag:s6] =	ssyncadd.s32 @p1 $0xFFFFCFE0;
	s6 =	sor.u32 @!p1 $0x1C05, s9;
	s9 =	sshrl.u32 @!p1 s31, $0x3  }
0x44: {  	[hbm:s22], [sflag:s6] =	dma.local @!p1 [spmem:s9], $0x30E0  }
0x45: {  	s6 =	simm.s32 @!p1 $0x5  }
0x46: {  	_ =	swait.ge @!p1 [sflag:s6], $0x30E0  }
0x47: {  	s22 =	sld [smem:$0x7FB];
	_ =	sdelay $0x1  }
0x48: {  	s0 =	sadd.s32 $0x1, s0  }
0x49: {  	p2 =	sne.s32 s0, s22  }
.Ltmp1:
0x4a: {  	_ = 	snop;
	(pc) =	sbr.rel @!p2 .LBB2_11-.Ltmp1, $3  }
0x4b: {  	_ =	sdelay $0x1  }
0x4c: {  	[sflag:s6] =	ssyncset.done @!p1 $0x0  }
0x4d: {  	s9 =	simm.s32 $0x3C00;
	[sflag:s6] =	ssyncadd.s32 @!p1 $0xFFFFCF20  }
.LBB2_1:
0x4e: {  	[smem:$0x7F8] =	sst s0  }
0x4f: {  	s6 =	rddreg [dreg:$0x14]  }
0x50: {  	[tilespmem:s4], [sflag:$0x5] =	stream.linear.gather [hbm4b:s6+s4], $0x300, $0x38;
	[tilespmem:$0x1F300] =	vst v63  }
0x51: {  	_ =	swait.ge [sflag:s25], $0x300  }
0x52: {  	[sflag:s25] =	ssyncset.done $0x0  }
0x53: {  	s15 =	rddreg [dreg:$0x16];
	[sflag:s25] =	ssyncadd.s32 $0xFFFFFD00  }
0x54: {  	[tilespmem:s26], [sflag:$0x5] =	stream.linear.gather [hbm4b:s15+s4], $0x300, $0x38;
	[tilespmem:$0x1F300] =	vst v63  }
0x55: {  	_ =	swait.ge [sflag:s25], $0x300  }
0x56: {  	[sflag:s25] =	ssyncset.done $0x0  }
0x57: {  	[sflag:s25] =	ssyncadd.s32 $0xFFFFFD00  }
0x58: {  	[tilespmem:s29], [sflag:$0x1] =	stream.indirect.gather [hbm4b:s1+s28], $0x10, s4, s28, $0xb8;
	[tilespmem:$0x1F300] =	vst v63  }
0x59: {  	s0 =	simm.s32 $0x1400  }
0x5a: {  	[tilespmem:s0], [sflag:$0x1] =	stream.indirect.gather [hbm4b:s1+s28], $0x10, s28, s28, $0xb8;
	[tilespmem:$0x1F300] =	vst v63  }
0x5b: {  	s18 =	simm.s32 $0x100;
	s3 =	simm.s32 $0x1C00  }
0x5c: {  	[tilespmem:s3], [sflag:$0x1] =	stream.indirect.gather [hbm4b:s1+s28], $0x10, s18, s28, $0xb8;
	[tilespmem:$0x1F300] =	vst v63  }
0x5d: {  	s16 =	simm.s32 $0x180;
	s10 =	simm.s32 $0x2400  }
0x5e: {  	[tilespmem:s10], [sflag:$0x1] =	stream.indirect.gather [hbm4b:s1+s28], $0x10, s16, s28, $0xb8;
	[tilespmem:$0x1F300] =	vst v63  }
0x5f: {  	s22 =	simm.s32 $0x200;
	s13 =	simm.s32 $0x3400;
	s15 =	simm.s32 $0x2C00  }
0x60: {  	[tilespmem:s15], [sflag:$0x1] =	stream.indirect.gather [hbm4b:s1+s28], $0x10, s22, s28, $0xb8;
	[tilespmem:$0x1F300] =	vst v63  }
0x61: {  	s6 =	simm.s32 $0x40;
	s16 =	simm.s32 $0x280;
	s22 =	simm.s32 $0x0  }
0x62: {  	[tilespmem:s13], [sflag:$0x1] =	stream.indirect.gather [hbm4b:s1+s28], $0x10, s16, s28, $0xb8;
	[tilespmem:$0x1F300] =	vst v63  }
.LBB2_2:
0x63: {  	p2 =	sne.s32 s6, $0xBFC0;
	[tilespmem:s22+$0x3C00] =	vst v0;
	s22 =	smov.u32 s6;
	s6 =	sadd.s32 $0x40, s6  }
.Ltmp2:
0x64: {  	(pc) =	sbr.rel @p2 .LBB2_2-.Ltmp2, $2  }
0x65: {  	_ =	sdelay $0x2  }
0x66: {  	s22 =	sshra.s32 s22, $0x2  }
0x67: {  	[tilespmem:s22+$0x3C00] =	vst v0  }
0x68: {  	[spmem:s31] =	stream.linear.scatter [tilespmem:s9], [sflag:$0x5], $0x3000, $0x38;
	[tilespmem:$0x1F300] =	vst v63  }
0x69: {  	_ =	swait.ge [sflag:s25], $0x3000  }
0x6a: {  	[sflag:s25] =	ssyncset.done $0x0  }
0x6b: {  	s6 =	rddreg [dreg:$0x17];
	[sflag:s25] =	ssyncadd.s32 $0xFFFFD000  }
0x6c: {  	[spmem:s6] =	stream.linear.scatter [tilespmem:s9], [sflag:$0x5], $0x3000, $0x38;
	[tilespmem:$0x1F300] =	vst v63  }
0x6d: {  	_ =	swait.ge [sflag:s25], $0x3000  }
0x6e: {  	[sflag:s25] =	ssyncset.done $0x0  }
0x6f: {  	s22 =	rddreg [dreg:$0x18];
	[sflag:s25] =	ssyncadd.s32 $0xFFFFD000  }
0x70: {  	[spmem:s22] =	stream.linear.scatter [tilespmem:s9], [sflag:$0x5], $0x3000, $0x38;
	[tilespmem:$0x1F300] =	vst v63  }
0x71: {  	_ =	swait.ge [sflag:s25], $0x3000  }
0x72: {  	[sflag:s25] =	ssyncset.done $0x0  }
0x73: {  	s22 =	rddreg [dreg:$0x19];
	[sflag:s25] =	ssyncadd.s32 $0xFFFFD000  }
0x74: {  	[spmem:s22] =	stream.linear.scatter [tilespmem:s9], [sflag:$0x5], $0x3000, $0x38;
	[tilespmem:$0x1F300] =	vst v63  }
0x75: {  	_ =	swait.ge [sflag:s25], $0x3000  }
0x76: {  	[sflag:s25] =	ssyncset.done $0x0  }
0x77: {  	s22 =	rddreg [dreg:$0x1a];
	[sflag:s25] =	ssyncadd.s32 $0xFFFFD000  }
0x78: {  	[spmem:s22] =	stream.linear.scatter [tilespmem:s9], [sflag:$0x5], $0x3000, $0x38;
	[tilespmem:$0x1F300] =	vst v63  }
0x79: {  	_ =	swait.ge [sflag:s25], $0x3000  }
0x7a: {  	[sflag:s25] =	ssyncset.done $0x0  }
0x7b: {  	s22 =	rddreg [dreg:$0x1b];
	[sflag:s25] =	ssyncadd.s32 $0xFFFFD000  }
0x7c: {  	[spmem:s22] =	stream.linear.scatter [tilespmem:s9], [sflag:$0x5], $0x3000, $0x38;
	[tilespmem:$0x1F300] =	vst v63  }
0x7d: {  	_ =	swait.ge [sflag:s25], $0x3000  }
0x7e: {  	[sflag:s25] =	ssyncset.done $0x0  }
0x7f: {  	s22 =	rddreg [dreg:$0x1c];
	[sflag:s25] =	ssyncadd.s32 $0xFFFFD000  }
0x80: {  	[spmem:s22] =	stream.linear.scatter [tilespmem:s9], [sflag:$0x5], $0x3000, $0x38;
	[tilespmem:$0x1F300] =	vst v63  }
0x81: {  	_ =	swait.ge [sflag:s25], $0x3000  }
0x82: {  	[sflag:s25] =	ssyncset.done $0x0  }
0x83: {  	s22 =	rddreg [dreg:$0x1d];
	[sflag:s25] =	ssyncadd.s32 $0xFFFFD000  }
0x84: {  	[spmem:s22] =	stream.linear.scatter [tilespmem:s9], [sflag:$0x5], $0x3000, $0x38;
	[tilespmem:$0x1F300] =	vst v63  }
0x85: {  	_ =	swait.ge [sflag:s25], $0x3000  }
0x86: {  	[sflag:s25] =	ssyncset.done $0x0  }
0x87: {  	s22 =	rddreg [dreg:$0x1e];
	[sflag:s25] =	ssyncadd.s32 $0xFFFFD000  }
0x88: {  	[spmem:s22] =	stream.linear.scatter [tilespmem:s9], [sflag:$0x5], $0x700, $0x38;
	[tilespmem:$0x1F300] =	vst v63  }
0x89: {  	_ =	swait.ge [sflag:s25], $0x700  }
0x8a: {  	[sflag:s25] =	ssyncset.done $0x0  }
0x8b: {  	[sflag:s25] =	ssyncadd.s32 $0xFFFFF900  }
0x8c: {  	[bflag:$0x0] =	sbarrier.arrive $0xFFFF  }
0x8d: {  	_ =	swait.ge [sflag:s14], $0x800  }
0x8e: {  	[sflag:s14] =	ssyncset.done $0x0  }
0x8f: {  	[sflag:s14] =	ssyncadd.s32 $0xFFFFF800  }
0x90: {  	_ =	swait.ge [sflag:s14], $0x800  }
0x91: {  	[sflag:s14] =	ssyncset.done $0x0  }
0x92: {  	[sflag:s14] =	ssyncadd.s32 $0xFFFFF800  }
0x93: {  	_ =	swait.ge [sflag:s14], $0x800  }
0x94: {  	[sflag:s14] =	ssyncset.done $0x0  }
0x95: {  	[sflag:s14] =	ssyncadd.s32 $0xFFFFF800  }
0x96: {  	_ =	swait.ge [sflag:s14], $0x800  }
0x97: {  	[sflag:s14] =	ssyncset.done $0x0  }
0x98: {  	[sflag:s14] =	ssyncadd.s32 $0xFFFFF800  }
0x99: {  	_ =	swait.ge [sflag:s14], $0x800  }
0x9a: {  	[sflag:s14] =	ssyncset.done $0x0  }
0x9b: {  	[sflag:s14] =	ssyncadd.s32 $0xFFFFF800  }
0x9c: {  	_ =	swait.ge [sflag:s14], $0x800  }
0x9d: {  	p2 =	por $0x1, $0x1;
	[sflag:s14] =	ssyncset.done $0x0  }
0x9e: {  	s6 =	simm.s32 @!p2 $0x4;
	[sflag:s14] =	ssyncadd.s32 $0xFFFFF800  }
0x9f: {  	_ =	swait.ge @!p2 [sflag:s6], $0x800  }
0xa0: {  	[sflag:s6] =	ssyncset.done @!p2 $0x0  }
0xa1: {  	[sflag:s6] =	ssyncadd.s32 @!p2 $0xFFFFF800  }
0xa2: {  	_ =	swait.ge @!p2 [sflag:s6], $0x800  }
0xa3: {  	[sflag:s6] =	ssyncset.done @!p2 $0x0  }
0xa4: {  	[sflag:s6] =	ssyncadd.s32 @!p2 $0xFFFFF800  }
0xa5: {  	_ =	swait.ge @!p2 [sflag:s6], $0x800  }
0xa6: {  	[sflag:s6] =	ssyncset.done @!p2 $0x0  }
0xa7: {  	[sflag:s6] =	ssyncadd.s32 @!p2 $0xFFFFF800  }
0xa8: {  	_ =	swait.ge @!p2 [sflag:s6], $0x800  }
0xa9: {  	[sflag:s6] =	ssyncset.done @!p2 $0x0  }
0xaa: {  	[sflag:s6] =	ssyncadd.s32 @!p2 $0xFFFFF800  }
0xab: {  	_ =	swait.ge @!p2 [sflag:s6], $0x800  }
0xac: {  	[sflag:s6] =	ssyncset.done @!p2 $0x0  }
0xad: {  	[sflag:s6] =	ssyncadd.s32 @!p2 $0xFFFFF800  }
0xae: {  	_ =	swait.ge @!p2 [sflag:s6], $0x800  }
0xaf: {  	s22 =	sadd.s32 $0x0, s30;
	[sflag:s6] =	ssyncset.done @!p2 $0x0  }
0xb0: {  	[sflag:s6] =	ssyncadd.s32 @!p2 $0xFFFFF800;
	s6 =	sadd.s32 $0x60, s22  }
0xb1: {  	[tilespmem:s7], [sflag:$0x5] =	stream.linear.gather [hbm4b:s6+s4], $0x300, $0x38;
	[tilespmem:$0x1F300] =	vst v63  }
0xb2: {  	_ =	swait.ge [sflag:s25], $0x300  }
0xb3: {  	[sflag:s25] =	ssyncset.done $0x0  }
0xb4: {  	s22 =	sadd.s32 $0x61AE0, s22;
	[sflag:s25] =	ssyncadd.s32 $0xFFFFFD00  }
0xb5: {  	[tilespmem:s17], [sflag:$0x5] =	stream.linear.gather [hbm4b:s22+s4], $0x300, $0x38;
	[tilespmem:$0x1F300] =	vst v63  }
0xb6: {  	_ =	swait.ge [sflag:s25], $0x300  }
0xb7: {  	[sflag:s25] =	ssyncset.done $0x0  }
0xb8: {  	[sflag:s25] =	ssyncadd.s32 $0xFFFFFD00  }
0xb9: {  	[tilespmem:s9], [sflag:$0x2] =	stream.indirect.gather [hbm4b:s1+s28], $0x10, s7, s28, $0xb8;
	[tilespmem:$0x1F300] =	vst v63  }
0xba: {  	s22 =	rddreg [dreg:$0x4]  }
0xbb: {  	[tilespmem:s19], [sflag:$0x2] =	stream.indirect.gather [hbm4b:s1+s28], $0x10, s22, s28, $0xb8;
	[tilespmem:$0x1F300] =	vst v63  }
0xbc: {  	s17 =	rddreg [dreg:$0x5]  }
0xbd: {  	[tilespmem:s20], [sflag:$0x2] =	stream.indirect.gather [hbm4b:s1+s28], $0x10, s17, s28, $0xb8;
	[tilespmem:$0x1F300] =	vst v63  }
0xbe: {  	s7 =	rddreg [dreg:$0x6]  }
0xbf: {  	[tilespmem:s11], [sflag:$0x2] =	stream.indirect.gather [hbm4b:s1+s28], $0x10, s7, s28, $0xb8;
	[tilespmem:$0x1F300] =	vst v63  }
0xc0: {  	s9 =	rddreg [dreg:$0x7]  }
0xc1: {  	[tilespmem:s5], [sflag:$0x2] =	stream.indirect.gather [hbm4b:s1+s28], $0x10, s9, s28, $0xb8;
	[tilespmem:$0x1F300] =	vst v63  }
0xc2: {  	s11 =	rddreg [dreg:$0x8]  }
0xc3: {  	[tilespmem:s12], [sflag:$0x2] =	stream.indirect.gather [hbm4b:s1+s28], $0x10, s11, s28, $0xb8;
	[tilespmem:$0x1F300] =	vst v63  }
0xc4: {  	_ = 	snop  }
0xc5: {  	[spmem:s2] =	stream.indirect.scatter.add.f32 [tilespmem:s29], [sflag:$0x3], $0x10, s26, s28, $0xb8;
	[tilespmem:$0x1F300] =	vst v63  }
0xc6: {  	s12 =	rddreg [dreg:$0x9]  }
0xc7: {  	[spmem:s2] =	stream.indirect.scatter.add.f32 [tilespmem:s0], [sflag:$0x3], $0x10, s12, s28, $0xb8;
	[tilespmem:$0x1F300] =	vst v63  }
0xc8: {  	s17 =	rddreg [dreg:$0xa]  }
0xc9: {  	[spmem:s2] =	stream.indirect.scatter.add.f32 [tilespmem:s3], [sflag:$0x3], $0x10, s17, s28, $0xb8;
	[tilespmem:$0x1F300] =	vst v63  }
0xca: {  	s19 =	rddreg [dreg:$0xb]  }
0xcb: {  	[spmem:s2] =	stream.indirect.scatter.add.f32 [tilespmem:s10], [sflag:$0x3], $0x10, s19, s28, $0xb8;
	[tilespmem:$0x1F300] =	vst v63  }
0xcc: {  	s20 =	rddreg [dreg:$0xc]  }
0xcd: {  	[spmem:s2] =	stream.indirect.scatter.add.f32 [tilespmem:s15], [sflag:$0x3], $0x10, s20, s28, $0xb8;
	[tilespmem:$0x1F300] =	vst v63  }
0xce: {  	s5 =	rddreg [dreg:$0xd]  }
0xcf: {  	[spmem:s2] =	stream.indirect.scatter.add.f32 [tilespmem:s13], [sflag:$0x3], $0x10, s5, s28, $0xb8;
	[tilespmem:$0x1F300] =	vst v63  }
0xd0: {  	_ =	swait.ge [sflag:s24], $0x800  }
0xd1: {  	[sflag:s24] =	ssyncset.done $0x0  }
0xd2: {  	[sflag:s24] =	ssyncadd.s32 $0xFFFFF800  }
0xd3: {  	_ =	swait.ge [sflag:s24], $0x800  }
0xd4: {  	[sflag:s24] =	ssyncset.done $0x0  }
0xd5: {  	[sflag:s24] =	ssyncadd.s32 $0xFFFFF800  }
0xd6: {  	_ =	swait.ge [sflag:s24], $0x800  }
0xd7: {  	[sflag:s24] =	ssyncset.done $0x0  }
0xd8: {  	[sflag:s24] =	ssyncadd.s32 $0xFFFFF800  }
0xd9: {  	_ =	swait.ge [sflag:s24], $0x800  }
0xda: {  	[sflag:s24] =	ssyncset.done $0x0  }
0xdb: {  	[sflag:s24] =	ssyncadd.s32 $0xFFFFF800  }
0xdc: {  	_ =	swait.ge [sflag:s24], $0x800  }
0xdd: {  	[sflag:s24] =	ssyncset.done $0x0  }
0xde: {  	[sflag:s24] =	ssyncadd.s32 $0xFFFFF800  }
0xdf: {  	_ =	swait.ge [sflag:s24], $0x800  }
0xe0: {  	[sflag:s24] =	ssyncset.done $0x0  }
0xe1: {  	[sflag:s24] =	ssyncadd.s32 $0xFFFFF800  }
0xe2: {  	_ =	swait.ge [sflag:s8], $0x800  }
0xe3: {  	[sflag:s8] =	ssyncset.done $0x0  }
0xe4: {  	[sflag:s8] =	ssyncadd.s32 $0xFFFFF800  }
0xe5: {  	_ =	swait.ge [sflag:s8], $0x800  }
0xe6: {  	[sflag:s8] =	ssyncset.done $0x0  }
0xe7: {  	[sflag:s8] =	ssyncadd.s32 $0xFFFFF800  }
0xe8: {  	_ =	swait.ge [sflag:s8], $0x800  }
0xe9: {  	[sflag:s8] =	ssyncset.done $0x0  }
0xea: {  	[sflag:s8] =	ssyncadd.s32 $0xFFFFF800  }
0xeb: {  	_ =	swait.ge [sflag:s8], $0x800  }
0xec: {  	[sflag:s8] =	ssyncset.done $0x0  }
0xed: {  	[sflag:s8] =	ssyncadd.s32 $0xFFFFF800  }
0xee: {  	_ =	swait.ge [sflag:s8], $0x800  }
0xef: {  	s9 =	sld [smem:$0x7FC];
	_ =	sdelay $0x2  }
0xf0: {  	p2 =	slt.s32 s9, $0x6196;
	s6 =	smov.u32 s9  }
0xf1: {  	[sflag:s8] =	ssyncset.done $0x0;
	s6 =	simm.s32 @!p2 $0x6196  }
0xf2: {  	[sflag:s8] =	ssyncadd.s32 $0xFFFFF800;
	s6 =	sshll.u32 s6, $0x4  }
0xf3: {  	_ =	swait.ge [sflag:s8], $0x800;
	s6 =	sand.u32 $0x1FFFFFF0, s6  }
0xf4: {  	[sflag:s8] =	ssyncset.done $0x0;
	s6 =	sadd.s32 s23, s6  }
0xf5: {  	[sflag:s8] =	ssyncadd.s32 $0xFFFFF800;
	s22 =	sadd.s32 $0xC0, s6  }
0xf6: {  	[tilespmem:s4], [sflag:$0x5] =	stream.linear.gather [hbm4b:s22+s4], $0x300, $0x38;
	[tilespmem:$0x1F300] =	vst v63  }
0xf7: {  	_ =	swait.ge [sflag:s25], $0x300  }
0xf8: {  	[sflag:s25] =	ssyncset.done $0x0  }
0xf9: {  	s6 =	sadd.s32 $0x61B40, s6;
	[sflag:s25] =	ssyncadd.s32 $0xFFFFFD00  }
0xfa: {  	[tilespmem:s26], [sflag:$0x5] =	stream.linear.gather [hbm4b:s6+s4], $0x300, $0x38;
	[tilespmem:$0x1F300] =	vst v63  }
0xfb: {  	_ =	swait.ge [sflag:s25], $0x300  }
0xfc: {  	[sflag:s25] =	ssyncset.done $0x0  }
0xfd: {  	[sflag:s25] =	ssyncadd.s32 $0xFFFFFD00  }
0xfe: {  	[tilespmem:s29], [sflag:$0x1] =	stream.indirect.gather [hbm4b:s1+s28], $0x10, s4, s28, $0xb8;
	[tilespmem:$0x1F300] =	vst v63  }
0xff: {  	_ = 	snop  }
0x100: {  	[tilespmem:s0], [sflag:$0x1] =	stream.indirect.gather [hbm4b:s1+s28], $0x10, s28, s28, $0xb8;
	[tilespmem:$0x1F300] =	vst v63  }
0x101: {  	_ = 	snop  }
0x102: {  	[tilespmem:s3], [sflag:$0x1] =	stream.indirect.gather [hbm4b:s1+s28], $0x10, s18, s28, $0xb8;
	[tilespmem:$0x1F300] =	vst v63  }
0x103: {  	s6 =	simm.s32 $0x180  }
0x104: {  	[tilespmem:s10], [sflag:$0x1] =	stream.indirect.gather [hbm4b:s1+s28], $0x10, s6, s28, $0xb8;
	[tilespmem:$0x1F300] =	vst v63  }
0x105: {  	s7 =	simm.s32 $0x300;
	s11 =	simm.s32 $0x5400;
	s10 =	simm.s32 $0x200  }
0x106: {  	[tilespmem:s15], [sflag:$0x1] =	stream.indirect.gather [hbm4b:s1+s28], $0x10, s10, s28, $0xb8;
	[tilespmem:$0x1F300] =	vst v63  }
0x107: {  	s12 =	simm.s32 $0x6400;
	s17 =	simm.s32 $0x3C00;
	s31 =	rddreg [dreg:$0x12]  }
0x108: {  	[tilespmem:s13], [sflag:$0x1] =	stream.indirect.gather [hbm4b:s1+s28], $0x10, s16, s28, $0xb8;
	[tilespmem:$0x1F300] =	vst v63  }
0x109: {  	s19 =	simm.s32 $0x900;
	s20 =	simm.s32 $0x4400;
	s18 =	rddreg [dreg:$0x11]  }
0x10a: {  	[spmem:s2] =	stream.indirect.scatter.add.f32 [tilespmem:s17], [sflag:$0x4], $0x10, s19, s28, $0xb8;
	[tilespmem:$0x1F300] =	vst v63  }
0x10b: {  	s5 =	simm.s32 $0x5C00;
	s22 =	simm.s32 $0xC0;
	s13 =	rddreg [dreg:$0xe]  }
0x10c: {  	[spmem:s2] =	stream.indirect.scatter.add.f32 [tilespmem:s20], [sflag:$0x4], $0x10, s13, s28, $0xb8;
	[tilespmem:$0x1F300] =	vst v63  }
0x10d: {  	s0 =	simm.s32 $0x1400;
	s3 =	simm.s32 $0x1C00;
	s15 =	rddreg [dreg:$0xf]  }
0x10e: {  	[spmem:s2] =	stream.indirect.scatter.add.f32 [tilespmem:s21], [sflag:$0x4], $0x10, s15, s28, $0xb8;
	[tilespmem:$0x1F300] =	vst v63  }
0x10f: {  	s6 =	sadd.s32 $0xC, s9;
	s10 =	simm.s32 $0x2400;
	s16 =	rddreg [dreg:$0x10]  }
0x110: {  	[spmem:s2] =	stream.indirect.scatter.add.f32 [tilespmem:s11], [sflag:$0x4], $0x10, s16, s28, $0xb8;
	[tilespmem:$0x1F300] =	vst v63  }
0x111: {  	s13 =	simm.s32 $0x3400;
	s15 =	simm.s32 $0x2C00;
	s16 =	simm.s32 $0x280  }
0x112: {  	[spmem:s2] =	stream.indirect.scatter.add.f32 [tilespmem:s5], [sflag:$0x4], $0x10, s18, s28, $0xb8;
	[tilespmem:$0x1F300] =	vst v63  }
.LBB2_4:
0x113: {  	[spmem:s2] =	stream.indirect.scatter.add.f32 [tilespmem:s12], [sflag:$0x4], $0x10, s31, s28, $0xb8;
	[tilespmem:$0x1F300] =	vst v63  }
0x114: {  	_ =	swait.ge [sflag:s14], $0x800  }
0x115: {  	[sflag:s14] =	ssyncset.done $0x0  }
0x116: {  	[sflag:s14] =	ssyncadd.s32 $0xFFFFF800  }
0x117: {  	_ =	swait.ge [sflag:s14], $0x800  }
0x118: {  	[sflag:s14] =	ssyncset.done $0x0  }
0x119: {  	[sflag:s14] =	ssyncadd.s32 $0xFFFFF800  }
0x11a: {  	_ =	swait.ge [sflag:s14], $0x800  }
0x11b: {  	[sflag:s14] =	ssyncset.done $0x0  }
0x11c: {  	[sflag:s14] =	ssyncadd.s32 $0xFFFFF800  }
0x11d: {  	_ =	swait.ge [sflag:s14], $0x800  }
0x11e: {  	[sflag:s14] =	ssyncset.done $0x0  }
0x11f: {  	[sflag:s14] =	ssyncadd.s32 $0xFFFFF800  }
0x120: {  	_ =	swait.ge [sflag:s14], $0x800  }
0x121: {  	[sflag:s14] =	ssyncset.done $0x0  }
0x122: {  	[sflag:s14] =	ssyncadd.s32 $0xFFFFF800  }
0x123: {  	s31 =	smov.u32 s22;
	_ =	swait.ge [sflag:s14], $0x800  }
0x124: {  	p3 =	seq.s32 s31, $0x0;
	[sflag:s14] =	ssyncset.done $0x0  }
0x125: {  	s18 =	simm.s32 @!p3 $0x4;
	[sflag:s14] =	ssyncadd.s32 $0xFFFFF800  }
0x126: {  	_ =	swait.ge @!p3 [sflag:s18], $0x800  }
0x127: {  	[sflag:s18] =	ssyncset.done @!p3 $0x0  }
0x128: {  	[sflag:s18] =	ssyncadd.s32 @!p3 $0xFFFFF800  }
0x129: {  	_ =	swait.ge @!p3 [sflag:s18], $0x800  }
0x12a: {  	[sflag:s18] =	ssyncset.done @!p3 $0x0  }
0x12b: {  	[sflag:s18] =	ssyncadd.s32 @!p3 $0xFFFFF800  }
0x12c: {  	_ =	swait.ge @!p3 [sflag:s18], $0x800  }
0x12d: {  	[sflag:s18] =	ssyncset.done @!p3 $0x0  }
0x12e: {  	[sflag:s18] =	ssyncadd.s32 @!p3 $0xFFFFF800  }
0x12f: {  	_ =	swait.ge @!p3 [sflag:s18], $0x800  }
0x130: {  	[sflag:s18] =	ssyncset.done @!p3 $0x0  }
0x131: {  	[sflag:s18] =	ssyncadd.s32 @!p3 $0xFFFFF800  }
0x132: {  	_ =	swait.ge @!p3 [sflag:s18], $0x800  }
0x133: {  	[sflag:s18] =	ssyncset.done @!p3 $0x0  }
0x134: {  	[sflag:s18] =	ssyncadd.s32 @!p3 $0xFFFFF800  }
0x135: {  	_ =	swait.ge @!p3 [sflag:s18], $0x800  }
0x136: {  	s31 =	sadd.s32 s31, s30;
	[sflag:s18] =	ssyncset.done @!p3 $0x0  }
0x137: {  	s9 =	sadd.s32 $0x60, s31;
	[sflag:s18] =	ssyncadd.s32 @!p3 $0xFFFFF800  }
0x138: {  	[tilespmem:s7], [sflag:$0x5] =	stream.linear.gather [hbm4b:s9+s4], $0x300, $0x38;
	[tilespmem:$0x1F300] =	vst v63  }
0x139: {  	_ =	swait.ge [sflag:s25], $0x300  }
0x13a: {  	[sflag:s25] =	ssyncset.done $0x0  }
0x13b: {  	s9 =	sadd.s32 $0x61AE0, s31;
	[sflag:s25] =	ssyncadd.s32 $0xFFFFFD00  }
0x13c: {  	[tilespmem:s19], [sflag:$0x5] =	stream.linear.gather [hbm4b:s9+s4], $0x300, $0x38;
	[tilespmem:$0x1F300] =	vst v63  }
0x13d: {  	_ =	swait.ge [sflag:s25], $0x300  }
0x13e: {  	[sflag:s25] =	ssyncset.done $0x0  }
0x13f: {  	[sflag:s25] =	ssyncadd.s32 $0xFFFFFD00  }
0x140: {  	[tilespmem:s17], [sflag:$0x2] =	stream.indirect.gather [hbm4b:s1+s28], $0x10, s7, s28, $0xb8;
	[tilespmem:$0x1F300] =	vst v63  }
0x141: {  	s9 =	rddreg [dreg:$0x4]  }
0x142: {  	[tilespmem:s20], [sflag:$0x2] =	stream.indirect.gather [hbm4b:s1+s28], $0x10, s9, s28, $0xb8;
	[tilespmem:$0x1F300] =	vst v63  }
0x143: {  	s31 =	rddreg [dreg:$0x5]  }
0x144: {  	[tilespmem:s21], [sflag:$0x2] =	stream.indirect.gather [hbm4b:s1+s28], $0x10, s31, s28, $0xb8;
	[tilespmem:$0x1F300] =	vst v63  }
0x145: {  	s9 =	rddreg [dreg:$0x6]  }
0x146: {  	[tilespmem:s11], [sflag:$0x2] =	stream.indirect.gather [hbm4b:s1+s28], $0x10, s9, s28, $0xb8;
	[tilespmem:$0x1F300] =	vst v63  }
0x147: {  	s31 =	rddreg [dreg:$0x7]  }
0x148: {  	[tilespmem:s5], [sflag:$0x2] =	stream.indirect.gather [hbm4b:s1+s28], $0x10, s31, s28, $0xb8;
	[tilespmem:$0x1F300] =	vst v63  }
0x149: {  	s9 =	rddreg [dreg:$0x8]  }
0x14a: {  	[tilespmem:s12], [sflag:$0x2] =	stream.indirect.gather [hbm4b:s1+s28], $0x10, s9, s28, $0xb8;
	[tilespmem:$0x1F300] =	vst v63  }
0x14b: {  	_ = 	snop  }
0x14c: {  	[spmem:s2] =	stream.indirect.scatter.add.f32 [tilespmem:s29], [sflag:$0x3], $0x10, s26, s28, $0xb8;
	[tilespmem:$0x1F300] =	vst v63  }
0x14d: {  	s9 =	rddreg [dreg:$0x9]  }
0x14e: {  	[spmem:s2] =	stream.indirect.scatter.add.f32 [tilespmem:s0], [sflag:$0x3], $0x10, s9, s28, $0xb8;
	[tilespmem:$0x1F300] =	vst v63  }
0x14f: {  	s31 =	rddreg [dreg:$0xa]  }
0x150: {  	[spmem:s2] =	stream.indirect.scatter.add.f32 [tilespmem:s3], [sflag:$0x3], $0x10, s31, s28, $0xb8;
	[tilespmem:$0x1F300] =	vst v63  }
0x151: {  	s9 =	rddreg [dreg:$0xb]  }
0x152: {  	[spmem:s2] =	stream.indirect.scatter.add.f32 [tilespmem:s10], [sflag:$0x3], $0x10, s9, s28, $0xb8;
	[tilespmem:$0x1F300] =	vst v63  }
0x153: {  	s31 =	rddreg [dreg:$0xc]  }
0x154: {  	[spmem:s2] =	stream.indirect.scatter.add.f32 [tilespmem:s15], [sflag:$0x3], $0x10, s31, s28, $0xb8;
	[tilespmem:$0x1F300] =	vst v63  }
0x155: {  	s9 =	rddreg [dreg:$0xd]  }
0x156: {  	[spmem:s2] =	stream.indirect.scatter.add.f32 [tilespmem:s13], [sflag:$0x3], $0x10, s9, s28, $0xb8;
	[tilespmem:$0x1F300] =	vst v63  }
0x157: {  	_ =	swait.ge [sflag:s24], $0x800  }
0x158: {  	[sflag:s24] =	ssyncset.done $0x0  }
0x159: {  	[sflag:s24] =	ssyncadd.s32 $0xFFFFF800  }
0x15a: {  	_ =	swait.ge [sflag:s24], $0x800  }
0x15b: {  	[sflag:s24] =	ssyncset.done $0x0  }
0x15c: {  	[sflag:s24] =	ssyncadd.s32 $0xFFFFF800  }
0x15d: {  	_ =	swait.ge [sflag:s24], $0x800  }
0x15e: {  	[sflag:s24] =	ssyncset.done $0x0  }
0x15f: {  	[sflag:s24] =	ssyncadd.s32 $0xFFFFF800  }
0x160: {  	_ =	swait.ge [sflag:s24], $0x800  }
0x161: {  	[sflag:s24] =	ssyncset.done $0x0  }
0x162: {  	[sflag:s24] =	ssyncadd.s32 $0xFFFFF800  }
0x163: {  	_ =	swait.ge [sflag:s24], $0x800  }
0x164: {  	[sflag:s24] =	ssyncset.done $0x0  }
0x165: {  	[sflag:s24] =	ssyncadd.s32 $0xFFFFF800  }
0x166: {  	_ =	swait.ge [sflag:s24], $0x800  }
0x167: {  	[sflag:s24] =	ssyncset.done $0x0  }
0x168: {  	[sflag:s24] =	ssyncadd.s32 $0xFFFFF800  }
0x169: {  	_ =	swait.ge [sflag:s8], $0x800  }
0x16a: {  	[sflag:s8] =	ssyncset.done $0x0  }
0x16b: {  	[sflag:s8] =	ssyncadd.s32 $0xFFFFF800  }
0x16c: {  	_ =	swait.ge [sflag:s8], $0x800  }
0x16d: {  	[sflag:s8] =	ssyncset.done $0x0  }
0x16e: {  	[sflag:s8] =	ssyncadd.s32 $0xFFFFF800  }
0x16f: {  	_ =	swait.ge [sflag:s8], $0x800  }
0x170: {  	[sflag:s8] =	ssyncset.done $0x0  }
0x171: {  	[sflag:s8] =	ssyncadd.s32 $0xFFFFF800  }
0x172: {  	_ =	swait.ge [sflag:s8], $0x800  }
0x173: {  	[sflag:s8] =	ssyncset.done $0x0  }
0x174: {  	[sflag:s8] =	ssyncadd.s32 $0xFFFFF800  }
0x175: {  	p3 =	slt.s32 s6, $0x6196;
	s18 =	smov.u32 s6;
	_ =	swait.ge [sflag:s8], $0x800  }
0x176: {  	s18 =	simm.s32 @!p3 $0x6196;
	[sflag:s8] =	ssyncset.done $0x0  }
0x177: {  	s18 =	sshll.u32 s18, $0x4;
	[sflag:s8] =	ssyncadd.s32 $0xFFFFF800  }
0x178: {  	s18 =	sand.u32 $0x1FFFFFF0, s18;
	_ =	swait.ge [sflag:s8], $0x800  }
0x179: {  	s18 =	sadd.s32 s23, s18;
	[sflag:s8] =	ssyncset.done $0x0  }
0x17a: {  	s31 =	sadd.s32 $0xC0, s18;
	[sflag:s8] =	ssyncadd.s32 $0xFFFFF800  }
0x17b: {  	[tilespmem:s4], [sflag:$0x5] =	stream.linear.gather [hbm4b:s31+s4], $0x300, $0x38;
	[tilespmem:$0x1F300] =	vst v63  }
0x17c: {  	_ =	swait.ge [sflag:s25], $0x300  }
0x17d: {  	[sflag:s25] =	ssyncset.done $0x0  }
0x17e: {  	s18 =	sadd.s32 $0x61B40, s18;
	[sflag:s25] =	ssyncadd.s32 $0xFFFFFD00  }
0x17f: {  	[tilespmem:s26], [sflag:$0x5] =	stream.linear.gather [hbm4b:s18+s4], $0x300, $0x38;
	[tilespmem:$0x1F300] =	vst v63  }
0x180: {  	_ =	swait.ge [sflag:s25], $0x300  }
0x181: {  	[sflag:s25] =	ssyncset.done $0x0  }
0x182: {  	[sflag:s25] =	ssyncadd.s32 $0xFFFFFD00  }
0x183: {  	[tilespmem:s29], [sflag:$0x1] =	stream.indirect.gather [hbm4b:s1+s28], $0x10, s4, s28, $0xb8;
	[tilespmem:$0x1F300] =	vst v63  }
0x184: {  	_ = 	snop  }
0x185: {  	[tilespmem:s0], [sflag:$0x1] =	stream.indirect.gather [hbm4b:s1+s28], $0x10, s28, s28, $0xb8;
	[tilespmem:$0x1F300] =	vst v63  }
0x186: {  	s9 =	simm.s32 $0x100  }
0x187: {  	[tilespmem:s3], [sflag:$0x1] =	stream.indirect.gather [hbm4b:s1+s28], $0x10, s9, s28, $0xb8;
	[tilespmem:$0x1F300] =	vst v63  }
0x188: {  	s18 =	simm.s32 $0x180  }
0x189: {  	[tilespmem:s10], [sflag:$0x1] =	stream.indirect.gather [hbm4b:s1+s28], $0x10, s18, s28, $0xb8;
	[tilespmem:$0x1F300] =	vst v63  }
0x18a: {  	s18 =	simm.s32 $0x200  }
0x18b: {  	[tilespmem:s15], [sflag:$0x1] =	stream.indirect.gather [hbm4b:s1+s28], $0x10, s18, s28, $0xb8;
	[tilespmem:$0x1F300] =	vst v63  }
0x18c: {  	_ = 	snop  }
0x18d: {  	[tilespmem:s13], [sflag:$0x1] =	stream.indirect.gather [hbm4b:s1+s28], $0x10, s16, s28, $0xb8;
	[tilespmem:$0x1F300] =	vst v63  }
0x18e: {  	_ = 	snop  }
0x18f: {  	[spmem:s2] =	stream.indirect.scatter.add.f32 [tilespmem:s17], [sflag:$0x4], $0x10, s19, s28, $0xb8;
	[tilespmem:$0x1F300] =	vst v63  }
0x190: {  	s22 =	sadd.s32 $0xC0, s22;
	s9 =	rddreg [dreg:$0xe]  }
0x191: {  	[spmem:s2] =	stream.indirect.scatter.add.f32 [tilespmem:s20], [sflag:$0x4], $0x10, s9, s28, $0xb8;
	[tilespmem:$0x1F300] =	vst v63  }
0x192: {  	p2 =	sne.s32 s22, $0x30C0;
	s31 =	rddreg [dreg:$0xf]  }
0x193: {  	[spmem:s2] =	stream.indirect.scatter.add.f32 [tilespmem:s21], [sflag:$0x4], $0x10, s31, s28, $0xb8;
	[tilespmem:$0x1F300] =	vst v63  }
.Ltmp3:
0x194: {  	s18 =	rddreg [dreg:$0x10];
	(pc) =	sbr.rel @p2 .LBB2_4-.Ltmp3, $4  }
0x195: {  	s9 =	rddreg [dreg:$0x11]  }
0x196: {  	[spmem:s2] =	stream.indirect.scatter.add.f32 [tilespmem:s11], [sflag:$0x4], $0x10, s18, s28, $0xb8;
	[tilespmem:$0x1F300] =	vst v63  }
0x197: {  	s6 =	sadd.s32 $0xC, s6;
	s31 =	rddreg [dreg:$0x12]  }
0x198: {  	[spmem:s2] =	stream.indirect.scatter.add.f32 [tilespmem:s5], [sflag:$0x4], $0x10, s9, s28, $0xb8;
	[tilespmem:$0x1F300] =	vst v63  }
0x199: {  	[spmem:s2] =	stream.indirect.scatter.add.f32 [tilespmem:s12], [sflag:$0x4], $0x10, s31, s28, $0xb8;
	[tilespmem:$0x1F300] =	vst v63  }
0x19a: {  	_ =	swait.ge [sflag:s14], $0x800  }
0x19b: {  	[sflag:s14] =	ssyncset.done $0x0  }
0x19c: {  	[sflag:s14] =	ssyncadd.s32 $0xFFFFF800  }
0x19d: {  	_ =	swait.ge [sflag:s14], $0x800  }
0x19e: {  	[sflag:s14] =	ssyncset.done $0x0  }
0x19f: {  	[sflag:s14] =	ssyncadd.s32 $0xFFFFF800  }
0x1a0: {  	_ =	swait.ge [sflag:s14], $0x800  }
0x1a1: {  	[sflag:s14] =	ssyncset.done $0x0  }
0x1a2: {  	[sflag:s14] =	ssyncadd.s32 $0xFFFFF800  }
0x1a3: {  	_ =	swait.ge [sflag:s14], $0x800  }
0x1a4: {  	[sflag:s14] =	ssyncset.done $0x0  }
0x1a5: {  	[sflag:s14] =	ssyncadd.s32 $0xFFFFF800  }
0x1a6: {  	_ =	swait.ge [sflag:s14], $0x800  }
0x1a7: {  	[sflag:s14] =	ssyncset.done $0x0  }
0x1a8: {  	[sflag:s14] =	ssyncadd.s32 $0xFFFFF800  }
0x1a9: {  	_ =	swait.ge [sflag:s14], $0x800  }
0x1aa: {  	[sflag:s14] =	ssyncset.done $0x0  }
0x1ab: {  	s0 =	simm.s32 $0x4;
	[sflag:s14] =	ssyncadd.s32 $0xFFFFF800  }
0x1ac: {  	_ =	swait.ge [sflag:s0], $0x800  }
0x1ad: {  	[sflag:s0] =	ssyncset.done $0x0  }
0x1ae: {  	[sflag:s0] =	ssyncadd.s32 $0xFFFFF800  }
0x1af: {  	_ =	swait.ge [sflag:s0], $0x800  }
0x1b0: {  	[sflag:s0] =	ssyncset.done $0x0  }
0x1b1: {  	[sflag:s0] =	ssyncadd.s32 $0xFFFFF800  }
0x1b2: {  	_ =	swait.ge [sflag:s0], $0x800  }
0x1b3: {  	[sflag:s0] =	ssyncset.done $0x0  }
0x1b4: {  	[sflag:s0] =	ssyncadd.s32 $0xFFFFF800  }
0x1b5: {  	_ =	swait.ge [sflag:s0], $0x800  }
0x1b6: {  	[sflag:s0] =	ssyncset.done $0x0  }
0x1b7: {  	[sflag:s0] =	ssyncadd.s32 $0xFFFFF800  }
0x1b8: {  	_ =	swait.ge [sflag:s0], $0x800  }
0x1b9: {  	[sflag:s0] =	ssyncset.done $0x0  }
.Ltmp4:
0x1ba: {  	s7 =	simm.s32 $0x300;
	[sflag:s0] =	ssyncadd.s32 $0xFFFFF800;
	(pc) =	sbr.rel @p0 .LBB2_10-.Ltmp4, $4  }
0x1bb: {  	s17 =	simm.s32 $0x900;
	s19 =	simm.s32 $0x4400;
	_ =	swait.ge [sflag:s0], $0x800  }
0x1bc: {  	s20 =	simm.s32 $0x4C00;
	s11 =	simm.s32 $0x5400;
	s18 =	rddreg [dreg:$0x13]  }
0x1bd: {  	s5 =	simm.s32 $0x5C00;
	[sflag:s0] =	ssyncset.done $0x0;
	s31 =	rddreg [dreg:$0x15]  }
0x1be: {  	s12 =	simm.s32 $0x6400;
	[sflag:s0] =	ssyncadd.s32 $0xFFFFF800;
	s0 =	sld [smem:$0x7F8]  }
0x1bf: {  	s6 =	rddreg [dreg:$0x1f]  }
0x1c0: {  	s22 =	sadd.s32 $0x1, s6  }
0x1c1: {  	p3 =	slt.u32 s22, s18  }
.Ltmp5:
0x1c2: {  	_ = 	snop;
	(pc) =	sbr.rel @!p3 .LBB2_9-.Ltmp5, $3  }
0x1c3: {  	_ = 	snop  }
0x1c4: {  	s6 =	sld [smem:$0x7FD];
	_ =	sdelay $0x1  }
0x1c5: {  	p2 =	por $0x0, $0x0  }
0x1c6: {  	s9 =	sld [smem:$0x7FD];
	_ =	sdelay $0x2  }
0x1c7: {  	s6 =	sadd.s32 $0xFFF9E580, s9  }
0x1c8: {  	[tilespmem:s4], [sflag:$0x5] =	stream.linear.gather [hbm4b:s6+s4], $0x80, $0x38;
	[tilespmem:$0x1F300] =	vst v63  }
0x1c9: {  	_ =	swait.ge [sflag:s25], $0x80  }
0x1ca: {  	[sflag:s25] =	ssyncset.done $0x0  }
0x1cb: {  	[sflag:s25] =	ssyncadd.s32 $0xFFFFFF80  }
0x1cc: {  	[tilespmem:s26], [sflag:$0x5] =	stream.linear.gather [hbm4b:s9+s4], $0x80, $0x38;
	[tilespmem:$0x1F300] =	vst v63  }
0x1cd: {  	_ =	swait.ge [sflag:s25], $0x80  }
0x1ce: {  	[sflag:s25] =	ssyncset.done $0x0  }
0x1cf: {  	s22 =	sadd.s32 $0x1, s22;
	[sflag:s25] =	ssyncadd.s32 $0xFFFFFF80  }
0x1d0: {  	[tilespmem:s29], [sflag:$0x1] =	stream.indirect.gather [hbm4b:s1+s28], $0x10, s4, s28, $0xb8;
	[tilespmem:$0x1F300] =	vst v63  }
0x1d1: {  	p3 =	slt.u32 s22, s18;
	_ =	swait.ge [sflag:s14], $0x800  }
.Ltmp6:
0x1d2: {  	[sflag:s14] =	ssyncset.done $0x0;
	(pc) =	sbr.rel @!p3 .LBB2_9-.Ltmp6, $4  }
0x1d3: {  	[sflag:s14] =	ssyncadd.s32 $0xFFFFF800  }
0x1d4: {  	[spmem:s2] =	stream.indirect.scatter.add.f32 [tilespmem:s29], [sflag:$0x5], $0x10, s26, s28, $0xb8;
	[tilespmem:$0x1F300] =	vst v63  }
0x1d5: {  	_ =	swait.ge [sflag:s25], $0x800  }
0x1d6: {  	p2 =	por $0x1, $0x1;
	s6 =	sadd.s32 $0x10, s9;
	[sflag:s25] =	ssyncset.done $0x0  }
.LBB2_8:
0x1d7: {  	s22 =	sadd.s32 $0x1, s22;
	s9 =	sadd.s32 $0xFFF9E580, s6;
	[sflag:s25] =	ssyncadd.s32 $0xFFFFF800  }
0x1d8: {  	[tilespmem:s4], [sflag:$0x5] =	stream.linear.gather [hbm4b:s9+s4], $0x80, $0x38;
	[tilespmem:$0x1F300] =	vst v63  }
0x1d9: {  	p3 =	slt.u32 s22, s18;
	_ =	swait.ge [sflag:s25], $0x80  }
0x1da: {  	[sflag:s25] =	ssyncset.done $0x0  }
0x1db: {  	[sflag:s25] =	ssyncadd.s32 $0xFFFFFF80  }
0x1dc: {  	[tilespmem:s26], [sflag:$0x5] =	stream.linear.gather [hbm4b:s6+s4], $0x80, $0x38;
	[tilespmem:$0x1F300] =	vst v63  }
0x1dd: {  	_ =	swait.ge [sflag:s25], $0x80  }
0x1de: {  	[sflag:s25] =	ssyncset.done $0x0  }
0x1df: {  	[sflag:s25] =	ssyncadd.s32 $0xFFFFFF80  }
0x1e0: {  	[tilespmem:s29], [sflag:$0x1] =	stream.indirect.gather [hbm4b:s1+s28], $0x10, s4, s28, $0xb8;
	[tilespmem:$0x1F300] =	vst v63  }
0x1e1: {  	_ =	swait.ge [sflag:s14], $0x800  }
.Ltmp7:
0x1e2: {  	[sflag:s14] =	ssyncset.done $0x0;
	(pc) =	sbr.rel @p3 .LBB2_8-.Ltmp7, $4  }
0x1e3: {  	[sflag:s14] =	ssyncadd.s32 $0xFFFFF800  }
0x1e4: {  	[spmem:s2] =	stream.indirect.scatter.add.f32 [tilespmem:s29], [sflag:$0x5], $0x10, s26, s28, $0xb8;
	[tilespmem:$0x1F300] =	vst v63  }
0x1e5: {  	_ =	swait.ge [sflag:s25], $0x800  }
0x1e6: {  	s6 =	sadd.s32 $0x10, s6;
	[sflag:s25] =	ssyncset.done $0x0  }
.Ltmp8:
0x1e7: {  	_ = 	snop;
	(pc) =	sbr.rel .LBB2_9-.Ltmp8, $1  }
0x1e8: {  	_ =	sdelay $0x3  }
.LBB2_11:
0x1e9: {  	_ =	sfence.sel $0x180000  }
0x1ea: {  	[bflag:$0x0] =	sbarrier.arrive $0xFFFF  }
0x1eb: {  	_ =	strace $0x90000047  }
0x1ec: {  	s0 =	stileid.u32;
	[bflag:$0x2] =	sbarrier.arrive $0xFFFF  }
0x1ed: {  	p0 =	sne.s32 s0, $0x0;
	s0 =	rddreg [dreg:$0x3]  }
0x1ee: {  	s0 =	sadd.s32 @!p0 $0x100000, s0  }
0x1ef: {  	[sflag:s0] =	ssyncadd.tile.s32 @!p0 $0x1;
	_ =	shalt  }
.Lfunc_end2:
_tile_overlayer_lowered:
.L_overlay_start_2:
0x1f0: {  	(tag) =	ssettag $0x2  }
0x1f1: {  	s0 =	rddreg [dreg:$0x0];
	s2 =	stileid.u32  }
0x1f2: {  	s1 =	rddreg [dreg:$0x1];
	p0 =	sne.s32 s2, $0x0  }
0x1f3: {  	s3 =	rddreg [dreg:$0x2];
	[bflag:$0x3] =	sbarrier.arrive $0xFFFF;
	s2 =	simm.s32 @!p0 $0x1C05  }
0x1f4: {  	[timem:s3], [sflag:s2] =	dma.local @!p0 [hbm:s0], s1  }
0x1f5: {  	s0 =	simm.s32 @!p0 $0x5  }
0x1f6: {  	_ =	swait.ge @!p0 [sflag:s0], s1  }
0x1f7: {  	s1 =	ssub.s32 @!p0 $0x0, s1;
	[sflag:s0] =	ssyncset.done @!p0 $0x0  }
0x1f8: {  	[sflag:s0] =	ssyncadd.s32 @!p0 s1  }
0x1f9: {  	[bflag:$0x3] =	sbarrier.arrive $0xFFFF  }
0x1fa: {  	_ =	shalt  }

// kernel: kernel.8.cloned.1.call-start
scs
__scs_entry_jumppad:
0x0: {  	(pc) =	sbr.rel $0x88, $3  }
0x1: {  	(tag) =	ssettag $0x0;
	lr =	simm.s32 $0x1  }
0x2: {  	[smem:$0x3F9D] =	sst lr;
	_ =	strace $0xD0000000  }
0x3: {  	_ = 	snop  }
0x4: {  	_ = 	snop  }
0x5: {  	_ = 	snop  }
0x6: {  	_ = 	snop  }
0x7: {  	_ = 	snop  }
__scs_overlays_trampoline_lowered:
0x8: {  	[smem:$0x3FAC] =	sst s0  }
0x9: {  	[smem:$0x3FAD] =	sst s1  }
0xa: {  	[smem:$0x3FAE] =	sst s2  }
0xb: {  	[smem:$0x3FAF] =	sst s3  }
0xc: {  	[smem:$0x3FB0] =	sst s4  }
0xd: {  	[smem:$0x3FB1] =	sst s5  }
0xe: {  	[smem:$0x3FB2] =	sst s6  }
0xf: {  	[smem:$0x3FB3] =	sst s7  }
0x10: {  	[smem:$0x3FB4] =	sst s8  }
0x11: {  	[smem:$0x3FB5] =	sst s9;
	s0 =	simm.s32 @!p0 $0x0  }
0x12: {  	s1 =	sld [smem:$0x3F9B];
	s0 =	simm.s32 @p0 $0x1  }
0x13: {  	[smem:$0x3FB6] =	sst s0;
	s0 =	simm.s32 @!p1 $0x0  }
0x14: {  	s2 =	sld [smem:$0x3F9A];
	s0 =	simm.s32 @p1 $0x1  }
0x15: {  	[smem:$0x3FB7] =	sst s0;
	s0 =	simm.s32 @!p2 $0x0  }
0x16: {  	s3 =	sld [smem:$0x3FDB];
	s0 =	simm.s32 @p2 $0x1  }
0x17: {  	s4 =	simm.s32 $0x1BF5;
	[smem:$0x3FB9] =	sst s0  }
0x18: {  	s0 =	sld [smem:$0x3F9C];
	_ =	swait.ge [sflag:s4], $0x0  }
0x19: {  	s7 =	sld [smem:$0x3F9D]  }
0x1a: {  	s8 =	sadd.s32 $0xFFFFE003, lr  }
0x1b: {  	s9 =	sadd.s32 $0xFFFFFEF7, lr;
	s5 =	simm.s32 $0xFFFFFFFF;
	p2 =	slt.u32 s8, $0xFFFFF086  }
0x1c: {  	p1 =	slt.u32 s9, $0xF7A;
	s5 =	simm.s32 @!p2 $0x0  }
0x1d: {  	s5 =	simm.s32 @p1 $0x1;
	p0 =	seq.s32 s7, s2  }
0x1e: {  	s7 =	smul.u32 @!p0 $0xF7A, s2;
	p2 =	seq.s32 @!p0 s5, $0x0  }
0x1f: {  	s9 =	smul.u32 $0xF7A, s1;
	s8 =	simm.s32 @!p0 $0x1BF5;
	p2 =	por !p2, p0  }
0x20: {  	[sflag:s8] =	ssyncset.s32 @!p0 $0xFFFFF086;
	s6 =	sadd.s32 @!p0 s3, s7;
	s7 =	simm.s32 @!p0 $0x108  }
0x21: {  	s3 =	sadd.s32 s3, s9;
	s6 =	sadd.s32 @!p0 $0x88, s6;
	s7 =	simm.s32 @p2 $0x1082  }
0x22: {  	[simem:s7], [sflag:s8] =	dma.local @!p0 [hbm:s6], $0xF7A  }
0x23: {  	s9 =	sor.u32 $0xD0000000, s2;
	s6 =	simm.s32 $0x108;
	_ =	swait.ge @!p0 [sflag:s8], $0x0  }
0x24: {  	s3 =	sadd.s32 $0x88, s3;
	s6 =	simm.s32 @!p1 $0x1082;
	[sflag:s4] =	ssyncset.s32 $0xFFFFF086  }
0x25: {  	[simem:s6], [sflag:s4] =	dma.local [hbm:s3], $0xF7A  }
0x26: {  	[smem:$0x3F9D] =	sst s1;
	(tag) =	ssettag s2;
	_ =	strace s9  }
0x27: {  	s1 =	sld [smem:$0x3FAD]  }
0x28: {  	s2 =	sld [smem:$0x3FAE]  }
0x29: {  	s4 =	sld [smem:$0x3FB0]  }
0x2a: {  	p0 =	seq.s32 s5, $0x0;
	s5 =	sld [smem:$0x3FB1]  }
0x2b: {  	s6 =	sld [smem:$0x3FB2]  }
0x2c: {  	s7 =	sld [smem:$0x3FB3]  }
0x2d: {  	s3 =	simm.s32 $0x108;
	s8 =	sld [smem:$0x3FB4]  }
0x2e: {  	s3 =	simm.s32 @!p0 $0x1082;
	s9 =	sld [smem:$0x3FB5]  }
0x2f: {  	lr =	sadd.s32 s0, s3;
	s0 =	sld [smem:$0x3FAC]  }
0x30: {  	s3 =	sld [smem:$0x3FAF]  }
0x31: {  	[smem:$0x3FB8] =	sst s10  }
0x32: {  	s10 =	sld [smem:$0x3FB6];
	_ =	sdelay $0x3  }
0x33: {  	p0 =	seq.s32 s10, $0x1;
	s10 =	sld [smem:$0x3FB8];
	_ =	sdelay $0x3  }
0x34: {  	[smem:$0x3FB8] =	sst s10  }
0x35: {  	s10 =	sld [smem:$0x3FB7];
	_ =	sdelay $0x3  }
0x36: {  	p1 =	seq.s32 s10, $0x1;
	s10 =	sld [smem:$0x3FB8];
	_ =	sdelay $0x3  }
0x37: {  	[smem:$0x3FB8] =	sst s10  }
0x38: {  	s10 =	sld [smem:$0x3FB9]  }
0x39: {  	_ = 	snop;
	(pc) =	sbr.ind lr, $3  }
0x3a: {  	_ = 	snop  }
0x3b: {  	_ = 	snop  }
0x3c: {  	p2 =	seq.s32 s10, $0x1;
	s10 =	sld [smem:$0x3FB8]  }
0x3d: {  	_ =	shalt  }
0x3e: {  	_ =	shalt  }
0x3f: {  	_ =	shalt  }
0x40: {  	_ =	shalt  }
0x41: {  	_ =	shalt  }
0x42: {  	_ =	shalt  }
0x43: {  	_ =	shalt  }
0x44: {  	_ =	shalt  }
0x45: {  	_ =	shalt  }
0x46: {  	_ =	shalt  }
0x47: {  	_ =	shalt  }
0x48: {  	_ =	shalt  }
0x49: {  	_ =	shalt  }
0x4a: {  	_ =	shalt  }
0x4b: {  	_ =	shalt  }
0x4c: {  	_ =	shalt  }
0x4d: {  	_ =	shalt  }
0x4e: {  	_ =	shalt  }
0x4f: {  	_ =	shalt  }
0x50: {  	_ =	shalt  }
0x51: {  	_ =	shalt  }
0x52: {  	_ =	shalt  }
0x53: {  	_ =	shalt  }
0x54: {  	_ =	shalt  }
0x55: {  	_ =	shalt  }
0x56: {  	_ =	shalt  }
0x57: {  	_ =	shalt  }
0x58: {  	_ =	shalt  }
0x59: {  	_ =	shalt  }
0x5a: {  	_ =	shalt  }
0x5b: {  	_ =	shalt  }
0x5c: {  	_ =	shalt  }
0x5d: {  	_ =	shalt  }
0x5e: {  	_ =	shalt  }
0x5f: {  	_ =	shalt  }
0x60: {  	_ =	shalt  }
0x61: {  	_ =	shalt  }
0x62: {  	_ =	shalt  }
0x63: {  	_ =	shalt  }
0x64: {  	_ =	shalt  }
0x65: {  	_ =	shalt  }
0x66: {  	_ =	shalt  }
0x67: {  	_ =	shalt  }
0x68: {  	_ =	shalt  }
0x69: {  	_ =	shalt  }
0x6a: {  	_ =	shalt  }
0x6b: {  	_ =	shalt  }
0x6c: {  	_ =	shalt  }
0x6d: {  	_ =	shalt  }
0x6e: {  	_ =	shalt  }
0x6f: {  	_ =	shalt  }
0x70: {  	_ =	shalt  }
0x71: {  	_ =	shalt  }
0x72: {  	_ =	shalt  }
0x73: {  	_ =	shalt  }
0x74: {  	_ =	shalt  }
0x75: {  	_ =	shalt  }
0x76: {  	_ =	shalt  }
0x77: {  	_ =	shalt  }
0x78: {  	_ =	shalt  }
0x79: {  	_ =	shalt  }
0x7a: {  	_ =	shalt  }
0x7b: {  	_ =	shalt  }
0x7c: {  	_ =	shalt  }
0x7d: {  	_ =	shalt  }
0x7e: {  	_ =	shalt  }
0x7f: {  	_ =	shalt  }
0x80: {  	_ =	shalt  }
0x81: {  	_ =	shalt  }
0x82: {  	_ =	shalt  }
0x83: {  	_ =	shalt  }
0x84: {  	_ =	shalt  }
0x85: {  	_ =	shalt  }
0x86: {  	_ =	shalt  }
0x87: {  	_ =	shalt  }
.Lfunc_end0:
.L_simem_size_0:
called_computation.1_lowered:
.L_overlay_start_0:
0x88: {  	s2 =	sld [smem:$0x3FD9]  }
0x89: {  	s3 =	sld [smem:$0x3FFE];
	_ =	sdelay $0x1  }
0x8a: {  	s1 =	srdreg.scid  }
0x8b: {  	s0 =	sand.u32 $0x1, s1  }
0x8c: {  	s17 =	sshll.u32 s0, $0xA;
	s2 =	sadd.s32 s3, s2  }
0x8d: {  	s2 =	sadd.s32 s2, s17  }
0x8e: {  	[smem:$0x3FC4] =	sst s2  }
0x8f: {  	_ = 	snop  }
0x90: {  	s2 =	sld [smem:$0x3FD0];
	(tm) =	ssettm $0x1  }
0x91: {  	s18 =	sld [smem:$0x3FFB];
	_ =	sdelay $0x3  }
0x92: {  	_ =	strace s18  }
0x93: {  	s3 =	sld [smem:$0x3FFC];
	_ =	sdelay $0x3  }
0x94: {  	_ =	strace s3  }
0x95: {  	s3 =	sld [smem:$0x3FFD];
	_ =	sdelay $0x3  }
0x96: {  	_ =	strace s3  }
0x97: {  	_ =	strace $0x8FFFFFFF  }
0x98: {  	s19 =	sld [smem:$0x3FDB];
	_ =	sdelay $0x1  }
0x99: {  	s4 =	simm.s32 $_scs_section_size  }
0x9a: {  	s5 =	simm.s32 $_size__tile_overlayer_lowered;
	s6 =	simm.s32 $_tile_overlayer_lowered  }
0x9b: {  	s22 =	simm.s32 $0x1BFF;
	s21 =	sshll.u32 s6, $0x1;
	s3 =	sadd.s32 s4, s19  }
0x9c: {  	s7 =	simm.s32 $0x0;
	s20 =	sshll.u32 s5, $0x1;
	s5 =	sadd.s32 s21, s3  }
0x9d: {  	[timem:s7], [sflag:s22] =	dma.local [hbm:s5], s20  }
0x9e: {  	_ =	swait.ge [sflag:s22], s20  }
0x9f: {  	s4 =	ssub.s32 $0x0, s20;
	[sflag:s22] =	ssyncset.done $0x0  }
0xa0: {  	[sflag:s22] =	ssyncadd.s32 s4;
	_ =	sdelay $0x1  }
0xa1: {  	s23 =	simm.s32 $0x1B8B  }
0xa2: {  	_ =	swait.ge [sflag:s23], $0x1  }
0xa3: {  	[sflag:s23] =	ssyncset.done $0x0  }
0xa4: {  	s25 =	simm.s32 $0x1B8E;
	s24 =	sld [smem:$0x3FFE];
	[sflag:s23] =	ssyncadd.s32 $0xFFFFFFFF  }
0xa5: {  	s26 =	simm.s32 $execute0_lowered;
	[smem:$0x3FD2] =	sst s25  }
0xa6: {  	s5 =	sshll.u32 s26, $0x1;
	_ =	strace $0x80000049;
	[dreg:$0x1] =	wrdreg $0xFFFFFFFF  }
0xa7: {  	s28 =	simm.s32 $_size_execute0_lowered;
	s3 =	sadd.s32 s3, s5;
	[dreg:$0x0] =	wrdreg $0x0  }
0xa8: {  	s5 =	sshll.u32 s28, $0x1;
	[dreg:$0x2] =	wrdreg s3  }
0xa9: {  	[dreg:$0x3] =	wrdreg s5  }
0xaa: {  	[dreg:$0x4] =	wrdreg $0xC0  }
0xab: {  	_ =	task [dreg:s7], $0x5FFFF  }
0xac: {  	[dreg:$0x1] =	wrdreg $0xFFFFFFFF  }
0xad: {  	[dreg:$0x0] =	wrdreg $0x60  }
0xae: {  	[dreg:$0x2] =	wrdreg s24  }
0xaf: {  	[dreg:$0x3] =	wrdreg s2  }
0xb0: {  	[dreg:$0x4] =	wrdreg $0x9  }
0xb1: {  	_ =	task.clear_ibuf [dreg:s7], $0x5FFFF;
	_ =	strace $0x90000049  }
0xb2: {  	s29 =	simm.s32 $0x9;
	_ =	strace $0x8000004B  }
0xb3: {  	_ =	swait.ge [sflag:s29], $0x1  }
0xb4: {  	[sflag:s29] =	ssyncadd.s32 $0xFFFFFFFF  }
0xb5: {  	_ =	strace $0x9000004B  }
0xb6: {  	_ =	sfence  }
0xb7: {  	s30 =	sld [smem:$0x0];
	_ =	sdelay $0x2  }
0xb8: {  	s31 =	sshll.u32 s1, $0xD;
	s1 =	sshrl.u32 s1, $0x2  }
0xb9: {  	s3 =	sand.u32 $0x4000, s31;
	s1 =	sadd.s32 s1, s30  }
0xba: {  	s0 =	sor.u32 s3, s0;
	s1 =	sshll.u32 s1, $0x11  }
0xbb: {  	s0 =	sor.u32 s1, s0  }
0xbc: {  	s0 =	sadd.s32 $0x8F2B, s0  }
0xbd: {  	[sflag:s0] =	ssyncadd.remote.s32 $0x1  }
0xbe: {  	_ =	sfence.sel $0xFFFF  }
0xbf: {  	[dreg:$0x0] =	wrdreg $0xFFFFFFFF;
	(pc) =	sbr.abs _section_cstart, $3  }
0xc0: {  	[dreg:$0x1] =	wrdreg $0xFFFFFFFF  }
0xc1: {  	_ =	task.clear_ibuf [dreg:s7], $0x2FFFF;
	_ =	strace $0x9FFFFFFF  }
0xc2: {  	(tm) =	ssettm $0x7FFFFFFF  }
0xc3: {  	_ =	shalt  }
tec
execute0_lowered:
.L_overlay_start_1:
0x0: {  	(tag) =	ssettag $0x1  }
0x1: {  	s0 =	srdreg.scid;
	s13 =	rddreg [dreg:$0x0]  }
0x2: {  	s14 =	rddreg [dreg:$0x1];
	s1 =	stileid.u32;
	s2 =	simm.s32 $0x0  }
0x3: {  	s16 =	simm.s32 $0x1;
	s17 =	simm.s32 $0x6400;
	s0 =	sand.u32 $0x1, s0  }
0x4: {  	s18 =	simm.s32 $0xC800;
	s20 =	simm.s32 $0x0;
	s3 =	sshll.u32 s0, $0x4  }
0x5: {  	[smem:$0x7FF] =	sst s2;
	s7 =	sadd.s32 $0xC5A00, s13;
	s19 =	sor.u32 s1, s3  }
0x6: {  	s9 =	sadd.s32 $0x127600, s13;
	s0 =	ssub.s32 $0x2, s0;
	s6 =	smul.u32 $0xC40, s19  }
0x7: {  	_ =	strace $0x8000004A;
	s4 =	sshrl.u32 s0, $0x1;
	s3 =	smul.u32 $0xC400, s19  }
0x8: {  	s8 =	smul.u32 $0x1880, s19;
	s0 =	ssub.s32 s0, s4;
	p0 =	seq.s32 s19, $0x1F  }
0x9: {  	s19 =	simm.s32 $0xCE40;
	s15 =	smax.u32 s0, $0x1;
	s31 =	sshrl.u32 s3, $0x3  }
0xa: {  	s3 =	sadd.s32 s7, s8;
	s5 =	sshrl.u32 s6, $0x3;
	s11 =	sadd.s32 $0x640, s6  }
.Ltmp0:
0xb: {  	s6 =	sadd.s32 s14, s8;
	s10 =	sadd.s32 s7, s31;
	(pc) =	sbr.rel .LBB2_1-.Ltmp0, $4  }
0xc: {  	s5 =	sadd.s32 s9, s5;
	s12 =	sshll.u32 s11, $0x1;
	s11 =	sshrl.u32 s11, $0x3  }
0xd: {  	s4 =	sadd.s32 $0x30D40, s10;
	s7 =	sadd.s32 s7, s12;
	s8 =	sadd.s32 $0x319C0, s10  }
0xe: {  	v0 =	vimm.s32 $0x0;
	vm0 =	vcmask $0x300;
	s9 =	sadd.s32 s9, s11;
	s10 =	sadd.s32 s14, s12;
	s12 =	sadd.s32 $0x126B40, s13  }
0xf: {  	v0 =	vsel vm0, $0x3, v0;
	s11 =	sadd.s32 $0xF5E00, s13;
	s13 =	sadd.s32 $0x12A640, s13;
	s14 =	sadd.s32 $0x30400, s14  }
.LBB2_6:
0x10: {  	v2 =	vmax.f32 v2, $0.0e+00  }
0x11: {  	[tilespmem:s28+$0x0] =	vst v2  }
0x12: {  	v2 =	vld [tilespmem:s25+$0x10]  }
0x13: {  	v3 =	vld [tilespmem:s26+$0x10];
	_ =	sdelay $0x1  }
0x14: {  	v1 =	vld.idx.msk [tilespmem:v1+s18+$0x0], $0xffff;
	_ =	sdelay $0x1  }
0x15: {  	v4 =	vmov s31  }
0x16: {  	v4 =	vshrl.u32 v4, $0x3;
	v2 =	vadd.f32 v3, v2  }
0x17: {  	v3 =	vshll.u32 v4, v0  }
0x18: {  	v3 =	vadd.s32 $0x6, v3;
	v1 =	vmul.f32 v2, v1  }
0x19: {  	v2 =	vbroadcast v3, $0x0  }
0x1a: {  	v1 =	vmax.f32 v1, $0.0e+00  }
0x1b: {  	[tilespmem:s28+$0x10] =	vst v1  }
0x1c: {  	v1 =	vld [tilespmem:s25+$0x20]  }
0x1d: {  	v3 =	vld [tilespmem:s26+$0x20];
	_ =	sdelay $0x1  }
0x1e: {  	v2 =	vld.idx.msk [tilespmem:v2+s18+$0x0], $0xffff;
	_ =	sdelay $0x1  }
0x1f: {  	v55 =	vmov s29  }
0x20: {  	v4 =	vshrl.u32 v55, $0x3;
	v1 =	vadd.f32 v3, v1  }
0x21: {  	v3 =	vshll.u32 v4, v0  }
0x22: {  	v3 =	vadd.s32 $0x7, v3;
	v1 =	vmul.f32 v1, v2  }
0x23: {  	v2 =	vbroadcast v3, $0x0  }
0x24: {  	v1 =	vmax.f32 v1, $0.0e+00  }
0x25: {  	[tilespmem:s28+$0x20] =	vst v1  }
0x26: {  	v1 =	vld [tilespmem:s26+$0x30]  }
0x27: {  	v3 =	vld [tilespmem:s25+$0x30];
	_ =	sdelay $0x1  }
0x28: {  	v2 =	vld.idx.msk [tilespmem:v2+s18+$0x0], $0xffff;
	_ =	sdelay $0x1  }
0x29: {  	s0 =	sadd.s32 $0xFFFFFFF9, s23  }
0x2a: {  	v56 =	vmov s0;
	v1 =	vadd.f32 v1, v3  }
0x2b: {  	v3 =	vshrl.u32 v56, $0x3  }
0x2c: {  	v3 =	vshll.u32 v3, v0;
	v1 =	vmul.f32 v1, v2  }
0x2d: {  	v2 =	vbroadcast v3, $0x0  }
0x2e: {  	v1 =	vmax.f32 v1, $0.0e+00  }
0x2f: {  	[tilespmem:s28+$0x30] =	vst v1  }
0x30: {  	v1 =	vld [tilespmem:s22+$0xFFFFFFC0]  }
0x31: {  	v3 =	vld [tilespmem:s21+$0xFFFFFFC0];
	_ =	sdelay $0x1  }
0x32: {  	v2 =	vld.idx.msk [tilespmem:v2+s18+$0x0], $0xffff  }
0x33: {  	s25 =	sadd.s32 $0xFFFFFFFA, s23  }
0x34: {  	v57 =	vmov s25  }
0x35: {  	v4 =	vshrl.u32 v57, $0x3;
	v1 =	vadd.f32 v3, v1  }
0x36: {  	v3 =	vshll.u32 v4, v0  }
0x37: {  	v3 =	vadd.s32 $0x1, v3;
	v1 =	vmul.f32 v1, v2  }
0x38: {  	v2 =	vbroadcast v3, $0x0  }
0x39: {  	s24 =	sadd.s32 $0x80, s24;
	v1 =	vmax.f32 v1, $0.0e+00  }
0x3a: {  	[tilespmem:s24+$0xFFFFFFC0] =	vst v1  }
0x3b: {  	v1 =	vld [tilespmem:s22+$0xFFFFFFD0]  }
0x3c: {  	v3 =	vld [tilespmem:s21+$0xFFFFFFD0];
	_ =	sdelay $0x1  }
0x3d: {  	v2 =	vld.idx.msk [tilespmem:v2+s18+$0x0], $0xffff  }
0x3e: {  	s26 =	sadd.s32 $0xFFFFFFFB, s23  }
0x3f: {  	v58 =	vmov s26  }
0x40: {  	v4 =	vshrl.u32 v58, $0x3;
	v1 =	vadd.f32 v3, v1  }
0x41: {  	v3 =	vshll.u32 v4, v0  }
0x42: {  	v3 =	vadd.s32 $0x2, v3;
	v1 =	vmul.f32 v1, v2  }
0x43: {  	v2 =	vbroadcast v3, $0x0  }
0x44: {  	v1 =	vmax.f32 v1, $0.0e+00  }
0x45: {  	[tilespmem:s24+$0xFFFFFFD0] =	vst v1  }
0x46: {  	v1 =	vld [tilespmem:s22+$0xFFFFFFE0]  }
0x47: {  	v3 =	vld [tilespmem:s21+$0xFFFFFFE0];
	_ =	sdelay $0x1  }
0x48: {  	v2 =	vld.idx.msk [tilespmem:v2+s18+$0x0], $0xffff  }
0x49: {  	s28 =	sadd.s32 $0xFFFFFFFC, s23  }
0x4a: {  	v59 =	vmov s28  }
0x4b: {  	v4 =	vshrl.u32 v59, $0x3;
	v1 =	vadd.f32 v3, v1  }
0x4c: {  	v3 =	vshll.u32 v4, v0  }
0x4d: {  	v3 =	vadd.s32 $0x3, v3;
	v1 =	vmul.f32 v1, v2  }
0x4e: {  	v2 =	vbroadcast v3, $0x0  }
0x4f: {  	v1 =	vmax.f32 v1, $0.0e+00  }
0x50: {  	[tilespmem:s24+$0xFFFFFFE0] =	vst v1  }
0x51: {  	v1 =	vld [tilespmem:s22+$0xFFFFFFF0]  }
0x52: {  	v3 =	vld [tilespmem:s21+$0xFFFFFFF0];
	_ =	sdelay $0x1  }
0x53: {  	v2 =	vld.idx.msk [tilespmem:v2+s18+$0x0], $0xffff  }
0x54: {  	s29 =	sadd.s32 $0xFFFFFFFD, s23  }
0x55: {  	v60 =	vmov s29  }
0x56: {  	v4 =	vshrl.u32 v60, $0x3;
	v1 =	vadd.f32 v3, v1  }
0x57: {  	v3 =	vshll.u32 v4, v0  }
0x58: {  	v3 =	vadd.s32 $0x4, v3;
	v1 =	vmul.f32 v1, v2  }
0x59: {  	v2 =	vbroadcast v3, $0x0  }
0x5a: {  	v1 =	vmax.f32 v1, $0.0e+00  }
0x5b: {  	[tilespmem:s24+$0xFFFFFFF0] =	vst v1  }
0x5c: {  	v1 =	vld [tilespmem:s22+$0x0]  }
0x5d: {  	v3 =	vld [tilespmem:s21+$0x0];
	_ =	sdelay $0x1  }
0x5e: {  	v2 =	vld.idx.msk [tilespmem:v2+s18+$0x0], $0xffff  }
0x5f: {  	s30 =	sadd.s32 $0xFFFFFFFE, s23  }
0x60: {  	v61 =	vmov s30  }
0x61: {  	v4 =	vshrl.u32 v61, $0x3;
	v1 =	vadd.f32 v3, v1  }
0x62: {  	v3 =	vshll.u32 v4, v0  }
0x63: {  	v3 =	vadd.s32 $0x5, v3;
	v1 =	vmul.f32 v1, v2  }
0x64: {  	v2 =	vbroadcast v3, $0x0  }
0x65: {  	v1 =	vmax.f32 v1, $0.0e+00  }
0x66: {  	[tilespmem:s24+$0x0] =	vst v1  }
0x67: {  	v1 =	vld [tilespmem:s22+$0x10]  }
0x68: {  	v3 =	vld [tilespmem:s21+$0x10];
	_ =	sdelay $0x1  }
0x69: {  	v2 =	vld.idx.msk [tilespmem:v2+s18+$0x0], $0xffff  }
0x6a: {  	s31 =	sadd.s32 $0xFFFFFFFF, s23  }
0x6b: {  	v62 =	vmov s31  }
0x6c: {  	v4 =	vshrl.u32 v62, $0x3;
	v1 =	vadd.f32 v3, v1  }
0x6d: {  	v3 =	vshll.u32 v4, v0  }
0x6e: {  	v3 =	vadd.s32 $0x6, v3;
	v1 =	vmul.f32 v1, v2  }
0x6f: {  	v2 =	vbroadcast v3, $0x0  }
0x70: {  	v1 =	vmax.f32 v1, $0.0e+00  }
0x71: {  	[tilespmem:s24+$0x10] =	vst v1  }
0x72: {  	v1 =	vld [tilespmem:s22+$0x20]  }
0x73: {  	v3 =	vld [tilespmem:s21+$0x20];
	_ =	sdelay $0x1  }
0x74: {  	v2 =	vld.idx.msk [tilespmem:v2+s18+$0x0], $0xffff;
	_ =	sdelay $0x1  }
0x75: {  	v63 =	vmov s23  }
0x76: {  	v4 =	vshrl.u32 v63, $0x3;
	v1 =	vadd.f32 v3, v1  }
0x77: {  	v3 =	vshll.u32 v4, v0  }
0x78: {  	v3 =	vadd.s32 $0x7, v3;
	v1 =	vmul.f32 v1, v2  }
0x79: {  	v2 =	vbroadcast v3, $0x0  }
0x7a: {  	v1 =	vmax.f32 v1, $0.0e+00  }
0x7b: {  	[tilespmem:s24+$0x20] =	vst v1  }
0x7c: {  	v1 =	vld [tilespmem:s21+$0x30]  }
0x7d: {  	v3 =	vld [tilespmem:s22+$0x30];
	_ =	sdelay $0x1  }
0x7e: {  	v2 =	vld.idx.msk [tilespmem:v2+s18+$0x0], $0xffff;
	_ =	sdelay $0x2  }
0x7f: {  	v1 =	vadd.f32 v1, v3;
	_ =	sdelay $0x1  }
0x80: {  	v1 =	vmul.f32 v1, v2;
	_ =	sdelay $0x1  }
0x81: {  	v1 =	vmax.f32 v1, $0.0e+00  }
0x82: {  	[tilespmem:s24+$0x30] =	vst v1  }
0x83: {  	[hbm4b:s10+s2] =	stream.linear.scatter [tilespmem:s19], [sflag:$0x1], $0x6000, $0x38;
	[tilespmem:$0x13240] =	vst v63  }
0x84: {  	_ =	swait.ge [sflag:s16], $0x6000  }
0x85: {  	[sflag:s16] =	ssyncset.done $0x0  }
0x86: {  	[sflag:s16] =	ssyncadd.s32 $0xFFFFA000  }
.LBB2_10:
0x87: {  	s20 =	sadd.s32 $0x1, s20  }
0x88: {  	p1 =	sne.s32 s20, s15  }
.Ltmp1:
0x89: {  	_ = 	snop;
	(pc) =	sbr.rel @!p1 .LBB2_11-.Ltmp1, $1  }
0x8a: {  	_ =	sdelay $0x3  }
.LBB2_1:
0x8b: {  	[tilespmem:s2], [sflag:$0x1] =	stream.linear.gather [hbm4b:s3+s2], $0x6400, $0x38;
	[tilespmem:$0x13240] =	vst v63  }
0x8c: {  	_ =	swait.ge [sflag:s16], $0x6400  }
0x8d: {  	[sflag:s16] =	ssyncset.done $0x0  }
0x8e: {  	[sflag:s16] =	ssyncadd.s32 $0xFFFF9C00  }
0x8f: {  	[tilespmem:s17], [sflag:$0x1] =	stream.linear.gather [hbm4b:s4+s2], $0x6400, $0x38;
	[tilespmem:$0x13240] =	vst v63  }
0x90: {  	s0 =	simm.s32 $0x0;
	_ =	swait.ge [sflag:s16], $0x6400  }
0x91: {  	v1 =	vmov s0;
	[sflag:s16] =	ssyncset.done $0x0  }
0x92: {  	v1 =	vshrl.u32 v1, $0x3;
	[sflag:s16] =	ssyncadd.s32 $0xFFFF9C00  }
0x93: {  	v1 =	vshll.u32 v1, v0;
	[tilespmem:s18], [sflag:$0x1] =	stream.linear.gather [hbm4b:s5+s2], $0x640, $0x38;
	[tilespmem:$0x13240] =	vst v63  }
0x94: {  	v1 =	vbroadcast v1, $0x0;
	_ =	swait.ge [sflag:s16], $0x640  }
0x95: {  	[sflag:s16] =	ssyncset.done $0x0  }
0x96: {  	s25 =	simm.s32 $0x40;
	[sflag:s16] =	ssyncadd.s32 $0xFFFFF9C0  }
0x97: {  	s26 =	simm.s32 $0x6440;
	v2 =	vld [tilespmem:s25+$0xFFFFFFC0]  }
0x98: {  	v3 =	vld [tilespmem:s26+$0xFFFFFFC0];
	_ =	sdelay $0x1  }
0x99: {  	v1 =	vld.idx.msk [tilespmem:v1+s18+$0x0], $0xffff  }
0x9a: {  	s24 =	simm.s32 $0x1  }
0x9b: {  	v4 =	vmov s24  }
0x9c: {  	v4 =	vshrl.u32 v4, $0x3;
	v2 =	vadd.f32 v3, v2  }
0x9d: {  	v3 =	vshll.u32 v4, v0  }
0x9e: {  	v3 =	vadd.s32 $0x1, v3;
	v1 =	vmul.f32 v2, v1  }
0x9f: {  	v2 =	vbroadcast v3, $0x0  }
0xa0: {  	s24 =	simm.s32 $0xCE80;
	v1 =	vmax.f32 v1, $0.0e+00  }
0xa1: {  	[tilespmem:s24+$0xFFFFFFC0] =	vst v1  }
0xa2: {  	v1 =	vld [tilespmem:s25+$0xFFFFFFD0]  }
0xa3: {  	v3 =	vld [tilespmem:s26+$0xFFFFFFD0];
	_ =	sdelay $0x1  }
0xa4: {  	v2 =	vld.idx.msk [tilespmem:v2+s18+$0x0], $0xffff  }
0xa5: {  	s1 =	simm.s32 $0x2  }
0xa6: {  	v60 =	vmov s1  }
0xa7: {  	v4 =	vshrl.u32 v60, $0x3;
	v1 =	vadd.f32 v3, v1  }
0xa8: {  	v3 =	vshll.u32 v4, v0  }
0xa9: {  	v3 =	vadd.s32 $0x2, v3;
	v1 =	vmul.f32 v1, v2  }
0xaa: {  	v2 =	vbroadcast v3, $0x0  }
0xab: {  	v1 =	vmax.f32 v1, $0.0e+00  }
0xac: {  	[tilespmem:s24+$0xFFFFFFD0] =	vst v1  }
0xad: {  	v1 =	vld [tilespmem:s25+$0xFFFFFFE0]  }
0xae: {  	v3 =	vld [tilespmem:s26+$0xFFFFFFE0];
	_ =	sdelay $0x1  }
0xaf: {  	v2 =	vld.idx.msk [tilespmem:v2+s18+$0x0], $0xffff  }
0xb0: {  	s21 =	simm.s32 $0x3  }
0xb1: {  	v61 =	vmov s21  }
0xb2: {  	v4 =	vshrl.u32 v61, $0x3;
	v1 =	vadd.f32 v3, v1  }
0xb3: {  	v3 =	vshll.u32 v4, v0  }
0xb4: {  	v3 =	vadd.s32 $0x3, v3;
	v1 =	vmul.f32 v1, v2  }
0xb5: {  	v2 =	vbroadcast v3, $0x0  }
0xb6: {  	v1 =	vmax.f32 v1, $0.0e+00  }
0xb7: {  	[tilespmem:s24+$0xFFFFFFE0] =	vst v1  }
0xb8: {  	v1 =	vld [tilespmem:s25+$0xFFFFFFF0]  }
0xb9: {  	v3 =	vld [tilespmem:s26+$0xFFFFFFF0];
	_ =	sdelay $0x1  }
0xba: {  	v2 =	vld.idx.msk [tilespmem:v2+s18+$0x0], $0xffff  }
0xbb: {  	s22 =	simm.s32 $0x4  }
0xbc: {  	v62 =	vmov s22  }
0xbd: {  	v4 =	vshrl.u32 v62, $0x3;
	v1 =	vadd.f32 v3, v1  }
0xbe: {  	v3 =	vshll.u32 v4, v0  }
0xbf: {  	v3 =	vadd.s32 $0x4, v3;
	v1 =	vmul.f32 v1, v2  }
0xc0: {  	v2 =	vbroadcast v3, $0x0  }
0xc1: {  	v1 =	vmax.f32 v1, $0.0e+00  }
0xc2: {  	[tilespmem:s24+$0xFFFFFFF0] =	vst v1  }
0xc3: {  	v1 =	vld [tilespmem:s25+$0x0]  }
0xc4: {  	v3 =	vld [tilespmem:s26+$0x0];
	_ =	sdelay $0x1  }
0xc5: {  	s23 =	simm.s32 $0x5;
	v2 =	vld.idx.msk [tilespmem:v2+s18+$0x0], $0xffff  }
0xc6: {  	v63 =	vmov s23  }
0xc7: {  	v4 =	vshrl.u32 v63, $0x3  }
0xc8: {  	s29 =	simm.s32 $0x7;
	v4 =	vshll.u32 v4, v0;
	v3 =	vadd.f32 v3, v1  }
0xc9: {  	s30 =	simm.s32 $0x17;
	s31 =	simm.s32 $0x6;
	s28 =	simm.s32 $0xCE80;
	v1 =	vadd.s32 $0x5, v4  }
0xca: {  	s23 =	simm.s32 $0xF;
	s21 =	simm.s32 $0x64C0;
	s22 =	simm.s32 $0xC0;
	v1 =	vbroadcast v1, $0x0;
	v2 =	vmul.f32 v3, v2  }
.LBB2_2:
0xcb: {  	s1 =	sadd.s32 $0xFFFFFFF9, s23  }
0xcc: {  	v3 =	vmov s31;
	s24 =	sadd.s32 $0x80, s24;
	s31 =	smov.u32 s30;
	s0 =	sadd.s32 $0x8, s30  }
0xcd: {  	p1 =	sne.s32 s30, $0x63F;
	v4 =	vmov s1;
	v2 =	vmax.f32 v2, $0.0e+00;
	v3 =	vshrl.u32 v3, $0x3  }
0xce: {  	v4 =	vshrl.u32 v4, $0x3;
	[tilespmem:s28+$0x0] =	vst v2;
	v2 =	vshll.u32 v3, v0  }
0xcf: {  	v3 =	vshll.u32 v4, v0;
	v4 =	vld [tilespmem:s25+$0x10];
	v2 =	vadd.s32 $0x6, v2  }
0xd0: {  	v3 =	vbroadcast v3, $0x0;
	v5 =	vld [tilespmem:s26+$0x10]  }
0xd1: {  	v2 =	vbroadcast v2, $0x0;
	v1 =	vld.idx.msk [tilespmem:v1+s18+$0x0], $0xffff;
	_ =	sdelay $0x3  }
0xd2: {  	v4 =	vadd.f32 v5, v4;
	_ =	sdelay $0x1  }
0xd3: {  	v1 =	vmul.f32 v4, v1;
	_ =	sdelay $0x1  }
0xd4: {  	v1 =	vmax.f32 v1, $0.0e+00  }
0xd5: {  	[tilespmem:s28+$0x10] =	vst v1  }
0xd6: {  	v1 =	vld [tilespmem:s25+$0x20]  }
0xd7: {  	v4 =	vld [tilespmem:s26+$0x20]  }
0xd8: {  	v2 =	vld.idx.msk [tilespmem:v2+s18+$0x0], $0xffff;
	_ =	sdelay $0x1  }
0xd9: {  	v5 =	vmov s29;
	s29 =	smov.u32 s23;
	s23 =	smov.u32 s31  }
0xda: {  	v5 =	vshrl.u32 v5, $0x3  }
0xdb: {  	v1 =	vadd.f32 v4, v1;
	v4 =	vshll.u32 v5, v0  }
0xdc: {  	v4 =	vadd.s32 $0x7, v4  }
0xdd: {  	v1 =	vmul.f32 v1, v2;
	v2 =	vbroadcast v4, $0x0;
	_ =	sdelay $0x1  }
0xde: {  	v1 =	vmax.f32 v1, $0.0e+00  }
0xdf: {  	[tilespmem:s28+$0x20] =	vst v1  }
0xe0: {  	v1 =	vld [tilespmem:s26+$0x30];
	s26 =	smov.u32 s21  }
0xe1: {  	v4 =	vld [tilespmem:s25+$0x30];
	s25 =	smov.u32 s22  }
0xe2: {  	v2 =	vld.idx.msk [tilespmem:v2+s18+$0x0], $0xffff;
	_ =	sdelay $0x3  }
0xe3: {  	v1 =	vadd.f32 v1, v4;
	_ =	sdelay $0x1  }
0xe4: {  	s1 =	sadd.s32 $0xFFFFFFFA, s29;
	v1 =	vmul.f32 v1, v2  }
0xe5: {  	v2 =	vmov s1  }
0xe6: {  	v2 =	vshrl.u32 v2, $0x3;
	v1 =	vmax.f32 v1, $0.0e+00  }
0xe7: {  	v2 =	vshll.u32 v2, v0;
	[tilespmem:s28+$0x30] =	vst v1;
	s28 =	smov.u32 s24  }
0xe8: {  	v2 =	vadd.s32 $0x1, v2;
	v1 =	vld [tilespmem:s22+$0xFFFFFFC0]  }
0xe9: {  	v2 =	vbroadcast v2, $0x0;
	v4 =	vld [tilespmem:s21+$0xFFFFFFC0]  }
0xea: {  	v3 =	vld.idx.msk [tilespmem:v3+s18+$0x0], $0xffff;
	_ =	sdelay $0x3  }
0xeb: {  	v1 =	vadd.f32 v4, v1;
	_ =	sdelay $0x1  }
0xec: {  	s1 =	sadd.s32 $0xFFFFFFFB, s29;
	v1 =	vmul.f32 v1, v3  }
0xed: {  	v3 =	vmov s1  }
0xee: {  	v3 =	vshrl.u32 v3, $0x3;
	v1 =	vmax.f32 v1, $0.0e+00  }
0xef: {  	[tilespmem:s24+$0xFFFFFFC0] =	vst v1;
	v1 =	vshll.u32 v3, v0  }
0xf0: {  	v3 =	vld [tilespmem:s22+$0xFFFFFFD0];
	v1 =	vadd.s32 $0x2, v1  }
0xf1: {  	v4 =	vld [tilespmem:s21+$0xFFFFFFD0];
	v1 =	vbroadcast v1, $0x0  }
0xf2: {  	v2 =	vld.idx.msk [tilespmem:v2+s18+$0x0], $0xffff;
	_ =	sdelay $0x3  }
0xf3: {  	v3 =	vadd.f32 v4, v3;
	_ =	sdelay $0x1  }
0xf4: {  	s1 =	sadd.s32 $0xFFFFFFFC, s29;
	v2 =	vmul.f32 v3, v2  }
0xf5: {  	v3 =	vmov s1  }
0xf6: {  	v3 =	vshrl.u32 v3, $0x3;
	v2 =	vmax.f32 v2, $0.0e+00  }
0xf7: {  	[tilespmem:s24+$0xFFFFFFD0] =	vst v2;
	v2 =	vshll.u32 v3, v0  }
0xf8: {  	v3 =	vld [tilespmem:s22+$0xFFFFFFE0];
	v2 =	vadd.s32 $0x3, v2  }
0xf9: {  	v4 =	vld [tilespmem:s21+$0xFFFFFFE0];
	v2 =	vbroadcast v2, $0x0  }
0xfa: {  	v1 =	vld.idx.msk [tilespmem:v1+s18+$0x0], $0xffff;
	_ =	sdelay $0x3  }
0xfb: {  	v3 =	vadd.f32 v4, v3;
	_ =	sdelay $0x1  }
0xfc: {  	s1 =	sadd.s32 $0xFFFFFFFD, s29;
	v1 =	vmul.f32 v3, v1  }
0xfd: {  	v3 =	vmov s1  }
0xfe: {  	v3 =	vshrl.u32 v3, $0x3;
	v1 =	vmax.f32 v1, $0.0e+00  }
0xff: {  	[tilespmem:s24+$0xFFFFFFE0] =	vst v1;
	v1 =	vshll.u32 v3, v0  }
0x100: {  	v3 =	vld [tilespmem:s22+$0xFFFFFFF0];
	v1 =	vadd.s32 $0x4, v1  }
0x101: {  	v4 =	vld [tilespmem:s21+$0xFFFFFFF0];
	v5 =	vbroadcast v1, $0x0  }
0x102: {  	v1 =	vld.idx.msk [tilespmem:v2+s18+$0x0], $0xffff;
	_ =	sdelay $0x3  }
0x103: {  	v2 =	vadd.f32 v4, v3;
	_ =	sdelay $0x1  }
0x104: {  	s1 =	sadd.s32 $0xFFFFFFFE, s29;
	v1 =	vmul.f32 v2, v1  }
0x105: {  	v2 =	vmov s1  }
0x106: {  	v2 =	vshrl.u32 v2, $0x3;
	v1 =	vmax.f32 v1, $0.0e+00  }
0x107: {  	[tilespmem:s24+$0xFFFFFFF0] =	vst v1;
	v1 =	vshll.u32 v2, v0  }
0x108: {  	v2 =	vld [tilespmem:s22+$0x0];
	v1 =	vadd.s32 $0x5, v1  }
0x109: {  	v3 =	vld [tilespmem:s21+$0x0];
	v1 =	vbroadcast v1, $0x0  }
0x10a: {  	v4 =	vld.idx.msk [tilespmem:v5+s18+$0x0], $0xffff;
	_ =	sdelay $0x1  }
.Ltmp2:
0x10b: {  	(pc) =	sbr.rel @p1 .LBB2_2-.Ltmp2, $4  }
0x10c: {  	_ = 	snop  }
0x10d: {  	v2 =	vadd.f32 v3, v2  }
0x10e: {  	s30 =	smov.u32 s0  }
0x10f: {  	s31 =	sadd.s32 $0xFFFFFFFF, s29;
	s22 =	sadd.s32 $0x80, s22;
	s21 =	sadd.s32 $0x80, s21;
	v2 =	vmul.f32 v2, v4  }
0x110: {  	_ = 	snop  }
0x111: {  	v2 =	vmax.f32 v2, $0.0e+00  }
0x112: {  	[tilespmem:s28+$0x0] =	vst v2  }
0x113: {  	v2 =	vld [tilespmem:s25+$0x10]  }
0x114: {  	v3 =	vld [tilespmem:s26+$0x10];
	_ =	sdelay $0x1  }
0x115: {  	v1 =	vld.idx.msk [tilespmem:v1+s18+$0x0], $0xffff;
	_ =	sdelay $0x1  }
0x116: {  	v4 =	vmov s31  }
0x117: {  	v4 =	vshrl.u32 v4, $0x3;
	v2 =	vadd.f32 v3, v2  }
0x118: {  	v3 =	vshll.u32 v4, v0  }
0x119: {  	v3 =	vadd.s32 $0x6, v3;
	v1 =	vmul.f32 v2, v1  }
0x11a: {  	v2 =	vbroadcast v3, $0x0  }
0x11b: {  	v1 =	vmax.f32 v1, $0.0e+00  }
0x11c: {  	[tilespmem:s28+$0x10] =	vst v1  }
0x11d: {  	v1 =	vld [tilespmem:s25+$0x20]  }
0x11e: {  	v3 =	vld [tilespmem:s26+$0x20];
	_ =	sdelay $0x1  }
0x11f: {  	v2 =	vld.idx.msk [tilespmem:v2+s18+$0x0], $0xffff;
	_ =	sdelay $0x1  }
0x120: {  	v55 =	vmov s29  }
0x121: {  	v4 =	vshrl.u32 v55, $0x3;
	v1 =	vadd.f32 v3, v1  }
0x122: {  	v3 =	vshll.u32 v4, v0  }
0x123: {  	v3 =	vadd.s32 $0x7, v3;
	v1 =	vmul.f32 v1, v2  }
0x124: {  	v2 =	vbroadcast v3, $0x0  }
0x125: {  	v1 =	vmax.f32 v1, $0.0e+00  }
0x126: {  	[tilespmem:s28+$0x20] =	vst v1  }
0x127: {  	v1 =	vld [tilespmem:s26+$0x30]  }
0x128: {  	v3 =	vld [tilespmem:s25+$0x30];
	_ =	sdelay $0x1  }
0x129: {  	v2 =	vld.idx.msk [tilespmem:v2+s18+$0x0], $0xffff;
	_ =	sdelay $0x1  }
0x12a: {  	s0 =	sadd.s32 $0xFFFFFFF9, s23  }
0x12b: {  	v56 =	vmov s0;
	v1 =	vadd.f32 v1, v3  }
0x12c: {  	v3 =	vshrl.u32 v56, $0x3  }
0x12d: {  	v3 =	vshll.u32 v3, v0;
	v1 =	vmul.f32 v1, v2  }
0x12e: {  	v2 =	vbroadcast v3, $0x0  }
0x12f: {  	v1 =	vmax.f32 v1, $0.0e+00  }
0x130: {  	[tilespmem:s28+$0x30] =	vst v1  }
0x131: {  	v1 =	vld [tilespmem:s22+$0xFFFFFFC0]  }
0x132: {  	v3 =	vld [tilespmem:s21+$0xFFFFFFC0];
	_ =	sdelay $0x1  }
0x133: {  	v2 =	vld.idx.msk [tilespmem:v2+s18+$0x0], $0xffff  }
0x134: {  	s25 =	sadd.s32 $0xFFFFFFFA, s23  }
0x135: {  	v57 =	vmov s25  }
0x136: {  	v4 =	vshrl.u32 v57, $0x3;
	v1 =	vadd.f32 v3, v1  }
0x137: {  	v3 =	vshll.u32 v4, v0  }
0x138: {  	v3 =	vadd.s32 $0x1, v3;
	v1 =	vmul.f32 v1, v2  }
0x139: {  	v2 =	vbroadcast v3, $0x0  }
0x13a: {  	s24 =	sadd.s32 $0x80, s24;
	v1 =	vmax.f32 v1, $0.0e+00  }
0x13b: {  	[tilespmem:s24+$0xFFFFFFC0] =	vst v1  }
0x13c: {  	v1 =	vld [tilespmem:s22+$0xFFFFFFD0]  }
0x13d: {  	v3 =	vld [tilespmem:s21+$0xFFFFFFD0];
	_ =	sdelay $0x1  }
0x13e: {  	v2 =	vld.idx.msk [tilespmem:v2+s18+$0x0], $0xffff  }
0x13f: {  	s26 =	sadd.s32 $0xFFFFFFFB, s23  }
0x140: {  	v58 =	vmov s26  }
0x141: {  	v4 =	vshrl.u32 v58, $0x3;
	v1 =	vadd.f32 v3, v1  }
0x142: {  	v3 =	vshll.u32 v4, v0  }
0x143: {  	v3 =	vadd.s32 $0x2, v3;
	v1 =	vmul.f32 v1, v2  }
0x144: {  	v2 =	vbroadcast v3, $0x0  }
0x145: {  	v1 =	vmax.f32 v1, $0.0e+00  }
0x146: {  	[tilespmem:s24+$0xFFFFFFD0] =	vst v1  }
0x147: {  	v1 =	vld [tilespmem:s22+$0xFFFFFFE0]  }
0x148: {  	v3 =	vld [tilespmem:s21+$0xFFFFFFE0];
	_ =	sdelay $0x1  }
0x149: {  	v2 =	vld.idx.msk [tilespmem:v2+s18+$0x0], $0xffff  }
0x14a: {  	s28 =	sadd.s32 $0xFFFFFFFC, s23  }
0x14b: {  	v59 =	vmov s28  }
0x14c: {  	v4 =	vshrl.u32 v59, $0x3;
	v1 =	vadd.f32 v3, v1  }
0x14d: {  	v3 =	vshll.u32 v4, v0  }
0x14e: {  	v3 =	vadd.s32 $0x3, v3;
	v1 =	vmul.f32 v1, v2  }
0x14f: {  	v2 =	vbroadcast v3, $0x0  }
0x150: {  	v1 =	vmax.f32 v1, $0.0e+00  }
0x151: {  	[tilespmem:s24+$0xFFFFFFE0] =	vst v1  }
0x152: {  	v1 =	vld [tilespmem:s22+$0xFFFFFFF0]  }
0x153: {  	v3 =	vld [tilespmem:s21+$0xFFFFFFF0];
	_ =	sdelay $0x1  }
0x154: {  	v2 =	vld.idx.msk [tilespmem:v2+s18+$0x0], $0xffff  }
0x155: {  	s29 =	sadd.s32 $0xFFFFFFFD, s23  }
0x156: {  	v60 =	vmov s29  }
0x157: {  	v4 =	vshrl.u32 v60, $0x3;
	v1 =	vadd.f32 v3, v1  }
0x158: {  	v3 =	vshll.u32 v4, v0  }
0x159: {  	v3 =	vadd.s32 $0x4, v3;
	v1 =	vmul.f32 v1, v2  }
0x15a: {  	v2 =	vbroadcast v3, $0x0  }
0x15b: {  	v1 =	vmax.f32 v1, $0.0e+00  }
0x15c: {  	[tilespmem:s24+$0xFFFFFFF0] =	vst v1  }
0x15d: {  	v1 =	vld [tilespmem:s22+$0x0]  }
0x15e: {  	v3 =	vld [tilespmem:s21+$0x0];
	_ =	sdelay $0x1  }
0x15f: {  	v2 =	vld.idx.msk [tilespmem:v2+s18+$0x0], $0xffff  }
0x160: {  	s30 =	sadd.s32 $0xFFFFFFFE, s23  }
0x161: {  	v61 =	vmov s30  }
0x162: {  	v4 =	vshrl.u32 v61, $0x3;
	v1 =	vadd.f32 v3, v1  }
0x163: {  	v3 =	vshll.u32 v4, v0  }
0x164: {  	v3 =	vadd.s32 $0x5, v3;
	v1 =	vmul.f32 v1, v2  }
0x165: {  	v2 =	vbroadcast v3, $0x0  }
0x166: {  	v1 =	vmax.f32 v1, $0.0e+00  }
0x167: {  	[tilespmem:s24+$0x0] =	vst v1  }
0x168: {  	v1 =	vld [tilespmem:s22+$0x10]  }
0x169: {  	v3 =	vld [tilespmem:s21+$0x10];
	_ =	sdelay $0x1  }
0x16a: {  	v2 =	vld.idx.msk [tilespmem:v2+s18+$0x0], $0xffff  }
0x16b: {  	s31 =	sadd.s32 $0xFFFFFFFF, s23  }
0x16c: {  	v62 =	vmov s31  }
0x16d: {  	v4 =	vshrl.u32 v62, $0x3;
	v1 =	vadd.f32 v3, v1  }
0x16e: {  	v3 =	vshll.u32 v4, v0  }
0x16f: {  	v3 =	vadd.s32 $0x6, v3;
	v1 =	vmul.f32 v1, v2  }
0x170: {  	v2 =	vbroadcast v3, $0x0  }
0x171: {  	v1 =	vmax.f32 v1, $0.0e+00  }
0x172: {  	[tilespmem:s24+$0x10] =	vst v1  }
0x173: {  	v1 =	vld [tilespmem:s22+$0x20]  }
0x174: {  	v3 =	vld [tilespmem:s21+$0x20];
	_ =	sdelay $0x1  }
0x175: {  	v2 =	vld.idx.msk [tilespmem:v2+s18+$0x0], $0xffff;
	_ =	sdelay $0x1  }
0x176: {  	v63 =	vmov s23  }
0x177: {  	v4 =	vshrl.u32 v63, $0x3;
	v1 =	vadd.f32 v3, v1  }
0x178: {  	v3 =	vshll.u32 v4, v0  }
0x179: {  	v3 =	vadd.s32 $0x7, v3;
	v1 =	vmul.f32 v1, v2  }
0x17a: {  	v2 =	vbroadcast v3, $0x0  }
0x17b: {  	v1 =	vmax.f32 v1, $0.0e+00  }
0x17c: {  	[tilespmem:s24+$0x20] =	vst v1  }
0x17d: {  	v1 =	vld [tilespmem:s21+$0x30]  }
0x17e: {  	v3 =	vld [tilespmem:s22+$0x30];
	_ =	sdelay $0x1  }
0x17f: {  	v2 =	vld.idx.msk [tilespmem:v2+s18+$0x0], $0xffff;
	_ =	sdelay $0x2  }
0x180: {  	v1 =	vadd.f32 v1, v3;
	_ =	sdelay $0x1  }
0x181: {  	v1 =	vmul.f32 v1, v2;
	_ =	sdelay $0x1  }
0x182: {  	v1 =	vmax.f32 v1, $0.0e+00  }
.Ltmp3:
0x183: {  	[tilespmem:s24+$0x30] =	vst v1;
	(pc) =	sbr.rel @!p0 .LBB2_4-.Ltmp3, $4  }
0x184: {  	[hbm4b:s6+s2] =	stream.linear.scatter [tilespmem:s19], [sflag:$0x1], $0x6400, $0x38;
	[tilespmem:$0x13240] =	vst v63  }
0x185: {  	_ =	swait.ge [sflag:s16], $0x6400  }
0x186: {  	[sflag:s16] =	ssyncset.done $0x0  }
0x187: {  	[sflag:s16] =	ssyncadd.s32 $0xFFFF9C00  }
0x188: {  	[tilespmem:s2], [sflag:$0x1] =	stream.linear.gather [hbm4b:s11+s2], $0x4A00, $0x38;
	[tilespmem:$0x13240] =	vst v63  }
0x189: {  	_ =	swait.ge [sflag:s16], $0x4A00  }
0x18a: {  	[sflag:s16] =	ssyncset.done $0x0  }
0x18b: {  	[sflag:s16] =	ssyncadd.s32 $0xFFFFB600  }
0x18c: {  	[tilespmem:s17], [sflag:$0x1] =	stream.linear.gather [hbm4b:s12+s2], $0x4A00, $0x38;
	[tilespmem:$0x13240] =	vst v63  }
0x18d: {  	s0 =	simm.s32 $0x0;
	_ =	swait.ge [sflag:s16], $0x4A00  }
0x18e: {  	v1 =	vmov s0;
	[sflag:s16] =	ssyncset.done $0x0  }
0x18f: {  	v1 =	vshrl.u32 v1, $0x3;
	[sflag:s16] =	ssyncadd.s32 $0xFFFFB600  }
0x190: {  	v1 =	vshll.u32 v1, v0;
	[tilespmem:s18], [sflag:$0x1] =	stream.linear.gather [hbm4b:s13+s2], $0x4A0, $0x38;
	[tilespmem:$0x13240] =	vst v63  }
0x191: {  	v1 =	vbroadcast v1, $0x0;
	_ =	swait.ge [sflag:s16], $0x4A0  }
0x192: {  	[sflag:s16] =	ssyncset.done $0x0  }
0x193: {  	s25 =	simm.s32 $0x40;
	[sflag:s16] =	ssyncadd.s32 $0xFFFFFB60  }
0x194: {  	s26 =	simm.s32 $0x6440;
	v2 =	vld [tilespmem:s25+$0xFFFFFFC0]  }
0x195: {  	v3 =	vld [tilespmem:s26+$0xFFFFFFC0];
	_ =	sdelay $0x1  }
0x196: {  	v1 =	vld.idx.msk [tilespmem:v1+s18+$0x0], $0xffff  }
0x197: {  	s1 =	simm.s32 $0x1  }
0x198: {  	v4 =	vmov s1  }
0x199: {  	v4 =	vshrl.u32 v4, $0x3;
	v2 =	vadd.f32 v3, v2  }
0x19a: {  	v3 =	vshll.u32 v4, v0  }
0x19b: {  	v3 =	vadd.s32 $0x1, v3;
	v1 =	vmul.f32 v2, v1  }
0x19c: {  	v2 =	vbroadcast v3, $0x0  }
0x19d: {  	s24 =	simm.s32 $0xCE80;
	v1 =	vmax.f32 v1, $0.0e+00  }
0x19e: {  	[tilespmem:s24+$0xFFFFFFC0] =	vst v1  }
0x19f: {  	v1 =	vld [tilespmem:s25+$0xFFFFFFD0]  }
0x1a0: {  	v3 =	vld [tilespmem:s26+$0xFFFFFFD0];
	_ =	sdelay $0x1  }
0x1a1: {  	v2 =	vld.idx.msk [tilespmem:v2+s18+$0x0], $0xffff  }
0x1a2: {  	s21 =	simm.s32 $0x2  }
0x1a3: {  	v60 =	vmov s21  }
0x1a4: {  	v4 =	vshrl.u32 v60, $0x3;
	v1 =	vadd.f32 v3, v1  }
0x1a5: {  	v3 =	vshll.u32 v4, v0  }
0x1a6: {  	v3 =	vadd.s32 $0x2, v3;
	v1 =	vmul.f32 v1, v2  }
0x1a7: {  	v2 =	vbroadcast v3, $0x0  }
0x1a8: {  	v1 =	vmax.f32 v1, $0.0e+00  }
0x1a9: {  	[tilespmem:s24+$0xFFFFFFD0] =	vst v1  }
0x1aa: {  	v1 =	vld [tilespmem:s25+$0xFFFFFFE0]  }
0x1ab: {  	v3 =	vld [tilespmem:s26+$0xFFFFFFE0];
	_ =	sdelay $0x1  }
0x1ac: {  	v2 =	vld.idx.msk [tilespmem:v2+s18+$0x0], $0xffff  }
0x1ad: {  	s22 =	simm.s32 $0x3  }
0x1ae: {  	v61 =	vmov s22  }
0x1af: {  	v4 =	vshrl.u32 v61, $0x3;
	v1 =	vadd.f32 v3, v1  }
0x1b0: {  	v3 =	vshll.u32 v4, v0  }
0x1b1: {  	v3 =	vadd.s32 $0x3, v3;
	v1 =	vmul.f32 v1, v2  }
0x1b2: {  	v2 =	vbroadcast v3, $0x0  }
0x1b3: {  	v1 =	vmax.f32 v1, $0.0e+00  }
0x1b4: {  	[tilespmem:s24+$0xFFFFFFE0] =	vst v1  }
0x1b5: {  	v1 =	vld [tilespmem:s25+$0xFFFFFFF0]  }
0x1b6: {  	v3 =	vld [tilespmem:s26+$0xFFFFFFF0];
	_ =	sdelay $0x1  }
0x1b7: {  	v2 =	vld.idx.msk [tilespmem:v2+s18+$0x0], $0xffff  }
0x1b8: {  	s23 =	simm.s32 $0x4  }
0x1b9: {  	v62 =	vmov s23  }
0x1ba: {  	v4 =	vshrl.u32 v62, $0x3;
	v1 =	vadd.f32 v3, v1  }
0x1bb: {  	v3 =	vshll.u32 v4, v0  }
0x1bc: {  	v3 =	vadd.s32 $0x4, v3;
	v1 =	vmul.f32 v1, v2  }
0x1bd: {  	v2 =	vbroadcast v3, $0x0  }
0x1be: {  	v1 =	vmax.f32 v1, $0.0e+00  }
0x1bf: {  	[tilespmem:s24+$0xFFFFFFF0] =	vst v1  }
0x1c0: {  	v1 =	vld [tilespmem:s25+$0x0]  }
0x1c1: {  	v3 =	vld [tilespmem:s26+$0x0];
	_ =	sdelay $0x1  }
0x1c2: {  	s30 =	simm.s32 $0x5;
	v2 =	vld.idx.msk [tilespmem:v2+s18+$0x0], $0xffff  }
0x1c3: {  	v63 =	vmov s30  }
0x1c4: {  	v4 =	vshrl.u32 v63, $0x3  }
0x1c5: {  	s29 =	simm.s32 $0x7;
	v4 =	vshll.u32 v4, v0;
	v3 =	vadd.f32 v3, v1  }
0x1c6: {  	s31 =	simm.s32 $0x6;
	s28 =	simm.s32 $0xCE80;
	s23 =	simm.s32 $0xF;
	v1 =	vadd.s32 $0x5, v4  }
0x1c7: {  	s0 =	simm.s32 $0x17;
	s21 =	simm.s32 $0x64C0;
	s22 =	simm.s32 $0xC0;
	v1 =	vbroadcast v1, $0x0;
	v2 =	vmul.f32 v3, v2  }
.LBB2_8:
0x1c8: {  	s1 =	sadd.s32 $0xFFFFFFF9, s23  }
0x1c9: {  	v3 =	vmov s31;
	s24 =	sadd.s32 $0x80, s24;
	s31 =	smov.u32 s0;
	s30 =	sadd.s32 $0x8, s0  }
0x1ca: {  	p1 =	sne.s32 s0, $0x49F;
	v4 =	vmov s1;
	v2 =	vmax.f32 v2, $0.0e+00;
	v3 =	vshrl.u32 v3, $0x3  }
0x1cb: {  	v4 =	vshrl.u32 v4, $0x3;
	[tilespmem:s28+$0x0] =	vst v2;
	v2 =	vshll.u32 v3, v0  }
0x1cc: {  	v3 =	vshll.u32 v4, v0;
	v4 =	vld [tilespmem:s25+$0x10];
	v2 =	vadd.s32 $0x6, v2  }
0x1cd: {  	v3 =	vbroadcast v3, $0x0;
	v5 =	vld [tilespmem:s26+$0x10]  }
0x1ce: {  	v2 =	vbroadcast v2, $0x0;
	v1 =	vld.idx.msk [tilespmem:v1+s18+$0x0], $0xffff;
	_ =	sdelay $0x3  }
0x1cf: {  	v4 =	vadd.f32 v5, v4;
	_ =	sdelay $0x1  }
0x1d0: {  	v1 =	vmul.f32 v4, v1;
	_ =	sdelay $0x1  }
0x1d1: {  	v1 =	vmax.f32 v1, $0.0e+00  }
0x1d2: {  	[tilespmem:s28+$0x10] =	vst v1  }
0x1d3: {  	v1 =	vld [tilespmem:s25+$0x20]  }
0x1d4: {  	v4 =	vld [tilespmem:s26+$0x20]  }
0x1d5: {  	v2 =	vld.idx.msk [tilespmem:v2+s18+$0x0], $0xffff;
	_ =	sdelay $0x1  }
0x1d6: {  	v5 =	vmov s29;
	s29 =	smov.u32 s23;
	s23 =	smov.u32 s31  }
0x1d7: {  	v5 =	vshrl.u32 v5, $0x3  }
0x1d8: {  	v1 =	vadd.f32 v4, v1;
	v4 =	vshll.u32 v5, v0  }
0x1d9: {  	v4 =	vadd.s32 $0x7, v4  }
0x1da: {  	v1 =	vmul.f32 v1, v2;
	v2 =	vbroadcast v4, $0x0;
	_ =	sdelay $0x1  }
0x1db: {  	v1 =	vmax.f32 v1, $0.0e+00  }
0x1dc: {  	[tilespmem:s28+$0x20] =	vst v1  }
0x1dd: {  	v1 =	vld [tilespmem:s26+$0x30];
	s26 =	smov.u32 s21  }
0x1de: {  	v4 =	vld [tilespmem:s25+$0x30];
	s25 =	smov.u32 s22  }
0x1df: {  	v2 =	vld.idx.msk [tilespmem:v2+s18+$0x0], $0xffff;
	_ =	sdelay $0x3  }
0x1e0: {  	v1 =	vadd.f32 v1, v4;
	_ =	sdelay $0x1  }
0x1e1: {  	s0 =	sadd.s32 $0xFFFFFFFA, s29;
	v1 =	vmul.f32 v1, v2  }
0x1e2: {  	v2 =	vmov s0  }
0x1e3: {  	v2 =	vshrl.u32 v2, $0x3;
	v1 =	vmax.f32 v1, $0.0e+00  }
0x1e4: {  	v2 =	vshll.u32 v2, v0;
	[tilespmem:s28+$0x30] =	vst v1;
	s28 =	smov.u32 s24  }
0x1e5: {  	v2 =	vadd.s32 $0x1, v2;
	v1 =	vld [tilespmem:s22+$0xFFFFFFC0]  }
0x1e6: {  	v2 =	vbroadcast v2, $0x0;
	v4 =	vld [tilespmem:s21+$0xFFFFFFC0]  }
0x1e7: {  	v3 =	vld.idx.msk [tilespmem:v3+s18+$0x0], $0xffff;
	_ =	sdelay $0x3  }
0x1e8: {  	v1 =	vadd.f32 v4, v1;
	_ =	sdelay $0x1  }
0x1e9: {  	s0 =	sadd.s32 $0xFFFFFFFB, s29;
	v1 =	vmul.f32 v1, v3  }
0x1ea: {  	v3 =	vmov s0  }
0x1eb: {  	v3 =	vshrl.u32 v3, $0x3;
	v1 =	vmax.f32 v1, $0.0e+00  }
0x1ec: {  	[tilespmem:s24+$0xFFFFFFC0] =	vst v1;
	v1 =	vshll.u32 v3, v0  }
0x1ed: {  	v3 =	vld [tilespmem:s22+$0xFFFFFFD0];
	v1 =	vadd.s32 $0x2, v1  }
0x1ee: {  	v4 =	vld [tilespmem:s21+$0xFFFFFFD0];
	v1 =	vbroadcast v1, $0x0  }
0x1ef: {  	v2 =	vld.idx.msk [tilespmem:v2+s18+$0x0], $0xffff;
	_ =	sdelay $0x3  }
0x1f0: {  	v3 =	vadd.f32 v4, v3;
	_ =	sdelay $0x1  }
0x1f1: {  	s0 =	sadd.s32 $0xFFFFFFFC, s29;
	v2 =	vmul.f32 v3, v2  }
0x1f2: {  	v3 =	vmov s0  }
0x1f3: {  	v3 =	vshrl.u32 v3, $0x3;
	v2 =	vmax.f32 v2, $0.0e+00  }
0x1f4: {  	[tilespmem:s24+$0xFFFFFFD0] =	vst v2;
	v2 =	vshll.u32 v3, v0  }
0x1f5: {  	v3 =	vld [tilespmem:s22+$0xFFFFFFE0];
	v2 =	vadd.s32 $0x3, v2  }
0x1f6: {  	v4 =	vld [tilespmem:s21+$0xFFFFFFE0];
	v2 =	vbroadcast v2, $0x0  }
0x1f7: {  	v1 =	vld.idx.msk [tilespmem:v1+s18+$0x0], $0xffff;
	_ =	sdelay $0x3  }
0x1f8: {  	v3 =	vadd.f32 v4, v3;
	_ =	sdelay $0x1  }
0x1f9: {  	s0 =	sadd.s32 $0xFFFFFFFD, s29;
	v1 =	vmul.f32 v3, v1  }
0x1fa: {  	v3 =	vmov s0  }
0x1fb: {  	v3 =	vshrl.u32 v3, $0x3;
	v1 =	vmax.f32 v1, $0.0e+00  }
0x1fc: {  	[tilespmem:s24+$0xFFFFFFE0] =	vst v1;
	v1 =	vshll.u32 v3, v0  }
0x1fd: {  	v3 =	vld [tilespmem:s22+$0xFFFFFFF0];
	v1 =	vadd.s32 $0x4, v1  }
0x1fe: {  	v4 =	vld [tilespmem:s21+$0xFFFFFFF0];
	v5 =	vbroadcast v1, $0x0  }
0x1ff: {  	v1 =	vld.idx.msk [tilespmem:v2+s18+$0x0], $0xffff;
	_ =	sdelay $0x3  }
0x200: {  	v2 =	vadd.f32 v4, v3;
	_ =	sdelay $0x1  }
0x201: {  	s0 =	sadd.s32 $0xFFFFFFFE, s29;
	v1 =	vmul.f32 v2, v1  }
0x202: {  	v2 =	vmov s0  }
0x203: {  	v2 =	vshrl.u32 v2, $0x3;
	v1 =	vmax.f32 v1, $0.0e+00  }
0x204: {  	[tilespmem:s24+$0xFFFFFFF0] =	vst v1;
	v1 =	vshll.u32 v2, v0  }
0x205: {  	v2 =	vld [tilespmem:s22+$0x0];
	v1 =	vadd.s32 $0x5, v1  }
0x206: {  	v3 =	vld [tilespmem:s21+$0x0];
	v1 =	vbroadcast v1, $0x0  }
0x207: {  	v4 =	vld.idx.msk [tilespmem:v5+s18+$0x0], $0xffff;
	_ =	sdelay $0x1  }
.Ltmp4:
0x208: {  	(pc) =	sbr.rel @p1 .LBB2_8-.Ltmp4, $4  }
0x209: {  	_ = 	snop  }
0x20a: {  	v2 =	vadd.f32 v3, v2  }
0x20b: {  	s31 =	sadd.s32 $0xFFFFFFFF, s29  }
0x20c: {  	s0 =	smov.u32 s30;
	s22 =	sadd.s32 $0x80, s22;
	s21 =	sadd.s32 $0x80, s21;
	v2 =	vmul.f32 v2, v4  }
0x20d: {  	_ = 	snop  }
0x20e: {  	v2 =	vmax.f32 v2, $0.0e+00  }
0x20f: {  	[tilespmem:s28+$0x0] =	vst v2  }
0x210: {  	v2 =	vld [tilespmem:s25+$0x10]  }
0x211: {  	v3 =	vld [tilespmem:s26+$0x10];
	_ =	sdelay $0x1  }
0x212: {  	v1 =	vld.idx.msk [tilespmem:v1+s18+$0x0], $0xffff;
	_ =	sdelay $0x1  }
0x213: {  	v4 =	vmov s31  }
0x214: {  	v4 =	vshrl.u32 v4, $0x3;
	v2 =	vadd.f32 v3, v2  }
0x215: {  	v3 =	vshll.u32 v4, v0  }
0x216: {  	v3 =	vadd.s32 $0x6, v3;
	v1 =	vmul.f32 v2, v1  }
0x217: {  	v2 =	vbroadcast v3, $0x0  }
0x218: {  	v1 =	vmax.f32 v1, $0.0e+00  }
0x219: {  	[tilespmem:s28+$0x10] =	vst v1  }
0x21a: {  	v1 =	vld [tilespmem:s25+$0x20]  }
0x21b: {  	v3 =	vld [tilespmem:s26+$0x20];
	_ =	sdelay $0x1  }
0x21c: {  	v2 =	vld.idx.msk [tilespmem:v2+s18+$0x0], $0xffff;
	_ =	sdelay $0x1  }
0x21d: {  	v55 =	vmov s29  }
0x21e: {  	v4 =	vshrl.u32 v55, $0x3;
	v1 =	vadd.f32 v3, v1  }
0x21f: {  	v3 =	vshll.u32 v4, v0  }
0x220: {  	v3 =	vadd.s32 $0x7, v3;
	v1 =	vmul.f32 v1, v2  }
0x221: {  	v2 =	vbroadcast v3, $0x0  }
0x222: {  	v1 =	vmax.f32 v1, $0.0e+00  }
0x223: {  	[tilespmem:s28+$0x20] =	vst v1  }
0x224: {  	v1 =	vld [tilespmem:s26+$0x30]  }
0x225: {  	v3 =	vld [tilespmem:s25+$0x30];
	_ =	sdelay $0x1  }
0x226: {  	v2 =	vld.idx.msk [tilespmem:v2+s18+$0x0], $0xffff;
	_ =	sdelay $0x1  }
0x227: {  	s0 =	sadd.s32 $0xFFFFFFF9, s23  }
0x228: {  	v56 =	vmov s0;
	v1 =	vadd.f32 v1, v3  }
0x229: {  	v3 =	vshrl.u32 v56, $0x3  }
0x22a: {  	v3 =	vshll.u32 v3, v0;
	v1 =	vmul.f32 v1, v2  }
0x22b: {  	v2 =	vbroadcast v3, $0x0  }
0x22c: {  	v1 =	vmax.f32 v1, $0.0e+00  }
0x22d: {  	[tilespmem:s28+$0x30] =	vst v1  }
0x22e: {  	v1 =	vld [tilespmem:s22+$0xFFFFFFC0]  }
0x22f: {  	v3 =	vld [tilespmem:s21+$0xFFFFFFC0];
	_ =	sdelay $0x1  }
0x230: {  	v2 =	vld.idx.msk [tilespmem:v2+s18+$0x0], $0xffff  }
0x231: {  	s25 =	sadd.s32 $0xFFFFFFFA, s23  }
0x232: {  	v57 =	vmov s25  }
0x233: {  	v4 =	vshrl.u32 v57, $0x3;
	v1 =	vadd.f32 v3, v1  }
0x234: {  	v3 =	vshll.u32 v4, v0  }
0x235: {  	v3 =	vadd.s32 $0x1, v3;
	v1 =	vmul.f32 v1, v2  }
0x236: {  	v2 =	vbroadcast v3, $0x0  }
0x237: {  	s24 =	sadd.s32 $0x80, s24;
	v1 =	vmax.f32 v1, $0.0e+00  }
0x238: {  	[tilespmem:s24+$0xFFFFFFC0] =	vst v1  }
0x239: {  	v1 =	vld [tilespmem:s22+$0xFFFFFFD0]  }
0x23a: {  	v3 =	vld [tilespmem:s21+$0xFFFFFFD0];
	_ =	sdelay $0x1  }
0x23b: {  	v2 =	vld.idx.msk [tilespmem:v2+s18+$0x0], $0xffff  }
0x23c: {  	s26 =	sadd.s32 $0xFFFFFFFB, s23  }
0x23d: {  	v58 =	vmov s26  }
0x23e: {  	v4 =	vshrl.u32 v58, $0x3;
	v1 =	vadd.f32 v3, v1  }
0x23f: {  	v3 =	vshll.u32 v4, v0  }
0x240: {  	v3 =	vadd.s32 $0x2, v3;
	v1 =	vmul.f32 v1, v2  }
0x241: {  	v2 =	vbroadcast v3, $0x0  }
0x242: {  	v1 =	vmax.f32 v1, $0.0e+00  }
0x243: {  	[tilespmem:s24+$0xFFFFFFD0] =	vst v1  }
0x244: {  	v1 =	vld [tilespmem:s22+$0xFFFFFFE0]  }
0x245: {  	v3 =	vld [tilespmem:s21+$0xFFFFFFE0];
	_ =	sdelay $0x1  }
0x246: {  	v2 =	vld.idx.msk [tilespmem:v2+s18+$0x0], $0xffff  }
0x247: {  	s28 =	sadd.s32 $0xFFFFFFFC, s23  }
0x248: {  	v59 =	vmov s28  }
0x249: {  	v4 =	vshrl.u32 v59, $0x3;
	v1 =	vadd.f32 v3, v1  }
0x24a: {  	v3 =	vshll.u32 v4, v0  }
0x24b: {  	v3 =	vadd.s32 $0x3, v3;
	v1 =	vmul.f32 v1, v2  }
0x24c: {  	v2 =	vbroadcast v3, $0x0  }
0x24d: {  	v1 =	vmax.f32 v1, $0.0e+00  }
0x24e: {  	[tilespmem:s24+$0xFFFFFFE0] =	vst v1  }
0x24f: {  	v1 =	vld [tilespmem:s22+$0xFFFFFFF0]  }
0x250: {  	v3 =	vld [tilespmem:s21+$0xFFFFFFF0];
	_ =	sdelay $0x1  }
0x251: {  	v2 =	vld.idx.msk [tilespmem:v2+s18+$0x0], $0xffff  }
0x252: {  	s29 =	sadd.s32 $0xFFFFFFFD, s23  }
0x253: {  	v60 =	vmov s29  }
0x254: {  	v4 =	vshrl.u32 v60, $0x3;
	v1 =	vadd.f32 v3, v1  }
0x255: {  	v3 =	vshll.u32 v4, v0  }
0x256: {  	v3 =	vadd.s32 $0x4, v3;
	v1 =	vmul.f32 v1, v2  }
0x257: {  	v2 =	vbroadcast v3, $0x0  }
0x258: {  	v1 =	vmax.f32 v1, $0.0e+00  }
0x259: {  	[tilespmem:s24+$0xFFFFFFF0] =	vst v1  }
0x25a: {  	v1 =	vld [tilespmem:s22+$0x0]  }
0x25b: {  	v3 =	vld [tilespmem:s21+$0x0];
	_ =	sdelay $0x1  }
0x25c: {  	v2 =	vld.idx.msk [tilespmem:v2+s18+$0x0], $0xffff  }
0x25d: {  	s30 =	sadd.s32 $0xFFFFFFFE, s23  }
0x25e: {  	v61 =	vmov s30  }
0x25f: {  	v4 =	vshrl.u32 v61, $0x3;
	v1 =	vadd.f32 v3, v1  }
0x260: {  	v3 =	vshll.u32 v4, v0  }
0x261: {  	v3 =	vadd.s32 $0x5, v3;
	v1 =	vmul.f32 v1, v2  }
0x262: {  	v2 =	vbroadcast v3, $0x0  }
0x263: {  	v1 =	vmax.f32 v1, $0.0e+00  }
0x264: {  	[tilespmem:s24+$0x0] =	vst v1  }
0x265: {  	v1 =	vld [tilespmem:s22+$0x10]  }
0x266: {  	v3 =	vld [tilespmem:s21+$0x10];
	_ =	sdelay $0x1  }
0x267: {  	v2 =	vld.idx.msk [tilespmem:v2+s18+$0x0], $0xffff  }
0x268: {  	s31 =	sadd.s32 $0xFFFFFFFF, s23  }
0x269: {  	v62 =	vmov s31  }
0x26a: {  	v4 =	vshrl.u32 v62, $0x3;
	v1 =	vadd.f32 v3, v1  }
0x26b: {  	v3 =	vshll.u32 v4, v0  }
0x26c: {  	v3 =	vadd.s32 $0x6, v3;
	v1 =	vmul.f32 v1, v2  }
0x26d: {  	v2 =	vbroadcast v3, $0x0  }
0x26e: {  	v1 =	vmax.f32 v1, $0.0e+00  }
0x26f: {  	[tilespmem:s24+$0x10] =	vst v1  }
0x270: {  	v1 =	vld [tilespmem:s22+$0x20]  }
0x271: {  	v3 =	vld [tilespmem:s21+$0x20];
	_ =	sdelay $0x1  }
0x272: {  	v2 =	vld.idx.msk [tilespmem:v2+s18+$0x0], $0xffff;
	_ =	sdelay $0x1  }
0x273: {  	v63 =	vmov s23  }
0x274: {  	v4 =	vshrl.u32 v63, $0x3;
	v1 =	vadd.f32 v3, v1  }
0x275: {  	v3 =	vshll.u32 v4, v0  }
0x276: {  	v3 =	vadd.s32 $0x7, v3;
	v1 =	vmul.f32 v1, v2  }
0x277: {  	v2 =	vbroadcast v3, $0x0  }
0x278: {  	v1 =	vmax.f32 v1, $0.0e+00  }
0x279: {  	[tilespmem:s24+$0x20] =	vst v1  }
0x27a: {  	v1 =	vld [tilespmem:s21+$0x30]  }
0x27b: {  	v3 =	vld [tilespmem:s22+$0x30];
	_ =	sdelay $0x1  }
0x27c: {  	v2 =	vld.idx.msk [tilespmem:v2+s18+$0x0], $0xffff;
	_ =	sdelay $0x2  }
0x27d: {  	v1 =	vadd.f32 v1, v3;
	_ =	sdelay $0x1  }
0x27e: {  	v1 =	vmul.f32 v1, v2;
	_ =	sdelay $0x1  }
0x27f: {  	v1 =	vmax.f32 v1, $0.0e+00  }
.Ltmp5:
0x280: {  	[tilespmem:s24+$0x30] =	vst v1;
	(pc) =	sbr.rel .LBB2_10-.Ltmp5, $4  }
0x281: {  	[hbm4b:s14+s2] =	stream.linear.scatter [tilespmem:s19], [sflag:$0x1], $0x4A00, $0x38;
	[tilespmem:$0x13240] =	vst v63  }
0x282: {  	_ =	swait.ge [sflag:s16], $0x4A00  }
0x283: {  	[sflag:s16] =	ssyncset.done $0x0  }
0x284: {  	[sflag:s16] =	ssyncadd.s32 $0xFFFFB600  }
.LBB2_4:
0x285: {  	[tilespmem:s2], [sflag:$0x1] =	stream.linear.gather [hbm4b:s7+s2], $0x6000, $0x38;
	[tilespmem:$0x13240] =	vst v63  }
0x286: {  	_ =	swait.ge [sflag:s16], $0x6000  }
0x287: {  	[sflag:s16] =	ssyncset.done $0x0  }
0x288: {  	[sflag:s16] =	ssyncadd.s32 $0xFFFFA000  }
0x289: {  	[tilespmem:s17], [sflag:$0x1] =	stream.linear.gather [hbm4b:s8+s2], $0x6000, $0x38;
	[tilespmem:$0x13240] =	vst v63  }
0x28a: {  	s0 =	simm.s32 $0x0;
	_ =	swait.ge [sflag:s16], $0x6000  }
0x28b: {  	v1 =	vmov s0;
	[sflag:s16] =	ssyncset.done $0x0  }
0x28c: {  	v1 =	vshrl.u32 v1, $0x3;
	[sflag:s16] =	ssyncadd.s32 $0xFFFFA000  }
0x28d: {  	v1 =	vshll.u32 v1, v0;
	[tilespmem:s18], [sflag:$0x1] =	stream.linear.gather [hbm4b:s9+s2], $0x600, $0x38;
	[tilespmem:$0x13240] =	vst v63  }
0x28e: {  	v1 =	vbroadcast v1, $0x0;
	_ =	swait.ge [sflag:s16], $0x600  }
0x28f: {  	[sflag:s16] =	ssyncset.done $0x0  }
0x290: {  	s25 =	simm.s32 $0x40;
	[sflag:s16] =	ssyncadd.s32 $0xFFFFFA00  }
0x291: {  	s26 =	simm.s32 $0x6440;
	v2 =	vld [tilespmem:s25+$0xFFFFFFC0]  }
0x292: {  	v3 =	vld [tilespmem:s26+$0xFFFFFFC0];
	_ =	sdelay $0x1  }
0x293: {  	v1 =	vld.idx.msk [tilespmem:v1+s18+$0x0], $0xffff  }
0x294: {  	s1 =	simm.s32 $0x1  }
0x295: {  	v4 =	vmov s1  }
0x296: {  	v4 =	vshrl.u32 v4, $0x3;
	v2 =	vadd.f32 v3, v2  }
0x297: {  	v3 =	vshll.u32 v4, v0  }
0x298: {  	v3 =	vadd.s32 $0x1, v3;
	v1 =	vmul.f32 v2, v1  }
0x299: {  	v2 =	vbroadcast v3, $0x0  }
0x29a: {  	s24 =	simm.s32 $0xCE80;
	v1 =	vmax.f32 v1, $0.0e+00  }
0x29b: {  	[tilespmem:s24+$0xFFFFFFC0] =	vst v1  }
0x29c: {  	v1 =	vld [tilespmem:s25+$0xFFFFFFD0]  }
0x29d: {  	v3 =	vld [tilespmem:s26+$0xFFFFFFD0];
	_ =	sdelay $0x1  }
0x29e: {  	v2 =	vld.idx.msk [tilespmem:v2+s18+$0x0], $0xffff  }
0x29f: {  	s21 =	simm.s32 $0x2  }
0x2a0: {  	v60 =	vmov s21  }
0x2a1: {  	v4 =	vshrl.u32 v60, $0x3;
	v1 =	vadd.f32 v3, v1  }
0x2a2: {  	v3 =	vshll.u32 v4, v0  }
0x2a3: {  	v3 =	vadd.s32 $0x2, v3;
	v1 =	vmul.f32 v1, v2  }
0x2a4: {  	v2 =	vbroadcast v3, $0x0  }
0x2a5: {  	v1 =	vmax.f32 v1, $0.0e+00  }
0x2a6: {  	[tilespmem:s24+$0xFFFFFFD0] =	vst v1  }
0x2a7: {  	v1 =	vld [tilespmem:s25+$0xFFFFFFE0]  }
0x2a8: {  	v3 =	vld [tilespmem:s26+$0xFFFFFFE0];
	_ =	sdelay $0x1  }
0x2a9: {  	v2 =	vld.idx.msk [tilespmem:v2+s18+$0x0], $0xffff  }
0x2aa: {  	s22 =	simm.s32 $0x3  }
0x2ab: {  	v61 =	vmov s22  }
0x2ac: {  	v4 =	vshrl.u32 v61, $0x3;
	v1 =	vadd.f32 v3, v1  }
0x2ad: {  	v3 =	vshll.u32 v4, v0  }
0x2ae: {  	v3 =	vadd.s32 $0x3, v3;
	v1 =	vmul.f32 v1, v2  }
0x2af: {  	v2 =	vbroadcast v3, $0x0  }
0x2b0: {  	v1 =	vmax.f32 v1, $0.0e+00  }
0x2b1: {  	[tilespmem:s24+$0xFFFFFFE0] =	vst v1  }
0x2b2: {  	v1 =	vld [tilespmem:s25+$0xFFFFFFF0]  }
0x2b3: {  	v3 =	vld [tilespmem:s26+$0xFFFFFFF0];
	_ =	sdelay $0x1  }
0x2b4: {  	v2 =	vld.idx.msk [tilespmem:v2+s18+$0x0], $0xffff  }
0x2b5: {  	s23 =	simm.s32 $0x4  }
0x2b6: {  	v62 =	vmov s23  }
0x2b7: {  	v4 =	vshrl.u32 v62, $0x3;
	v1 =	vadd.f32 v3, v1  }
0x2b8: {  	v3 =	vshll.u32 v4, v0  }
0x2b9: {  	v3 =	vadd.s32 $0x4, v3;
	v1 =	vmul.f32 v1, v2  }
0x2ba: {  	v2 =	vbroadcast v3, $0x0  }
0x2bb: {  	v1 =	vmax.f32 v1, $0.0e+00  }
0x2bc: {  	[tilespmem:s24+$0xFFFFFFF0] =	vst v1  }
0x2bd: {  	v1 =	vld [tilespmem:s25+$0x0]  }
0x2be: {  	v3 =	vld [tilespmem:s26+$0x0];
	_ =	sdelay $0x1  }
0x2bf: {  	s30 =	simm.s32 $0x5;
	v2 =	vld.idx.msk [tilespmem:v2+s18+$0x0], $0xffff  }
0x2c0: {  	v63 =	vmov s30  }
0x2c1: {  	v4 =	vshrl.u32 v63, $0x3  }
0x2c2: {  	s29 =	simm.s32 $0x7;
	v4 =	vshll.u32 v4, v0;
	v3 =	vadd.f32 v3, v1  }
0x2c3: {  	s31 =	simm.s32 $0x6;
	s28 =	simm.s32 $0xCE80;
	s23 =	simm.s32 $0xF;
	v1 =	vadd.s32 $0x5, v4  }
0x2c4: {  	s0 =	simm.s32 $0x17;
	s21 =	simm.s32 $0x64C0;
	s22 =	simm.s32 $0xC0;
	v1 =	vbroadcast v1, $0x0;
	v2 =	vmul.f32 v3, v2  }
.LBB2_5:
0x2c5: {  	s1 =	sadd.s32 $0xFFFFFFF9, s23  }
0x2c6: {  	v3 =	vmov s31;
	s24 =	sadd.s32 $0x80, s24;
	s31 =	smov.u32 s0;
	s30 =	sadd.s32 $0x8, s0  }
0x2c7: {  	p1 =	sne.s32 s0, $0x5FF;
	v2 =	vmax.f32 v2, $0.0e+00;
	v4 =	vmov s1;
	v3 =	vshrl.u32 v3, $0x3  }
0x2c8: {  	v4 =	vshrl.u32 v4, $0x3;
	[tilespmem:s28+$0x0] =	vst v2;
	v2 =	vshll.u32 v3, v0  }
0x2c9: {  	v3 =	vshll.u32 v4, v0;
	v4 =	vld [tilespmem:s25+$0x10];
	v2 =	vadd.s32 $0x6, v2  }
0x2ca: {  	v3 =	vbroadcast v3, $0x0;
	v5 =	vld [tilespmem:s26+$0x10]  }
0x2cb: {  	v2 =	vbroadcast v2, $0x0;
	v1 =	vld.idx.msk [tilespmem:v1+s18+$0x0], $0xffff;
	_ =	sdelay $0x3  }
0x2cc: {  	v4 =	vadd.f32 v5, v4;
	_ =	sdelay $0x1  }
0x2cd: {  	v1 =	vmul.f32 v4, v1;
	_ =	sdelay $0x1  }
0x2ce: {  	v1 =	vmax.f32 v1, $0.0e+00  }
0x2cf: {  	[tilespmem:s28+$0x10] =	vst v1  }
0x2d0: {  	v1 =	vld [tilespmem:s25+$0x20]  }
0x2d1: {  	v4 =	vld [tilespmem:s26+$0x20]  }
0x2d2: {  	v2 =	vld.idx.msk [tilespmem:v2+s18+$0x0], $0xffff;
	_ =	sdelay $0x1  }
0x2d3: {  	v5 =	vmov s29;
	s29 =	smov.u32 s23;
	s23 =	smov.u32 s31  }
0x2d4: {  	v5 =	vshrl.u32 v5, $0x3  }
0x2d5: {  	v1 =	vadd.f32 v4, v1;
	v4 =	vshll.u32 v5, v0  }
0x2d6: {  	v4 =	vadd.s32 $0x7, v4  }
0x2d7: {  	v1 =	vmul.f32 v1, v2;
	v2 =	vbroadcast v4, $0x0;
	_ =	sdelay $0x1  }
0x2d8: {  	v1 =	vmax.f32 v1, $0.0e+00  }
0x2d9: {  	[tilespmem:s28+$0x20] =	vst v1  }
0x2da: {  	v1 =	vld [tilespmem:s26+$0x30];
	s26 =	smov.u32 s21  }
0x2db: {  	v4 =	vld [tilespmem:s25+$0x30];
	s25 =	smov.u32 s22  }
0x2dc: {  	v2 =	vld.idx.msk [tilespmem:v2+s18+$0x0], $0xffff;
	_ =	sdelay $0x3  }
0x2dd: {  	v1 =	vadd.f32 v1, v4;
	_ =	sdelay $0x1  }
0x2de: {  	s0 =	sadd.s32 $0xFFFFFFFA, s29;
	v1 =	vmul.f32 v1, v2  }
0x2df: {  	v2 =	vmov s0  }
0x2e0: {  	v2 =	vshrl.u32 v2, $0x3;
	v1 =	vmax.f32 v1, $0.0e+00  }
0x2e1: {  	v2 =	vshll.u32 v2, v0;
	[tilespmem:s28+$0x30] =	vst v1;
	s28 =	smov.u32 s24  }
0x2e2: {  	v2 =	vadd.s32 $0x1, v2;
	v1 =	vld [tilespmem:s22+$0xFFFFFFC0]  }
0x2e3: {  	v2 =	vbroadcast v2, $0x0;
	v4 =	vld [tilespmem:s21+$0xFFFFFFC0]  }
0x2e4: {  	v3 =	vld.idx.msk [tilespmem:v3+s18+$0x0], $0xffff;
	_ =	sdelay $0x3  }
0x2e5: {  	v1 =	vadd.f32 v4, v1;
	_ =	sdelay $0x1  }
0x2e6: {  	s0 =	sadd.s32 $0xFFFFFFFB, s29;
	v1 =	vmul.f32 v1, v3  }
0x2e7: {  	v3 =	vmov s0  }
0x2e8: {  	v3 =	vshrl.u32 v3, $0x3;
	v1 =	vmax.f32 v1, $0.0e+00  }
0x2e9: {  	[tilespmem:s24+$0xFFFFFFC0] =	vst v1;
	v1 =	vshll.u32 v3, v0  }
0x2ea: {  	v3 =	vld [tilespmem:s22+$0xFFFFFFD0];
	v1 =	vadd.s32 $0x2, v1  }
0x2eb: {  	v4 =	vld [tilespmem:s21+$0xFFFFFFD0];
	v1 =	vbroadcast v1, $0x0  }
0x2ec: {  	v2 =	vld.idx.msk [tilespmem:v2+s18+$0x0], $0xffff;
	_ =	sdelay $0x3  }
0x2ed: {  	v3 =	vadd.f32 v4, v3;
	_ =	sdelay $0x1  }
0x2ee: {  	s0 =	sadd.s32 $0xFFFFFFFC, s29;
	v2 =	vmul.f32 v3, v2  }
0x2ef: {  	v3 =	vmov s0  }
0x2f0: {  	v3 =	vshrl.u32 v3, $0x3;
	v2 =	vmax.f32 v2, $0.0e+00  }
0x2f1: {  	[tilespmem:s24+$0xFFFFFFD0] =	vst v2;
	v2 =	vshll.u32 v3, v0  }
0x2f2: {  	v3 =	vld [tilespmem:s22+$0xFFFFFFE0];
	v2 =	vadd.s32 $0x3, v2  }
0x2f3: {  	v4 =	vld [tilespmem:s21+$0xFFFFFFE0];
	v2 =	vbroadcast v2, $0x0  }
0x2f4: {  	v1 =	vld.idx.msk [tilespmem:v1+s18+$0x0], $0xffff;
	_ =	sdelay $0x3  }
0x2f5: {  	v3 =	vadd.f32 v4, v3;
	_ =	sdelay $0x1  }
0x2f6: {  	s0 =	sadd.s32 $0xFFFFFFFD, s29;
	v1 =	vmul.f32 v3, v1  }
0x2f7: {  	v3 =	vmov s0  }
0x2f8: {  	v3 =	vshrl.u32 v3, $0x3;
	v1 =	vmax.f32 v1, $0.0e+00  }
0x2f9: {  	[tilespmem:s24+$0xFFFFFFE0] =	vst v1;
	v1 =	vshll.u32 v3, v0  }
0x2fa: {  	v3 =	vld [tilespmem:s22+$0xFFFFFFF0];
	v1 =	vadd.s32 $0x4, v1  }
0x2fb: {  	v4 =	vld [tilespmem:s21+$0xFFFFFFF0];
	v5 =	vbroadcast v1, $0x0  }
0x2fc: {  	v1 =	vld.idx.msk [tilespmem:v2+s18+$0x0], $0xffff;
	_ =	sdelay $0x3  }
0x2fd: {  	v2 =	vadd.f32 v4, v3;
	_ =	sdelay $0x1  }
0x2fe: {  	s0 =	sadd.s32 $0xFFFFFFFE, s29;
	v1 =	vmul.f32 v2, v1  }
0x2ff: {  	v2 =	vmov s0  }
0x300: {  	v2 =	vshrl.u32 v2, $0x3;
	v1 =	vmax.f32 v1, $0.0e+00  }
0x301: {  	[tilespmem:s24+$0xFFFFFFF0] =	vst v1;
	v1 =	vshll.u32 v2, v0  }
0x302: {  	v2 =	vld [tilespmem:s22+$0x0];
	v1 =	vadd.s32 $0x5, v1  }
0x303: {  	v3 =	vld [tilespmem:s21+$0x0];
	v1 =	vbroadcast v1, $0x0  }
0x304: {  	v4 =	vld.idx.msk [tilespmem:v5+s18+$0x0], $0xffff;
	_ =	sdelay $0x1  }
.Ltmp6:
0x305: {  	(pc) =	sbr.rel @p1 .LBB2_5-.Ltmp6, $4  }
0x306: {  	_ = 	snop  }
0x307: {  	v2 =	vadd.f32 v3, v2  }
0x308: {  	s31 =	sadd.s32 $0xFFFFFFFF, s29  }
0x309: {  	s0 =	smov.u32 s30;
	s22 =	sadd.s32 $0x80, s22;
	s21 =	sadd.s32 $0x80, s21;
	v2 =	vmul.f32 v2, v4  }
.Ltmp7:
0x30a: {  	_ = 	snop;
	(pc) =	sbr.rel .LBB2_6-.Ltmp7, $1  }
0x30b: {  	_ =	sdelay $0x3  }
.LBB2_11:
0x30c: {  	_ =	sfence.sel $0x180000  }
0x30d: {  	[bflag:$0x0] =	sbarrier.arrive $0xFFFF  }
0x30e: {  	_ =	strace $0x9000004A  }
0x30f: {  	s0 =	stileid.u32;
	[bflag:$0x2] =	sbarrier.arrive $0xFFFF  }
0x310: {  	p0 =	sne.s32 s0, $0x0;
	s0 =	rddreg [dreg:$0x2]  }
0x311: {  	s0 =	sadd.s32 @!p0 $0x100000, s0  }
0x312: {  	[sflag:s0] =	ssyncadd.tile.s32 @!p0 $0x1;
	_ =	shalt  }
.Lfunc_end2:
_tile_overlayer_lowered:
.L_overlay_start_2:
0x313: {  	(tag) =	ssettag $0x2  }
0x314: {  	s0 =	rddreg [dreg:$0x0];
	s2 =	stileid.u32  }
0x315: {  	s1 =	rddreg [dreg:$0x1];
	p0 =	sne.s32 s2, $0x0  }
0x316: {  	s3 =	rddreg [dreg:$0x2];
	[bflag:$0x3] =	sbarrier.arrive $0xFFFF;
	s2 =	simm.s32 @!p0 $0x1C01  }
0x317: {  	[timem:s3], [sflag:s2] =	dma.local @!p0 [hbm:s0], s1  }
0x318: {  	s0 =	simm.s32 @!p0 $0x1  }
0x319: {  	_ =	swait.ge @!p0 [sflag:s0], s1  }
0x31a: {  	s1 =	ssub.s32 @!p0 $0x0, s1;
	[sflag:s0] =	ssyncset.done @!p0 $0x0  }
0x31b: {  	[sflag:s0] =	ssyncadd.s32 @!p0 s1  }
0x31c: {  	[bflag:$0x3] =	sbarrier.arrive $0xFFFF  }
0x31d: {  	_ =	shalt  }

</sc_bundles>
